<compile_context>
chip_gen: v7x
topology: tpu7x:2x2x1
jax: 0.10.2.dev20260603
libtpu: 0.0.44.dev20260713+nightly
codegen_flags: <defaults>
</compile_context>

<pallas_src>
import jax
import jax.numpy as jnp
from jax import lax
from jax.experimental import pallas as pl
from jax.experimental.pallas import tpu as pltpu
from jax.experimental.pallas import tpu_sc as plsc

N = 10000
E = 320000
D = 128

NC = 2
NS = 16
NW = NC * NS
EPW = E // NW
K = 80
NCH = EPW // K
RPS = N // NS
ZR = 25

_MESH = plsc.VectorSubcoreMesh(core_axis_name="c", subcore_axis_name="s")


def _fill_rows(ref, nrows, value):
    def fill(i, _):
        for j in range(D // 16):
            ref[i, pl.ds(j * 16, 16)] = jnp.full((16,), value, jnp.float32)
        return 0
    lax.fori_loop(0, nrows, fill, 0)


def _zero_shared(zrows, sh, s):
    for r in range(RPS // ZR):
        base = s * RPS + r * ZR
        pltpu.sync_copy(zrows, sh.at[pl.ds(base, ZR)])


def _sc_agg_body(x_hbm, src_hbm, dst_hbm, acc_out, acc_sh,
                 src0, dst0, rows0, sem0, src1, dst1, rows1, sem1, zrows):
    c = lax.axis_index("c")
    s = lax.axis_index("s")
    wid = c * NS + s

    _fill_rows(zrows, ZR, 0.0)
    _zero_shared(zrows, acc_sh, s)
    plsc.subcore_barrier()

    ebase = wid * EPW

    def _load_start(i, src_v, dst_v, rows_v, sem):
        pltpu.sync_copy(src_hbm.at[pl.ds(ebase + i * K, K)], src_v)
        pltpu.sync_copy(dst_hbm.at[pl.ds(ebase + i * K, K)], dst_v)
        return pltpu.async_copy(x_hbm.at[src_v], rows_v, sem)

    def _drain(src_v, dst_v, rows_v, sem):
        pltpu.make_async_copy(x_hbm.at[src_v], rows_v, sem).wait()
        pltpu.sync_copy(rows_v, acc_sh.at[dst_v], add=True)

    _load_start(0, src0, dst0, rows0, sem0)

    def pipe(t, _):
        _load_start(2 * t + 1, src1, dst1, rows1, sem1)
        _drain(src0, dst0, rows0, sem0)
        _load_start(2 * t + 2, src0, dst0, rows0, sem0)
        _drain(src1, dst1, rows1, sem1)
        return 0
    lax.fori_loop(0, (NCH - 1) // 2, pipe, 0)
    _drain(src0, dst0, rows0, sem0)
    plsc.subcore_barrier()

    @pl.when(s == 0)
    def _flush():
        pltpu.sync_copy(acc_sh, acc_out.at[c])


_sc_agg = pl.kernel(
    _sc_agg_body,
    out_type=jax.ShapeDtypeStruct((NC, N, D), jnp.float32),
    mesh=_MESH,
    scratch_types=[
        pltpu.VMEM_SHARED((N, D), jnp.float32),
        pltpu.VMEM((K,), jnp.int32),
        pltpu.VMEM((K,), jnp.int32),
        pltpu.VMEM((K, D), jnp.float32),
        pltpu.SemaphoreType.DMA,
        pltpu.VMEM((K,), jnp.int32),
        pltpu.VMEM((K,), jnp.int32),
        pltpu.VMEM((K, D), jnp.float32),
        pltpu.SemaphoreType.DMA,
        pltpu.VMEM((ZR, D), jnp.float32),
    ],
)


def _sc_deg_body(dst_hbm, deg_out, deg_sh, dst_v, dst_w, ones_v, zrows,
                 sem_v, sem_w):
    c = lax.axis_index("c")
    s = lax.axis_index("s")
    wid = c * NS + s

    _fill_rows(zrows, ZR, 0.0)
    _fill_rows(ones_v, K, 1.0)
    _zero_shared(zrows, deg_sh, s)
    plsc.subcore_barrier()

    ebase = wid * EPW
    pltpu.async_copy(dst_hbm.at[pl.ds(ebase, K)], dst_v, sem_v).wait()

    def pipe(t, _):
        lw = pltpu.async_copy(
            dst_hbm.at[pl.ds(ebase + (2 * t + 1) * K, K)], dst_w, sem_w)
        pltpu.sync_copy(ones_v, deg_sh.at[dst_v], add=True)
        lw.wait()
        lv = pltpu.async_copy(
            dst_hbm.at[pl.ds(ebase + (2 * t + 2) * K, K)], dst_v, sem_v)
        pltpu.sync_copy(ones_v, deg_sh.at[dst_w], add=True)
        lv.wait()
        return 0
    lax.fori_loop(0, (NCH - 1) // 2, pipe, 0)
    pltpu.sync_copy(ones_v, deg_sh.at[dst_v], add=True)
    plsc.subcore_barrier()

    @pl.when(s == 0)
    def _flush():
        pltpu.sync_copy(deg_sh, deg_out.at[c])


_sc_deg = pl.kernel(
    _sc_deg_body,
    out_type=jax.ShapeDtypeStruct((NC, N, D), jnp.float32),
    mesh=_MESH,
    scratch_types=[
        pltpu.VMEM_SHARED((N, D), jnp.float32),
        pltpu.VMEM((K,), jnp.int32),
        pltpu.VMEM((K,), jnp.int32),
        pltpu.VMEM((K, D), jnp.float32),
        pltpu.VMEM((ZR, D), jnp.float32),
        pltpu.SemaphoreType.DMA,
        pltpu.SemaphoreType.DMA,
    ],
)


def _dense1_body(x_ref, acc_ref, deg_ref, Wl_ref, bl_ref, Wr_ref,
                 gamma_ref, beta_ref, h_ref):
    a = acc_ref[0] + acc_ref[1]
    cnt = deg_ref[0][:, 0:1] + deg_ref[1][:, 0:1]
    mean = a / jnp.maximum(cnt, 1.0)
    out = (jnp.dot(mean, Wl_ref[...], preferred_element_type=jnp.float32)
           + bl_ref[...][None, :]
           + jnp.dot(x_ref[...], Wr_ref[...], preferred_element_type=jnp.float32))
    nrm = jnp.sqrt(jnp.sum(out * out, axis=1, keepdims=True))
    out = out / jnp.maximum(nrm, 1e-12)
    h = jnp.maximum(out, 0.0)
    mu = jnp.mean(h, axis=0, keepdims=True)
    var = jnp.mean((h - mu) * (h - mu), axis=0, keepdims=True)
    h_ref[...] = (gamma_ref[...][None, :] * (h - mu) * lax.rsqrt(var + 1e-5)
                  + beta_ref[...][None, :])


def _dense2_body(h_ref, acc_ref, deg_ref, Wl_ref, bl_ref, Wr_ref, o_ref):
    a = acc_ref[0] + acc_ref[1]
    cnt = deg_ref[0][:, 0:1] + deg_ref[1][:, 0:1]
    mean = a / jnp.maximum(cnt, 1.0)
    out = (jnp.dot(mean, Wl_ref[...], preferred_element_type=jnp.float32)
           + bl_ref[...][None, :]
           + jnp.dot(h_ref[...], Wr_ref[...], preferred_element_type=jnp.float32))
    nrm = jnp.sqrt(jnp.sum(out * out, axis=1, keepdims=True))
    o_ref[...] = out / jnp.maximum(nrm, 1e-12)


_dense1 = pl.pallas_call(
    _dense1_body, out_shape=jax.ShapeDtypeStruct((N, D), jnp.float32))
_dense2 = pl.pallas_call(
    _dense2_body, out_shape=jax.ShapeDtypeStruct((N, D), jnp.float32))


@jax.jit
def kernel(x, edge_index, W1l, b1l, W1r, W2l, b2l, W2r, gamma, beta):
    src = edge_index[0]
    dst = edge_index[1]
    deg = _sc_deg(dst)
    acc1 = _sc_agg(x, src, dst)
    h = _dense1(x, acc1, deg, W1l, b1l, W1r, gamma, beta)
    acc2 = _sc_agg(h, src, dst)
    return _dense2(h, acc2, deg, W2l, b2l, W2r)

# --- scband reference (transcript-rebuilt; emitter-appended) ---
"""Pipeline reference for scband-sage-24842090840540 (READ-ONLY COPY).

The authoritative reference and input builder live on the scoring server;
editing this copy changes nothing except your own understanding.
"""

import jax, jax.numpy as jnp
import numpy as np

N = 10000
E = 320000
NFEAT = 128
NHID = 128


def setup_inputs(seed: int = 0) -> dict:
    key = jax.random.key(seed)
    ks = jax.random.split(key, 12)
    x = jax.random.normal(ks[0], (N, NFEAT), dtype=jnp.float32)
    edge_index = jax.random.randint(ks[1], (2, E), 0, N, dtype=jnp.int32)
    # Xavier-uniform-like init for the SAGEConv linear layers
    def xavier(k, fan_in, fan_out):
        a = np.sqrt(6.0 / (fan_in + fan_out))
        return jax.random.uniform(k, (fan_in, fan_out), dtype=jnp.float32, minval=-a, maxval=a)
    W1l = xavier(ks[2], NFEAT, NHID)   # lin_l of conv1 (neighbor aggregation branch)
    b1l = jnp.zeros((NHID,), dtype=jnp.float32)
    W1r = xavier(ks[3], NFEAT, NHID)   # lin_r of conv1 (root branch, no bias)
    W2l = xavier(ks[4], NHID, NHID)
    b2l = jnp.zeros((NHID,), dtype=jnp.float32)
    W2r = xavier(ks[5], NHID, NHID)
    gamma = jnp.ones((NHID,), dtype=jnp.float32)   # BatchNorm1d weight
    beta = jnp.zeros((NHID,), dtype=jnp.float32)   # BatchNorm1d bias
    return {"x": x, "edge_index": edge_index,
            "W1l": W1l, "b1l": b1l, "W1r": W1r,
            "W2l": W2l, "b2l": b2l, "W2r": W2r,
            "gamma": gamma, "beta": beta}


def _sage_conv(x, edge_index, Wl, bl, Wr):
    # PyG SAGEConv with aggr='mean', root_weight=True, normalize=True
    src = edge_index[0]
    dst = edge_index[1]
    msgs = jnp.take(x, src, axis=0)                       # gather x_j
    s = jax.ops.segment_sum(msgs, dst, num_segments=N)    # scatter-add to dst
    cnt = jax.ops.segment_sum(jnp.ones((edge_index.shape[1], 1), x.dtype), dst, num_segments=N)
    mean = s / jnp.maximum(cnt, 1.0)
    out = mean @ Wl + bl + x @ Wr
    # F.normalize(out, p=2, dim=-1)
    nrm = jnp.sqrt(jnp.sum(out * out, axis=-1, keepdims=True))
    out = out / jnp.maximum(nrm, 1e-12)
    return out


def _batchnorm(h, gamma, beta, eps=1e-5):
    # BatchNorm1d, training-mode batch statistics (deterministic)
    mu = jnp.mean(h, axis=0)
    var = jnp.mean((h - mu) ** 2, axis=0)
    return gamma * (h - mu) / jnp.sqrt(var + eps) + beta


def reference(x, edge_index, W1l, b1l, W1r, W2l, b2l, W2r, gamma, beta):
    h = _sage_conv(x, edge_index, W1l, b1l, W1r)
    h = jax.nn.relu(h)
    h = _batchnorm(h, gamma, beta)
    # Dropout is identity in deterministic/eval reference
    h = _sage_conv(h, edge_index, W2l, b2l, W2r)
    return h

if __name__ == "__main__":
    import jax
    _d = setup_inputs()
    print(jax.jit(kernel)(*tuple(_d.values())))

</pallas_src>

<mosaic_0001>
#map = affine_map<(d0, d1) -> (0, 0)>
#map1 = affine_map<(d0, d1) -> (0)>
#map2 = affine_map<(d0, d1) -> (0, 0, 0)>
module attributes {stable_mosaic.version = 14 : i64} {
  func.func @_sc_agg_body(%arg0: i32, %arg1: i32, %arg2: memref<10000x128xf32, #tpu.memory_space<hbm>>, %arg3: memref<320000xi32, #tpu.memory_space<hbm>>, %arg4: memref<320000xi32, #tpu.memory_space<hbm>>, %arg5: memref<2x10000x128xf32, #tpu.memory_space<hbm>>, %arg6: memref<10000x128xf32, #tpu.memory_space<vmem_shared>>, %arg7: memref<80xi32, #tpu.memory_space<vmem>>, %arg8: memref<80xi32, #tpu.memory_space<vmem>>, %arg9: memref<80x128xf32, #tpu.memory_space<vmem>>, %arg10: memref<!tpu.dma_semaphore, #tpu.memory_space<semaphore_mem>>, %arg11: memref<80xi32, #tpu.memory_space<vmem>>, %arg12: memref<80xi32, #tpu.memory_space<vmem>>, %arg13: memref<80x128xf32, #tpu.memory_space<vmem>>, %arg14: memref<!tpu.dma_semaphore, #tpu.memory_space<semaphore_mem>>, %arg15: memref<25x128xf32, #tpu.memory_space<vmem>>) attributes {dimension_semantics = [#tpu.dimension_semantics<core_parallel>, #tpu.dimension_semantics<subcore_parallel>], iteration_bounds = array<i64: 2, 16>, scalar_prefetch = 0 : i64, scratch_operands = 10 : i64, tpu.core_type = #tpu.core_type<sc_vector_subcore>, window_params = [{transform_indices = #map}, {transform_indices = #map1}, {transform_indices = #map1}, {transform_indices = #map2}]} {
    %mul3A = arith.constant 16 : i32
    %mul3A_0 = arith.muli %arg0, %mul3A : i32
    %add3A = arith.addi %mul3A_0, %arg1 : i32
    %scan3A = arith.constant 0 : i32
    %scan3A_1 = arith.constant 0 : i32
    %scan3A_2 = arith.constant 25 : i32
    %scan3A_3 = arith.addi %scan3A_1, %scan3A_2 : i32
    %scan3A_4 = arith.constant 1 : i32
    %scan3A_5 = scf.for %scan3A_127 = %scan3A_1 to %scan3A_3 step %scan3A_4 iter_args(%scan3A_128 = %scan3A) -> (i32)  : i32 {
      %broadcast_in_dim3A = arith.constant 0.000000e+00 : f32
      %broadcast_in_dim3A_129 = vector.broadcast %broadcast_in_dim3A : f32 to vector<16xf32>
      %swap3A = arith.index_cast %scan3A_127 : i32 to index
      %swap3A_130 = arith.constant 0 : index
      %swap3A_131 = tpu.vector_load %arg15[%swap3A, %swap3A_130] {strides = array<i32>} : memref<25x128xf32, #tpu.memory_space<vmem>>, vector<1x16xf32>,
      %swap3A_132 = vector.shape_cast %swap3A_131 : vector<1x16xf32> to vector<16xf32>
      %swap3A_133 = vector.shape_cast %broadcast_in_dim3A_129 : vector<16xf32> to vector<1x16xf32>
      tpu.vector_store %arg15[%swap3A, %swap3A_130], %swap3A_133 {strides = array<i32>} : memref<25x128xf32, #tpu.memory_space<vmem>>, vector<1x16xf32>,
      %broadcast_in_dim3A_134 = arith.constant 0.000000e+00 : f32
      %broadcast_in_dim3A_135 = vector.broadcast %broadcast_in_dim3A_134 : f32 to vector<16xf32>
      %swap3A_136 = arith.index_cast %scan3A_127 : i32 to index
      %swap3A_137 = arith.constant 16 : index
      %swap3A_138 = tpu.vector_load %arg15[%swap3A_136, %swap3A_137] {strides = array<i32>} : memref<25x128xf32, #tpu.memory_space<vmem>>, vector<1x16xf32>,
      %swap3A_139 = vector.shape_cast %swap3A_138 : vector<1x16xf32> to vector<16xf32>
      %swap3A_140 = vector.shape_cast %broadcast_in_dim3A_135 : vector<16xf32> to vector<1x16xf32>
      tpu.vector_store %arg15[%swap3A_136, %swap3A_137], %swap3A_140 {strides = array<i32>} : memref<25x128xf32, #tpu.memory_space<vmem>>, vector<1x16xf32>,
      %broadcast_in_dim3A_141 = arith.constant 0.000000e+00 : f32
      %broadcast_in_dim3A_142 = vector.broadcast %broadcast_in_dim3A_141 : f32 to vector<16xf32>
      %swap3A_143 = arith.index_cast %scan3A_127 : i32 to index
      %swap3A_144 = arith.constant 32 : index
      %swap3A_145 = tpu.vector_load %arg15[%swap3A_143, %swap3A_144] {strides = array<i32>} : memref<25x128xf32, #tpu.memory_space<vmem>>, vector<1x16xf32>,
      %swap3A_146 = vector.shape_cast %swap3A_145 : vector<1x16xf32> to vector<16xf32>
      %swap3A_147 = vector.shape_cast %broadcast_in_dim3A_142 : vector<16xf32> to vector<1x16xf32>
      tpu.vector_store %arg15[%swap3A_143, %swap3A_144], %swap3A_147 {strides = array<i32>} : memref<25x128xf32, #tpu.memory_space<vmem>>, vector<1x16xf32>,
      %broadcast_in_dim3A_148 = arith.constant 0.000000e+00 : f32
      %broadcast_in_dim3A_149 = vector.broadcast %broadcast_in_dim3A_148 : f32 to vector<16xf32>
      %swap3A_150 = arith.index_cast %scan3A_127 : i32 to index
      %swap3A_151 = arith.constant 48 : index
      %swap3A_152 = tpu.vector_load %arg15[%swap3A_150, %swap3A_151] {strides = array<i32>} : memref<25x128xf32, #tpu.memory_space<vmem>>, vector<1x16xf32>,
      %swap3A_153 = vector.shape_cast %swap3A_152 : vector<1x16xf32> to vector<16xf32>
      %swap3A_154 = vector.shape_cast %broadcast_in_dim3A_149 : vector<16xf32> to vector<1x16xf32>
      tpu.vector_store %arg15[%swap3A_150, %swap3A_151], %swap3A_154 {strides = array<i32>} : memref<25x128xf32, #tpu.memory_space<vmem>>, vector<1x16xf32>,
      %broadcast_in_dim3A_155 = arith.constant 0.000000e+00 : f32
      %broadcast_in_dim3A_156 = vector.broadcast %broadcast_in_dim3A_155 : f32 to vector<16xf32>
      %swap3A_157 = arith.index_cast %scan3A_127 : i32 to index
      %swap3A_158 = arith.constant 64 : index
      %swap3A_159 = tpu.vector_load %arg15[%swap3A_157, %swap3A_158] {strides = array<i32>} : memref<25x128xf32, #tpu.memory_space<vmem>>, vector<1x16xf32>,
      %swap3A_160 = vector.shape_cast %swap3A_159 : vector<1x16xf32> to vector<16xf32>
      %swap3A_161 = vector.shape_cast %broadcast_in_dim3A_156 : vector<16xf32> to vector<1x16xf32>
      tpu.vector_store %arg15[%swap3A_157, %swap3A_158], %swap3A_161 {strides = array<i32>} : memref<25x128xf32, #tpu.memory_space<vmem>>, vector<1x16xf32>,
      %broadcast_in_dim3A_162 = arith.constant 0.000000e+00 : f32
      %broadcast_in_dim3A_163 = vector.broadcast %broadcast_in_dim3A_162 : f32 to vector<16xf32>
      %swap3A_164 = arith.index_cast %scan3A_127 : i32 to index
      %swap3A_165 = arith.constant 80 : index
      %swap3A_166 = tpu.vector_load %arg15[%swap3A_164, %swap3A_165] {strides = array<i32>} : memref<25x128xf32, #tpu.memory_space<vmem>>, vector<1x16xf32>,
      %swap3A_167 = vector.shape_cast %swap3A_166 : vector<1x16xf32> to vector<16xf32>
      %swap3A_168 = vector.shape_cast %broadcast_in_dim3A_163 : vector<16xf32> to vector<1x16xf32>
      tpu.vector_store %arg15[%swap3A_164, %swap3A_165], %swap3A_168 {strides = array<i32>} : memref<25x128xf32, #tpu.memory_space<vmem>>, vector<1x16xf32>,
      %broadcast_in_dim3A_169 = arith.constant 0.000000e+00 : f32
      %broadcast_in_dim3A_170 = vector.broadcast %broadcast_in_dim3A_169 : f32 to vector<16xf32>
      %swap3A_171 = arith.index_cast %scan3A_127 : i32 to index
      %swap3A_172 = arith.constant 96 : index
      %swap3A_173 = tpu.vector_load %arg15[%swap3A_171, %swap3A_172] {strides = array<i32>} : memref<25x128xf32, #tpu.memory_space<vmem>>, vector<1x16xf32>,
      %swap3A_174 = vector.shape_cast %swap3A_173 : vector<1x16xf32> to vector<16xf32>
      %swap3A_175 = vector.shape_cast %broadcast_in_dim3A_170 : vector<16xf32> to vector<1x16xf32>
      tpu.vector_store %arg15[%swap3A_171, %swap3A_172], %swap3A_175 {strides = array<i32>} : memref<25x128xf32, #tpu.memory_space<vmem>>, vector<1x16xf32>,
      %broadcast_in_dim3A_176 = arith.constant 0.000000e+00 : f32
      %broadcast_in_dim3A_177 = vector.broadcast %broadcast_in_dim3A_176 : f32 to vector<16xf32>
      %swap3A_178 = arith.index_cast %scan3A_127 : i32 to index
      %swap3A_179 = arith.constant 112 : index
      %swap3A_180 = tpu.vector_load %arg15[%swap3A_178, %swap3A_179] {strides = array<i32>} : memref<25x128xf32, #tpu.memory_space<vmem>>, vector<1x16xf32>,
      %swap3A_181 = vector.shape_cast %swap3A_180 : vector<1x16xf32> to vector<16xf32>
      %swap3A_182 = vector.shape_cast %broadcast_in_dim3A_177 : vector<16xf32> to vector<1x16xf32>
      tpu.vector_store %arg15[%swap3A_178, %swap3A_179], %swap3A_182 {strides = array<i32>} : memref<25x128xf32, #tpu.memory_space<vmem>>, vector<1x16xf32>,
      %scan3A_183 = arith.constant 0 : i32
      scf.yield %scan3A_183 : i32
    }
    %scan3A_6 = arith.constant 25 : i32
    %mul3A_7 = arith.constant 625 : i32
    %mul3A_8 = arith.muli %arg1, %mul3A_7 : i32
    %add3A_9 = arith.constant 0 : i32
    %add3A_10 = arith.addi %mul3A_8, %add3A_9 : i32
    "tpu.region"() ({
      %run_scoped3A = tpu.sem_alloc : memref<!tpu.dma_semaphore, #tpu.memory_space<semaphore_mem>>
      %dma_start3A_127 = arith.constant 0 : i32
      %dma_start3A_128 = tpu.memref_slice %arg6[%add3A_10, %dma_start3A_127] : memref<10000x128xf32, #tpu.memory_space<vmem_shared>> -> memref<25x128xf32, #tpu.memory_space<vmem_shared>>
      %dma_start3A_129 = arith.constant 0 : i32
      %dma_start3A_130 = tpu.memref_slice %arg6[%add3A_10, %dma_start3A_129] : memref<10000x128xf32, #tpu.memory_space<vmem_shared>> -> memref<25x128xf32, #tpu.memory_space<vmem_shared>>
      tpu.enqueue_dma source(%arg15 : memref<25x128xf32, #tpu.memory_space<vmem>>) target(%dma_start3A_130 : memref<25x128xf32, #tpu.memory_space<vmem_shared>>) target_semaphore(%run_scoped3A : memref<!tpu.dma_semaphore, #tpu.memory_space<semaphore_mem>>)
      %dma_wait3A_131 = arith.constant 0 : i32
      %dma_wait3A_132 = tpu.memref_slice %arg6[%add3A_10, %dma_wait3A_131] : memref<10000x128xf32, #tpu.memory_space<vmem_shared>> -> memref<25x128xf32, #tpu.memory_space<vmem_shared>>
      %dma_wait3A_133 = arith.constant 0 : i32
      %dma_wait3A_134 = tpu.memref_slice %arg6[%add3A_10, %dma_wait3A_133] : memref<10000x128xf32, #tpu.memory_space<vmem_shared>> -> memref<25x128xf32, #tpu.memory_space<vmem_shared>>
      tpu.wait_dma2 semaphore(%run_scoped3A : memref<!tpu.dma_semaphore, #tpu.memory_space<semaphore_mem>>) src(%arg15 : memref<25x128xf32, #tpu.memory_space<vmem>>) dst(%dma_wait3A_134 : memref<25x128xf32, #tpu.memory_space<vmem_shared>>)
      tpu.yield
    }) : () -> ()
    %mul3A_11 = arith.constant 625 : i32
    %mul3A_12 = arith.muli %arg1, %mul3A_11 : i32
    %add3A_13 = arith.constant 25 : i32
    %add3A_14 = arith.addi %mul3A_12, %add3A_13 : i32
    "tpu.region"() ({
      %run_scoped3A = tpu.sem_alloc : memref<!tpu.dma_semaphore, #tpu.memory_space<semaphore_mem>>
      %dma_start3A_127 = arith.constant 0 : i32
      %dma_start3A_128 = tpu.memref_slice %arg6[%add3A_14, %dma_start3A_127] : memref<10000x128xf32, #tpu.memory_space<vmem_shared>> -> memref<25x128xf32, #tpu.memory_space<vmem_shared>>
      %dma_start3A_129 = arith.constant 0 : i32
      %dma_start3A_130 = tpu.memref_slice %arg6[%add3A_14, %dma_start3A_129] : memref<10000x128xf32, #tpu.memory_space<vmem_shared>> -> memref<25x128xf32, #tpu.memory_space<vmem_shared>>
      tpu.enqueue_dma source(%arg15 : memref<25x128xf32, #tpu.memory_space<vmem>>) target(%dma_start3A_130 : memref<25x128xf32, #tpu.memory_space<vmem_shared>>) target_semaphore(%run_scoped3A : memref<!tpu.dma_semaphore, #tpu.memory_space<semaphore_mem>>)
      %dma_wait3A_131 = arith.constant 0 : i32
      %dma_wait3A_132 = tpu.memref_slice %arg6[%add3A_14, %dma_wait3A_131] : memref<10000x128xf32, #tpu.memory_space<vmem_shared>> -> memref<25x128xf32, #tpu.memory_space<vmem_shared>>
      %dma_wait3A_133 = arith.constant 0 : i32
      %dma_wait3A_134 = tpu.memref_slice %arg6[%add3A_14, %dma_wait3A_133] : memref<10000x128xf32, #tpu.memory_space<vmem_shared>> -> memref<25x128xf32, #tpu.memory_space<vmem_shared>>
      tpu.wait_dma2 semaphore(%run_scoped3A : memref<!tpu.dma_semaphore, #tpu.memory_space<semaphore_mem>>) src(%arg15 : memref<25x128xf32, #tpu.memory_space<vmem>>) dst(%dma_wait3A_134 : memref<25x128xf32, #tpu.memory_space<vmem_shared>>)
      tpu.yield
    }) : () -> ()
    %mul3A_15 = arith.constant 625 : i32
    %mul3A_16 = arith.muli %arg1, %mul3A_15 : i32
    %add3A_17 = arith.constant 50 : i32
    %add3A_18 = arith.addi %mul3A_16, %add3A_17 : i32
    "tpu.region"() ({
      %run_scoped3A = tpu.sem_alloc : memref<!tpu.dma_semaphore, #tpu.memory_space<semaphore_mem>>
      %dma_start3A_127 = arith.constant 0 : i32
      %dma_start3A_128 = tpu.memref_slice %arg6[%add3A_18, %dma_start3A_127] : memref<10000x128xf32, #tpu.memory_space<vmem_shared>> -> memref<25x128xf32, #tpu.memory_space<vmem_shared>>
      %dma_start3A_129 = arith.constant 0 : i32
      %dma_start3A_130 = tpu.memref_slice %arg6[%add3A_18, %dma_start3A_129] : memref<10000x128xf32, #tpu.memory_space<vmem_shared>> -> memref<25x128xf32, #tpu.memory_space<vmem_shared>>
      tpu.enqueue_dma source(%arg15 : memref<25x128xf32, #tpu.memory_space<vmem>>) target(%dma_start3A_130 : memref<25x128xf32, #tpu.memory_space<vmem_shared>>) target_semaphore(%run_scoped3A : memref<!tpu.dma_semaphore, #tpu.memory_space<semaphore_mem>>)
      %dma_wait3A_131 = arith.constant 0 : i32
      %dma_wait3A_132 = tpu.memref_slice %arg6[%add3A_18, %dma_wait3A_131] : memref<10000x128xf32, #tpu.memory_space<vmem_shared>> -> memref<25x128xf32, #tpu.memory_space<vmem_shared>>
      %dma_wait3A_133 = arith.constant 0 : i32
      %dma_wait3A_134 = tpu.memref_slice %arg6[%add3A_18, %dma_wait3A_133] : memref<10000x128xf32, #tpu.memory_space<vmem_shared>> -> memref<25x128xf32, #tpu.memory_space<vmem_shared>>
      tpu.wait_dma2 semaphore(%run_scoped3A : memref<!tpu.dma_semaphore, #tpu.memory_space<semaphore_mem>>) src(%arg15 : memref<25x128xf32, #tpu.memory_space<vmem>>) dst(%dma_wait3A_134 : memref<25x128xf32, #tpu.memory_space<vmem_shared>>)
      tpu.yield
    }) : () -> ()
    %mul3A_19 = arith.constant 625 : i32
    %mul3A_20 = arith.muli %arg1, %mul3A_19 : i32
    %add3A_21 = arith.constant 75 : i32
    %add3A_22 = arith.addi %mul3A_20, %add3A_21 : i32
    "tpu.region"() ({
      %run_scoped3A = tpu.sem_alloc : memref<!tpu.dma_semaphore, #tpu.memory_space<semaphore_mem>>
      %dma_start3A_127 = arith.constant 0 : i32
      %dma_start3A_128 = tpu.memref_slice %arg6[%add3A_22, %dma_start3A_127] : memref<10000x128xf32, #tpu.memory_space<vmem_shared>> -> memref<25x128xf32, #tpu.memory_space<vmem_shared>>
      %dma_start3A_129 = arith.constant 0 : i32
      %dma_start3A_130 = tpu.memref_slice %arg6[%add3A_22, %dma_start3A_129] : memref<10000x128xf32, #tpu.memory_space<vmem_shared>> -> memref<25x128xf32, #tpu.memory_space<vmem_shared>>
      tpu.enqueue_dma source(%arg15 : memref<25x128xf32, #tpu.memory_space<vmem>>) target(%dma_start3A_130 : memref<25x128xf32, #tpu.memory_space<vmem_shared>>) target_semaphore(%run_scoped3A : memref<!tpu.dma_semaphore, #tpu.memory_space<semaphore_mem>>)
      %dma_wait3A_131 = arith.constant 0 : i32
      %dma_wait3A_132 = tpu.memref_slice %arg6[%add3A_22, %dma_wait3A_131] : memref<10000x128xf32, #tpu.memory_space<vmem_shared>> -> memref<25x128xf32, #tpu.memory_space<vmem_shared>>
      %dma_wait3A_133 = arith.constant 0 : i32
      %dma_wait3A_134 = tpu.memref_slice %arg6[%add3A_22, %dma_wait3A_133] : memref<10000x128xf32, #tpu.memory_space<vmem_shared>> -> memref<25x128xf32, #tpu.memory_space<vmem_shared>>
      tpu.wait_dma2 semaphore(%run_scoped3A : memref<!tpu.dma_semaphore, #tpu.memory_space<semaphore_mem>>) src(%arg15 : memref<25x128xf32, #tpu.memory_space<vmem>>) dst(%dma_wait3A_134 : memref<25x128xf32, #tpu.memory_space<vmem_shared>>)
      tpu.yield
    }) : () -> ()
    %mul3A_23 = arith.constant 625 : i32
    %mul3A_24 = arith.muli %arg1, %mul3A_23 : i32
    %add3A_25 = arith.constant 100 : i32
    %add3A_26 = arith.addi %mul3A_24, %add3A_25 : i32
    "tpu.region"() ({
      %run_scoped3A = tpu.sem_alloc : memref<!tpu.dma_semaphore, #tpu.memory_space<semaphore_mem>>
      %dma_start3A_127 = arith.constant 0 : i32
      %dma_start3A_128 = tpu.memref_slice %arg6[%add3A_26, %dma_start3A_127] : memref<10000x128xf32, #tpu.memory_space<vmem_shared>> -> memref<25x128xf32, #tpu.memory_space<vmem_shared>>
      %dma_start3A_129 = arith.constant 0 : i32
      %dma_start3A_130 = tpu.memref_slice %arg6[%add3A_26, %dma_start3A_129] : memref<10000x128xf32, #tpu.memory_space<vmem_shared>> -> memref<25x128xf32, #tpu.memory_space<vmem_shared>>
      tpu.enqueue_dma source(%arg15 : memref<25x128xf32, #tpu.memory_space<vmem>>) target(%dma_start3A_130 : memref<25x128xf32, #tpu.memory_space<vmem_shared>>) target_semaphore(%run_scoped3A : memref<!tpu.dma_semaphore, #tpu.memory_space<semaphore_mem>>)
      %dma_wait3A_131 = arith.constant 0 : i32
      %dma_wait3A_132 = tpu.memref_slice %arg6[%add3A_26, %dma_wait3A_131] : memref<10000x128xf32, #tpu.memory_space<vmem_shared>> -> memref<25x128xf32, #tpu.memory_space<vmem_shared>>
      %dma_wait3A_133 = arith.constant 0 : i32
      %dma_wait3A_134 = tpu.memref_slice %arg6[%add3A_26, %dma_wait3A_133] : memref<10000x128xf32, #tpu.memory_space<vmem_shared>> -> memref<25x128xf32, #tpu.memory_space<vmem_shared>>
      tpu.wait_dma2 semaphore(%run_scoped3A : memref<!tpu.dma_semaphore, #tpu.memory_space<semaphore_mem>>) src(%arg15 : memref<25x128xf32, #tpu.memory_space<vmem>>) dst(%dma_wait3A_134 : memref<25x128xf32, #tpu.memory_space<vmem_shared>>)
      tpu.yield
    }) : () -> ()
    %mul3A_27 = arith.constant 625 : i32
    %mul3A_28 = arith.muli %arg1, %mul3A_27 : i32
    %add3A_29 = arith.constant 125 : i32
    %add3A_30 = arith.addi %mul3A_28, %add3A_29 : i32
    "tpu.region"() ({
      %run_scoped3A = tpu.sem_alloc : memref<!tpu.dma_semaphore, #tpu.memory_space<semaphore_mem>>
      %dma_start3A_127 = arith.constant 0 : i32
      %dma_start3A_128 = tpu.memref_slice %arg6[%add3A_30, %dma_start3A_127] : memref<10000x128xf32, #tpu.memory_space<vmem_shared>> -> memref<25x128xf32, #tpu.memory_space<vmem_shared>>
      %dma_start3A_129 = arith.constant 0 : i32
      %dma_start3A_130 = tpu.memref_slice %arg6[%add3A_30, %dma_start3A_129] : memref<10000x128xf32, #tpu.memory_space<vmem_shared>> -> memref<25x128xf32, #tpu.memory_space<vmem_shared>>
      tpu.enqueue_dma source(%arg15 : memref<25x128xf32, #tpu.memory_space<vmem>>) target(%dma_start3A_130 : memref<25x128xf32, #tpu.memory_space<vmem_shared>>) target_semaphore(%run_scoped3A : memref<!tpu.dma_semaphore, #tpu.memory_space<semaphore_mem>>)
      %dma_wait3A_131 = arith.constant 0 : i32
      %dma_wait3A_132 = tpu.memref_slice %arg6[%add3A_30, %dma_wait3A_131] : memref<10000x128xf32, #tpu.memory_space<vmem_shared>> -> memref<25x128xf32, #tpu.memory_space<vmem_shared>>
      %dma_wait3A_133 = arith.constant 0 : i32
      %dma_wait3A_134 = tpu.memref_slice %arg6[%add3A_30, %dma_wait3A_133] : memref<10000x128xf32, #tpu.memory_space<vmem_shared>> -> memref<25x128xf32, #tpu.memory_space<vmem_shared>>
      tpu.wait_dma2 semaphore(%run_scoped3A : memref<!tpu.dma_semaphore, #tpu.memory_space<semaphore_mem>>) src(%arg15 : memref<25x128xf32, #tpu.memory_space<vmem>>) dst(%dma_wait3A_134 : memref<25x128xf32, #tpu.memory_space<vmem_shared>>)
      tpu.yield
    }) : () -> ()
    %mul3A_31 = arith.constant 625 : i32
    %mul3A_32 = arith.muli %arg1, %mul3A_31 : i32
    %add3A_33 = arith.constant 150 : i32
    %add3A_34 = arith.addi %mul3A_32, %add3A_33 : i32
    "tpu.region"() ({
      %run_scoped3A = tpu.sem_alloc : memref<!tpu.dma_semaphore, #tpu.memory_space<semaphore_mem>>
      %dma_start3A_127 = arith.constant 0 : i32
      %dma_start3A_128 = tpu.memref_slice %arg6[%add3A_34, %dma_start3A_127] : memref<10000x128xf32, #tpu.memory_space<vmem_shared>> -> memref<25x128xf32, #tpu.memory_space<vmem_shared>>
      %dma_start3A_129 = arith.constant 0 : i32
      %dma_start3A_130 = tpu.memref_slice %arg6[%add3A_34, %dma_start3A_129] : memref<10000x128xf32, #tpu.memory_space<vmem_shared>> -> memref<25x128xf32, #tpu.memory_space<vmem_shared>>
      tpu.enqueue_dma source(%arg15 : memref<25x128xf32, #tpu.memory_space<vmem>>) target(%dma_start3A_130 : memref<25x128xf32, #tpu.memory_space<vmem_shared>>) target_semaphore(%run_scoped3A : memref<!tpu.dma_semaphore, #tpu.memory_space<semaphore_mem>>)
      %dma_wait3A_131 = arith.constant 0 : i32
      %dma_wait3A_132 = tpu.memref_slice %arg6[%add3A_34, %dma_wait3A_131] : memref<10000x128xf32, #tpu.memory_space<vmem_shared>> -> memref<25x128xf32, #tpu.memory_space<vmem_shared>>
      %dma_wait3A_133 = arith.constant 0 : i32
      %dma_wait3A_134 = tpu.memref_slice %arg6[%add3A_34, %dma_wait3A_133] : memref<10000x128xf32, #tpu.memory_space<vmem_shared>> -> memref<25x128xf32, #tpu.memory_space<vmem_shared>>
      tpu.wait_dma2 semaphore(%run_scoped3A : memref<!tpu.dma_semaphore, #tpu.memory_space<semaphore_mem>>) src(%arg15 : memref<25x128xf32, #tpu.memory_space<vmem>>) dst(%dma_wait3A_134 : memref<25x128xf32, #tpu.memory_space<vmem_shared>>)
      tpu.yield
    }) : () -> ()
    %mul3A_35 = arith.constant 625 : i32
    %mul3A_36 = arith.muli %arg1, %mul3A_35 : i32
    %add3A_37 = arith.constant 175 : i32
    %add3A_38 = arith.addi %mul3A_36, %add3A_37 : i32
    "tpu.region"() ({
      %run_scoped3A = tpu.sem_alloc : memref<!tpu.dma_semaphore, #tpu.memory_space<semaphore_mem>>
      %dma_start3A_127 = arith.constant 0 : i32
      %dma_start3A_128 = tpu.memref_slice %arg6[%add3A_38, %dma_start3A_127] : memref<10000x128xf32, #tpu.memory_space<vmem_shared>> -> memref<25x128xf32, #tpu.memory_space<vmem_shared>>
      %dma_start3A_129 = arith.constant 0 : i32
      %dma_start3A_130 = tpu.memref_slice %arg6[%add3A_38, %dma_start3A_129] : memref<10000x128xf32, #tpu.memory_space<vmem_shared>> -> memref<25x128xf32, #tpu.memory_space<vmem_shared>>
      tpu.enqueue_dma source(%arg15 : memref<25x128xf32, #tpu.memory_space<vmem>>) target(%dma_start3A_130 : memref<25x128xf32, #tpu.memory_space<vmem_shared>>) target_semaphore(%run_scoped3A : memref<!tpu.dma_semaphore, #tpu.memory_space<semaphore_mem>>)
      %dma_wait3A_131 = arith.constant 0 : i32
      %dma_wait3A_132 = tpu.memref_slice %arg6[%add3A_38, %dma_wait3A_131] : memref<10000x128xf32, #tpu.memory_space<vmem_shared>> -> memref<25x128xf32, #tpu.memory_space<vmem_shared>>
      %dma_wait3A_133 = arith.constant 0 : i32
      %dma_wait3A_134 = tpu.memref_slice %arg6[%add3A_38, %dma_wait3A_133] : memref<10000x128xf32, #tpu.memory_space<vmem_shared>> -> memref<25x128xf32, #tpu.memory_space<vmem_shared>>
      tpu.wait_dma2 semaphore(%run_scoped3A : memref<!tpu.dma_semaphore, #tpu.memory_space<semaphore_mem>>) src(%arg15 : memref<25x128xf32, #tpu.memory_space<vmem>>) dst(%dma_wait3A_134 : memref<25x128xf32, #tpu.memory_space<vmem_shared>>)
      tpu.yield
    }) : () -> ()
    %mul3A_39 = arith.constant 625 : i32
    %mul3A_40 = arith.muli %arg1, %mul3A_39 : i32
    %add3A_41 = arith.constant 200 : i32
    %add3A_42 = arith.addi %mul3A_40, %add3A_41 : i32
    "tpu.region"() ({
      %run_scoped3A = tpu.sem_alloc : memref<!tpu.dma_semaphore, #tpu.memory_space<semaphore_mem>>
      %dma_start3A_127 = arith.constant 0 : i32
      %dma_start3A_128 = tpu.memref_slice %arg6[%add3A_42, %dma_start3A_127] : memref<10000x128xf32, #tpu.memory_space<vmem_shared>> -> memref<25x128xf32, #tpu.memory_space<vmem_shared>>
      %dma_start3A_129 = arith.constant 0 : i32
      %dma_start3A_130 = tpu.memref_slice %arg6[%add3A_42, %dma_start3A_129] : memref<10000x128xf32, #tpu.memory_space<vmem_shared>> -> memref<25x128xf32, #tpu.memory_space<vmem_shared>>
      tpu.enqueue_dma source(%arg15 : memref<25x128xf32, #tpu.memory_space<vmem>>) target(%dma_start3A_130 : memref<25x128xf32, #tpu.memory_space<vmem_shared>>) target_semaphore(%run_scoped3A : memref<!tpu.dma_semaphore, #tpu.memory_space<semaphore_mem>>)
      %dma_wait3A_131 = arith.constant 0 : i32
      %dma_wait3A_132 = tpu.memref_slice %arg6[%add3A_42, %dma_wait3A_131] : memref<10000x128xf32, #tpu.memory_space<vmem_shared>> -> memref<25x128xf32, #tpu.memory_space<vmem_shared>>
      %dma_wait3A_133 = arith.constant 0 : i32
      %dma_wait3A_134 = tpu.memref_slice %arg6[%add3A_42, %dma_wait3A_133] : memref<10000x128xf32, #tpu.memory_space<vmem_shared>> -> memref<25x128xf32, #tpu.memory_space<vmem_shared>>
      tpu.wait_dma2 semaphore(%run_scoped3A : memref<!tpu.dma_semaphore, #tpu.memory_space<semaphore_mem>>) src(%arg15 : memref<25x128xf32, #tpu.memory_space<vmem>>) dst(%dma_wait3A_134 : memref<25x128xf32, #tpu.memory_space<vmem_shared>>)
      tpu.yield
    }) : () -> ()
    %mul3A_43 = arith.constant 625 : i32
    %mul3A_44 = arith.muli %arg1, %mul3A_43 : i32
    %add3A_45 = arith.constant 225 : i32
    %add3A_46 = arith.addi %mul3A_44, %add3A_45 : i32
    "tpu.region"() ({
      %run_scoped3A = tpu.sem_alloc : memref<!tpu.dma_semaphore, #tpu.memory_space<semaphore_mem>>
      %dma_start3A_127 = arith.constant 0 : i32
      %dma_start3A_128 = tpu.memref_slice %arg6[%add3A_46, %dma_start3A_127] : memref<10000x128xf32, #tpu.memory_space<vmem_shared>> -> memref<25x128xf32, #tpu.memory_space<vmem_shared>>
      %dma_start3A_129 = arith.constant 0 : i32
      %dma_start3A_130 = tpu.memref_slice %arg6[%add3A_46, %dma_start3A_129] : memref<10000x128xf32, #tpu.memory_space<vmem_shared>> -> memref<25x128xf32, #tpu.memory_space<vmem_shared>>
      tpu.enqueue_dma source(%arg15 : memref<25x128xf32, #tpu.memory_space<vmem>>) target(%dma_start3A_130 : memref<25x128xf32, #tpu.memory_space<vmem_shared>>) target_semaphore(%run_scoped3A : memref<!tpu.dma_semaphore, #tpu.memory_space<semaphore_mem>>)
      %dma_wait3A_131 = arith.constant 0 : i32
      %dma_wait3A_132 = tpu.memref_slice %arg6[%add3A_46, %dma_wait3A_131] : memref<10000x128xf32, #tpu.memory_space<vmem_shared>> -> memref<25x128xf32, #tpu.memory_space<vmem_shared>>
      %dma_wait3A_133 = arith.constant 0 : i32
      %dma_wait3A_134 = tpu.memref_slice %arg6[%add3A_46, %dma_wait3A_133] : memref<10000x128xf32, #tpu.memory_space<vmem_shared>> -> memref<25x128xf32, #tpu.memory_space<vmem_shared>>
      tpu.wait_dma2 semaphore(%run_scoped3A : memref<!tpu.dma_semaphore, #tpu.memory_space<semaphore_mem>>) src(%arg15 : memref<25x128xf32, #tpu.memory_space<vmem>>) dst(%dma_wait3A_134 : memref<25x128xf32, #tpu.memory_space<vmem_shared>>)
      tpu.yield
    }) : () -> ()
    %mul3A_47 = arith.constant 625 : i32
    %mul3A_48 = arith.muli %arg1, %mul3A_47 : i32
    %add3A_49 = arith.constant 250 : i32
    %add3A_50 = arith.addi %mul3A_48, %add3A_49 : i32
    "tpu.region"() ({
      %run_scoped3A = tpu.sem_alloc : memref<!tpu.dma_semaphore, #tpu.memory_space<semaphore_mem>>
      %dma_start3A_127 = arith.constant 0 : i32
      %dma_start3A_128 = tpu.memref_slice %arg6[%add3A_50, %dma_start3A_127] : memref<10000x128xf32, #tpu.memory_space<vmem_shared>> -> memref<25x128xf32, #tpu.memory_space<vmem_shared>>
      %dma_start3A_129 = arith.constant 0 : i32
      %dma_start3A_130 = tpu.memref_slice %arg6[%add3A_50, %dma_start3A_129] : memref<10000x128xf32, #tpu.memory_space<vmem_shared>> -> memref<25x128xf32, #tpu.memory_space<vmem_shared>>
      tpu.enqueue_dma source(%arg15 : memref<25x128xf32, #tpu.memory_space<vmem>>) target(%dma_start3A_130 : memref<25x128xf32, #tpu.memory_space<vmem_shared>>) target_semaphore(%run_scoped3A : memref<!tpu.dma_semaphore, #tpu.memory_space<semaphore_mem>>)
      %dma_wait3A_131 = arith.constant 0 : i32
      %dma_wait3A_132 = tpu.memref_slice %arg6[%add3A_50, %dma_wait3A_131] : memref<10000x128xf32, #tpu.memory_space<vmem_shared>> -> memref<25x128xf32, #tpu.memory_space<vmem_shared>>
      %dma_wait3A_133 = arith.constant 0 : i32
      %dma_wait3A_134 = tpu.memref_slice %arg6[%add3A_50, %dma_wait3A_133] : memref<10000x128xf32, #tpu.memory_space<vmem_shared>> -> memref<25x128xf32, #tpu.memory_space<vmem_shared>>
      tpu.wait_dma2 semaphore(%run_scoped3A : memref<!tpu.dma_semaphore, #tpu.memory_space<semaphore_mem>>) src(%arg15 : memref<25x128xf32, #tpu.memory_space<vmem>>) dst(%dma_wait3A_134 : memref<25x128xf32, #tpu.memory_space<vmem_shared>>)
      tpu.yield
    }) : () -> ()
    %mul3A_51 = arith.constant 625 : i32
    %mul3A_52 = arith.muli %arg1, %mul3A_51 : i32
    %add3A_53 = arith.constant 275 : i32
    %add3A_54 = arith.addi %mul3A_52, %add3A_53 : i32
    "tpu.region"() ({
      %run_scoped3A = tpu.sem_alloc : memref<!tpu.dma_semaphore, #tpu.memory_space<semaphore_mem>>
      %dma_start3A_127 = arith.constant 0 : i32
      %dma_start3A_128 = tpu.memref_slice %arg6[%add3A_54, %dma_start3A_127] : memref<10000x128xf32, #tpu.memory_space<vmem_shared>> -> memref<25x128xf32, #tpu.memory_space<vmem_shared>>
      %dma_start3A_129 = arith.constant 0 : i32
      %dma_start3A_130 = tpu.memref_slice %arg6[%add3A_54, %dma_start3A_129] : memref<10000x128xf32, #tpu.memory_space<vmem_shared>> -> memref<25x128xf32, #tpu.memory_space<vmem_shared>>
      tpu.enqueue_dma source(%arg15 : memref<25x128xf32, #tpu.memory_space<vmem>>) target(%dma_start3A_130 : memref<25x128xf32, #tpu.memory_space<vmem_shared>>) target_semaphore(%run_scoped3A : memref<!tpu.dma_semaphore, #tpu.memory_space<semaphore_mem>>)
      %dma_wait3A_131 = arith.constant 0 : i32
      %dma_wait3A_132 = tpu.memref_slice %arg6[%add3A_54, %dma_wait3A_131] : memref<10000x128xf32, #tpu.memory_space<vmem_shared>> -> memref<25x128xf32, #tpu.memory_space<vmem_shared>>
      %dma_wait3A_133 = arith.constant 0 : i32
      %dma_wait3A_134 = tpu.memref_slice %arg6[%add3A_54, %dma_wait3A_133] : memref<10000x128xf32, #tpu.memory_space<vmem_shared>> -> memref<25x128xf32, #tpu.memory_space<vmem_shared>>
      tpu.wait_dma2 semaphore(%run_scoped3A : memref<!tpu.dma_semaphore, #tpu.memory_space<semaphore_mem>>) src(%arg15 : memref<25x128xf32, #tpu.memory_space<vmem>>) dst(%dma_wait3A_134 : memref<25x128xf32, #tpu.memory_space<vmem_shared>>)
      tpu.yield
    }) : () -> ()
    %mul3A_55 = arith.constant 625 : i32
    %mul3A_56 = arith.muli %arg1, %mul3A_55 : i32
    %add3A_57 = arith.constant 300 : i32
    %add3A_58 = arith.addi %mul3A_56, %add3A_57 : i32
    "tpu.region"() ({
      %run_scoped3A = tpu.sem_alloc : memref<!tpu.dma_semaphore, #tpu.memory_space<semaphore_mem>>
      %dma_start3A_127 = arith.constant 0 : i32
      %dma_start3A_128 = tpu.memref_slice %arg6[%add3A_58, %dma_start3A_127] : memref<10000x128xf32, #tpu.memory_space<vmem_shared>> -> memref<25x128xf32, #tpu.memory_space<vmem_shared>>
      %dma_start3A_129 = arith.constant 0 : i32
      %dma_start3A_130 = tpu.memref_slice %arg6[%add3A_58, %dma_start3A_129] : memref<10000x128xf32, #tpu.memory_space<vmem_shared>> -> memref<25x128xf32, #tpu.memory_space<vmem_shared>>
      tpu.enqueue_dma source(%arg15 : memref<25x128xf32, #tpu.memory_space<vmem>>) target(%dma_start3A_130 : memref<25x128xf32, #tpu.memory_space<vmem_shared>>) target_semaphore(%run_scoped3A : memref<!tpu.dma_semaphore, #tpu.memory_space<semaphore_mem>>)
      %dma_wait3A_131 = arith.constant 0 : i32
      %dma_wait3A_132 = tpu.memref_slice %arg6[%add3A_58, %dma_wait3A_131] : memref<10000x128xf32, #tpu.memory_space<vmem_shared>> -> memref<25x128xf32, #tpu.memory_space<vmem_shared>>
      %dma_wait3A_133 = arith.constant 0 : i32
      %dma_wait3A_134 = tpu.memref_slice %arg6[%add3A_58, %dma_wait3A_133] : memref<10000x128xf32, #tpu.memory_space<vmem_shared>> -> memref<25x128xf32, #tpu.memory_space<vmem_shared>>
      tpu.wait_dma2 semaphore(%run_scoped3A : memref<!tpu.dma_semaphore, #tpu.memory_space<semaphore_mem>>) src(%arg15 : memref<25x128xf32, #tpu.memory_space<vmem>>) dst(%dma_wait3A_134 : memref<25x128xf32, #tpu.memory_space<vmem_shared>>)
      tpu.yield
    }) : () -> ()
    %mul3A_59 = arith.constant 625 : i32
    %mul3A_60 = arith.muli %arg1, %mul3A_59 : i32
    %add3A_61 = arith.constant 325 : i32
    %add3A_62 = arith.addi %mul3A_60, %add3A_61 : i32
    "tpu.region"() ({
      %run_scoped3A = tpu.sem_alloc : memref<!tpu.dma_semaphore, #tpu.memory_space<semaphore_mem>>
      %dma_start3A_127 = arith.constant 0 : i32
      %dma_start3A_128 = tpu.memref_slice %arg6[%add3A_62, %dma_start3A_127] : memref<10000x128xf32, #tpu.memory_space<vmem_shared>> -> memref<25x128xf32, #tpu.memory_space<vmem_shared>>
      %dma_start3A_129 = arith.constant 0 : i32
      %dma_start3A_130 = tpu.memref_slice %arg6[%add3A_62, %dma_start3A_129] : memref<10000x128xf32, #tpu.memory_space<vmem_shared>> -> memref<25x128xf32, #tpu.memory_space<vmem_shared>>
      tpu.enqueue_dma source(%arg15 : memref<25x128xf32, #tpu.memory_space<vmem>>) target(%dma_start3A_130 : memref<25x128xf32, #tpu.memory_space<vmem_shared>>) target_semaphore(%run_scoped3A : memref<!tpu.dma_semaphore, #tpu.memory_space<semaphore_mem>>)
      %dma_wait3A_131 = arith.constant 0 : i32
      %dma_wait3A_132 = tpu.memref_slice %arg6[%add3A_62, %dma_wait3A_131] : memref<10000x128xf32, #tpu.memory_space<vmem_shared>> -> memref<25x128xf32, #tpu.memory_space<vmem_shared>>
      %dma_wait3A_133 = arith.constant 0 : i32
      %dma_wait3A_134 = tpu.memref_slice %arg6[%add3A_62, %dma_wait3A_133] : memref<10000x128xf32, #tpu.memory_space<vmem_shared>> -> memref<25x128xf32, #tpu.memory_space<vmem_shared>>
      tpu.wait_dma2 semaphore(%run_scoped3A : memref<!tpu.dma_semaphore, #tpu.memory_space<semaphore_mem>>) src(%arg15 : memref<25x128xf32, #tpu.memory_space<vmem>>) dst(%dma_wait3A_134 : memref<25x128xf32, #tpu.memory_space<vmem_shared>>)
      tpu.yield
    }) : () -> ()
    %mul3A_63 = arith.constant 625 : i32
    %mul3A_64 = arith.muli %arg1, %mul3A_63 : i32
    %add3A_65 = arith.constant 350 : i32
    %add3A_66 = arith.addi %mul3A_64, %add3A_65 : i32
    "tpu.region"() ({
      %run_scoped3A = tpu.sem_alloc : memref<!tpu.dma_semaphore, #tpu.memory_space<semaphore_mem>>
      %dma_start3A_127 = arith.constant 0 : i32
      %dma_start3A_128 = tpu.memref_slice %arg6[%add3A_66, %dma_start3A_127] : memref<10000x128xf32, #tpu.memory_space<vmem_shared>> -> memref<25x128xf32, #tpu.memory_space<vmem_shared>>
      %dma_start3A_129 = arith.constant 0 : i32
      %dma_start3A_130 = tpu.memref_slice %arg6[%add3A_66, %dma_start3A_129] : memref<10000x128xf32, #tpu.memory_space<vmem_shared>> -> memref<25x128xf32, #tpu.memory_space<vmem_shared>>
      tpu.enqueue_dma source(%arg15 : memref<25x128xf32, #tpu.memory_space<vmem>>) target(%dma_start3A_130 : memref<25x128xf32, #tpu.memory_space<vmem_shared>>) target_semaphore(%run_scoped3A : memref<!tpu.dma_semaphore, #tpu.memory_space<semaphore_mem>>)
      %dma_wait3A_131 = arith.constant 0 : i32
      %dma_wait3A_132 = tpu.memref_slice %arg6[%add3A_66, %dma_wait3A_131] : memref<10000x128xf32, #tpu.memory_space<vmem_shared>> -> memref<25x128xf32, #tpu.memory_space<vmem_shared>>
      %dma_wait3A_133 = arith.constant 0 : i32
      %dma_wait3A_134 = tpu.memref_slice %arg6[%add3A_66, %dma_wait3A_133] : memref<10000x128xf32, #tpu.memory_space<vmem_shared>> -> memref<25x128xf32, #tpu.memory_space<vmem_shared>>
      tpu.wait_dma2 semaphore(%run_scoped3A : memref<!tpu.dma_semaphore, #tpu.memory_space<semaphore_mem>>) src(%arg15 : memref<25x128xf32, #tpu.memory_space<vmem>>) dst(%dma_wait3A_134 : memref<25x128xf32, #tpu.memory_space<vmem_shared>>)
      tpu.yield
    }) : () -> ()
    %mul3A_67 = arith.constant 625 : i32
    %mul3A_68 = arith.muli %arg1, %mul3A_67 : i32
    %add3A_69 = arith.constant 375 : i32
    %add3A_70 = arith.addi %mul3A_68, %add3A_69 : i32
    "tpu.region"() ({
      %run_scoped3A = tpu.sem_alloc : memref<!tpu.dma_semaphore, #tpu.memory_space<semaphore_mem>>
      %dma_start3A_127 = arith.constant 0 : i32
      %dma_start3A_128 = tpu.memref_slice %arg6[%add3A_70, %dma_start3A_127] : memref<10000x128xf32, #tpu.memory_space<vmem_shared>> -> memref<25x128xf32, #tpu.memory_space<vmem_shared>>
      %dma_start3A_129 = arith.constant 0 : i32
      %dma_start3A_130 = tpu.memref_slice %arg6[%add3A_70, %dma_start3A_129] : memref<10000x128xf32, #tpu.memory_space<vmem_shared>> -> memref<25x128xf32, #tpu.memory_space<vmem_shared>>
      tpu.enqueue_dma source(%arg15 : memref<25x128xf32, #tpu.memory_space<vmem>>) target(%dma_start3A_130 : memref<25x128xf32, #tpu.memory_space<vmem_shared>>) target_semaphore(%run_scoped3A : memref<!tpu.dma_semaphore, #tpu.memory_space<semaphore_mem>>)
      %dma_wait3A_131 = arith.constant 0 : i32
      %dma_wait3A_132 = tpu.memref_slice %arg6[%add3A_70, %dma_wait3A_131] : memref<10000x128xf32, #tpu.memory_space<vmem_shared>> -> memref<25x128xf32, #tpu.memory_space<vmem_shared>>
      %dma_wait3A_133 = arith.constant 0 : i32
      %dma_wait3A_134 = tpu.memref_slice %arg6[%add3A_70, %dma_wait3A_133] : memref<10000x128xf32, #tpu.memory_space<vmem_shared>> -> memref<25x128xf32, #tpu.memory_space<vmem_shared>>
      tpu.wait_dma2 semaphore(%run_scoped3A : memref<!tpu.dma_semaphore, #tpu.memory_space<semaphore_mem>>) src(%arg15 : memref<25x128xf32, #tpu.memory_space<vmem>>) dst(%dma_wait3A_134 : memref<25x128xf32, #tpu.memory_space<vmem_shared>>)
      tpu.yield
    }) : () -> ()
    %mul3A_71 = arith.constant 625 : i32
    %mul3A_72 = arith.muli %arg1, %mul3A_71 : i32
    %add3A_73 = arith.constant 400 : i32
    %add3A_74 = arith.addi %mul3A_72, %add3A_73 : i32
    "tpu.region"() ({
      %run_scoped3A = tpu.sem_alloc : memref<!tpu.dma_semaphore, #tpu.memory_space<semaphore_mem>>
      %dma_start3A_127 = arith.constant 0 : i32
      %dma_start3A_128 = tpu.memref_slice %arg6[%add3A_74, %dma_start3A_127] : memref<10000x128xf32, #tpu.memory_space<vmem_shared>> -> memref<25x128xf32, #tpu.memory_space<vmem_shared>>
      %dma_start3A_129 = arith.constant 0 : i32
      %dma_start3A_130 = tpu.memref_slice %arg6[%add3A_74, %dma_start3A_129] : memref<10000x128xf32, #tpu.memory_space<vmem_shared>> -> memref<25x128xf32, #tpu.memory_space<vmem_shared>>
      tpu.enqueue_dma source(%arg15 : memref<25x128xf32, #tpu.memory_space<vmem>>) target(%dma_start3A_130 : memref<25x128xf32, #tpu.memory_space<vmem_shared>>) target_semaphore(%run_scoped3A : memref<!tpu.dma_semaphore, #tpu.memory_space<semaphore_mem>>)
      %dma_wait3A_131 = arith.constant 0 : i32
      %dma_wait3A_132 = tpu.memref_slice %arg6[%add3A_74, %dma_wait3A_131] : memref<10000x128xf32, #tpu.memory_space<vmem_shared>> -> memref<25x128xf32, #tpu.memory_space<vmem_shared>>
      %dma_wait3A_133 = arith.constant 0 : i32
      %dma_wait3A_134 = tpu.memref_slice %arg6[%add3A_74, %dma_wait3A_133] : memref<10000x128xf32, #tpu.memory_space<vmem_shared>> -> memref<25x128xf32, #tpu.memory_space<vmem_shared>>
      tpu.wait_dma2 semaphore(%run_scoped3A : memref<!tpu.dma_semaphore, #tpu.memory_space<semaphore_mem>>) src(%arg15 : memref<25x128xf32, #tpu.memory_space<vmem>>) dst(%dma_wait3A_134 : memref<25x128xf32, #tpu.memory_space<vmem_shared>>)
      tpu.yield
    }) : () -> ()
    %mul3A_75 = arith.constant 625 : i32
    %mul3A_76 = arith.muli %arg1, %mul3A_75 : i32
    %add3A_77 = arith.constant 425 : i32
    %add3A_78 = arith.addi %mul3A_76, %add3A_77 : i32
    "tpu.region"() ({
      %run_scoped3A = tpu.sem_alloc : memref<!tpu.dma_semaphore, #tpu.memory_space<semaphore_mem>>
      %dma_start3A_127 = arith.constant 0 : i32
      %dma_start3A_128 = tpu.memref_slice %arg6[%add3A_78, %dma_start3A_127] : memref<10000x128xf32, #tpu.memory_space<vmem_shared>> -> memref<25x128xf32, #tpu.memory_space<vmem_shared>>
      %dma_start3A_129 = arith.constant 0 : i32
      %dma_start3A_130 = tpu.memref_slice %arg6[%add3A_78, %dma_start3A_129] : memref<10000x128xf32, #tpu.memory_space<vmem_shared>> -> memref<25x128xf32, #tpu.memory_space<vmem_shared>>
      tpu.enqueue_dma source(%arg15 : memref<25x128xf32, #tpu.memory_space<vmem>>) target(%dma_start3A_130 : memref<25x128xf32, #tpu.memory_space<vmem_shared>>) target_semaphore(%run_scoped3A : memref<!tpu.dma_semaphore, #tpu.memory_space<semaphore_mem>>)
      %dma_wait3A_131 = arith.constant 0 : i32
      %dma_wait3A_132 = tpu.memref_slice %arg6[%add3A_78, %dma_wait3A_131] : memref<10000x128xf32, #tpu.memory_space<vmem_shared>> -> memref<25x128xf32, #tpu.memory_space<vmem_shared>>
      %dma_wait3A_133 = arith.constant 0 : i32
      %dma_wait3A_134 = tpu.memref_slice %arg6[%add3A_78, %dma_wait3A_133] : memref<10000x128xf32, #tpu.memory_space<vmem_shared>> -> memref<25x128xf32, #tpu.memory_space<vmem_shared>>
      tpu.wait_dma2 semaphore(%run_scoped3A : memref<!tpu.dma_semaphore, #tpu.memory_space<semaphore_mem>>) src(%arg15 : memref<25x128xf32, #tpu.memory_space<vmem>>) dst(%dma_wait3A_134 : memref<25x128xf32, #tpu.memory_space<vmem_shared>>)
      tpu.yield
    }) : () -> ()
    %mul3A_79 = arith.constant 625 : i32
    %mul3A_80 = arith.muli %arg1, %mul3A_79 : i32
    %add3A_81 = arith.constant 450 : i32
    %add3A_82 = arith.addi %mul3A_80, %add3A_81 : i32
    "tpu.region"() ({
      %run_scoped3A = tpu.sem_alloc : memref<!tpu.dma_semaphore, #tpu.memory_space<semaphore_mem>>
      %dma_start3A_127 = arith.constant 0 : i32
      %dma_start3A_128 = tpu.memref_slice %arg6[%add3A_82, %dma_start3A_127] : memref<10000x128xf32, #tpu.memory_space<vmem_shared>> -> memref<25x128xf32, #tpu.memory_space<vmem_shared>>
      %dma_start3A_129 = arith.constant 0 : i32
      %dma_start3A_130 = tpu.memref_slice %arg6[%add3A_82, %dma_start3A_129] : memref<10000x128xf32, #tpu.memory_space<vmem_shared>> -> memref<25x128xf32, #tpu.memory_space<vmem_shared>>
      tpu.enqueue_dma source(%arg15 : memref<25x128xf32, #tpu.memory_space<vmem>>) target(%dma_start3A_130 : memref<25x128xf32, #tpu.memory_space<vmem_shared>>) target_semaphore(%run_scoped3A : memref<!tpu.dma_semaphore, #tpu.memory_space<semaphore_mem>>)
      %dma_wait3A_131 = arith.constant 0 : i32
      %dma_wait3A_132 = tpu.memref_slice %arg6[%add3A_82, %dma_wait3A_131] : memref<10000x128xf32, #tpu.memory_space<vmem_shared>> -> memref<25x128xf32, #tpu.memory_space<vmem_shared>>
      %dma_wait3A_133 = arith.constant 0 : i32
      %dma_wait3A_134 = tpu.memref_slice %arg6[%add3A_82, %dma_wait3A_133] : memref<10000x128xf32, #tpu.memory_space<vmem_shared>> -> memref<25x128xf32, #tpu.memory_space<vmem_shared>>
      tpu.wait_dma2 semaphore(%run_scoped3A : memref<!tpu.dma_semaphore, #tpu.memory_space<semaphore_mem>>) src(%arg15 : memref<25x128xf32, #tpu.memory_space<vmem>>) dst(%dma_wait3A_134 : memref<25x128xf32, #tpu.memory_space<vmem_shared>>)
      tpu.yield
    }) : () -> ()
    %mul3A_83 = arith.constant 625 : i32
    %mul3A_84 = arith.muli %arg1, %mul3A_83 : i32
    %add3A_85 = arith.constant 475 : i32
    %add3A_86 = arith.addi %mul3A_84, %add3A_85 : i32
    "tpu.region"() ({
      %run_scoped3A = tpu.sem_alloc : memref<!tpu.dma_semaphore, #tpu.memory_space<semaphore_mem>>
      %dma_start3A_127 = arith.constant 0 : i32
      %dma_start3A_128 = tpu.memref_slice %arg6[%add3A_86, %dma_start3A_127] : memref<10000x128xf32, #tpu.memory_space<vmem_shared>> -> memref<25x128xf32, #tpu.memory_space<vmem_shared>>
      %dma_start3A_129 = arith.constant 0 : i32
      %dma_start3A_130 = tpu.memref_slice %arg6[%add3A_86, %dma_start3A_129] : memref<10000x128xf32, #tpu.memory_space<vmem_shared>> -> memref<25x128xf32, #tpu.memory_space<vmem_shared>>
      tpu.enqueue_dma source(%arg15 : memref<25x128xf32, #tpu.memory_space<vmem>>) target(%dma_start3A_130 : memref<25x128xf32, #tpu.memory_space<vmem_shared>>) target_semaphore(%run_scoped3A : memref<!tpu.dma_semaphore, #tpu.memory_space<semaphore_mem>>)
      %dma_wait3A_131 = arith.constant 0 : i32
      %dma_wait3A_132 = tpu.memref_slice %arg6[%add3A_86, %dma_wait3A_131] : memref<10000x128xf32, #tpu.memory_space<vmem_shared>> -> memref<25x128xf32, #tpu.memory_space<vmem_shared>>
      %dma_wait3A_133 = arith.constant 0 : i32
      %dma_wait3A_134 = tpu.memref_slice %arg6[%add3A_86, %dma_wait3A_133] : memref<10000x128xf32, #tpu.memory_space<vmem_shared>> -> memref<25x128xf32, #tpu.memory_space<vmem_shared>>
      tpu.wait_dma2 semaphore(%run_scoped3A : memref<!tpu.dma_semaphore, #tpu.memory_space<semaphore_mem>>) src(%arg15 : memref<25x128xf32, #tpu.memory_space<vmem>>) dst(%dma_wait3A_134 : memref<25x128xf32, #tpu.memory_space<vmem_shared>>)
      tpu.yield
    }) : () -> ()
    %mul3A_87 = arith.constant 625 : i32
    %mul3A_88 = arith.muli %arg1, %mul3A_87 : i32
    %add3A_89 = arith.constant 500 : i32
    %add3A_90 = arith.addi %mul3A_88, %add3A_89 : i32
    "tpu.region"() ({
      %run_scoped3A = tpu.sem_alloc : memref<!tpu.dma_semaphore, #tpu.memory_space<semaphore_mem>>
      %dma_start3A_127 = arith.constant 0 : i32
      %dma_start3A_128 = tpu.memref_slice %arg6[%add3A_90, %dma_start3A_127] : memref<10000x128xf32, #tpu.memory_space<vmem_shared>> -> memref<25x128xf32, #tpu.memory_space<vmem_shared>>
      %dma_start3A_129 = arith.constant 0 : i32
      %dma_start3A_130 = tpu.memref_slice %arg6[%add3A_90, %dma_start3A_129] : memref<10000x128xf32, #tpu.memory_space<vmem_shared>> -> memref<25x128xf32, #tpu.memory_space<vmem_shared>>
      tpu.enqueue_dma source(%arg15 : memref<25x128xf32, #tpu.memory_space<vmem>>) target(%dma_start3A_130 : memref<25x128xf32, #tpu.memory_space<vmem_shared>>) target_semaphore(%run_scoped3A : memref<!tpu.dma_semaphore, #tpu.memory_space<semaphore_mem>>)
      %dma_wait3A_131 = arith.constant 0 : i32
      %dma_wait3A_132 = tpu.memref_slice %arg6[%add3A_90, %dma_wait3A_131] : memref<10000x128xf32, #tpu.memory_space<vmem_shared>> -> memref<25x128xf32, #tpu.memory_space<vmem_shared>>
      %dma_wait3A_133 = arith.constant 0 : i32
      %dma_wait3A_134 = tpu.memref_slice %arg6[%add3A_90, %dma_wait3A_133] : memref<10000x128xf32, #tpu.memory_space<vmem_shared>> -> memref<25x128xf32, #tpu.memory_space<vmem_shared>>
      tpu.wait_dma2 semaphore(%run_scoped3A : memref<!tpu.dma_semaphore, #tpu.memory_space<semaphore_mem>>) src(%arg15 : memref<25x128xf32, #tpu.memory_space<vmem>>) dst(%dma_wait3A_134 : memref<25x128xf32, #tpu.memory_space<vmem_shared>>)
      tpu.yield
    }) : () -> ()
    %mul3A_91 = arith.constant 625 : i32
    %mul3A_92 = arith.muli %arg1, %mul3A_91 : i32
    %add3A_93 = arith.constant 525 : i32
    %add3A_94 = arith.addi %mul3A_92, %add3A_93 : i32
    "tpu.region"() ({
      %run_scoped3A = tpu.sem_alloc : memref<!tpu.dma_semaphore, #tpu.memory_space<semaphore_mem>>
      %dma_start3A_127 = arith.constant 0 : i32
      %dma_start3A_128 = tpu.memref_slice %arg6[%add3A_94, %dma_start3A_127] : memref<10000x128xf32, #tpu.memory_space<vmem_shared>> -> memref<25x128xf32, #tpu.memory_space<vmem_shared>>
      %dma_start3A_129 = arith.constant 0 : i32
      %dma_start3A_130 = tpu.memref_slice %arg6[%add3A_94, %dma_start3A_129] : memref<10000x128xf32, #tpu.memory_space<vmem_shared>> -> memref<25x128xf32, #tpu.memory_space<vmem_shared>>
      tpu.enqueue_dma source(%arg15 : memref<25x128xf32, #tpu.memory_space<vmem>>) target(%dma_start3A_130 : memref<25x128xf32, #tpu.memory_space<vmem_shared>>) target_semaphore(%run_scoped3A : memref<!tpu.dma_semaphore, #tpu.memory_space<semaphore_mem>>)
      %dma_wait3A_131 = arith.constant 0 : i32
      %dma_wait3A_132 = tpu.memref_slice %arg6[%add3A_94, %dma_wait3A_131] : memref<10000x128xf32, #tpu.memory_space<vmem_shared>> -> memref<25x128xf32, #tpu.memory_space<vmem_shared>>
      %dma_wait3A_133 = arith.constant 0 : i32
      %dma_wait3A_134 = tpu.memref_slice %arg6[%add3A_94, %dma_wait3A_133] : memref<10000x128xf32, #tpu.memory_space<vmem_shared>> -> memref<25x128xf32, #tpu.memory_space<vmem_shared>>
      tpu.wait_dma2 semaphore(%run_scoped3A : memref<!tpu.dma_semaphore, #tpu.memory_space<semaphore_mem>>) src(%arg15 : memref<25x128xf32, #tpu.memory_space<vmem>>) dst(%dma_wait3A_134 : memref<25x128xf32, #tpu.memory_space<vmem_shared>>)
      tpu.yield
    }) : () -> ()
    %mul3A_95 = arith.constant 625 : i32
    %mul3A_96 = arith.muli %arg1, %mul3A_95 : i32
    %add3A_97 = arith.constant 550 : i32
    %add3A_98 = arith.addi %mul3A_96, %add3A_97 : i32
    "tpu.region"() ({
      %run_scoped3A = tpu.sem_alloc : memref<!tpu.dma_semaphore, #tpu.memory_space<semaphore_mem>>
      %dma_start3A_127 = arith.constant 0 : i32
      %dma_start3A_128 = tpu.memref_slice %arg6[%add3A_98, %dma_start3A_127] : memref<10000x128xf32, #tpu.memory_space<vmem_shared>> -> memref<25x128xf32, #tpu.memory_space<vmem_shared>>
      %dma_start3A_129 = arith.constant 0 : i32
      %dma_start3A_130 = tpu.memref_slice %arg6[%add3A_98, %dma_start3A_129] : memref<10000x128xf32, #tpu.memory_space<vmem_shared>> -> memref<25x128xf32, #tpu.memory_space<vmem_shared>>
      tpu.enqueue_dma source(%arg15 : memref<25x128xf32, #tpu.memory_space<vmem>>) target(%dma_start3A_130 : memref<25x128xf32, #tpu.memory_space<vmem_shared>>) target_semaphore(%run_scoped3A : memref<!tpu.dma_semaphore, #tpu.memory_space<semaphore_mem>>)
      %dma_wait3A_131 = arith.constant 0 : i32
      %dma_wait3A_132 = tpu.memref_slice %arg6[%add3A_98, %dma_wait3A_131] : memref<10000x128xf32, #tpu.memory_space<vmem_shared>> -> memref<25x128xf32, #tpu.memory_space<vmem_shared>>
      %dma_wait3A_133 = arith.constant 0 : i32
      %dma_wait3A_134 = tpu.memref_slice %arg6[%add3A_98, %dma_wait3A_133] : memref<10000x128xf32, #tpu.memory_space<vmem_shared>> -> memref<25x128xf32, #tpu.memory_space<vmem_shared>>
      tpu.wait_dma2 semaphore(%run_scoped3A : memref<!tpu.dma_semaphore, #tpu.memory_space<semaphore_mem>>) src(%arg15 : memref<25x128xf32, #tpu.memory_space<vmem>>) dst(%dma_wait3A_134 : memref<25x128xf32, #tpu.memory_space<vmem_shared>>)
      tpu.yield
    }) : () -> ()
    %mul3A_99 = arith.constant 625 : i32
    %mul3A_100 = arith.muli %arg1, %mul3A_99 : i32
    %add3A_101 = arith.constant 575 : i32
    %add3A_102 = arith.addi %mul3A_100, %add3A_101 : i32
    "tpu.region"() ({
      %run_scoped3A = tpu.sem_alloc : memref<!tpu.dma_semaphore, #tpu.memory_space<semaphore_mem>>
      %dma_start3A_127 = arith.constant 0 : i32
      %dma_start3A_128 = tpu.memref_slice %arg6[%add3A_102, %dma_start3A_127] : memref<10000x128xf32, #tpu.memory_space<vmem_shared>> -> memref<25x128xf32, #tpu.memory_space<vmem_shared>>
      %dma_start3A_129 = arith.constant 0 : i32
      %dma_start3A_130 = tpu.memref_slice %arg6[%add3A_102, %dma_start3A_129] : memref<10000x128xf32, #tpu.memory_space<vmem_shared>> -> memref<25x128xf32, #tpu.memory_space<vmem_shared>>
      tpu.enqueue_dma source(%arg15 : memref<25x128xf32, #tpu.memory_space<vmem>>) target(%dma_start3A_130 : memref<25x128xf32, #tpu.memory_space<vmem_shared>>) target_semaphore(%run_scoped3A : memref<!tpu.dma_semaphore, #tpu.memory_space<semaphore_mem>>)
      %dma_wait3A_131 = arith.constant 0 : i32
      %dma_wait3A_132 = tpu.memref_slice %arg6[%add3A_102, %dma_wait3A_131] : memref<10000x128xf32, #tpu.memory_space<vmem_shared>> -> memref<25x128xf32, #tpu.memory_space<vmem_shared>>
      %dma_wait3A_133 = arith.constant 0 : i32
      %dma_wait3A_134 = tpu.memref_slice %arg6[%add3A_102, %dma_wait3A_133] : memref<10000x128xf32, #tpu.memory_space<vmem_shared>> -> memref<25x128xf32, #tpu.memory_space<vmem_shared>>
      tpu.wait_dma2 semaphore(%run_scoped3A : memref<!tpu.dma_semaphore, #tpu.memory_space<semaphore_mem>>) src(%arg15 : memref<25x128xf32, #tpu.memory_space<vmem>>) dst(%dma_wait3A_134 : memref<25x128xf32, #tpu.memory_space<vmem_shared>>)
      tpu.yield
    }) : () -> ()
    %mul3A_103 = arith.constant 625 : i32
    %mul3A_104 = arith.muli %arg1, %mul3A_103 : i32
    %add3A_105 = arith.constant 600 : i32
    %add3A_106 = arith.addi %mul3A_104, %add3A_105 : i32
    "tpu.region"() ({
      %run_scoped3A = tpu.sem_alloc : memref<!tpu.dma_semaphore, #tpu.memory_space<semaphore_mem>>
      %dma_start3A_127 = arith.constant 0 : i32
      %dma_start3A_128 = tpu.memref_slice %arg6[%add3A_106, %dma_start3A_127] : memref<10000x128xf32, #tpu.memory_space<vmem_shared>> -> memref<25x128xf32, #tpu.memory_space<vmem_shared>>
      %dma_start3A_129 = arith.constant 0 : i32
      %dma_start3A_130 = tpu.memref_slice %arg6[%add3A_106, %dma_start3A_129] : memref<10000x128xf32, #tpu.memory_space<vmem_shared>> -> memref<25x128xf32, #tpu.memory_space<vmem_shared>>
      tpu.enqueue_dma source(%arg15 : memref<25x128xf32, #tpu.memory_space<vmem>>) target(%dma_start3A_130 : memref<25x128xf32, #tpu.memory_space<vmem_shared>>) target_semaphore(%run_scoped3A : memref<!tpu.dma_semaphore, #tpu.memory_space<semaphore_mem>>)
      %dma_wait3A_131 = arith.constant 0 : i32
      %dma_wait3A_132 = tpu.memref_slice %arg6[%add3A_106, %dma_wait3A_131] : memref<10000x128xf32, #tpu.memory_space<vmem_shared>> -> memref<25x128xf32, #tpu.memory_space<vmem_shared>>
      %dma_wait3A_133 = arith.constant 0 : i32
      %dma_wait3A_134 = tpu.memref_slice %arg6[%add3A_106, %dma_wait3A_133] : memref<10000x128xf32, #tpu.memory_space<vmem_shared>> -> memref<25x128xf32, #tpu.memory_space<vmem_shared>>
      tpu.wait_dma2 semaphore(%run_scoped3A : memref<!tpu.dma_semaphore, #tpu.memory_space<semaphore_mem>>) src(%arg15 : memref<25x128xf32, #tpu.memory_space<vmem>>) dst(%dma_wait3A_134 : memref<25x128xf32, #tpu.memory_space<vmem_shared>>)
      tpu.yield
    }) : () -> ()
    %barrier3A = arith.constant 0 : index
    tpu.barrier barrier_id(%barrier3A)
    %mul3A_107 = arith.constant 10000 : i32
    %mul3A_108 = arith.muli %add3A, %mul3A_107 : i32
    %add3A_109 = arith.constant 0 : i32
    %add3A_110 = arith.addi %mul3A_108, %add3A_109 : i32
    "tpu.region"() ({
      %run_scoped3A = tpu.sem_alloc : memref<!tpu.dma_semaphore, #tpu.memory_space<semaphore_mem>>
      %dma_start3A_127 = tpu.memref_slice %arg3[%add3A_110] : memref<320000xi32, #tpu.memory_space<hbm>> -> memref<80xi32, #tpu.memory_space<hbm>>
      %dma_start3A_128 = tpu.memref_slice %arg3[%add3A_110] : memref<320000xi32, #tpu.memory_space<hbm>> -> memref<80xi32, #tpu.memory_space<hbm>>
      tpu.enqueue_dma source(%dma_start3A_128 : memref<80xi32, #tpu.memory_space<hbm>>) target(%arg7 : memref<80xi32, #tpu.memory_space<vmem>>) target_semaphore(%run_scoped3A : memref<!tpu.dma_semaphore, #tpu.memory_space<semaphore_mem>>)
      %dma_wait3A_129 = tpu.memref_slice %arg3[%add3A_110] : memref<320000xi32, #tpu.memory_space<hbm>> -> memref<80xi32, #tpu.memory_space<hbm>>
      %dma_wait3A_130 = tpu.memref_slice %arg3[%add3A_110] : memref<320000xi32, #tpu.memory_space<hbm>> -> memref<80xi32, #tpu.memory_space<hbm>>
      tpu.wait_dma2 semaphore(%run_scoped3A : memref<!tpu.dma_semaphore, #tpu.memory_space<semaphore_mem>>) src(%dma_wait3A_130 : memref<80xi32, #tpu.memory_space<hbm>>) dst(%arg7 : memref<80xi32, #tpu.memory_space<vmem>>)
      tpu.yield
    }) : () -> ()
    %add3A_111 = arith.constant 0 : i32
    %add3A_112 = arith.addi %mul3A_108, %add3A_111 : i32
    "tpu.region"() ({
      %run_scoped3A = tpu.sem_alloc : memref<!tpu.dma_semaphore, #tpu.memory_space<semaphore_mem>>
      %dma_start3A_127 = tpu.memref_slice %arg4[%add3A_112] : memref<320000xi32, #tpu.memory_space<hbm>> -> memref<80xi32, #tpu.memory_space<hbm>>
      %dma_start3A_128 = tpu.memref_slice %arg4[%add3A_112] : memref<320000xi32, #tpu.memory_space<hbm>> -> memref<80xi32, #tpu.memory_space<hbm>>
      tpu.enqueue_dma source(%dma_start3A_128 : memref<80xi32, #tpu.memory_space<hbm>>) target(%arg8 : memref<80xi32, #tpu.memory_space<vmem>>) target_semaphore(%run_scoped3A : memref<!tpu.dma_semaphore, #tpu.memory_space<semaphore_mem>>)
      %dma_wait3A_129 = tpu.memref_slice %arg4[%add3A_112] : memref<320000xi32, #tpu.memory_space<hbm>> -> memref<80xi32, #tpu.memory_space<hbm>>
      %dma_wait3A_130 = tpu.memref_slice %arg4[%add3A_112] : memref<320000xi32, #tpu.memory_space<hbm>> -> memref<80xi32, #tpu.memory_space<hbm>>
      tpu.wait_dma2 semaphore(%run_scoped3A : memref<!tpu.dma_semaphore, #tpu.memory_space<semaphore_mem>>) src(%dma_wait3A_130 : memref<80xi32, #tpu.memory_space<hbm>>) dst(%arg8 : memref<80xi32, #tpu.memory_space<vmem>>)
      tpu.yield
    }) : () -> ()
    %dma_start3A = arith.constant 0 : i32
    %dma_start3A_113 = arith.constant 0 : i32
    %dma_start3A_114 = tpu.memref_slice %arg2[%dma_start3A, %dma_start3A_113] : memref<10000x128xf32, #tpu.memory_space<hbm>> -> memref<10000x128xf32, #tpu.memory_space<hbm>>
    tpu.enqueue_indirect_dma source(%dma_start3A_114 : memref<10000x128xf32, #tpu.memory_space<hbm>>) target(%arg9 : memref<80x128xf32, #tpu.memory_space<vmem>>) offsets(%arg7 : memref<80xi32, #tpu.memory_space<vmem>>) semaphore(%arg10 : memref<!tpu.dma_semaphore, #tpu.memory_space<semaphore_mem>>)
    %scan3A_115 = arith.constant 0 : i32
    %scan3A_116 = arith.constant 0 : i32
    %scan3A_117 = arith.constant 62 : i32
    %scan3A_118 = arith.addi %scan3A_116, %scan3A_117 : i32
    %scan3A_119 = arith.constant 1 : i32
    %scan3A_120 = scf.for %scan3A_127 = %scan3A_116 to %scan3A_118 step %scan3A_119 iter_args(%scan3A_128 = %scan3A_115) -> (i32)  : i32 {
      %mul3A_129 = arith.constant 2 : i32
      %mul3A_130 = arith.muli %mul3A_129, %scan3A_127 : i32
      %add3A_131 = arith.constant 1 : i32
      %add3A_132 = arith.addi %mul3A_130, %add3A_131 : i32
      %mul3A_133 = arith.constant 80 : i32
      %mul3A_134 = arith.muli %add3A_132, %mul3A_133 : i32
      %add3A_135 = arith.addi %mul3A_108, %mul3A_134 : i32
      "tpu.region"() ({
        %run_scoped3A = tpu.sem_alloc : memref<!tpu.dma_semaphore, #tpu.memory_space<semaphore_mem>>
        %dma_start3A_162 = tpu.memref_slice %arg3[%add3A_135] : memref<320000xi32, #tpu.memory_space<hbm>> -> memref<80xi32, #tpu.memory_space<hbm>>
        %dma_start3A_163 = tpu.memref_slice %arg3[%add3A_135] : memref<320000xi32, #tpu.memory_space<hbm>> -> memref<80xi32, #tpu.memory_space<hbm>>
        tpu.enqueue_dma source(%dma_start3A_163 : memref<80xi32, #tpu.memory_space<hbm>>) target(%arg11 : memref<80xi32, #tpu.memory_space<vmem>>) target_semaphore(%run_scoped3A : memref<!tpu.dma_semaphore, #tpu.memory_space<semaphore_mem>>)
        %dma_wait3A_164 = tpu.memref_slice %arg3[%add3A_135] : memref<320000xi32, #tpu.memory_space<hbm>> -> memref<80xi32, #tpu.memory_space<hbm>>
        %dma_wait3A_165 = tpu.memref_slice %arg3[%add3A_135] : memref<320000xi32, #tpu.memory_space<hbm>> -> memref<80xi32, #tpu.memory_space<hbm>>
        tpu.wait_dma2 semaphore(%run_scoped3A : memref<!tpu.dma_semaphore, #tpu.memory_space<semaphore_mem>>) src(%dma_wait3A_165 : memref<80xi32, #tpu.memory_space<hbm>>) dst(%arg11 : memref<80xi32, #tpu.memory_space<vmem>>)
        tpu.yield
      }) : () -> ()
      %mul3A_136 = arith.constant 80 : i32
      %mul3A_137 = arith.muli %add3A_132, %mul3A_136 : i32
      %add3A_138 = arith.addi %mul3A_108, %mul3A_137 : i32
      "tpu.region"() ({
        %run_scoped3A = tpu.sem_alloc : memref<!tpu.dma_semaphore, #tpu.memory_space<semaphore_mem>>
        %dma_start3A_162 = tpu.memref_slice %arg4[%add3A_138] : memref<320000xi32, #tpu.memory_space<hbm>> -> memref<80xi32, #tpu.memory_space<hbm>>
        %dma_start3A_163 = tpu.memref_slice %arg4[%add3A_138] : memref<320000xi32, #tpu.memory_space<hbm>> -> memref<80xi32, #tpu.memory_space<hbm>>
        tpu.enqueue_dma source(%dma_start3A_163 : memref<80xi32, #tpu.memory_space<hbm>>) target(%arg12 : memref<80xi32, #tpu.memory_space<vmem>>) target_semaphore(%run_scoped3A : memref<!tpu.dma_semaphore, #tpu.memory_space<semaphore_mem>>)
        %dma_wait3A_164 = tpu.memref_slice %arg4[%add3A_138] : memref<320000xi32, #tpu.memory_space<hbm>> -> memref<80xi32, #tpu.memory_space<hbm>>
        %dma_wait3A_165 = tpu.memref_slice %arg4[%add3A_138] : memref<320000xi32, #tpu.memory_space<hbm>> -> memref<80xi32, #tpu.memory_space<hbm>>
        tpu.wait_dma2 semaphore(%run_scoped3A : memref<!tpu.dma_semaphore, #tpu.memory_space<semaphore_mem>>) src(%dma_wait3A_165 : memref<80xi32, #tpu.memory_space<hbm>>) dst(%arg12 : memref<80xi32, #tpu.memory_space<vmem>>)
        tpu.yield
      }) : () -> ()
      %dma_start3A_139 = arith.constant 0 : i32
      %dma_start3A_140 = arith.constant 0 : i32
      %dma_start3A_141 = tpu.memref_slice %arg2[%dma_start3A_139, %dma_start3A_140] : memref<10000x128xf32, #tpu.memory_space<hbm>> -> memref<10000x128xf32, #tpu.memory_space<hbm>>
      tpu.enqueue_indirect_dma source(%dma_start3A_141 : memref<10000x128xf32, #tpu.memory_space<hbm>>) target(%arg13 : memref<80x128xf32, #tpu.memory_space<vmem>>) offsets(%arg11 : memref<80xi32, #tpu.memory_space<vmem>>) semaphore(%arg14 : memref<!tpu.dma_semaphore, #tpu.memory_space<semaphore_mem>>)
      %dma_wait3A_142 = arith.constant 0 : i32
      %dma_wait3A_143 = arith.constant 0 : i32
      %dma_wait3A_144 = tpu.memref_slice %arg2[%dma_wait3A_142, %dma_wait3A_143] : memref<10000x128xf32, #tpu.memory_space<hbm>> -> memref<10000x128xf32, #tpu.memory_space<hbm>>
      tpu.wait_indirect_dma semaphore(%arg10 : memref<!tpu.dma_semaphore, #tpu.memory_space<semaphore_mem>>) src(%dma_wait3A_144 : memref<10000x128xf32, #tpu.memory_space<hbm>>) dst(%arg9 : memref<80x128xf32, #tpu.memory_space<vmem>>)
      "tpu.region"() ({
        %run_scoped3A = tpu.sem_alloc : memref<!tpu.dma_semaphore, #tpu.memory_space<semaphore_mem>>
        %dma_start3A_162 = arith.constant 0 : i32
        %dma_start3A_163 = arith.constant 0 : i32
        %dma_start3A_164 = tpu.memref_slice %arg6[%dma_start3A_162, %dma_start3A_163] : memref<10000x128xf32, #tpu.memory_space<vmem_shared>> -> memref<10000x128xf32, #tpu.memory_space<vmem_shared>>
        tpu.enqueue_indirect_dma source(%arg9 : memref<80x128xf32, #tpu.memory_space<vmem>>) target(%dma_start3A_164 : memref<10000x128xf32, #tpu.memory_space<vmem_shared>>) offsets(%arg8 : memref<80xi32, #tpu.memory_space<vmem>>) semaphore(%run_scoped3A : memref<!tpu.dma_semaphore, #tpu.memory_space<semaphore_mem>>) {add = true}
        %dma_wait3A_165 = arith.constant 0 : i32
        %dma_wait3A_166 = arith.constant 0 : i32
        %dma_wait3A_167 = tpu.memref_slice %arg6[%dma_wait3A_165, %dma_wait3A_166] : memref<10000x128xf32, #tpu.memory_space<vmem_shared>> -> memref<10000x128xf32, #tpu.memory_space<vmem_shared>>
        tpu.wait_indirect_dma semaphore(%run_scoped3A : memref<!tpu.dma_semaphore, #tpu.memory_space<semaphore_mem>>) src(%arg9 : memref<80x128xf32, #tpu.memory_space<vmem>>) dst(%dma_wait3A_167 : memref<10000x128xf32, #tpu.memory_space<vmem_shared>>)
        tpu.yield
      }) : () -> ()
      %mul3A_145 = arith.constant 2 : i32
      %mul3A_146 = arith.muli %mul3A_145, %scan3A_127 : i32
      %add3A_147 = arith.constant 2 : i32
      %add3A_148 = arith.addi %mul3A_146, %add3A_147 : i32
      %mul3A_149 = arith.constant 80 : i32
      %mul3A_150 = arith.muli %add3A_148, %mul3A_149 : i32
      %add3A_151 = arith.addi %mul3A_108, %mul3A_150 : i32
      "tpu.region"() ({
        %run_scoped3A = tpu.sem_alloc : memref<!tpu.dma_semaphore, #tpu.memory_space<semaphore_mem>>
        %dma_start3A_162 = tpu.memref_slice %arg3[%add3A_151] : memref<320000xi32, #tpu.memory_space<hbm>> -> memref<80xi32, #tpu.memory_space<hbm>>
        %dma_start3A_163 = tpu.memref_slice %arg3[%add3A_151] : memref<320000xi32, #tpu.memory_space<hbm>> -> memref<80xi32, #tpu.memory_space<hbm>>
        tpu.enqueue_dma source(%dma_start3A_163 : memref<80xi32, #tpu.memory_space<hbm>>) target(%arg7 : memref<80xi32, #tpu.memory_space<vmem>>) target_semaphore(%run_scoped3A : memref<!tpu.dma_semaphore, #tpu.memory_space<semaphore_mem>>)
        %dma_wait3A_164 = tpu.memref_slice %arg3[%add3A_151] : memref<320000xi32, #tpu.memory_space<hbm>> -> memref<80xi32, #tpu.memory_space<hbm>>
        %dma_wait3A_165 = tpu.memref_slice %arg3[%add3A_151] : memref<320000xi32, #tpu.memory_space<hbm>> -> memref<80xi32, #tpu.memory_space<hbm>>
        tpu.wait_dma2 semaphore(%run_scoped3A : memref<!tpu.dma_semaphore, #tpu.memory_space<semaphore_mem>>) src(%dma_wait3A_165 : memref<80xi32, #tpu.memory_space<hbm>>) dst(%arg7 : memref<80xi32, #tpu.memory_space<vmem>>)
        tpu.yield
      }) : () -> ()
      %mul3A_152 = arith.constant 80 : i32
      %mul3A_153 = arith.muli %add3A_148, %mul3A_152 : i32
      %add3A_154 = arith.addi %mul3A_108, %mul3A_153 : i32
      "tpu.region"() ({
        %run_scoped3A = tpu.sem_alloc : memref<!tpu.dma_semaphore, #tpu.memory_space<semaphore_mem>>
        %dma_start3A_162 = tpu.memref_slice %arg4[%add3A_154] : memref<320000xi32, #tpu.memory_space<hbm>> -> memref<80xi32, #tpu.memory_space<hbm>>
        %dma_start3A_163 = tpu.memref_slice %arg4[%add3A_154] : memref<320000xi32, #tpu.memory_space<hbm>> -> memref<80xi32, #tpu.memory_space<hbm>>
        tpu.enqueue_dma source(%dma_start3A_163 : memref<80xi32, #tpu.memory_space<hbm>>) target(%arg8 : memref<80xi32, #tpu.memory_space<vmem>>) target_semaphore(%run_scoped3A : memref<!tpu.dma_semaphore, #tpu.memory_space<semaphore_mem>>)
        %dma_wait3A_164 = tpu.memref_slice %arg4[%add3A_154] : memref<320000xi32, #tpu.memory_space<hbm>> -> memref<80xi32, #tpu.memory_space<hbm>>
        %dma_wait3A_165 = tpu.memref_slice %arg4[%add3A_154] : memref<320000xi32, #tpu.memory_space<hbm>> -> memref<80xi32, #tpu.memory_space<hbm>>
        tpu.wait_dma2 semaphore(%run_scoped3A : memref<!tpu.dma_semaphore, #tpu.memory_space<semaphore_mem>>) src(%dma_wait3A_165 : memref<80xi32, #tpu.memory_space<hbm>>) dst(%arg8 : memref<80xi32, #tpu.memory_space<vmem>>)
        tpu.yield
      }) : () -> ()
      %dma_start3A_155 = arith.constant 0 : i32
      %dma_start3A_156 = arith.constant 0 : i32
      %dma_start3A_157 = tpu.memref_slice %arg2[%dma_start3A_155, %dma_start3A_156] : memref<10000x128xf32, #tpu.memory_space<hbm>> -> memref<10000x128xf32, #tpu.memory_space<hbm>>
      tpu.enqueue_indirect_dma source(%dma_start3A_157 : memref<10000x128xf32, #tpu.memory_space<hbm>>) target(%arg9 : memref<80x128xf32, #tpu.memory_space<vmem>>) offsets(%arg7 : memref<80xi32, #tpu.memory_space<vmem>>) semaphore(%arg10 : memref<!tpu.dma_semaphore, #tpu.memory_space<semaphore_mem>>)
      %dma_wait3A_158 = arith.constant 0 : i32
      %dma_wait3A_159 = arith.constant 0 : i32
      %dma_wait3A_160 = tpu.memref_slice %arg2[%dma_wait3A_158, %dma_wait3A_159] : memref<10000x128xf32, #tpu.memory_space<hbm>> -> memref<10000x128xf32, #tpu.memory_space<hbm>>
      tpu.wait_indirect_dma semaphore(%arg14 : memref<!tpu.dma_semaphore, #tpu.memory_space<semaphore_mem>>) src(%dma_wait3A_160 : memref<10000x128xf32, #tpu.memory_space<hbm>>) dst(%arg13 : memref<80x128xf32, #tpu.memory_space<vmem>>)
      "tpu.region"() ({
        %run_scoped3A = tpu.sem_alloc : memref<!tpu.dma_semaphore, #tpu.memory_space<semaphore_mem>>
        %dma_start3A_162 = arith.constant 0 : i32
        %dma_start3A_163 = arith.constant 0 : i32
        %dma_start3A_164 = tpu.memref_slice %arg6[%dma_start3A_162, %dma_start3A_163] : memref<10000x128xf32, #tpu.memory_space<vmem_shared>> -> memref<10000x128xf32, #tpu.memory_space<vmem_shared>>
        tpu.enqueue_indirect_dma source(%arg13 : memref<80x128xf32, #tpu.memory_space<vmem>>) target(%dma_start3A_164 : memref<10000x128xf32, #tpu.memory_space<vmem_shared>>) offsets(%arg12 : memref<80xi32, #tpu.memory_space<vmem>>) semaphore(%run_scoped3A : memref<!tpu.dma_semaphore, #tpu.memory_space<semaphore_mem>>) {add = true}
        %dma_wait3A_165 = arith.constant 0 : i32
        %dma_wait3A_166 = arith.constant 0 : i32
        %dma_wait3A_167 = tpu.memref_slice %arg6[%dma_wait3A_165, %dma_wait3A_166] : memref<10000x128xf32, #tpu.memory_space<vmem_shared>> -> memref<10000x128xf32, #tpu.memory_space<vmem_shared>>
        tpu.wait_indirect_dma semaphore(%run_scoped3A : memref<!tpu.dma_semaphore, #tpu.memory_space<semaphore_mem>>) src(%arg13 : memref<80x128xf32, #tpu.memory_space<vmem>>) dst(%dma_wait3A_167 : memref<10000x128xf32, #tpu.memory_space<vmem_shared>>)
        tpu.yield
      }) : () -> ()
      %scan3A_161 = arith.constant 0 : i32
      scf.yield %scan3A_161 : i32
    }
    %scan3A_121 = arith.constant 62 : i32
    %dma_wait3A = arith.constant 0 : i32
    %dma_wait3A_122 = arith.constant 0 : i32
    %dma_wait3A_123 = tpu.memref_slice %arg2[%dma_wait3A, %dma_wait3A_122] : memref<10000x128xf32, #tpu.memory_space<hbm>> -> memref<10000x128xf32, #tpu.memory_space<hbm>>
    tpu.wait_indirect_dma semaphore(%arg10 : memref<!tpu.dma_semaphore, #tpu.memory_space<semaphore_mem>>) src(%dma_wait3A_123 : memref<10000x128xf32, #tpu.memory_space<hbm>>) dst(%arg9 : memref<80x128xf32, #tpu.memory_space<vmem>>)
    "tpu.region"() ({
      %run_scoped3A = tpu.sem_alloc : memref<!tpu.dma_semaphore, #tpu.memory_space<semaphore_mem>>
      %dma_start3A_127 = arith.constant 0 : i32
      %dma_start3A_128 = arith.constant 0 : i32
      %dma_start3A_129 = tpu.memref_slice %arg6[%dma_start3A_127, %dma_start3A_128] : memref<10000x128xf32, #tpu.memory_space<vmem_shared>> -> memref<10000x128xf32, #tpu.memory_space<vmem_shared>>
      tpu.enqueue_indirect_dma source(%arg9 : memref<80x128xf32, #tpu.memory_space<vmem>>) target(%dma_start3A_129 : memref<10000x128xf32, #tpu.memory_space<vmem_shared>>) offsets(%arg8 : memref<80xi32, #tpu.memory_space<vmem>>) semaphore(%run_scoped3A : memref<!tpu.dma_semaphore, #tpu.memory_space<semaphore_mem>>) {add = true}
      %dma_wait3A_130 = arith.constant 0 : i32
      %dma_wait3A_131 = arith.constant 0 : i32
      %dma_wait3A_132 = tpu.memref_slice %arg6[%dma_wait3A_130, %dma_wait3A_131] : memref<10000x128xf32, #tpu.memory_space<vmem_shared>> -> memref<10000x128xf32, #tpu.memory_space<vmem_shared>>
      tpu.wait_indirect_dma semaphore(%run_scoped3A : memref<!tpu.dma_semaphore, #tpu.memory_space<semaphore_mem>>) src(%arg9 : memref<80x128xf32, #tpu.memory_space<vmem>>) dst(%dma_wait3A_132 : memref<10000x128xf32, #tpu.memory_space<vmem_shared>>)
      tpu.yield
    }) : () -> ()
    %barrier3A_124 = arith.constant 0 : index
    tpu.barrier barrier_id(%barrier3A_124)
    %eq3A = arith.constant 0 : i32
    %eq3A_125 = arith.cmpi eq, %arg1, %eq3A : i32
    %convert_element_type3A = arith.extui %eq3A_125 : i1 to i32
    %cond3A = arith.constant 0 : i32
    %cond3A_126 = arith.cmpi ne, %convert_element_type3A, %cond3A : i32
    scf.if %cond3A_126 {
      "tpu.region"() ({
        %run_scoped3A = tpu.sem_alloc : memref<!tpu.dma_semaphore, #tpu.memory_space<semaphore_mem>>
        %dma_start3A_127 = arith.constant 0 : i32
        %dma_start3A_128 = arith.constant 0 : i32
        %dma_start3A_129 = tpu.memref_slice %arg5[%arg0, %dma_start3A_127, %dma_start3A_128] : memref<2x10000x128xf32, #tpu.memory_space<hbm>> -> memref<1x10000x128xf32, #tpu.memory_space<hbm>>
        %dma_start3A_130 = tpu.memref_squeeze %dma_start3A_129 : memref<1x10000x128xf32, #tpu.memory_space<hbm>> -> memref<10000x128xf32, #tpu.memory_space<hbm>>
        tpu.enqueue_dma source(%arg6 : memref<10000x128xf32, #tpu.memory_space<vmem_shared>>) target(%dma_start3A_130 : memref<10000x128xf32, #tpu.memory_space<hbm>>) target_semaphore(%run_scoped3A : memref<!tpu.dma_semaphore, #tpu.memory_space<semaphore_mem>>)
        %dma_wait3A_131 = arith.constant 0 : i32
        %dma_wait3A_132 = arith.constant 0 : i32
        %dma_wait3A_133 = tpu.memref_slice %arg5[%arg0, %dma_wait3A_131, %dma_wait3A_132] : memref<2x10000x128xf32, #tpu.memory_space<hbm>> -> memref<1x10000x128xf32, #tpu.memory_space<hbm>>
        %dma_wait3A_134 = tpu.memref_squeeze %dma_wait3A_133 : memref<1x10000x128xf32, #tpu.memory_space<hbm>> -> memref<10000x128xf32, #tpu.memory_space<hbm>>
        tpu.wait_dma2 semaphore(%run_scoped3A : memref<!tpu.dma_semaphore, #tpu.memory_space<semaphore_mem>>) src(%arg6 : memref<10000x128xf32, #tpu.memory_space<vmem_shared>>) dst(%dma_wait3A_134 : memref<10000x128xf32, #tpu.memory_space<hbm>>)
        tpu.yield
      }) : () -> ()
    } else {
    }
    return
  }
}

#map = affine_map<(d0, d1) -> (0, 0)>
#map1 = affine_map<(d0, d1) -> (0)>
#map2 = affine_map<(d0, d1) -> (0, 0, 0)>
module attributes {stable_mosaic.version = 14 : i64} {
  func.func @_sc_agg_body(%arg0: i32, %arg1: i32, %arg2: memref<10000x128xf32, #tpu.memory_space<hbm>>, %arg3: memref<320000xi32, #tpu.memory_space<hbm>>, %arg4: memref<320000xi32, #tpu.memory_space<hbm>>, %arg5: memref<2x10000x128xf32, #tpu.memory_space<hbm>>, %arg6: memref<10000x128xf32, #tpu.memory_space<vmem_shared>>, %arg7: memref<80xi32, #tpu.memory_space<vmem>>, %arg8: memref<80xi32, #tpu.memory_space<vmem>>, %arg9: memref<80x128xf32, #tpu.memory_space<vmem>>, %arg10: memref<!tpu.dma_semaphore, #tpu.memory_space<semaphore_mem>>, %arg11: memref<80xi32, #tpu.memory_space<vmem>>, %arg12: memref<80xi32, #tpu.memory_space<vmem>>, %arg13: memref<80x128xf32, #tpu.memory_space<vmem>>, %arg14: memref<!tpu.dma_semaphore, #tpu.memory_space<semaphore_mem>>, %arg15: memref<25x128xf32, #tpu.memory_space<vmem>>) attributes {dimension_semantics = [#tpu.dimension_semantics<core_parallel>, #tpu.dimension_semantics<subcore_parallel>], iteration_bounds = array<i64: 2, 16>, scalar_prefetch = 0 : i64, scratch_operands = 10 : i64, tpu.core_type = #tpu.core_type<sc_vector_subcore>, window_params = [{transform_indices = #map}, {transform_indices = #map1}, {transform_indices = #map1}, {transform_indices = #map2}]} {
    %mul3A = arith.constant 16 : i32
    %mul3A_0 = arith.muli %arg0, %mul3A : i32
    %add3A = arith.addi %mul3A_0, %arg1 : i32
    %scan3A = arith.constant 0 : i32
    %scan3A_1 = arith.constant 0 : i32
    %scan3A_2 = arith.constant 25 : i32
    %scan3A_3 = arith.addi %scan3A_1, %scan3A_2 : i32
    %scan3A_4 = arith.constant 1 : i32
    %scan3A_5 = scf.for %scan3A_127 = %scan3A_1 to %scan3A_3 step %scan3A_4 iter_args(%scan3A_128 = %scan3A) -> (i32)  : i32 {
      %broadcast_in_dim3A = arith.constant 0.000000e+00 : f32
      %broadcast_in_dim3A_129 = vector.broadcast %broadcast_in_dim3A : f32 to vector<16xf32>
      %swap3A = arith.index_cast %scan3A_127 : i32 to index
      %swap3A_130 = arith.constant 0 : index
      %swap3A_131 = tpu.vector_load %arg15[%swap3A, %swap3A_130] {strides = array<i32>} : memref<25x128xf32, #tpu.memory_space<vmem>>, vector<1x16xf32>,
      %swap3A_132 = vector.shape_cast %swap3A_131 : vector<1x16xf32> to vector<16xf32>
      %swap3A_133 = vector.shape_cast %broadcast_in_dim3A_129 : vector<16xf32> to vector<1x16xf32>
      tpu.vector_store %arg15[%swap3A, %swap3A_130], %swap3A_133 {strides = array<i32>} : memref<25x128xf32, #tpu.memory_space<vmem>>, vector<1x16xf32>,
      %broadcast_in_dim3A_134 = arith.constant 0.000000e+00 : f32
      %broadcast_in_dim3A_135 = vector.broadcast %broadcast_in_dim3A_134 : f32 to vector<16xf32>
      %swap3A_136 = arith.index_cast %scan3A_127 : i32 to index
      %swap3A_137 = arith.constant 16 : index
      %swap3A_138 = tpu.vector_load %arg15[%swap3A_136, %swap3A_137] {strides = array<i32>} : memref<25x128xf32, #tpu.memory_space<vmem>>, vector<1x16xf32>,
      %swap3A_139 = vector.shape_cast %swap3A_138 : vector<1x16xf32> to vector<16xf32>
      %swap3A_140 = vector.shape_cast %broadcast_in_dim3A_135 : vector<16xf32> to vector<1x16xf32>
      tpu.vector_store %arg15[%swap3A_136, %swap3A_137], %swap3A_140 {strides = array<i32>} : memref<25x128xf32, #tpu.memory_space<vmem>>, vector<1x16xf32>,
      %broadcast_in_dim3A_141 = arith.constant 0.000000e+00 : f32
      %broadcast_in_dim3A_142 = vector.broadcast %broadcast_in_dim3A_141 : f32 to vector<16xf32>
      %swap3A_143 = arith.index_cast %scan3A_127 : i32 to index
      %swap3A_144 = arith.constant 32 : index
      %swap3A_145 = tpu.vector_load %arg15[%swap3A_143, %swap3A_144] {strides = array<i32>} : memref<25x128xf32, #tpu.memory_space<vmem>>, vector<1x16xf32>,
      %swap3A_146 = vector.shape_cast %swap3A_145 : vector<1x16xf32> to vector<16xf32>
      %swap3A_147 = vector.shape_cast %broadcast_in_dim3A_142 : vector<16xf32> to vector<1x16xf32>
      tpu.vector_store %arg15[%swap3A_143, %swap3A_144], %swap3A_147 {strides = array<i32>} : memref<25x128xf32, #tpu.memory_space<vmem>>, vector<1x16xf32>,
      %broadcast_in_dim3A_148 = arith.constant 0.000000e+00 : f32
      %broadcast_in_dim3A_149 = vector.broadcast %broadcast_in_dim3A_148 : f32 to vector<16xf32>
      %swap3A_150 = arith.index_cast %scan3A_127 : i32 to index
      %swap3A_151 = arith.constant 48 : index
      %swap3A_152 = tpu.vector_load %arg15[%swap3A_150, %swap3A_151] {strides = array<i32>} : memref<25x128xf32, #tpu.memory_space<vmem>>, vector<1x16xf32>,
      %swap3A_153 = vector.shape_cast %swap3A_152 : vector<1x16xf32> to vector<16xf32>
      %swap3A_154 = vector.shape_cast %broadcast_in_dim3A_149 : vector<16xf32> to vector<1x16xf32>
      tpu.vector_store %arg15[%swap3A_150, %swap3A_151], %swap3A_154 {strides = array<i32>} : memref<25x128xf32, #tpu.memory_space<vmem>>, vector<1x16xf32>,
      %broadcast_in_dim3A_155 = arith.constant 0.000000e+00 : f32
      %broadcast_in_dim3A_156 = vector.broadcast %broadcast_in_dim3A_155 : f32 to vector<16xf32>
      %swap3A_157 = arith.index_cast %scan3A_127 : i32 to index
      %swap3A_158 = arith.constant 64 : index
      %swap3A_159 = tpu.vector_load %arg15[%swap3A_157, %swap3A_158] {strides = array<i32>} : memref<25x128xf32, #tpu.memory_space<vmem>>, vector<1x16xf32>,
      %swap3A_160 = vector.shape_cast %swap3A_159 : vector<1x16xf32> to vector<16xf32>
      %swap3A_161 = vector.shape_cast %broadcast_in_dim3A_156 : vector<16xf32> to vector<1x16xf32>
      tpu.vector_store %arg15[%swap3A_157, %swap3A_158], %swap3A_161 {strides = array<i32>} : memref<25x128xf32, #tpu.memory_space<vmem>>, vector<1x16xf32>,
      %broadcast_in_dim3A_162 = arith.constant 0.000000e+00 : f32
      %broadcast_in_dim3A_163 = vector.broadcast %broadcast_in_dim3A_162 : f32 to vector<16xf32>
      %swap3A_164 = arith.index_cast %scan3A_127 : i32 to index
      %swap3A_165 = arith.constant 80 : index
      %swap3A_166 = tpu.vector_load %arg15[%swap3A_164, %swap3A_165] {strides = array<i32>} : memref<25x128xf32, #tpu.memory_space<vmem>>, vector<1x16xf32>,
      %swap3A_167 = vector.shape_cast %swap3A_166 : vector<1x16xf32> to vector<16xf32>
      %swap3A_168 = vector.shape_cast %broadcast_in_dim3A_163 : vector<16xf32> to vector<1x16xf32>
      tpu.vector_store %arg15[%swap3A_164, %swap3A_165], %swap3A_168 {strides = array<i32>} : memref<25x128xf32, #tpu.memory_space<vmem>>, vector<1x16xf32>,
      %broadcast_in_dim3A_169 = arith.constant 0.000000e+00 : f32
      %broadcast_in_dim3A_170 = vector.broadcast %broadcast_in_dim3A_169 : f32 to vector<16xf32>
      %swap3A_171 = arith.index_cast %scan3A_127 : i32 to index
      %swap3A_172 = arith.constant 96 : index
      %swap3A_173 = tpu.vector_load %arg15[%swap3A_171, %swap3A_172] {strides = array<i32>} : memref<25x128xf32, #tpu.memory_space<vmem>>, vector<1x16xf32>,
      %swap3A_174 = vector.shape_cast %swap3A_173 : vector<1x16xf32> to vector<16xf32>
      %swap3A_175 = vector.shape_cast %broadcast_in_dim3A_170 : vector<16xf32> to vector<1x16xf32>
      tpu.vector_store %arg15[%swap3A_171, %swap3A_172], %swap3A_175 {strides = array<i32>} : memref<25x128xf32, #tpu.memory_space<vmem>>, vector<1x16xf32>,
      %broadcast_in_dim3A_176 = arith.constant 0.000000e+00 : f32
      %broadcast_in_dim3A_177 = vector.broadcast %broadcast_in_dim3A_176 : f32 to vector<16xf32>
      %swap3A_178 = arith.index_cast %scan3A_127 : i32 to index
      %swap3A_179 = arith.constant 112 : index
      %swap3A_180 = tpu.vector_load %arg15[%swap3A_178, %swap3A_179] {strides = array<i32>} : memref<25x128xf32, #tpu.memory_space<vmem>>, vector<1x16xf32>,
      %swap3A_181 = vector.shape_cast %swap3A_180 : vector<1x16xf32> to vector<16xf32>
      %swap3A_182 = vector.shape_cast %broadcast_in_dim3A_177 : vector<16xf32> to vector<1x16xf32>
      tpu.vector_store %arg15[%swap3A_178, %swap3A_179], %swap3A_182 {strides = array<i32>} : memref<25x128xf32, #tpu.memory_space<vmem>>, vector<1x16xf32>,
      %scan3A_183 = arith.constant 0 : i32
      scf.yield %scan3A_183 : i32
    }
    %scan3A_6 = arith.constant 25 : i32
    %mul3A_7 = arith.constant 625 : i32
    %mul3A_8 = arith.muli %arg1, %mul3A_7 : i32
    %add3A_9 = arith.constant 0 : i32
    %add3A_10 = arith.addi %mul3A_8, %add3A_9 : i32
    "tpu.region"() ({
      %run_scoped3A = tpu.sem_alloc : memref<!tpu.dma_semaphore, #tpu.memory_space<semaphore_mem>>
      %dma_start3A_127 = arith.constant 0 : i32
      %dma_start3A_128 = tpu.memref_slice %arg6[%add3A_10, %dma_start3A_127] : memref<10000x128xf32, #tpu.memory_space<vmem_shared>> -> memref<25x128xf32, #tpu.memory_space<vmem_shared>>
      %dma_start3A_129 = arith.constant 0 : i32
      %dma_start3A_130 = tpu.memref_slice %arg6[%add3A_10, %dma_start3A_129] : memref<10000x128xf32, #tpu.memory_space<vmem_shared>> -> memref<25x128xf32, #tpu.memory_space<vmem_shared>>
      tpu.enqueue_dma source(%arg15 : memref<25x128xf32, #tpu.memory_space<vmem>>) target(%dma_start3A_130 : memref<25x128xf32, #tpu.memory_space<vmem_shared>>) target_semaphore(%run_scoped3A : memref<!tpu.dma_semaphore, #tpu.memory_space<semaphore_mem>>)
      %dma_wait3A_131 = arith.constant 0 : i32
      %dma_wait3A_132 = tpu.memref_slice %arg6[%add3A_10, %dma_wait3A_131] : memref<10000x128xf32, #tpu.memory_space<vmem_shared>> -> memref<25x128xf32, #tpu.memory_space<vmem_shared>>
      %dma_wait3A_133 = arith.constant 0 : i32
      %dma_wait3A_134 = tpu.memref_slice %arg6[%add3A_10, %dma_wait3A_133] : memref<10000x128xf32, #tpu.memory_space<vmem_shared>> -> memref<25x128xf32, #tpu.memory_space<vmem_shared>>
      tpu.wait_dma2 semaphore(%run_scoped3A : memref<!tpu.dma_semaphore, #tpu.memory_space<semaphore_mem>>) src(%arg15 : memref<25x128xf32, #tpu.memory_space<vmem>>) dst(%dma_wait3A_134 : memref<25x128xf32, #tpu.memory_space<vmem_shared>>)
      tpu.yield
    }) : () -> ()
    %mul3A_11 = arith.constant 625 : i32
    %mul3A_12 = arith.muli %arg1, %mul3A_11 : i32
    %add3A_13 = arith.constant 25 : i32
    %add3A_14 = arith.addi %mul3A_12, %add3A_13 : i32
    "tpu.region"() ({
      %run_scoped3A = tpu.sem_alloc : memref<!tpu.dma_semaphore, #tpu.memory_space<semaphore_mem>>
      %dma_start3A_127 = arith.constant 0 : i32
      %dma_start3A_128 = tpu.memref_slice %arg6[%add3A_14, %dma_start3A_127] : memref<10000x128xf32, #tpu.memory_space<vmem_shared>> -> memref<25x128xf32, #tpu.memory_space<vmem_shared>>
      %dma_start3A_129 = arith.constant 0 : i32
      %dma_start3A_130 = tpu.memref_slice %arg6[%add3A_14, %dma_start3A_129] : memref<10000x128xf32, #tpu.memory_space<vmem_shared>> -> memref<25x128xf32, #tpu.memory_space<vmem_shared>>
      tpu.enqueue_dma source(%arg15 : memref<25x128xf32, #tpu.memory_space<vmem>>) target(%dma_start3A_130 : memref<25x128xf32, #tpu.memory_space<vmem_shared>>) target_semaphore(%run_scoped3A : memref<!tpu.dma_semaphore, #tpu.memory_space<semaphore_mem>>)
      %dma_wait3A_131 = arith.constant 0 : i32
      %dma_wait3A_132 = tpu.memref_slice %arg6[%add3A_14, %dma_wait3A_131] : memref<10000x128xf32, #tpu.memory_space<vmem_shared>> -> memref<25x128xf32, #tpu.memory_space<vmem_shared>>
      %dma_wait3A_133 = arith.constant 0 : i32
      %dma_wait3A_134 = tpu.memref_slice %arg6[%add3A_14, %dma_wait3A_133] : memref<10000x128xf32, #tpu.memory_space<vmem_shared>> -> memref<25x128xf32, #tpu.memory_space<vmem_shared>>
      tpu.wait_dma2 semaphore(%run_scoped3A : memref<!tpu.dma_semaphore, #tpu.memory_space<semaphore_mem>>) src(%arg15 : memref<25x128xf32, #tpu.memory_space<vmem>>) dst(%dma_wait3A_134 : memref<25x128xf32, #tpu.memory_space<vmem_shared>>)
      tpu.yield
    }) : () -> ()
    %mul3A_15 = arith.constant 625 : i32
    %mul3A_16 = arith.muli %arg1, %mul3A_15 : i32
    %add3A_17 = arith.constant 50 : i32
    %add3A_18 = arith.addi %mul3A_16, %add3A_17 : i32
    "tpu.region"() ({
      %run_scoped3A = tpu.sem_alloc : memref<!tpu.dma_semaphore, #tpu.memory_space<semaphore_mem>>
      %dma_start3A_127 = arith.constant 0 : i32
      %dma_start3A_128 = tpu.memref_slice %arg6[%add3A_18, %dma_start3A_127] : memref<10000x128xf32, #tpu.memory_space<vmem_shared>> -> memref<25x128xf32, #tpu.memory_space<vmem_shared>>
      %dma_start3A_129 = arith.constant 0 : i32
      %dma_start3A_130 = tpu.memref_slice %arg6[%add3A_18, %dma_start3A_129] : memref<10000x128xf32, #tpu.memory_space<vmem_shared>> -> memref<25x128xf32, #tpu.memory_space<vmem_shared>>
      tpu.enqueue_dma source(%arg15 : memref<25x128xf32, #tpu.memory_space<vmem>>) target(%dma_start3A_130 : memref<25x128xf32, #tpu.memory_space<vmem_shared>>) target_semaphore(%run_scoped3A : memref<!tpu.dma_semaphore, #tpu.memory_space<semaphore_mem>>)
      %dma_wait3A_131 = arith.constant 0 : i32
      %dma_wait3A_132 = tpu.memref_slice %arg6[%add3A_18, %dma_wait3A_131] : memref<10000x128xf32, #tpu.memory_space<vmem_shared>> -> memref<25x128xf32, #tpu.memory_space<vmem_shared>>
      %dma_wait3A_133 = arith.constant 0 : i32
      %dma_wait3A_134 = tpu.memref_slice %arg6[%add3A_18, %dma_wait3A_133] : memref<10000x128xf32, #tpu.memory_space<vmem_shared>> -> memref<25x128xf32, #tpu.memory_space<vmem_shared>>
      tpu.wait_dma2 semaphore(%run_scoped3A : memref<!tpu.dma_semaphore, #tpu.memory_space<semaphore_mem>>) src(%arg15 : memref<25x128xf32, #tpu.memory_space<vmem>>) dst(%dma_wait3A_134 : memref<25x128xf32, #tpu.memory_space<vmem_shared>>)
      tpu.yield
    }) : () -> ()
    %mul3A_19 = arith.constant 625 : i32
    %mul3A_20 = arith.muli %arg1, %mul3A_19 : i32
    %add3A_21 = arith.constant 75 : i32
    %add3A_22 = arith.addi %mul3A_20, %add3A_21 : i32
    "tpu.region"() ({
      %run_scoped3A = tpu.sem_alloc : memref<!tpu.dma_semaphore, #tpu.memory_space<semaphore_mem>>
      %dma_start3A_127 = arith.constant 0 : i32
      %dma_start3A_128 = tpu.memref_slice %arg6[%add3A_22, %dma_start3A_127] : memref<10000x128xf32, #tpu.memory_space<vmem_shared>> -> memref<25x128xf32, #tpu.memory_space<vmem_shared>>
      %dma_start3A_129 = arith.constant 0 : i32
      %dma_start3A_130 = tpu.memref_slice %arg6[%add3A_22, %dma_start3A_129] : memref<10000x128xf32, #tpu.memory_space<vmem_shared>> -> memref<25x128xf32, #tpu.memory_space<vmem_shared>>
      tpu.enqueue_dma source(%arg15 : memref<25x128xf32, #tpu.memory_space<vmem>>) target(%dma_start3A_130 : memref<25x128xf32, #tpu.memory_space<vmem_shared>>) target_semaphore(%run_scoped3A : memref<!tpu.dma_semaphore, #tpu.memory_space<semaphore_mem>>)
      %dma_wait3A_131 = arith.constant 0 : i32
      %dma_wait3A_132 = tpu.memref_slice %arg6[%add3A_22, %dma_wait3A_131] : memref<10000x128xf32, #tpu.memory_space<vmem_shared>> -> memref<25x128xf32, #tpu.memory_space<vmem_shared>>
      %dma_wait3A_133 = arith.constant 0 : i32
      %dma_wait3A_134 = tpu.memref_slice %arg6[%add3A_22, %dma_wait3A_133] : memref<10000x128xf32, #tpu.memory_space<vmem_shared>> -> memref<25x128xf32, #tpu.memory_space<vmem_shared>>
      tpu.wait_dma2 semaphore(%run_scoped3A : memref<!tpu.dma_semaphore, #tpu.memory_space<semaphore_mem>>) src(%arg15 : memref<25x128xf32, #tpu.memory_space<vmem>>) dst(%dma_wait3A_134 : memref<25x128xf32, #tpu.memory_space<vmem_shared>>)
      tpu.yield
    }) : () -> ()
    %mul3A_23 = arith.constant 625 : i32
    %mul3A_24 = arith.muli %arg1, %mul3A_23 : i32
    %add3A_25 = arith.constant 100 : i32
    %add3A_26 = arith.addi %mul3A_24, %add3A_25 : i32
    "tpu.region"() ({
      %run_scoped3A = tpu.sem_alloc : memref<!tpu.dma_semaphore, #tpu.memory_space<semaphore_mem>>
      %dma_start3A_127 = arith.constant 0 : i32
      %dma_start3A_128 = tpu.memref_slice %arg6[%add3A_26, %dma_start3A_127] : memref<10000x128xf32, #tpu.memory_space<vmem_shared>> -> memref<25x128xf32, #tpu.memory_space<vmem_shared>>
      %dma_start3A_129 = arith.constant 0 : i32
      %dma_start3A_130 = tpu.memref_slice %arg6[%add3A_26, %dma_start3A_129] : memref<10000x128xf32, #tpu.memory_space<vmem_shared>> -> memref<25x128xf32, #tpu.memory_space<vmem_shared>>
      tpu.enqueue_dma source(%arg15 : memref<25x128xf32, #tpu.memory_space<vmem>>) target(%dma_start3A_130 : memref<25x128xf32, #tpu.memory_space<vmem_shared>>) target_semaphore(%run_scoped3A : memref<!tpu.dma_semaphore, #tpu.memory_space<semaphore_mem>>)
      %dma_wait3A_131 = arith.constant 0 : i32
      %dma_wait3A_132 = tpu.memref_slice %arg6[%add3A_26, %dma_wait3A_131] : memref<10000x128xf32, #tpu.memory_space<vmem_shared>> -> memref<25x128xf32, #tpu.memory_space<vmem_shared>>
      %dma_wait3A_133 = arith.constant 0 : i32
      %dma_wait3A_134 = tpu.memref_slice %arg6[%add3A_26, %dma_wait3A_133] : memref<10000x128xf32, #tpu.memory_space<vmem_shared>> -> memref<25x128xf32, #tpu.memory_space<vmem_shared>>
      tpu.wait_dma2 semaphore(%run_scoped3A : memref<!tpu.dma_semaphore, #tpu.memory_space<semaphore_mem>>) src(%arg15 : memref<25x128xf32, #tpu.memory_space<vmem>>) dst(%dma_wait3A_134 : memref<25x128xf32, #tpu.memory_space<vmem_shared>>)
      tpu.yield
    }) : () -> ()
    %mul3A_27 = arith.constant 625 : i32
    %mul3A_28 = arith.muli %arg1, %mul3A_27 : i32
    %add3A_29 = arith.constant 125 : i32
    %add3A_30 = arith.addi %mul3A_28, %add3A_29 : i32
    "tpu.region"() ({
      %run_scoped3A = tpu.sem_alloc : memref<!tpu.dma_semaphore, #tpu.memory_space<semaphore_mem>>
      %dma_start3A_127 = arith.constant 0 : i32
      %dma_start3A_128 = tpu.memref_slice %arg6[%add3A_30, %dma_start3A_127] : memref<10000x128xf32, #tpu.memory_space<vmem_shared>> -> memref<25x128xf32, #tpu.memory_space<vmem_shared>>
      %dma_start3A_129 = arith.constant 0 : i32
      %dma_start3A_130 = tpu.memref_slice %arg6[%add3A_30, %dma_start3A_129] : memref<10000x128xf32, #tpu.memory_space<vmem_shared>> -> memref<25x128xf32, #tpu.memory_space<vmem_shared>>
      tpu.enqueue_dma source(%arg15 : memref<25x128xf32, #tpu.memory_space<vmem>>) target(%dma_start3A_130 : memref<25x128xf32, #tpu.memory_space<vmem_shared>>) target_semaphore(%run_scoped3A : memref<!tpu.dma_semaphore, #tpu.memory_space<semaphore_mem>>)
      %dma_wait3A_131 = arith.constant 0 : i32
      %dma_wait3A_132 = tpu.memref_slice %arg6[%add3A_30, %dma_wait3A_131] : memref<10000x128xf32, #tpu.memory_space<vmem_shared>> -> memref<25x128xf32, #tpu.memory_space<vmem_shared>>
      %dma_wait3A_133 = arith.constant 0 : i32
      %dma_wait3A_134 = tpu.memref_slice %arg6[%add3A_30, %dma_wait3A_133] : memref<10000x128xf32, #tpu.memory_space<vmem_shared>> -> memref<25x128xf32, #tpu.memory_space<vmem_shared>>
      tpu.wait_dma2 semaphore(%run_scoped3A : memref<!tpu.dma_semaphore, #tpu.memory_space<semaphore_mem>>) src(%arg15 : memref<25x128xf32, #tpu.memory_space<vmem>>) dst(%dma_wait3A_134 : memref<25x128xf32, #tpu.memory_space<vmem_shared>>)
      tpu.yield
    }) : () -> ()
    %mul3A_31 = arith.constant 625 : i32
    %mul3A_32 = arith.muli %arg1, %mul3A_31 : i32
    %add3A_33 = arith.constant 150 : i32
    %add3A_34 = arith.addi %mul3A_32, %add3A_33 : i32
    "tpu.region"() ({
      %run_scoped3A = tpu.sem_alloc : memref<!tpu.dma_semaphore, #tpu.memory_space<semaphore_mem>>
      %dma_start3A_127 = arith.constant 0 : i32
      %dma_start3A_128 = tpu.memref_slice %arg6[%add3A_34, %dma_start3A_127] : memref<10000x128xf32, #tpu.memory_space<vmem_shared>> -> memref<25x128xf32, #tpu.memory_space<vmem_shared>>
      %dma_start3A_129 = arith.constant 0 : i32
      %dma_start3A_130 = tpu.memref_slice %arg6[%add3A_34, %dma_start3A_129] : memref<10000x128xf32, #tpu.memory_space<vmem_shared>> -> memref<25x128xf32, #tpu.memory_space<vmem_shared>>
      tpu.enqueue_dma source(%arg15 : memref<25x128xf32, #tpu.memory_space<vmem>>) target(%dma_start3A_130 : memref<25x128xf32, #tpu.memory_space<vmem_shared>>) target_semaphore(%run_scoped3A : memref<!tpu.dma_semaphore, #tpu.memory_space<semaphore_mem>>)
      %dma_wait3A_131 = arith.constant 0 : i32
      %dma_wait3A_132 = tpu.memref_slice %arg6[%add3A_34, %dma_wait3A_131] : memref<10000x128xf32, #tpu.memory_space<vmem_shared>> -> memref<25x128xf32, #tpu.memory_space<vmem_shared>>
      %dma_wait3A_133 = arith.constant 0 : i32
      %dma_wait3A_134 = tpu.memref_slice %arg6[%add3A_34, %dma_wait3A_133] : memref<10000x128xf32, #tpu.memory_space<vmem_shared>> -> memref<25x128xf32, #tpu.memory_space<vmem_shared>>
      tpu.wait_dma2 semaphore(%run_scoped3A : memref<!tpu.dma_semaphore, #tpu.memory_space<semaphore_mem>>) src(%arg15 : memref<25x128xf32, #tpu.memory_space<vmem>>) dst(%dma_wait3A_134 : memref<25x128xf32, #tpu.memory_space<vmem_shared>>)
      tpu.yield
    }) : () -> ()
    %mul3A_35 = arith.constant 625 : i32
    %mul3A_36 = arith.muli %arg1, %mul3A_35 : i32
    %add3A_37 = arith.constant 175 : i32
    %add3A_38 = arith.addi %mul3A_36, %add3A_37 : i32
    "tpu.region"() ({
      %run_scoped3A = tpu.sem_alloc : memref<!tpu.dma_semaphore, #tpu.memory_space<semaphore_mem>>
      %dma_start3A_127 = arith.constant 0 : i32
      %dma_start3A_128 = tpu.memref_slice %arg6[%add3A_38, %dma_start3A_127] : memref<10000x128xf32, #tpu.memory_space<vmem_shared>> -> memref<25x128xf32, #tpu.memory_space<vmem_shared>>
      %dma_start3A_129 = arith.constant 0 : i32
      %dma_start3A_130 = tpu.memref_slice %arg6[%add3A_38, %dma_start3A_129] : memref<10000x128xf32, #tpu.memory_space<vmem_shared>> -> memref<25x128xf32, #tpu.memory_space<vmem_shared>>
      tpu.enqueue_dma source(%arg15 : memref<25x128xf32, #tpu.memory_space<vmem>>) target(%dma_start3A_130 : memref<25x128xf32, #tpu.memory_space<vmem_shared>>) target_semaphore(%run_scoped3A : memref<!tpu.dma_semaphore, #tpu.memory_space<semaphore_mem>>)
      %dma_wait3A_131 = arith.constant 0 : i32
      %dma_wait3A_132 = tpu.memref_slice %arg6[%add3A_38, %dma_wait3A_131] : memref<10000x128xf32, #tpu.memory_space<vmem_shared>> -> memref<25x128xf32, #tpu.memory_space<vmem_shared>>
      %dma_wait3A_133 = arith.constant 0 : i32
      %dma_wait3A_134 = tpu.memref_slice %arg6[%add3A_38, %dma_wait3A_133] : memref<10000x128xf32, #tpu.memory_space<vmem_shared>> -> memref<25x128xf32, #tpu.memory_space<vmem_shared>>
      tpu.wait_dma2 semaphore(%run_scoped3A : memref<!tpu.dma_semaphore, #tpu.memory_space<semaphore_mem>>) src(%arg15 : memref<25x128xf32, #tpu.memory_space<vmem>>) dst(%dma_wait3A_134 : memref<25x128xf32, #tpu.memory_space<vmem_shared>>)
      tpu.yield
    }) : () -> ()
    %mul3A_39 = arith.constant 625 : i32
    %mul3A_40 = arith.muli %arg1, %mul3A_39 : i32
    %add3A_41 = arith.constant 200 : i32
    %add3A_42 = arith.addi %mul3A_40, %add3A_41 : i32
    "tpu.region"() ({
      %run_scoped3A = tpu.sem_alloc : memref<!tpu.dma_semaphore, #tpu.memory_space<semaphore_mem>>
      %dma_start3A_127 = arith.constant 0 : i32
      %dma_start3A_128 = tpu.memref_slice %arg6[%add3A_42, %dma_start3A_127] : memref<10000x128xf32, #tpu.memory_space<vmem_shared>> -> memref<25x128xf32, #tpu.memory_space<vmem_shared>>
      %dma_start3A_129 = arith.constant 0 : i32
      %dma_start3A_130 = tpu.memref_slice %arg6[%add3A_42, %dma_start3A_129] : memref<10000x128xf32, #tpu.memory_space<vmem_shared>> -> memref<25x128xf32, #tpu.memory_space<vmem_shared>>
      tpu.enqueue_dma source(%arg15 : memref<25x128xf32, #tpu.memory_space<vmem>>) target(%dma_start3A_130 : memref<25x128xf32, #tpu.memory_space<vmem_shared>>) target_semaphore(%run_scoped3A : memref<!tpu.dma_semaphore, #tpu.memory_space<semaphore_mem>>)
      %dma_wait3A_131 = arith.constant 0 : i32
      %dma_wait3A_132 = tpu.memref_slice %arg6[%add3A_42, %dma_wait3A_131] : memref<10000x128xf32, #tpu.memory_space<vmem_shared>> -> memref<25x128xf32, #tpu.memory_space<vmem_shared>>
      %dma_wait3A_133 = arith.constant 0 : i32
      %dma_wait3A_134 = tpu.memref_slice %arg6[%add3A_42, %dma_wait3A_133] : memref<10000x128xf32, #tpu.memory_space<vmem_shared>> -> memref<25x128xf32, #tpu.memory_space<vmem_shared>>
      tpu.wait_dma2 semaphore(%run_scoped3A : memref<!tpu.dma_semaphore, #tpu.memory_space<semaphore_mem>>) src(%arg15 : memref<25x128xf32, #tpu.memory_space<vmem>>) dst(%dma_wait3A_134 : memref<25x128xf32, #tpu.memory_space<vmem_shared>>)
      tpu.yield
    }) : () -> ()
    %mul3A_43 = arith.constant 625 : i32
    %mul3A_44 = arith.muli %arg1, %mul3A_43 : i32
    %add3A_45 = arith.constant 225 : i32
    %add3A_46 = arith.addi %mul3A_44, %add3A_45 : i32
    "tpu.region"() ({
      %run_scoped3A = tpu.sem_alloc : memref<!tpu.dma_semaphore, #tpu.memory_space<semaphore_mem>>
      %dma_start3A_127 = arith.constant 0 : i32
      %dma_start3A_128 = tpu.memref_slice %arg6[%add3A_46, %dma_start3A_127] : memref<10000x128xf32, #tpu.memory_space<vmem_shared>> -> memref<25x128xf32, #tpu.memory_space<vmem_shared>>
      %dma_start3A_129 = arith.constant 0 : i32
      %dma_start3A_130 = tpu.memref_slice %arg6[%add3A_46, %dma_start3A_129] : memref<10000x128xf32, #tpu.memory_space<vmem_shared>> -> memref<25x128xf32, #tpu.memory_space<vmem_shared>>
      tpu.enqueue_dma source(%arg15 : memref<25x128xf32, #tpu.memory_space<vmem>>) target(%dma_start3A_130 : memref<25x128xf32, #tpu.memory_space<vmem_shared>>) target_semaphore(%run_scoped3A : memref<!tpu.dma_semaphore, #tpu.memory_space<semaphore_mem>>)
      %dma_wait3A_131 = arith.constant 0 : i32
      %dma_wait3A_132 = tpu.memref_slice %arg6[%add3A_46, %dma_wait3A_131] : memref<10000x128xf32, #tpu.memory_space<vmem_shared>> -> memref<25x128xf32, #tpu.memory_space<vmem_shared>>
      %dma_wait3A_133 = arith.constant 0 : i32
      %dma_wait3A_134 = tpu.memref_slice %arg6[%add3A_46, %dma_wait3A_133] : memref<10000x128xf32, #tpu.memory_space<vmem_shared>> -> memref<25x128xf32, #tpu.memory_space<vmem_shared>>
      tpu.wait_dma2 semaphore(%run_scoped3A : memref<!tpu.dma_semaphore, #tpu.memory_space<semaphore_mem>>) src(%arg15 : memref<25x128xf32, #tpu.memory_space<vmem>>) dst(%dma_wait3A_134 : memref<25x128xf32, #tpu.memory_space<vmem_shared>>)
      tpu.yield
    }) : () -> ()
    %mul3A_47 = arith.constant 625 : i32
    %mul3A_48 = arith.muli %arg1, %mul3A_47 : i32
    %add3A_49 = arith.constant 250 : i32
    %add3A_50 = arith.addi %mul3A_48, %add3A_49 : i32
    "tpu.region"() ({
      %run_scoped3A = tpu.sem_alloc : memref<!tpu.dma_semaphore, #tpu.memory_space<semaphore_mem>>
      %dma_start3A_127 = arith.constant 0 : i32
      %dma_start3A_128 = tpu.memref_slice %arg6[%add3A_50, %dma_start3A_127] : memref<10000x128xf32, #tpu.memory_space<vmem_shared>> -> memref<25x128xf32, #tpu.memory_space<vmem_shared>>
      %dma_start3A_129 = arith.constant 0 : i32
      %dma_start3A_130 = tpu.memref_slice %arg6[%add3A_50, %dma_start3A_129] : memref<10000x128xf32, #tpu.memory_space<vmem_shared>> -> memref<25x128xf32, #tpu.memory_space<vmem_shared>>
      tpu.enqueue_dma source(%arg15 : memref<25x128xf32, #tpu.memory_space<vmem>>) target(%dma_start3A_130 : memref<25x128xf32, #tpu.memory_space<vmem_shared>>) target_semaphore(%run_scoped3A : memref<!tpu.dma_semaphore, #tpu.memory_space<semaphore_mem>>)
      %dma_wait3A_131 = arith.constant 0 : i32
      %dma_wait3A_132 = tpu.memref_slice %arg6[%add3A_50, %dma_wait3A_131] : memref<10000x128xf32, #tpu.memory_space<vmem_shared>> -> memref<25x128xf32, #tpu.memory_space<vmem_shared>>
      %dma_wait3A_133 = arith.constant 0 : i32
      %dma_wait3A_134 = tpu.memref_slice %arg6[%add3A_50, %dma_wait3A_133] : memref<10000x128xf32, #tpu.memory_space<vmem_shared>> -> memref<25x128xf32, #tpu.memory_space<vmem_shared>>
      tpu.wait_dma2 semaphore(%run_scoped3A : memref<!tpu.dma_semaphore, #tpu.memory_space<semaphore_mem>>) src(%arg15 : memref<25x128xf32, #tpu.memory_space<vmem>>) dst(%dma_wait3A_134 : memref<25x128xf32, #tpu.memory_space<vmem_shared>>)
      tpu.yield
    }) : () -> ()
    %mul3A_51 = arith.constant 625 : i32
    %mul3A_52 = arith.muli %arg1, %mul3A_51 : i32
    %add3A_53 = arith.constant 275 : i32
    %add3A_54 = arith.addi %mul3A_52, %add3A_53 : i32
    "tpu.region"() ({
      %run_scoped3A = tpu.sem_alloc : memref<!tpu.dma_semaphore, #tpu.memory_space<semaphore_mem>>
      %dma_start3A_127 = arith.constant 0 : i32
      %dma_start3A_128 = tpu.memref_slice %arg6[%add3A_54, %dma_start3A_127] : memref<10000x128xf32, #tpu.memory_space<vmem_shared>> -> memref<25x128xf32, #tpu.memory_space<vmem_shared>>
      %dma_start3A_129 = arith.constant 0 : i32
      %dma_start3A_130 = tpu.memref_slice %arg6[%add3A_54, %dma_start3A_129] : memref<10000x128xf32, #tpu.memory_space<vmem_shared>> -> memref<25x128xf32, #tpu.memory_space<vmem_shared>>
      tpu.enqueue_dma source(%arg15 : memref<25x128xf32, #tpu.memory_space<vmem>>) target(%dma_start3A_130 : memref<25x128xf32, #tpu.memory_space<vmem_shared>>) target_semaphore(%run_scoped3A : memref<!tpu.dma_semaphore, #tpu.memory_space<semaphore_mem>>)
      %dma_wait3A_131 = arith.constant 0 : i32
      %dma_wait3A_132 = tpu.memref_slice %arg6[%add3A_54, %dma_wait3A_131] : memref<10000x128xf32, #tpu.memory_space<vmem_shared>> -> memref<25x128xf32, #tpu.memory_space<vmem_shared>>
      %dma_wait3A_133 = arith.constant 0 : i32
      %dma_wait3A_134 = tpu.memref_slice %arg6[%add3A_54, %dma_wait3A_133] : memref<10000x128xf32, #tpu.memory_space<vmem_shared>> -> memref<25x128xf32, #tpu.memory_space<vmem_shared>>
      tpu.wait_dma2 semaphore(%run_scoped3A : memref<!tpu.dma_semaphore, #tpu.memory_space<semaphore_mem>>) src(%arg15 : memref<25x128xf32, #tpu.memory_space<vmem>>) dst(%dma_wait3A_134 : memref<25x128xf32, #tpu.memory_space<vmem_shared>>)
      tpu.yield
    }) : () -> ()
    %mul3A_55 = arith.constant 625 : i32
    %mul3A_56 = arith.muli %arg1, %mul3A_55 : i32
    %add3A_57 = arith.constant 300 : i32
    %add3A_58 = arith.addi %mul3A_56, %add3A_57 : i32
    "tpu.region"() ({
      %run_scoped3A = tpu.sem_alloc : memref<!tpu.dma_semaphore, #tpu.memory_space<semaphore_mem>>
      %dma_start3A_127 = arith.constant 0 : i32
      %dma_start3A_128 = tpu.memref_slice %arg6[%add3A_58, %dma_start3A_127] : memref<10000x128xf32, #tpu.memory_space<vmem_shared>> -> memref<25x128xf32, #tpu.memory_space<vmem_shared>>
      %dma_start3A_129 = arith.constant 0 : i32
      %dma_start3A_130 = tpu.memref_slice %arg6[%add3A_58, %dma_start3A_129] : memref<10000x128xf32, #tpu.memory_space<vmem_shared>> -> memref<25x128xf32, #tpu.memory_space<vmem_shared>>
      tpu.enqueue_dma source(%arg15 : memref<25x128xf32, #tpu.memory_space<vmem>>) target(%dma_start3A_130 : memref<25x128xf32, #tpu.memory_space<vmem_shared>>) target_semaphore(%run_scoped3A : memref<!tpu.dma_semaphore, #tpu.memory_space<semaphore_mem>>)
      %dma_wait3A_131 = arith.constant 0 : i32
      %dma_wait3A_132 = tpu.memref_slice %arg6[%add3A_58, %dma_wait3A_131] : memref<10000x128xf32, #tpu.memory_space<vmem_shared>> -> memref<25x128xf32, #tpu.memory_space<vmem_shared>>
      %dma_wait3A_133 = arith.constant 0 : i32
      %dma_wait3A_134 = tpu.memref_slice %arg6[%add3A_58, %dma_wait3A_133] : memref<10000x128xf32, #tpu.memory_space<vmem_shared>> -> memref<25x128xf32, #tpu.memory_space<vmem_shared>>
      tpu.wait_dma2 semaphore(%run_scoped3A : memref<!tpu.dma_semaphore, #tpu.memory_space<semaphore_mem>>) src(%arg15 : memref<25x128xf32, #tpu.memory_space<vmem>>) dst(%dma_wait3A_134 : memref<25x128xf32, #tpu.memory_space<vmem_shared>>)
      tpu.yield
    }) : () -> ()
    %mul3A_59 = arith.constant 625 : i32
    %mul3A_60 = arith.muli %arg1, %mul3A_59 : i32
    %add3A_61 = arith.constant 325 : i32
    %add3A_62 = arith.addi %mul3A_60, %add3A_61 : i32
    "tpu.region"() ({
      %run_scoped3A = tpu.sem_alloc : memref<!tpu.dma_semaphore, #tpu.memory_space<semaphore_mem>>
      %dma_start3A_127 = arith.constant 0 : i32
      %dma_start3A_128 = tpu.memref_slice %arg6[%add3A_62, %dma_start3A_127] : memref<10000x128xf32, #tpu.memory_space<vmem_shared>> -> memref<25x128xf32, #tpu.memory_space<vmem_shared>>
      %dma_start3A_129 = arith.constant 0 : i32
      %dma_start3A_130 = tpu.memref_slice %arg6[%add3A_62, %dma_start3A_129] : memref<10000x128xf32, #tpu.memory_space<vmem_shared>> -> memref<25x128xf32, #tpu.memory_space<vmem_shared>>
      tpu.enqueue_dma source(%arg15 : memref<25x128xf32, #tpu.memory_space<vmem>>) target(%dma_start3A_130 : memref<25x128xf32, #tpu.memory_space<vmem_shared>>) target_semaphore(%run_scoped3A : memref<!tpu.dma_semaphore, #tpu.memory_space<semaphore_mem>>)
      %dma_wait3A_131 = arith.constant 0 : i32
      %dma_wait3A_132 = tpu.memref_slice %arg6[%add3A_62, %dma_wait3A_131] : memref<10000x128xf32, #tpu.memory_space<vmem_shared>> -> memref<25x128xf32, #tpu.memory_space<vmem_shared>>
      %dma_wait3A_133 = arith.constant 0 : i32
      %dma_wait3A_134 = tpu.memref_slice %arg6[%add3A_62, %dma_wait3A_133] : memref<10000x128xf32, #tpu.memory_space<vmem_shared>> -> memref<25x128xf32, #tpu.memory_space<vmem_shared>>
      tpu.wait_dma2 semaphore(%run_scoped3A : memref<!tpu.dma_semaphore, #tpu.memory_space<semaphore_mem>>) src(%arg15 : memref<25x128xf32, #tpu.memory_space<vmem>>) dst(%dma_wait3A_134 : memref<25x128xf32, #tpu.memory_space<vmem_shared>>)
      tpu.yield
    }) : () -> ()
    %mul3A_63 = arith.constant 625 : i32
    %mul3A_64 = arith.muli %arg1, %mul3A_63 : i32
    %add3A_65 = arith.constant 350 : i32
    %add3A_66 = arith.addi %mul3A_64, %add3A_65 : i32
    "tpu.region"() ({
      %run_scoped3A = tpu.sem_alloc : memref<!tpu.dma_semaphore, #tpu.memory_space<semaphore_mem>>
      %dma_start3A_127 = arith.constant 0 : i32
      %dma_start3A_128 = tpu.memref_slice %arg6[%add3A_66, %dma_start3A_127] : memref<10000x128xf32, #tpu.memory_space<vmem_shared>> -> memref<25x128xf32, #tpu.memory_space<vmem_shared>>
      %dma_start3A_129 = arith.constant 0 : i32
      %dma_start3A_130 = tpu.memref_slice %arg6[%add3A_66, %dma_start3A_129] : memref<10000x128xf32, #tpu.memory_space<vmem_shared>> -> memref<25x128xf32, #tpu.memory_space<vmem_shared>>
      tpu.enqueue_dma source(%arg15 : memref<25x128xf32, #tpu.memory_space<vmem>>) target(%dma_start3A_130 : memref<25x128xf32, #tpu.memory_space<vmem_shared>>) target_semaphore(%run_scoped3A : memref<!tpu.dma_semaphore, #tpu.memory_space<semaphore_mem>>)
      %dma_wait3A_131 = arith.constant 0 : i32
      %dma_wait3A_132 = tpu.memref_slice %arg6[%add3A_66, %dma_wait3A_131] : memref<10000x128xf32, #tpu.memory_space<vmem_shared>> -> memref<25x128xf32, #tpu.memory_space<vmem_shared>>
      %dma_wait3A_133 = arith.constant 0 : i32
      %dma_wait3A_134 = tpu.memref_slice %arg6[%add3A_66, %dma_wait3A_133] : memref<10000x128xf32, #tpu.memory_space<vmem_shared>> -> memref<25x128xf32, #tpu.memory_space<vmem_shared>>
      tpu.wait_dma2 semaphore(%run_scoped3A : memref<!tpu.dma_semaphore, #tpu.memory_space<semaphore_mem>>) src(%arg15 : memref<25x128xf32, #tpu.memory_space<vmem>>) dst(%dma_wait3A_134 : memref<25x128xf32, #tpu.memory_space<vmem_shared>>)
      tpu.yield
    }) : () -> ()
    %mul3A_67 = arith.constant 625 : i32
    %mul3A_68 = arith.muli %arg1, %mul3A_67 : i32
    %add3A_69 = arith.constant 375 : i32
    %add3A_70 = arith.addi %mul3A_68, %add3A_69 : i32
    "tpu.region"() ({
      %run_scoped3A = tpu.sem_alloc : memref<!tpu.dma_semaphore, #tpu.memory_space<semaphore_mem>>
      %dma_start3A_127 = arith.constant 0 : i32
      %dma_start3A_128 = tpu.memref_slice %arg6[%add3A_70, %dma_start3A_127] : memref<10000x128xf32, #tpu.memory_space<vmem_shared>> -> memref<25x128xf32, #tpu.memory_space<vmem_shared>>
      %dma_start3A_129 = arith.constant 0 : i32
      %dma_start3A_130 = tpu.memref_slice %arg6[%add3A_70, %dma_start3A_129] : memref<10000x128xf32, #tpu.memory_space<vmem_shared>> -> memref<25x128xf32, #tpu.memory_space<vmem_shared>>
      tpu.enqueue_dma source(%arg15 : memref<25x128xf32, #tpu.memory_space<vmem>>) target(%dma_start3A_130 : memref<25x128xf32, #tpu.memory_space<vmem_shared>>) target_semaphore(%run_scoped3A : memref<!tpu.dma_semaphore, #tpu.memory_space<semaphore_mem>>)
      %dma_wait3A_131 = arith.constant 0 : i32
      %dma_wait3A_132 = tpu.memref_slice %arg6[%add3A_70, %dma_wait3A_131] : memref<10000x128xf32, #tpu.memory_space<vmem_shared>> -> memref<25x128xf32, #tpu.memory_space<vmem_shared>>
      %dma_wait3A_133 = arith.constant 0 : i32
      %dma_wait3A_134 = tpu.memref_slice %arg6[%add3A_70, %dma_wait3A_133] : memref<10000x128xf32, #tpu.memory_space<vmem_shared>> -> memref<25x128xf32, #tpu.memory_space<vmem_shared>>
      tpu.wait_dma2 semaphore(%run_scoped3A : memref<!tpu.dma_semaphore, #tpu.memory_space<semaphore_mem>>) src(%arg15 : memref<25x128xf32, #tpu.memory_space<vmem>>) dst(%dma_wait3A_134 : memref<25x128xf32, #tpu.memory_space<vmem_shared>>)
      tpu.yield
    }) : () -> ()
    %mul3A_71 = arith.constant 625 : i32
    %mul3A_72 = arith.muli %arg1, %mul3A_71 : i32
    %add3A_73 = arith.constant 400 : i32
    %add3A_74 = arith.addi %mul3A_72, %add3A_73 : i32
    "tpu.region"() ({
      %run_scoped3A = tpu.sem_alloc : memref<!tpu.dma_semaphore, #tpu.memory_space<semaphore_mem>>
      %dma_start3A_127 = arith.constant 0 : i32
      %dma_start3A_128 = tpu.memref_slice %arg6[%add3A_74, %dma_start3A_127] : memref<10000x128xf32, #tpu.memory_space<vmem_shared>> -> memref<25x128xf32, #tpu.memory_space<vmem_shared>>
      %dma_start3A_129 = arith.constant 0 : i32
      %dma_start3A_130 = tpu.memref_slice %arg6[%add3A_74, %dma_start3A_129] : memref<10000x128xf32, #tpu.memory_space<vmem_shared>> -> memref<25x128xf32, #tpu.memory_space<vmem_shared>>
      tpu.enqueue_dma source(%arg15 : memref<25x128xf32, #tpu.memory_space<vmem>>) target(%dma_start3A_130 : memref<25x128xf32, #tpu.memory_space<vmem_shared>>) target_semaphore(%run_scoped3A : memref<!tpu.dma_semaphore, #tpu.memory_space<semaphore_mem>>)
      %dma_wait3A_131 = arith.constant 0 : i32
      %dma_wait3A_132 = tpu.memref_slice %arg6[%add3A_74, %dma_wait3A_131] : memref<10000x128xf32, #tpu.memory_space<vmem_shared>> -> memref<25x128xf32, #tpu.memory_space<vmem_shared>>
      %dma_wait3A_133 = arith.constant 0 : i32
      %dma_wait3A_134 = tpu.memref_slice %arg6[%add3A_74, %dma_wait3A_133] : memref<10000x128xf32, #tpu.memory_space<vmem_shared>> -> memref<25x128xf32, #tpu.memory_space<vmem_shared>>
      tpu.wait_dma2 semaphore(%run_scoped3A : memref<!tpu.dma_semaphore, #tpu.memory_space<semaphore_mem>>) src(%arg15 : memref<25x128xf32, #tpu.memory_space<vmem>>) dst(%dma_wait3A_134 : memref<25x128xf32, #tpu.memory_space<vmem_shared>>)
      tpu.yield
    }) : () -> ()
    %mul3A_75 = arith.constant 625 : i32
    %mul3A_76 = arith.muli %arg1, %mul3A_75 : i32
    %add3A_77 = arith.constant 425 : i32
    %add3A_78 = arith.addi %mul3A_76, %add3A_77 : i32
    "tpu.region"() ({
      %run_scoped3A = tpu.sem_alloc : memref<!tpu.dma_semaphore, #tpu.memory_space<semaphore_mem>>
      %dma_start3A_127 = arith.constant 0 : i32
      %dma_start3A_128 = tpu.memref_slice %arg6[%add3A_78, %dma_start3A_127] : memref<10000x128xf32, #tpu.memory_space<vmem_shared>> -> memref<25x128xf32, #tpu.memory_space<vmem_shared>>
      %dma_start3A_129 = arith.constant 0 : i32
      %dma_start3A_130 = tpu.memref_slice %arg6[%add3A_78, %dma_start3A_129] : memref<10000x128xf32, #tpu.memory_space<vmem_shared>> -> memref<25x128xf32, #tpu.memory_space<vmem_shared>>
      tpu.enqueue_dma source(%arg15 : memref<25x128xf32, #tpu.memory_space<vmem>>) target(%dma_start3A_130 : memref<25x128xf32, #tpu.memory_space<vmem_shared>>) target_semaphore(%run_scoped3A : memref<!tpu.dma_semaphore, #tpu.memory_space<semaphore_mem>>)
      %dma_wait3A_131 = arith.constant 0 : i32
      %dma_wait3A_132 = tpu.memref_slice %arg6[%add3A_78, %dma_wait3A_131] : memref<10000x128xf32, #tpu.memory_space<vmem_shared>> -> memref<25x128xf32, #tpu.memory_space<vmem_shared>>
      %dma_wait3A_133 = arith.constant 0 : i32
      %dma_wait3A_134 = tpu.memref_slice %arg6[%add3A_78, %dma_wait3A_133] : memref<10000x128xf32, #tpu.memory_space<vmem_shared>> -> memref<25x128xf32, #tpu.memory_space<vmem_shared>>
      tpu.wait_dma2 semaphore(%run_scoped3A : memref<!tpu.dma_semaphore, #tpu.memory_space<semaphore_mem>>) src(%arg15 : memref<25x128xf32, #tpu.memory_space<vmem>>) dst(%dma_wait3A_134 : memref<25x128xf32, #tpu.memory_space<vmem_shared>>)
      tpu.yield
    }) : () -> ()
    %mul3A_79 = arith.constant 625 : i32
    %mul3A_80 = arith.muli %arg1, %mul3A_79 : i32
    %add3A_81 = arith.constant 450 : i32
    %add3A_82 = arith.addi %mul3A_80, %add3A_81 : i32
    "tpu.region"() ({
      %run_scoped3A = tpu.sem_alloc : memref<!tpu.dma_semaphore, #tpu.memory_space<semaphore_mem>>
      %dma_start3A_127 = arith.constant 0 : i32
      %dma_start3A_128 = tpu.memref_slice %arg6[%add3A_82, %dma_start3A_127] : memref<10000x128xf32, #tpu.memory_space<vmem_shared>> -> memref<25x128xf32, #tpu.memory_space<vmem_shared>>
      %dma_start3A_129 = arith.constant 0 : i32
      %dma_start3A_130 = tpu.memref_slice %arg6[%add3A_82, %dma_start3A_129] : memref<10000x128xf32, #tpu.memory_space<vmem_shared>> -> memref<25x128xf32, #tpu.memory_space<vmem_shared>>
      tpu.enqueue_dma source(%arg15 : memref<25x128xf32, #tpu.memory_space<vmem>>) target(%dma_start3A_130 : memref<25x128xf32, #tpu.memory_space<vmem_shared>>) target_semaphore(%run_scoped3A : memref<!tpu.dma_semaphore, #tpu.memory_space<semaphore_mem>>)
      %dma_wait3A_131 = arith.constant 0 : i32
      %dma_wait3A_132 = tpu.memref_slice %arg6[%add3A_82, %dma_wait3A_131] : memref<10000x128xf32, #tpu.memory_space<vmem_shared>> -> memref<25x128xf32, #tpu.memory_space<vmem_shared>>
      %dma_wait3A_133 = arith.constant 0 : i32
      %dma_wait3A_134 = tpu.memref_slice %arg6[%add3A_82, %dma_wait3A_133] : memref<10000x128xf32, #tpu.memory_space<vmem_shared>> -> memref<25x128xf32, #tpu.memory_space<vmem_shared>>
      tpu.wait_dma2 semaphore(%run_scoped3A : memref<!tpu.dma_semaphore, #tpu.memory_space<semaphore_mem>>) src(%arg15 : memref<25x128xf32, #tpu.memory_space<vmem>>) dst(%dma_wait3A_134 : memref<25x128xf32, #tpu.memory_space<vmem_shared>>)
      tpu.yield
    }) : () -> ()
    %mul3A_83 = arith.constant 625 : i32
    %mul3A_84 = arith.muli %arg1, %mul3A_83 : i32
    %add3A_85 = arith.constant 475 : i32
    %add3A_86 = arith.addi %mul3A_84, %add3A_85 : i32
    "tpu.region"() ({
      %run_scoped3A = tpu.sem_alloc : memref<!tpu.dma_semaphore, #tpu.memory_space<semaphore_mem>>
      %dma_start3A_127 = arith.constant 0 : i32
      %dma_start3A_128 = tpu.memref_slice %arg6[%add3A_86, %dma_start3A_127] : memref<10000x128xf32, #tpu.memory_space<vmem_shared>> -> memref<25x128xf32, #tpu.memory_space<vmem_shared>>
      %dma_start3A_129 = arith.constant 0 : i32
      %dma_start3A_130 = tpu.memref_slice %arg6[%add3A_86, %dma_start3A_129] : memref<10000x128xf32, #tpu.memory_space<vmem_shared>> -> memref<25x128xf32, #tpu.memory_space<vmem_shared>>
      tpu.enqueue_dma source(%arg15 : memref<25x128xf32, #tpu.memory_space<vmem>>) target(%dma_start3A_130 : memref<25x128xf32, #tpu.memory_space<vmem_shared>>) target_semaphore(%run_scoped3A : memref<!tpu.dma_semaphore, #tpu.memory_space<semaphore_mem>>)
      %dma_wait3A_131 = arith.constant 0 : i32
      %dma_wait3A_132 = tpu.memref_slice %arg6[%add3A_86, %dma_wait3A_131] : memref<10000x128xf32, #tpu.memory_space<vmem_shared>> -> memref<25x128xf32, #tpu.memory_space<vmem_shared>>
      %dma_wait3A_133 = arith.constant 0 : i32
      %dma_wait3A_134 = tpu.memref_slice %arg6[%add3A_86, %dma_wait3A_133] : memref<10000x128xf32, #tpu.memory_space<vmem_shared>> -> memref<25x128xf32, #tpu.memory_space<vmem_shared>>
      tpu.wait_dma2 semaphore(%run_scoped3A : memref<!tpu.dma_semaphore, #tpu.memory_space<semaphore_mem>>) src(%arg15 : memref<25x128xf32, #tpu.memory_space<vmem>>) dst(%dma_wait3A_134 : memref<25x128xf32, #tpu.memory_space<vmem_shared>>)
      tpu.yield
    }) : () -> ()
    %mul3A_87 = arith.constant 625 : i32
    %mul3A_88 = arith.muli %arg1, %mul3A_87 : i32
    %add3A_89 = arith.constant 500 : i32
    %add3A_90 = arith.addi %mul3A_88, %add3A_89 : i32
    "tpu.region"() ({
      %run_scoped3A = tpu.sem_alloc : memref<!tpu.dma_semaphore, #tpu.memory_space<semaphore_mem>>
      %dma_start3A_127 = arith.constant 0 : i32
      %dma_start3A_128 = tpu.memref_slice %arg6[%add3A_90, %dma_start3A_127] : memref<10000x128xf32, #tpu.memory_space<vmem_shared>> -> memref<25x128xf32, #tpu.memory_space<vmem_shared>>
      %dma_start3A_129 = arith.constant 0 : i32
      %dma_start3A_130 = tpu.memref_slice %arg6[%add3A_90, %dma_start3A_129] : memref<10000x128xf32, #tpu.memory_space<vmem_shared>> -> memref<25x128xf32, #tpu.memory_space<vmem_shared>>
      tpu.enqueue_dma source(%arg15 : memref<25x128xf32, #tpu.memory_space<vmem>>) target(%dma_start3A_130 : memref<25x128xf32, #tpu.memory_space<vmem_shared>>) target_semaphore(%run_scoped3A : memref<!tpu.dma_semaphore, #tpu.memory_space<semaphore_mem>>)
      %dma_wait3A_131 = arith.constant 0 : i32
      %dma_wait3A_132 = tpu.memref_slice %arg6[%add3A_90, %dma_wait3A_131] : memref<10000x128xf32, #tpu.memory_space<vmem_shared>> -> memref<25x128xf32, #tpu.memory_space<vmem_shared>>
      %dma_wait3A_133 = arith.constant 0 : i32
      %dma_wait3A_134 = tpu.memref_slice %arg6[%add3A_90, %dma_wait3A_133] : memref<10000x128xf32, #tpu.memory_space<vmem_shared>> -> memref<25x128xf32, #tpu.memory_space<vmem_shared>>
      tpu.wait_dma2 semaphore(%run_scoped3A : memref<!tpu.dma_semaphore, #tpu.memory_space<semaphore_mem>>) src(%arg15 : memref<25x128xf32, #tpu.memory_space<vmem>>) dst(%dma_wait3A_134 : memref<25x128xf32, #tpu.memory_space<vmem_shared>>)
      tpu.yield
    }) : () -> ()
    %mul3A_91 = arith.constant 625 : i32
    %mul3A_92 = arith.muli %arg1, %mul3A_91 : i32
    %add3A_93 = arith.constant 525 : i32
    %add3A_94 = arith.addi %mul3A_92, %add3A_93 : i32
    "tpu.region"() ({
      %run_scoped3A = tpu.sem_alloc : memref<!tpu.dma_semaphore, #tpu.memory_space<semaphore_mem>>
      %dma_start3A_127 = arith.constant 0 : i32
      %dma_start3A_128 = tpu.memref_slice %arg6[%add3A_94, %dma_start3A_127] : memref<10000x128xf32, #tpu.memory_space<vmem_shared>> -> memref<25x128xf32, #tpu.memory_space<vmem_shared>>
      %dma_start3A_129 = arith.constant 0 : i32
      %dma_start3A_130 = tpu.memref_slice %arg6[%add3A_94, %dma_start3A_129] : memref<10000x128xf32, #tpu.memory_space<vmem_shared>> -> memref<25x128xf32, #tpu.memory_space<vmem_shared>>
      tpu.enqueue_dma source(%arg15 : memref<25x128xf32, #tpu.memory_space<vmem>>) target(%dma_start3A_130 : memref<25x128xf32, #tpu.memory_space<vmem_shared>>) target_semaphore(%run_scoped3A : memref<!tpu.dma_semaphore, #tpu.memory_space<semaphore_mem>>)
      %dma_wait3A_131 = arith.constant 0 : i32
      %dma_wait3A_132 = tpu.memref_slice %arg6[%add3A_94, %dma_wait3A_131] : memref<10000x128xf32, #tpu.memory_space<vmem_shared>> -> memref<25x128xf32, #tpu.memory_space<vmem_shared>>
      %dma_wait3A_133 = arith.constant 0 : i32
      %dma_wait3A_134 = tpu.memref_slice %arg6[%add3A_94, %dma_wait3A_133] : memref<10000x128xf32, #tpu.memory_space<vmem_shared>> -> memref<25x128xf32, #tpu.memory_space<vmem_shared>>
      tpu.wait_dma2 semaphore(%run_scoped3A : memref<!tpu.dma_semaphore, #tpu.memory_space<semaphore_mem>>) src(%arg15 : memref<25x128xf32, #tpu.memory_space<vmem>>) dst(%dma_wait3A_134 : memref<25x128xf32, #tpu.memory_space<vmem_shared>>)
      tpu.yield
    }) : () -> ()
    %mul3A_95 = arith.constant 625 : i32
    %mul3A_96 = arith.muli %arg1, %mul3A_95 : i32
    %add3A_97 = arith.constant 550 : i32
    %add3A_98 = arith.addi %mul3A_96, %add3A_97 : i32
    "tpu.region"() ({
      %run_scoped3A = tpu.sem_alloc : memref<!tpu.dma_semaphore, #tpu.memory_space<semaphore_mem>>
      %dma_start3A_127 = arith.constant 0 : i32
      %dma_start3A_128 = tpu.memref_slice %arg6[%add3A_98, %dma_start3A_127] : memref<10000x128xf32, #tpu.memory_space<vmem_shared>> -> memref<25x128xf32, #tpu.memory_space<vmem_shared>>
      %dma_start3A_129 = arith.constant 0 : i32
      %dma_start3A_130 = tpu.memref_slice %arg6[%add3A_98, %dma_start3A_129] : memref<10000x128xf32, #tpu.memory_space<vmem_shared>> -> memref<25x128xf32, #tpu.memory_space<vmem_shared>>
      tpu.enqueue_dma source(%arg15 : memref<25x128xf32, #tpu.memory_space<vmem>>) target(%dma_start3A_130 : memref<25x128xf32, #tpu.memory_space<vmem_shared>>) target_semaphore(%run_scoped3A : memref<!tpu.dma_semaphore, #tpu.memory_space<semaphore_mem>>)
      %dma_wait3A_131 = arith.constant 0 : i32
      %dma_wait3A_132 = tpu.memref_slice %arg6[%add3A_98, %dma_wait3A_131] : memref<10000x128xf32, #tpu.memory_space<vmem_shared>> -> memref<25x128xf32, #tpu.memory_space<vmem_shared>>
      %dma_wait3A_133 = arith.constant 0 : i32
      %dma_wait3A_134 = tpu.memref_slice %arg6[%add3A_98, %dma_wait3A_133] : memref<10000x128xf32, #tpu.memory_space<vmem_shared>> -> memref<25x128xf32, #tpu.memory_space<vmem_shared>>
      tpu.wait_dma2 semaphore(%run_scoped3A : memref<!tpu.dma_semaphore, #tpu.memory_space<semaphore_mem>>) src(%arg15 : memref<25x128xf32, #tpu.memory_space<vmem>>) dst(%dma_wait3A_134 : memref<25x128xf32, #tpu.memory_space<vmem_shared>>)
      tpu.yield
    }) : () -> ()
    %mul3A_99 = arith.constant 625 : i32
    %mul3A_100 = arith.muli %arg1, %mul3A_99 : i32
    %add3A_101 = arith.constant 575 : i32
    %add3A_102 = arith.addi %mul3A_100, %add3A_101 : i32
    "tpu.region"() ({
      %run_scoped3A = tpu.sem_alloc : memref<!tpu.dma_semaphore, #tpu.memory_space<semaphore_mem>>
      %dma_start3A_127 = arith.constant 0 : i32
      %dma_start3A_128 = tpu.memref_slice %arg6[%add3A_102, %dma_start3A_127] : memref<10000x128xf32, #tpu.memory_space<vmem_shared>> -> memref<25x128xf32, #tpu.memory_space<vmem_shared>>
      %dma_start3A_129 = arith.constant 0 : i32
      %dma_start3A_130 = tpu.memref_slice %arg6[%add3A_102, %dma_start3A_129] : memref<10000x128xf32, #tpu.memory_space<vmem_shared>> -> memref<25x128xf32, #tpu.memory_space<vmem_shared>>
      tpu.enqueue_dma source(%arg15 : memref<25x128xf32, #tpu.memory_space<vmem>>) target(%dma_start3A_130 : memref<25x128xf32, #tpu.memory_space<vmem_shared>>) target_semaphore(%run_scoped3A : memref<!tpu.dma_semaphore, #tpu.memory_space<semaphore_mem>>)
      %dma_wait3A_131 = arith.constant 0 : i32
      %dma_wait3A_132 = tpu.memref_slice %arg6[%add3A_102, %dma_wait3A_131] : memref<10000x128xf32, #tpu.memory_space<vmem_shared>> -> memref<25x128xf32, #tpu.memory_space<vmem_shared>>
      %dma_wait3A_133 = arith.constant 0 : i32
      %dma_wait3A_134 = tpu.memref_slice %arg6[%add3A_102, %dma_wait3A_133] : memref<10000x128xf32, #tpu.memory_space<vmem_shared>> -> memref<25x128xf32, #tpu.memory_space<vmem_shared>>
      tpu.wait_dma2 semaphore(%run_scoped3A : memref<!tpu.dma_semaphore, #tpu.memory_space<semaphore_mem>>) src(%arg15 : memref<25x128xf32, #tpu.memory_space<vmem>>) dst(%dma_wait3A_134 : memref<25x128xf32, #tpu.memory_space<vmem_shared>>)
      tpu.yield
    }) : () -> ()
    %mul3A_103 = arith.constant 625 : i32
    %mul3A_104 = arith.muli %arg1, %mul3A_103 : i32
    %add3A_105 = arith.constant 600 : i32
    %add3A_106 = arith.addi %mul3A_104, %add3A_105 : i32
    "tpu.region"() ({
      %run_scoped3A = tpu.sem_alloc : memref<!tpu.dma_semaphore, #tpu.memory_space<semaphore_mem>>
      %dma_start3A_127 = arith.constant 0 : i32
      %dma_start3A_128 = tpu.memref_slice %arg6[%add3A_106, %dma_start3A_127] : memref<10000x128xf32, #tpu.memory_space<vmem_shared>> -> memref<25x128xf32, #tpu.memory_space<vmem_shared>>
      %dma_start3A_129 = arith.constant 0 : i32
      %dma_start3A_130 = tpu.memref_slice %arg6[%add3A_106, %dma_start3A_129] : memref<10000x128xf32, #tpu.memory_space<vmem_shared>> -> memref<25x128xf32, #tpu.memory_space<vmem_shared>>
      tpu.enqueue_dma source(%arg15 : memref<25x128xf32, #tpu.memory_space<vmem>>) target(%dma_start3A_130 : memref<25x128xf32, #tpu.memory_space<vmem_shared>>) target_semaphore(%run_scoped3A : memref<!tpu.dma_semaphore, #tpu.memory_space<semaphore_mem>>)
      %dma_wait3A_131 = arith.constant 0 : i32
      %dma_wait3A_132 = tpu.memref_slice %arg6[%add3A_106, %dma_wait3A_131] : memref<10000x128xf32, #tpu.memory_space<vmem_shared>> -> memref<25x128xf32, #tpu.memory_space<vmem_shared>>
      %dma_wait3A_133 = arith.constant 0 : i32
      %dma_wait3A_134 = tpu.memref_slice %arg6[%add3A_106, %dma_wait3A_133] : memref<10000x128xf32, #tpu.memory_space<vmem_shared>> -> memref<25x128xf32, #tpu.memory_space<vmem_shared>>
      tpu.wait_dma2 semaphore(%run_scoped3A : memref<!tpu.dma_semaphore, #tpu.memory_space<semaphore_mem>>) src(%arg15 : memref<25x128xf32, #tpu.memory_space<vmem>>) dst(%dma_wait3A_134 : memref<25x128xf32, #tpu.memory_space<vmem_shared>>)
      tpu.yield
    }) : () -> ()
    %barrier3A = arith.constant 0 : index
    tpu.barrier barrier_id(%barrier3A)
    %mul3A_107 = arith.constant 10000 : i32
    %mul3A_108 = arith.muli %add3A, %mul3A_107 : i32
    %add3A_109 = arith.constant 0 : i32
    %add3A_110 = arith.addi %mul3A_108, %add3A_109 : i32
    "tpu.region"() ({
      %run_scoped3A = tpu.sem_alloc : memref<!tpu.dma_semaphore, #tpu.memory_space<semaphore_mem>>
      %dma_start3A_127 = tpu.memref_slice %arg3[%add3A_110] : memref<320000xi32, #tpu.memory_space<hbm>> -> memref<80xi32, #tpu.memory_space<hbm>>
      %dma_start3A_128 = tpu.memref_slice %arg3[%add3A_110] : memref<320000xi32, #tpu.memory_space<hbm>> -> memref<80xi32, #tpu.memory_space<hbm>>
      tpu.enqueue_dma source(%dma_start3A_128 : memref<80xi32, #tpu.memory_space<hbm>>) target(%arg7 : memref<80xi32, #tpu.memory_space<vmem>>) target_semaphore(%run_scoped3A : memref<!tpu.dma_semaphore, #tpu.memory_space<semaphore_mem>>)
      %dma_wait3A_129 = tpu.memref_slice %arg3[%add3A_110] : memref<320000xi32, #tpu.memory_space<hbm>> -> memref<80xi32, #tpu.memory_space<hbm>>
      %dma_wait3A_130 = tpu.memref_slice %arg3[%add3A_110] : memref<320000xi32, #tpu.memory_space<hbm>> -> memref<80xi32, #tpu.memory_space<hbm>>
      tpu.wait_dma2 semaphore(%run_scoped3A : memref<!tpu.dma_semaphore, #tpu.memory_space<semaphore_mem>>) src(%dma_wait3A_130 : memref<80xi32, #tpu.memory_space<hbm>>) dst(%arg7 : memref<80xi32, #tpu.memory_space<vmem>>)
      tpu.yield
    }) : () -> ()
    %add3A_111 = arith.constant 0 : i32
    %add3A_112 = arith.addi %mul3A_108, %add3A_111 : i32
    "tpu.region"() ({
      %run_scoped3A = tpu.sem_alloc : memref<!tpu.dma_semaphore, #tpu.memory_space<semaphore_mem>>
      %dma_start3A_127 = tpu.memref_slice %arg4[%add3A_112] : memref<320000xi32, #tpu.memory_space<hbm>> -> memref<80xi32, #tpu.memory_space<hbm>>
      %dma_start3A_128 = tpu.memref_slice %arg4[%add3A_112] : memref<320000xi32, #tpu.memory_space<hbm>> -> memref<80xi32, #tpu.memory_space<hbm>>
      tpu.enqueue_dma source(%dma_start3A_128 : memref<80xi32, #tpu.memory_space<hbm>>) target(%arg8 : memref<80xi32, #tpu.memory_space<vmem>>) target_semaphore(%run_scoped3A : memref<!tpu.dma_semaphore, #tpu.memory_space<semaphore_mem>>)
      %dma_wait3A_129 = tpu.memref_slice %arg4[%add3A_112] : memref<320000xi32, #tpu.memory_space<hbm>> -> memref<80xi32, #tpu.memory_space<hbm>>
      %dma_wait3A_130 = tpu.memref_slice %arg4[%add3A_112] : memref<320000xi32, #tpu.memory_space<hbm>> -> memref<80xi32, #tpu.memory_space<hbm>>
      tpu.wait_dma2 semaphore(%run_scoped3A : memref<!tpu.dma_semaphore, #tpu.memory_space<semaphore_mem>>) src(%dma_wait3A_130 : memref<80xi32, #tpu.memory_space<hbm>>) dst(%arg8 : memref<80xi32, #tpu.memory_space<vmem>>)
      tpu.yield
    }) : () -> ()
    %dma_start3A = arith.constant 0 : i32
    %dma_start3A_113 = arith.constant 0 : i32
    %dma_start3A_114 = tpu.memref_slice %arg2[%dma_start3A, %dma_start3A_113] : memref<10000x128xf32, #tpu.memory_space<hbm>> -> memref<10000x128xf32, #tpu.memory_space<hbm>>
    tpu.enqueue_indirect_dma source(%dma_start3A_114 : memref<10000x128xf32, #tpu.memory_space<hbm>>) target(%arg9 : memref<80x128xf32, #tpu.memory_space<vmem>>) offsets(%arg7 : memref<80xi32, #tpu.memory_space<vmem>>) semaphore(%arg10 : memref<!tpu.dma_semaphore, #tpu.memory_space<semaphore_mem>>)
    %scan3A_115 = arith.constant 0 : i32
    %scan3A_116 = arith.constant 0 : i32
    %scan3A_117 = arith.constant 62 : i32
    %scan3A_118 = arith.addi %scan3A_116, %scan3A_117 : i32
    %scan3A_119 = arith.constant 1 : i32
    %scan3A_120 = scf.for %scan3A_127 = %scan3A_116 to %scan3A_118 step %scan3A_119 iter_args(%scan3A_128 = %scan3A_115) -> (i32)  : i32 {
      %mul3A_129 = arith.constant 2 : i32
      %mul3A_130 = arith.muli %mul3A_129, %scan3A_127 : i32
      %add3A_131 = arith.constant 1 : i32
      %add3A_132 = arith.addi %mul3A_130, %add3A_131 : i32
      %mul3A_133 = arith.constant 80 : i32
      %mul3A_134 = arith.muli %add3A_132, %mul3A_133 : i32
      %add3A_135 = arith.addi %mul3A_108, %mul3A_134 : i32
      "tpu.region"() ({
        %run_scoped3A = tpu.sem_alloc : memref<!tpu.dma_semaphore, #tpu.memory_space<semaphore_mem>>
        %dma_start3A_162 = tpu.memref_slice %arg3[%add3A_135] : memref<320000xi32, #tpu.memory_space<hbm>> -> memref<80xi32, #tpu.memory_space<hbm>>
        %dma_start3A_163 = tpu.memref_slice %arg3[%add3A_135] : memref<320000xi32, #tpu.memory_space<hbm>> -> memref<80xi32, #tpu.memory_space<hbm>>
        tpu.enqueue_dma source(%dma_start3A_163 : memref<80xi32, #tpu.memory_space<hbm>>) target(%arg11 : memref<80xi32, #tpu.memory_space<vmem>>) target_semaphore(%run_scoped3A : memref<!tpu.dma_semaphore, #tpu.memory_space<semaphore_mem>>)
        %dma_wait3A_164 = tpu.memref_slice %arg3[%add3A_135] : memref<320000xi32, #tpu.memory_space<hbm>> -> memref<80xi32, #tpu.memory_space<hbm>>
        %dma_wait3A_165 = tpu.memref_slice %arg3[%add3A_135] : memref<320000xi32, #tpu.memory_space<hbm>> -> memref<80xi32, #tpu.memory_space<hbm>>
        tpu.wait_dma2 semaphore(%run_scoped3A : memref<!tpu.dma_semaphore, #tpu.memory_space<semaphore_mem>>) src(%dma_wait3A_165 : memref<80xi32, #tpu.memory_space<hbm>>) dst(%arg11 : memref<80xi32, #tpu.memory_space<vmem>>)
        tpu.yield
      }) : () -> ()
      %mul3A_136 = arith.constant 80 : i32
      %mul3A_137 = arith.muli %add3A_132, %mul3A_136 : i32
      %add3A_138 = arith.addi %mul3A_108, %mul3A_137 : i32
      "tpu.region"() ({
        %run_scoped3A = tpu.sem_alloc : memref<!tpu.dma_semaphore, #tpu.memory_space<semaphore_mem>>
        %dma_start3A_162 = tpu.memref_slice %arg4[%add3A_138] : memref<320000xi32, #tpu.memory_space<hbm>> -> memref<80xi32, #tpu.memory_space<hbm>>
        %dma_start3A_163 = tpu.memref_slice %arg4[%add3A_138] : memref<320000xi32, #tpu.memory_space<hbm>> -> memref<80xi32, #tpu.memory_space<hbm>>
        tpu.enqueue_dma source(%dma_start3A_163 : memref<80xi32, #tpu.memory_space<hbm>>) target(%arg12 : memref<80xi32, #tpu.memory_space<vmem>>) target_semaphore(%run_scoped3A : memref<!tpu.dma_semaphore, #tpu.memory_space<semaphore_mem>>)
        %dma_wait3A_164 = tpu.memref_slice %arg4[%add3A_138] : memref<320000xi32, #tpu.memory_space<hbm>> -> memref<80xi32, #tpu.memory_space<hbm>>
        %dma_wait3A_165 = tpu.memref_slice %arg4[%add3A_138] : memref<320000xi32, #tpu.memory_space<hbm>> -> memref<80xi32, #tpu.memory_space<hbm>>
        tpu.wait_dma2 semaphore(%run_scoped3A : memref<!tpu.dma_semaphore, #tpu.memory_space<semaphore_mem>>) src(%dma_wait3A_165 : memref<80xi32, #tpu.memory_space<hbm>>) dst(%arg12 : memref<80xi32, #tpu.memory_space<vmem>>)
        tpu.yield
      }) : () -> ()
      %dma_start3A_139 = arith.constant 0 : i32
      %dma_start3A_140 = arith.constant 0 : i32
      %dma_start3A_141 = tpu.memref_slice %arg2[%dma_start3A_139, %dma_start3A_140] : memref<10000x128xf32, #tpu.memory_space<hbm>> -> memref<10000x128xf32, #tpu.memory_space<hbm>>
      tpu.enqueue_indirect_dma source(%dma_start3A_141 : memref<10000x128xf32, #tpu.memory_space<hbm>>) target(%arg13 : memref<80x128xf32, #tpu.memory_space<vmem>>) offsets(%arg11 : memref<80xi32, #tpu.memory_space<vmem>>) semaphore(%arg14 : memref<!tpu.dma_semaphore, #tpu.memory_space<semaphore_mem>>)
      %dma_wait3A_142 = arith.constant 0 : i32
      %dma_wait3A_143 = arith.constant 0 : i32
      %dma_wait3A_144 = tpu.memref_slice %arg2[%dma_wait3A_142, %dma_wait3A_143] : memref<10000x128xf32, #tpu.memory_space<hbm>> -> memref<10000x128xf32, #tpu.memory_space<hbm>>
      tpu.wait_indirect_dma semaphore(%arg10 : memref<!tpu.dma_semaphore, #tpu.memory_space<semaphore_mem>>) src(%dma_wait3A_144 : memref<10000x128xf32, #tpu.memory_space<hbm>>) dst(%arg9 : memref<80x128xf32, #tpu.memory_space<vmem>>)
      "tpu.region"() ({
        %run_scoped3A = tpu.sem_alloc : memref<!tpu.dma_semaphore, #tpu.memory_space<semaphore_mem>>
        %dma_start3A_162 = arith.constant 0 : i32
        %dma_start3A_163 = arith.constant 0 : i32
        %dma_start3A_164 = tpu.memref_slice %arg6[%dma_start3A_162, %dma_start3A_163] : memref<10000x128xf32, #tpu.memory_space<vmem_shared>> -> memref<10000x128xf32, #tpu.memory_space<vmem_shared>>
        tpu.enqueue_indirect_dma source(%arg9 : memref<80x128xf32, #tpu.memory_space<vmem>>) target(%dma_start3A_164 : memref<10000x128xf32, #tpu.memory_space<vmem_shared>>) offsets(%arg8 : memref<80xi32, #tpu.memory_space<vmem>>) semaphore(%run_scoped3A : memref<!tpu.dma_semaphore, #tpu.memory_space<semaphore_mem>>) {add = true}
        %dma_wait3A_165 = arith.constant 0 : i32
        %dma_wait3A_166 = arith.constant 0 : i32
        %dma_wait3A_167 = tpu.memref_slice %arg6[%dma_wait3A_165, %dma_wait3A_166] : memref<10000x128xf32, #tpu.memory_space<vmem_shared>> -> memref<10000x128xf32, #tpu.memory_space<vmem_shared>>
        tpu.wait_indirect_dma semaphore(%run_scoped3A : memref<!tpu.dma_semaphore, #tpu.memory_space<semaphore_mem>>) src(%arg9 : memref<80x128xf32, #tpu.memory_space<vmem>>) dst(%dma_wait3A_167 : memref<10000x128xf32, #tpu.memory_space<vmem_shared>>)
        tpu.yield
      }) : () -> ()
      %mul3A_145 = arith.constant 2 : i32
      %mul3A_146 = arith.muli %mul3A_145, %scan3A_127 : i32
      %add3A_147 = arith.constant 2 : i32
      %add3A_148 = arith.addi %mul3A_146, %add3A_147 : i32
      %mul3A_149 = arith.constant 80 : i32
      %mul3A_150 = arith.muli %add3A_148, %mul3A_149 : i32
      %add3A_151 = arith.addi %mul3A_108, %mul3A_150 : i32
      "tpu.region"() ({
        %run_scoped3A = tpu.sem_alloc : memref<!tpu.dma_semaphore, #tpu.memory_space<semaphore_mem>>
        %dma_start3A_162 = tpu.memref_slice %arg3[%add3A_151] : memref<320000xi32, #tpu.memory_space<hbm>> -> memref<80xi32, #tpu.memory_space<hbm>>
        %dma_start3A_163 = tpu.memref_slice %arg3[%add3A_151] : memref<320000xi32, #tpu.memory_space<hbm>> -> memref<80xi32, #tpu.memory_space<hbm>>
        tpu.enqueue_dma source(%dma_start3A_163 : memref<80xi32, #tpu.memory_space<hbm>>) target(%arg7 : memref<80xi32, #tpu.memory_space<vmem>>) target_semaphore(%run_scoped3A : memref<!tpu.dma_semaphore, #tpu.memory_space<semaphore_mem>>)
        %dma_wait3A_164 = tpu.memref_slice %arg3[%add3A_151] : memref<320000xi32, #tpu.memory_space<hbm>> -> memref<80xi32, #tpu.memory_space<hbm>>
        %dma_wait3A_165 = tpu.memref_slice %arg3[%add3A_151] : memref<320000xi32, #tpu.memory_space<hbm>> -> memref<80xi32, #tpu.memory_space<hbm>>
        tpu.wait_dma2 semaphore(%run_scoped3A : memref<!tpu.dma_semaphore, #tpu.memory_space<semaphore_mem>>) src(%dma_wait3A_165 : memref<80xi32, #tpu.memory_space<hbm>>) dst(%arg7 : memref<80xi32, #tpu.memory_space<vmem>>)
        tpu.yield
      }) : () -> ()
      %mul3A_152 = arith.constant 80 : i32
      %mul3A_153 = arith.muli %add3A_148, %mul3A_152 : i32
      %add3A_154 = arith.addi %mul3A_108, %mul3A_153 : i32
      "tpu.region"() ({
        %run_scoped3A = tpu.sem_alloc : memref<!tpu.dma_semaphore, #tpu.memory_space<semaphore_mem>>
        %dma_start3A_162 = tpu.memref_slice %arg4[%add3A_154] : memref<320000xi32, #tpu.memory_space<hbm>> -> memref<80xi32, #tpu.memory_space<hbm>>
        %dma_start3A_163 = tpu.memref_slice %arg4[%add3A_154] : memref<320000xi32, #tpu.memory_space<hbm>> -> memref<80xi32, #tpu.memory_space<hbm>>
        tpu.enqueue_dma source(%dma_start3A_163 : memref<80xi32, #tpu.memory_space<hbm>>) target(%arg8 : memref<80xi32, #tpu.memory_space<vmem>>) target_semaphore(%run_scoped3A : memref<!tpu.dma_semaphore, #tpu.memory_space<semaphore_mem>>)
        %dma_wait3A_164 = tpu.memref_slice %arg4[%add3A_154] : memref<320000xi32, #tpu.memory_space<hbm>> -> memref<80xi32, #tpu.memory_space<hbm>>
        %dma_wait3A_165 = tpu.memref_slice %arg4[%add3A_154] : memref<320000xi32, #tpu.memory_space<hbm>> -> memref<80xi32, #tpu.memory_space<hbm>>
        tpu.wait_dma2 semaphore(%run_scoped3A : memref<!tpu.dma_semaphore, #tpu.memory_space<semaphore_mem>>) src(%dma_wait3A_165 : memref<80xi32, #tpu.memory_space<hbm>>) dst(%arg8 : memref<80xi32, #tpu.memory_space<vmem>>)
        tpu.yield
      }) : () -> ()
      %dma_start3A_155 = arith.constant 0 : i32
      %dma_start3A_156 = arith.constant 0 : i32
      %dma_start3A_157 = tpu.memref_slice %arg2[%dma_start3A_155, %dma_start3A_156] : memref<10000x128xf32, #tpu.memory_space<hbm>> -> memref<10000x128xf32, #tpu.memory_space<hbm>>
      tpu.enqueue_indirect_dma source(%dma_start3A_157 : memref<10000x128xf32, #tpu.memory_space<hbm>>) target(%arg9 : memref<80x128xf32, #tpu.memory_space<vmem>>) offsets(%arg7 : memref<80xi32, #tpu.memory_space<vmem>>) semaphore(%arg10 : memref<!tpu.dma_semaphore, #tpu.memory_space<semaphore_mem>>)
      %dma_wait3A_158 = arith.constant 0 : i32
      %dma_wait3A_159 = arith.constant 0 : i32
      %dma_wait3A_160 = tpu.memref_slice %arg2[%dma_wait3A_158, %dma_wait3A_159] : memref<10000x128xf32, #tpu.memory_space<hbm>> -> memref<10000x128xf32, #tpu.memory_space<hbm>>
      tpu.wait_indirect_dma semaphore(%arg14 : memref<!tpu.dma_semaphore, #tpu.memory_space<semaphore_mem>>) src(%dma_wait3A_160 : memref<10000x128xf32, #tpu.memory_space<hbm>>) dst(%arg13 : memref<80x128xf32, #tpu.memory_space<vmem>>)
      "tpu.region"() ({
        %run_scoped3A = tpu.sem_alloc : memref<!tpu.dma_semaphore, #tpu.memory_space<semaphore_mem>>
        %dma_start3A_162 = arith.constant 0 : i32
        %dma_start3A_163 = arith.constant 0 : i32
        %dma_start3A_164 = tpu.memref_slice %arg6[%dma_start3A_162, %dma_start3A_163] : memref<10000x128xf32, #tpu.memory_space<vmem_shared>> -> memref<10000x128xf32, #tpu.memory_space<vmem_shared>>
        tpu.enqueue_indirect_dma source(%arg13 : memref<80x128xf32, #tpu.memory_space<vmem>>) target(%dma_start3A_164 : memref<10000x128xf32, #tpu.memory_space<vmem_shared>>) offsets(%arg12 : memref<80xi32, #tpu.memory_space<vmem>>) semaphore(%run_scoped3A : memref<!tpu.dma_semaphore, #tpu.memory_space<semaphore_mem>>) {add = true}
        %dma_wait3A_165 = arith.constant 0 : i32
        %dma_wait3A_166 = arith.constant 0 : i32
        %dma_wait3A_167 = tpu.memref_slice %arg6[%dma_wait3A_165, %dma_wait3A_166] : memref<10000x128xf32, #tpu.memory_space<vmem_shared>> -> memref<10000x128xf32, #tpu.memory_space<vmem_shared>>
        tpu.wait_indirect_dma semaphore(%run_scoped3A : memref<!tpu.dma_semaphore, #tpu.memory_space<semaphore_mem>>) src(%arg13 : memref<80x128xf32, #tpu.memory_space<vmem>>) dst(%dma_wait3A_167 : memref<10000x128xf32, #tpu.memory_space<vmem_shared>>)
        tpu.yield
      }) : () -> ()
      %scan3A_161 = arith.constant 0 : i32
      scf.yield %scan3A_161 : i32
    }
    %scan3A_121 = arith.constant 62 : i32
    %dma_wait3A = arith.constant 0 : i32
    %dma_wait3A_122 = arith.constant 0 : i32
    %dma_wait3A_123 = tpu.memref_slice %arg2[%dma_wait3A, %dma_wait3A_122] : memref<10000x128xf32, #tpu.memory_space<hbm>> -> memref<10000x128xf32, #tpu.memory_space<hbm>>
    tpu.wait_indirect_dma semaphore(%arg10 : memref<!tpu.dma_semaphore, #tpu.memory_space<semaphore_mem>>) src(%dma_wait3A_123 : memref<10000x128xf32, #tpu.memory_space<hbm>>) dst(%arg9 : memref<80x128xf32, #tpu.memory_space<vmem>>)
    "tpu.region"() ({
      %run_scoped3A = tpu.sem_alloc : memref<!tpu.dma_semaphore, #tpu.memory_space<semaphore_mem>>
      %dma_start3A_127 = arith.constant 0 : i32
      %dma_start3A_128 = arith.constant 0 : i32
      %dma_start3A_129 = tpu.memref_slice %arg6[%dma_start3A_127, %dma_start3A_128] : memref<10000x128xf32, #tpu.memory_space<vmem_shared>> -> memref<10000x128xf32, #tpu.memory_space<vmem_shared>>
      tpu.enqueue_indirect_dma source(%arg9 : memref<80x128xf32, #tpu.memory_space<vmem>>) target(%dma_start3A_129 : memref<10000x128xf32, #tpu.memory_space<vmem_shared>>) offsets(%arg8 : memref<80xi32, #tpu.memory_space<vmem>>) semaphore(%run_scoped3A : memref<!tpu.dma_semaphore, #tpu.memory_space<semaphore_mem>>) {add = true}
      %dma_wait3A_130 = arith.constant 0 : i32
      %dma_wait3A_131 = arith.constant 0 : i32
      %dma_wait3A_132 = tpu.memref_slice %arg6[%dma_wait3A_130, %dma_wait3A_131] : memref<10000x128xf32, #tpu.memory_space<vmem_shared>> -> memref<10000x128xf32, #tpu.memory_space<vmem_shared>>
      tpu.wait_indirect_dma semaphore(%run_scoped3A : memref<!tpu.dma_semaphore, #tpu.memory_space<semaphore_mem>>) src(%arg9 : memref<80x128xf32, #tpu.memory_space<vmem>>) dst(%dma_wait3A_132 : memref<10000x128xf32, #tpu.memory_space<vmem_shared>>)
      tpu.yield
    }) : () -> ()
    %barrier3A_124 = arith.constant 0 : index
    tpu.barrier barrier_id(%barrier3A_124)
    %eq3A = arith.constant 0 : i32
    %eq3A_125 = arith.cmpi eq, %arg1, %eq3A : i32
    %convert_element_type3A = arith.extui %eq3A_125 : i1 to i32
    %cond3A = arith.constant 0 : i32
    %cond3A_126 = arith.cmpi ne, %convert_element_type3A, %cond3A : i32
    scf.if %cond3A_126 {
      "tpu.region"() ({
        %run_scoped3A = tpu.sem_alloc : memref<!tpu.dma_semaphore, #tpu.memory_space<semaphore_mem>>
        %dma_start3A_127 = arith.constant 0 : i32
        %dma_start3A_128 = arith.constant 0 : i32
        %dma_start3A_129 = tpu.memref_slice %arg5[%arg0, %dma_start3A_127, %dma_start3A_128] : memref<2x10000x128xf32, #tpu.memory_space<hbm>> -> memref<1x10000x128xf32, #tpu.memory_space<hbm>>
        %dma_start3A_130 = tpu.memref_squeeze %dma_start3A_129 : memref<1x10000x128xf32, #tpu.memory_space<hbm>> -> memref<10000x128xf32, #tpu.memory_space<hbm>>
        tpu.enqueue_dma source(%arg6 : memref<10000x128xf32, #tpu.memory_space<vmem_shared>>) target(%dma_start3A_130 : memref<10000x128xf32, #tpu.memory_space<hbm>>) target_semaphore(%run_scoped3A : memref<!tpu.dma_semaphore, #tpu.memory_space<semaphore_mem>>)
        %dma_wait3A_131 = arith.constant 0 : i32
        %dma_wait3A_132 = arith.constant 0 : i32
        %dma_wait3A_133 = tpu.memref_slice %arg5[%arg0, %dma_wait3A_131, %dma_wait3A_132] : memref<2x10000x128xf32, #tpu.memory_space<hbm>> -> memref<1x10000x128xf32, #tpu.memory_space<hbm>>
        %dma_wait3A_134 = tpu.memref_squeeze %dma_wait3A_133 : memref<1x10000x128xf32, #tpu.memory_space<hbm>> -> memref<10000x128xf32, #tpu.memory_space<hbm>>
        tpu.wait_dma2 semaphore(%run_scoped3A : memref<!tpu.dma_semaphore, #tpu.memory_space<semaphore_mem>>) src(%arg6 : memref<10000x128xf32, #tpu.memory_space<vmem_shared>>) dst(%dma_wait3A_134 : memref<10000x128xf32, #tpu.memory_space<hbm>>)
        tpu.yield
      }) : () -> ()
    } else {
    }
    return
  }
}

#map = affine_map<(d0, d1) -> (0)>
#map1 = affine_map<(d0, d1) -> (0, 0, 0)>
module attributes {stable_mosaic.version = 14 : i64} {
  func.func @_sc_deg_body(%arg0: i32, %arg1: i32, %arg2: memref<320000xi32, #tpu.memory_space<hbm>>, %arg3: memref<2x10000x128xf32, #tpu.memory_space<hbm>>, %arg4: memref<10000x128xf32, #tpu.memory_space<vmem_shared>>, %arg5: memref<80xi32, #tpu.memory_space<vmem>>, %arg6: memref<80xi32, #tpu.memory_space<vmem>>, %arg7: memref<80x128xf32, #tpu.memory_space<vmem>>, %arg8: memref<25x128xf32, #tpu.memory_space<vmem>>, %arg9: memref<!tpu.dma_semaphore, #tpu.memory_space<semaphore_mem>>, %arg10: memref<!tpu.dma_semaphore, #tpu.memory_space<semaphore_mem>>) attributes {dimension_semantics = [#tpu.dimension_semantics<core_parallel>, #tpu.dimension_semantics<subcore_parallel>], iteration_bounds = array<i64: 2, 16>, scalar_prefetch = 0 : i64, scratch_operands = 7 : i64, tpu.core_type = #tpu.core_type<sc_vector_subcore>, window_params = [{transform_indices = #map}, {transform_indices = #map1}]} {
    %mul3A = arith.constant 16 : i32
    %mul3A_0 = arith.muli %arg0, %mul3A : i32
    %add3A = arith.addi %mul3A_0, %arg1 : i32
    %scan3A = arith.constant 0 : i32
    %scan3A_1 = arith.constant 0 : i32
    %scan3A_2 = arith.constant 25 : i32
    %scan3A_3 = arith.addi %scan3A_1, %scan3A_2 : i32
    %scan3A_4 = arith.constant 1 : i32
    %scan3A_5 = scf.for %scan3A_128 = %scan3A_1 to %scan3A_3 step %scan3A_4 iter_args(%scan3A_129 = %scan3A) -> (i32)  : i32 {
      %broadcast_in_dim3A = arith.constant 0.000000e+00 : f32
      %broadcast_in_dim3A_130 = vector.broadcast %broadcast_in_dim3A : f32 to vector<16xf32>
      %swap3A = arith.index_cast %scan3A_128 : i32 to index
      %swap3A_131 = arith.constant 0 : index
      %swap3A_132 = tpu.vector_load %arg8[%swap3A, %swap3A_131] {strides = array<i32>} : memref<25x128xf32, #tpu.memory_space<vmem>>, vector<1x16xf32>,
      %swap3A_133 = vector.shape_cast %swap3A_132 : vector<1x16xf32> to vector<16xf32>
      %swap3A_134 = vector.shape_cast %broadcast_in_dim3A_130 : vector<16xf32> to vector<1x16xf32>
      tpu.vector_store %arg8[%swap3A, %swap3A_131], %swap3A_134 {strides = array<i32>} : memref<25x128xf32, #tpu.memory_space<vmem>>, vector<1x16xf32>,
      %broadcast_in_dim3A_135 = arith.constant 0.000000e+00 : f32
      %broadcast_in_dim3A_136 = vector.broadcast %broadcast_in_dim3A_135 : f32 to vector<16xf32>
      %swap3A_137 = arith.index_cast %scan3A_128 : i32 to index
      %swap3A_138 = arith.constant 16 : index
      %swap3A_139 = tpu.vector_load %arg8[%swap3A_137, %swap3A_138] {strides = array<i32>} : memref<25x128xf32, #tpu.memory_space<vmem>>, vector<1x16xf32>,
      %swap3A_140 = vector.shape_cast %swap3A_139 : vector<1x16xf32> to vector<16xf32>
      %swap3A_141 = vector.shape_cast %broadcast_in_dim3A_136 : vector<16xf32> to vector<1x16xf32>
      tpu.vector_store %arg8[%swap3A_137, %swap3A_138], %swap3A_141 {strides = array<i32>} : memref<25x128xf32, #tpu.memory_space<vmem>>, vector<1x16xf32>,
      %broadcast_in_dim3A_142 = arith.constant 0.000000e+00 : f32
      %broadcast_in_dim3A_143 = vector.broadcast %broadcast_in_dim3A_142 : f32 to vector<16xf32>
      %swap3A_144 = arith.index_cast %scan3A_128 : i32 to index
      %swap3A_145 = arith.constant 32 : index
      %swap3A_146 = tpu.vector_load %arg8[%swap3A_144, %swap3A_145] {strides = array<i32>} : memref<25x128xf32, #tpu.memory_space<vmem>>, vector<1x16xf32>,
      %swap3A_147 = vector.shape_cast %swap3A_146 : vector<1x16xf32> to vector<16xf32>
      %swap3A_148 = vector.shape_cast %broadcast_in_dim3A_143 : vector<16xf32> to vector<1x16xf32>
      tpu.vector_store %arg8[%swap3A_144, %swap3A_145], %swap3A_148 {strides = array<i32>} : memref<25x128xf32, #tpu.memory_space<vmem>>, vector<1x16xf32>,
      %broadcast_in_dim3A_149 = arith.constant 0.000000e+00 : f32
      %broadcast_in_dim3A_150 = vector.broadcast %broadcast_in_dim3A_149 : f32 to vector<16xf32>
      %swap3A_151 = arith.index_cast %scan3A_128 : i32 to index
      %swap3A_152 = arith.constant 48 : index
      %swap3A_153 = tpu.vector_load %arg8[%swap3A_151, %swap3A_152] {strides = array<i32>} : memref<25x128xf32, #tpu.memory_space<vmem>>, vector<1x16xf32>,
      %swap3A_154 = vector.shape_cast %swap3A_153 : vector<1x16xf32> to vector<16xf32>
      %swap3A_155 = vector.shape_cast %broadcast_in_dim3A_150 : vector<16xf32> to vector<1x16xf32>
      tpu.vector_store %arg8[%swap3A_151, %swap3A_152], %swap3A_155 {strides = array<i32>} : memref<25x128xf32, #tpu.memory_space<vmem>>, vector<1x16xf32>,
      %broadcast_in_dim3A_156 = arith.constant 0.000000e+00 : f32
      %broadcast_in_dim3A_157 = vector.broadcast %broadcast_in_dim3A_156 : f32 to vector<16xf32>
      %swap3A_158 = arith.index_cast %scan3A_128 : i32 to index
      %swap3A_159 = arith.constant 64 : index
      %swap3A_160 = tpu.vector_load %arg8[%swap3A_158, %swap3A_159] {strides = array<i32>} : memref<25x128xf32, #tpu.memory_space<vmem>>, vector<1x16xf32>,
      %swap3A_161 = vector.shape_cast %swap3A_160 : vector<1x16xf32> to vector<16xf32>
      %swap3A_162 = vector.shape_cast %broadcast_in_dim3A_157 : vector<16xf32> to vector<1x16xf32>
      tpu.vector_store %arg8[%swap3A_158, %swap3A_159], %swap3A_162 {strides = array<i32>} : memref<25x128xf32, #tpu.memory_space<vmem>>, vector<1x16xf32>,
      %broadcast_in_dim3A_163 = arith.constant 0.000000e+00 : f32
      %broadcast_in_dim3A_164 = vector.broadcast %broadcast_in_dim3A_163 : f32 to vector<16xf32>
      %swap3A_165 = arith.index_cast %scan3A_128 : i32 to index
      %swap3A_166 = arith.constant 80 : index
      %swap3A_167 = tpu.vector_load %arg8[%swap3A_165, %swap3A_166] {strides = array<i32>} : memref<25x128xf32, #tpu.memory_space<vmem>>, vector<1x16xf32>,
      %swap3A_168 = vector.shape_cast %swap3A_167 : vector<1x16xf32> to vector<16xf32>
      %swap3A_169 = vector.shape_cast %broadcast_in_dim3A_164 : vector<16xf32> to vector<1x16xf32>
      tpu.vector_store %arg8[%swap3A_165, %swap3A_166], %swap3A_169 {strides = array<i32>} : memref<25x128xf32, #tpu.memory_space<vmem>>, vector<1x16xf32>,
      %broadcast_in_dim3A_170 = arith.constant 0.000000e+00 : f32
      %broadcast_in_dim3A_171 = vector.broadcast %broadcast_in_dim3A_170 : f32 to vector<16xf32>
      %swap3A_172 = arith.index_cast %scan3A_128 : i32 to index
      %swap3A_173 = arith.constant 96 : index
      %swap3A_174 = tpu.vector_load %arg8[%swap3A_172, %swap3A_173] {strides = array<i32>} : memref<25x128xf32, #tpu.memory_space<vmem>>, vector<1x16xf32>,
      %swap3A_175 = vector.shape_cast %swap3A_174 : vector<1x16xf32> to vector<16xf32>
      %swap3A_176 = vector.shape_cast %broadcast_in_dim3A_171 : vector<16xf32> to vector<1x16xf32>
      tpu.vector_store %arg8[%swap3A_172, %swap3A_173], %swap3A_176 {strides = array<i32>} : memref<25x128xf32, #tpu.memory_space<vmem>>, vector<1x16xf32>,
      %broadcast_in_dim3A_177 = arith.constant 0.000000e+00 : f32
      %broadcast_in_dim3A_178 = vector.broadcast %broadcast_in_dim3A_177 : f32 to vector<16xf32>
      %swap3A_179 = arith.index_cast %scan3A_128 : i32 to index
      %swap3A_180 = arith.constant 112 : index
      %swap3A_181 = tpu.vector_load %arg8[%swap3A_179, %swap3A_180] {strides = array<i32>} : memref<25x128xf32, #tpu.memory_space<vmem>>, vector<1x16xf32>,
      %swap3A_182 = vector.shape_cast %swap3A_181 : vector<1x16xf32> to vector<16xf32>
      %swap3A_183 = vector.shape_cast %broadcast_in_dim3A_178 : vector<16xf32> to vector<1x16xf32>
      tpu.vector_store %arg8[%swap3A_179, %swap3A_180], %swap3A_183 {strides = array<i32>} : memref<25x128xf32, #tpu.memory_space<vmem>>, vector<1x16xf32>,
      %scan3A_184 = arith.constant 0 : i32
      scf.yield %scan3A_184 : i32
    }
    %scan3A_6 = arith.constant 25 : i32
    %scan3A_7 = arith.constant 0 : i32
    %scan3A_8 = arith.constant 0 : i32
    %scan3A_9 = arith.constant 80 : i32
    %scan3A_10 = arith.addi %scan3A_8, %scan3A_9 : i32
    %scan3A_11 = arith.constant 1 : i32
    %scan3A_12 = scf.for %scan3A_128 = %scan3A_8 to %scan3A_10 step %scan3A_11 iter_args(%scan3A_129 = %scan3A_7) -> (i32)  : i32 {
      %broadcast_in_dim3A = arith.constant 1.000000e+00 : f32
      %broadcast_in_dim3A_130 = vector.broadcast %broadcast_in_dim3A : f32 to vector<16xf32>
      %swap3A = arith.index_cast %scan3A_128 : i32 to index
      %swap3A_131 = arith.constant 0 : index
      %swap3A_132 = tpu.vector_load %arg7[%swap3A, %swap3A_131] {strides = array<i32>} : memref<80x128xf32, #tpu.memory_space<vmem>>, vector<1x16xf32>,
      %swap3A_133 = vector.shape_cast %swap3A_132 : vector<1x16xf32> to vector<16xf32>
      %swap3A_134 = vector.shape_cast %broadcast_in_dim3A_130 : vector<16xf32> to vector<1x16xf32>
      tpu.vector_store %arg7[%swap3A, %swap3A_131], %swap3A_134 {strides = array<i32>} : memref<80x128xf32, #tpu.memory_space<vmem>>, vector<1x16xf32>,
      %broadcast_in_dim3A_135 = arith.constant 1.000000e+00 : f32
      %broadcast_in_dim3A_136 = vector.broadcast %broadcast_in_dim3A_135 : f32 to vector<16xf32>
      %swap3A_137 = arith.index_cast %scan3A_128 : i32 to index
      %swap3A_138 = arith.constant 16 : index
      %swap3A_139 = tpu.vector_load %arg7[%swap3A_137, %swap3A_138] {strides = array<i32>} : memref<80x128xf32, #tpu.memory_space<vmem>>, vector<1x16xf32>,
      %swap3A_140 = vector.shape_cast %swap3A_139 : vector<1x16xf32> to vector<16xf32>
      %swap3A_141 = vector.shape_cast %broadcast_in_dim3A_136 : vector<16xf32> to vector<1x16xf32>
      tpu.vector_store %arg7[%swap3A_137, %swap3A_138], %swap3A_141 {strides = array<i32>} : memref<80x128xf32, #tpu.memory_space<vmem>>, vector<1x16xf32>,
      %broadcast_in_dim3A_142 = arith.constant 1.000000e+00 : f32
      %broadcast_in_dim3A_143 = vector.broadcast %broadcast_in_dim3A_142 : f32 to vector<16xf32>
      %swap3A_144 = arith.index_cast %scan3A_128 : i32 to index
      %swap3A_145 = arith.constant 32 : index
      %swap3A_146 = tpu.vector_load %arg7[%swap3A_144, %swap3A_145] {strides = array<i32>} : memref<80x128xf32, #tpu.memory_space<vmem>>, vector<1x16xf32>,
      %swap3A_147 = vector.shape_cast %swap3A_146 : vector<1x16xf32> to vector<16xf32>
      %swap3A_148 = vector.shape_cast %broadcast_in_dim3A_143 : vector<16xf32> to vector<1x16xf32>
      tpu.vector_store %arg7[%swap3A_144, %swap3A_145], %swap3A_148 {strides = array<i32>} : memref<80x128xf32, #tpu.memory_space<vmem>>, vector<1x16xf32>,
      %broadcast_in_dim3A_149 = arith.constant 1.000000e+00 : f32
      %broadcast_in_dim3A_150 = vector.broadcast %broadcast_in_dim3A_149 : f32 to vector<16xf32>
      %swap3A_151 = arith.index_cast %scan3A_128 : i32 to index
      %swap3A_152 = arith.constant 48 : index
      %swap3A_153 = tpu.vector_load %arg7[%swap3A_151, %swap3A_152] {strides = array<i32>} : memref<80x128xf32, #tpu.memory_space<vmem>>, vector<1x16xf32>,
      %swap3A_154 = vector.shape_cast %swap3A_153 : vector<1x16xf32> to vector<16xf32>
      %swap3A_155 = vector.shape_cast %broadcast_in_dim3A_150 : vector<16xf32> to vector<1x16xf32>
      tpu.vector_store %arg7[%swap3A_151, %swap3A_152], %swap3A_155 {strides = array<i32>} : memref<80x128xf32, #tpu.memory_space<vmem>>, vector<1x16xf32>,
      %broadcast_in_dim3A_156 = arith.constant 1.000000e+00 : f32
      %broadcast_in_dim3A_157 = vector.broadcast %broadcast_in_dim3A_156 : f32 to vector<16xf32>
      %swap3A_158 = arith.index_cast %scan3A_128 : i32 to index
      %swap3A_159 = arith.constant 64 : index
      %swap3A_160 = tpu.vector_load %arg7[%swap3A_158, %swap3A_159] {strides = array<i32>} : memref<80x128xf32, #tpu.memory_space<vmem>>, vector<1x16xf32>,
      %swap3A_161 = vector.shape_cast %swap3A_160 : vector<1x16xf32> to vector<16xf32>
      %swap3A_162 = vector.shape_cast %broadcast_in_dim3A_157 : vector<16xf32> to vector<1x16xf32>
      tpu.vector_store %arg7[%swap3A_158, %swap3A_159], %swap3A_162 {strides = array<i32>} : memref<80x128xf32, #tpu.memory_space<vmem>>, vector<1x16xf32>,
      %broadcast_in_dim3A_163 = arith.constant 1.000000e+00 : f32
      %broadcast_in_dim3A_164 = vector.broadcast %broadcast_in_dim3A_163 : f32 to vector<16xf32>
      %swap3A_165 = arith.index_cast %scan3A_128 : i32 to index
      %swap3A_166 = arith.constant 80 : index
      %swap3A_167 = tpu.vector_load %arg7[%swap3A_165, %swap3A_166] {strides = array<i32>} : memref<80x128xf32, #tpu.memory_space<vmem>>, vector<1x16xf32>,
      %swap3A_168 = vector.shape_cast %swap3A_167 : vector<1x16xf32> to vector<16xf32>
      %swap3A_169 = vector.shape_cast %broadcast_in_dim3A_164 : vector<16xf32> to vector<1x16xf32>
      tpu.vector_store %arg7[%swap3A_165, %swap3A_166], %swap3A_169 {strides = array<i32>} : memref<80x128xf32, #tpu.memory_space<vmem>>, vector<1x16xf32>,
      %broadcast_in_dim3A_170 = arith.constant 1.000000e+00 : f32
      %broadcast_in_dim3A_171 = vector.broadcast %broadcast_in_dim3A_170 : f32 to vector<16xf32>
      %swap3A_172 = arith.index_cast %scan3A_128 : i32 to index
      %swap3A_173 = arith.constant 96 : index
      %swap3A_174 = tpu.vector_load %arg7[%swap3A_172, %swap3A_173] {strides = array<i32>} : memref<80x128xf32, #tpu.memory_space<vmem>>, vector<1x16xf32>,
      %swap3A_175 = vector.shape_cast %swap3A_174 : vector<1x16xf32> to vector<16xf32>
      %swap3A_176 = vector.shape_cast %broadcast_in_dim3A_171 : vector<16xf32> to vector<1x16xf32>
      tpu.vector_store %arg7[%swap3A_172, %swap3A_173], %swap3A_176 {strides = array<i32>} : memref<80x128xf32, #tpu.memory_space<vmem>>, vector<1x16xf32>,
      %broadcast_in_dim3A_177 = arith.constant 1.000000e+00 : f32
      %broadcast_in_dim3A_178 = vector.broadcast %broadcast_in_dim3A_177 : f32 to vector<16xf32>
      %swap3A_179 = arith.index_cast %scan3A_128 : i32 to index
      %swap3A_180 = arith.constant 112 : index
      %swap3A_181 = tpu.vector_load %arg7[%swap3A_179, %swap3A_180] {strides = array<i32>} : memref<80x128xf32, #tpu.memory_space<vmem>>, vector<1x16xf32>,
      %swap3A_182 = vector.shape_cast %swap3A_181 : vector<1x16xf32> to vector<16xf32>
      %swap3A_183 = vector.shape_cast %broadcast_in_dim3A_178 : vector<16xf32> to vector<1x16xf32>
      tpu.vector_store %arg7[%swap3A_179, %swap3A_180], %swap3A_183 {strides = array<i32>} : memref<80x128xf32, #tpu.memory_space<vmem>>, vector<1x16xf32>,
      %scan3A_184 = arith.constant 0 : i32
      scf.yield %scan3A_184 : i32
    }
    %scan3A_13 = arith.constant 80 : i32
    %mul3A_14 = arith.constant 625 : i32
    %mul3A_15 = arith.muli %arg1, %mul3A_14 : i32
    %add3A_16 = arith.constant 0 : i32
    %add3A_17 = arith.addi %mul3A_15, %add3A_16 : i32
    "tpu.region"() ({
      %run_scoped3A = tpu.sem_alloc : memref<!tpu.dma_semaphore, #tpu.memory_space<semaphore_mem>>
      %dma_start3A_128 = arith.constant 0 : i32
      %dma_start3A_129 = tpu.memref_slice %arg4[%add3A_17, %dma_start3A_128] : memref<10000x128xf32, #tpu.memory_space<vmem_shared>> -> memref<25x128xf32, #tpu.memory_space<vmem_shared>>
      %dma_start3A_130 = arith.constant 0 : i32
      %dma_start3A_131 = tpu.memref_slice %arg4[%add3A_17, %dma_start3A_130] : memref<10000x128xf32, #tpu.memory_space<vmem_shared>> -> memref<25x128xf32, #tpu.memory_space<vmem_shared>>
      tpu.enqueue_dma source(%arg8 : memref<25x128xf32, #tpu.memory_space<vmem>>) target(%dma_start3A_131 : memref<25x128xf32, #tpu.memory_space<vmem_shared>>) target_semaphore(%run_scoped3A : memref<!tpu.dma_semaphore, #tpu.memory_space<semaphore_mem>>)
      %dma_wait3A_132 = arith.constant 0 : i32
      %dma_wait3A_133 = tpu.memref_slice %arg4[%add3A_17, %dma_wait3A_132] : memref<10000x128xf32, #tpu.memory_space<vmem_shared>> -> memref<25x128xf32, #tpu.memory_space<vmem_shared>>
      %dma_wait3A_134 = arith.constant 0 : i32
      %dma_wait3A_135 = tpu.memref_slice %arg4[%add3A_17, %dma_wait3A_134] : memref<10000x128xf32, #tpu.memory_space<vmem_shared>> -> memref<25x128xf32, #tpu.memory_space<vmem_shared>>
      tpu.wait_dma2 semaphore(%run_scoped3A : memref<!tpu.dma_semaphore, #tpu.memory_space<semaphore_mem>>) src(%arg8 : memref<25x128xf32, #tpu.memory_space<vmem>>) dst(%dma_wait3A_135 : memref<25x128xf32, #tpu.memory_space<vmem_shared>>)
      tpu.yield
    }) : () -> ()
    %mul3A_18 = arith.constant 625 : i32
    %mul3A_19 = arith.muli %arg1, %mul3A_18 : i32
    %add3A_20 = arith.constant 25 : i32
    %add3A_21 = arith.addi %mul3A_19, %add3A_20 : i32
    "tpu.region"() ({
      %run_scoped3A = tpu.sem_alloc : memref<!tpu.dma_semaphore, #tpu.memory_space<semaphore_mem>>
      %dma_start3A_128 = arith.constant 0 : i32
      %dma_start3A_129 = tpu.memref_slice %arg4[%add3A_21, %dma_start3A_128] : memref<10000x128xf32, #tpu.memory_space<vmem_shared>> -> memref<25x128xf32, #tpu.memory_space<vmem_shared>>
      %dma_start3A_130 = arith.constant 0 : i32
      %dma_start3A_131 = tpu.memref_slice %arg4[%add3A_21, %dma_start3A_130] : memref<10000x128xf32, #tpu.memory_space<vmem_shared>> -> memref<25x128xf32, #tpu.memory_space<vmem_shared>>
      tpu.enqueue_dma source(%arg8 : memref<25x128xf32, #tpu.memory_space<vmem>>) target(%dma_start3A_131 : memref<25x128xf32, #tpu.memory_space<vmem_shared>>) target_semaphore(%run_scoped3A : memref<!tpu.dma_semaphore, #tpu.memory_space<semaphore_mem>>)
      %dma_wait3A_132 = arith.constant 0 : i32
      %dma_wait3A_133 = tpu.memref_slice %arg4[%add3A_21, %dma_wait3A_132] : memref<10000x128xf32, #tpu.memory_space<vmem_shared>> -> memref<25x128xf32, #tpu.memory_space<vmem_shared>>
      %dma_wait3A_134 = arith.constant 0 : i32
      %dma_wait3A_135 = tpu.memref_slice %arg4[%add3A_21, %dma_wait3A_134] : memref<10000x128xf32, #tpu.memory_space<vmem_shared>> -> memref<25x128xf32, #tpu.memory_space<vmem_shared>>
      tpu.wait_dma2 semaphore(%run_scoped3A : memref<!tpu.dma_semaphore, #tpu.memory_space<semaphore_mem>>) src(%arg8 : memref<25x128xf32, #tpu.memory_space<vmem>>) dst(%dma_wait3A_135 : memref<25x128xf32, #tpu.memory_space<vmem_shared>>)
      tpu.yield
    }) : () -> ()
    %mul3A_22 = arith.constant 625 : i32
    %mul3A_23 = arith.muli %arg1, %mul3A_22 : i32
    %add3A_24 = arith.constant 50 : i32
    %add3A_25 = arith.addi %mul3A_23, %add3A_24 : i32
    "tpu.region"() ({
      %run_scoped3A = tpu.sem_alloc : memref<!tpu.dma_semaphore, #tpu.memory_space<semaphore_mem>>
      %dma_start3A_128 = arith.constant 0 : i32
      %dma_start3A_129 = tpu.memref_slice %arg4[%add3A_25, %dma_start3A_128] : memref<10000x128xf32, #tpu.memory_space<vmem_shared>> -> memref<25x128xf32, #tpu.memory_space<vmem_shared>>
      %dma_start3A_130 = arith.constant 0 : i32
      %dma_start3A_131 = tpu.memref_slice %arg4[%add3A_25, %dma_start3A_130] : memref<10000x128xf32, #tpu.memory_space<vmem_shared>> -> memref<25x128xf32, #tpu.memory_space<vmem_shared>>
      tpu.enqueue_dma source(%arg8 : memref<25x128xf32, #tpu.memory_space<vmem>>) target(%dma_start3A_131 : memref<25x128xf32, #tpu.memory_space<vmem_shared>>) target_semaphore(%run_scoped3A : memref<!tpu.dma_semaphore, #tpu.memory_space<semaphore_mem>>)
      %dma_wait3A_132 = arith.constant 0 : i32
      %dma_wait3A_133 = tpu.memref_slice %arg4[%add3A_25, %dma_wait3A_132] : memref<10000x128xf32, #tpu.memory_space<vmem_shared>> -> memref<25x128xf32, #tpu.memory_space<vmem_shared>>
      %dma_wait3A_134 = arith.constant 0 : i32
      %dma_wait3A_135 = tpu.memref_slice %arg4[%add3A_25, %dma_wait3A_134] : memref<10000x128xf32, #tpu.memory_space<vmem_shared>> -> memref<25x128xf32, #tpu.memory_space<vmem_shared>>
      tpu.wait_dma2 semaphore(%run_scoped3A : memref<!tpu.dma_semaphore, #tpu.memory_space<semaphore_mem>>) src(%arg8 : memref<25x128xf32, #tpu.memory_space<vmem>>) dst(%dma_wait3A_135 : memref<25x128xf32, #tpu.memory_space<vmem_shared>>)
      tpu.yield
    }) : () -> ()
    %mul3A_26 = arith.constant 625 : i32
    %mul3A_27 = arith.muli %arg1, %mul3A_26 : i32
    %add3A_28 = arith.constant 75 : i32
    %add3A_29 = arith.addi %mul3A_27, %add3A_28 : i32
    "tpu.region"() ({
      %run_scoped3A = tpu.sem_alloc : memref<!tpu.dma_semaphore, #tpu.memory_space<semaphore_mem>>
      %dma_start3A_128 = arith.constant 0 : i32
      %dma_start3A_129 = tpu.memref_slice %arg4[%add3A_29, %dma_start3A_128] : memref<10000x128xf32, #tpu.memory_space<vmem_shared>> -> memref<25x128xf32, #tpu.memory_space<vmem_shared>>
      %dma_start3A_130 = arith.constant 0 : i32
      %dma_start3A_131 = tpu.memref_slice %arg4[%add3A_29, %dma_start3A_130] : memref<10000x128xf32, #tpu.memory_space<vmem_shared>> -> memref<25x128xf32, #tpu.memory_space<vmem_shared>>
      tpu.enqueue_dma source(%arg8 : memref<25x128xf32, #tpu.memory_space<vmem>>) target(%dma_start3A_131 : memref<25x128xf32, #tpu.memory_space<vmem_shared>>) target_semaphore(%run_scoped3A : memref<!tpu.dma_semaphore, #tpu.memory_space<semaphore_mem>>)
      %dma_wait3A_132 = arith.constant 0 : i32
      %dma_wait3A_133 = tpu.memref_slice %arg4[%add3A_29, %dma_wait3A_132] : memref<10000x128xf32, #tpu.memory_space<vmem_shared>> -> memref<25x128xf32, #tpu.memory_space<vmem_shared>>
      %dma_wait3A_134 = arith.constant 0 : i32
      %dma_wait3A_135 = tpu.memref_slice %arg4[%add3A_29, %dma_wait3A_134] : memref<10000x128xf32, #tpu.memory_space<vmem_shared>> -> memref<25x128xf32, #tpu.memory_space<vmem_shared>>
      tpu.wait_dma2 semaphore(%run_scoped3A : memref<!tpu.dma_semaphore, #tpu.memory_space<semaphore_mem>>) src(%arg8 : memref<25x128xf32, #tpu.memory_space<vmem>>) dst(%dma_wait3A_135 : memref<25x128xf32, #tpu.memory_space<vmem_shared>>)
      tpu.yield
    }) : () -> ()
    %mul3A_30 = arith.constant 625 : i32
    %mul3A_31 = arith.muli %arg1, %mul3A_30 : i32
    %add3A_32 = arith.constant 100 : i32
    %add3A_33 = arith.addi %mul3A_31, %add3A_32 : i32
    "tpu.region"() ({
      %run_scoped3A = tpu.sem_alloc : memref<!tpu.dma_semaphore, #tpu.memory_space<semaphore_mem>>
      %dma_start3A_128 = arith.constant 0 : i32
      %dma_start3A_129 = tpu.memref_slice %arg4[%add3A_33, %dma_start3A_128] : memref<10000x128xf32, #tpu.memory_space<vmem_shared>> -> memref<25x128xf32, #tpu.memory_space<vmem_shared>>
      %dma_start3A_130 = arith.constant 0 : i32
      %dma_start3A_131 = tpu.memref_slice %arg4[%add3A_33, %dma_start3A_130] : memref<10000x128xf32, #tpu.memory_space<vmem_shared>> -> memref<25x128xf32, #tpu.memory_space<vmem_shared>>
      tpu.enqueue_dma source(%arg8 : memref<25x128xf32, #tpu.memory_space<vmem>>) target(%dma_start3A_131 : memref<25x128xf32, #tpu.memory_space<vmem_shared>>) target_semaphore(%run_scoped3A : memref<!tpu.dma_semaphore, #tpu.memory_space<semaphore_mem>>)
      %dma_wait3A_132 = arith.constant 0 : i32
      %dma_wait3A_133 = tpu.memref_slice %arg4[%add3A_33, %dma_wait3A_132] : memref<10000x128xf32, #tpu.memory_space<vmem_shared>> -> memref<25x128xf32, #tpu.memory_space<vmem_shared>>
      %dma_wait3A_134 = arith.constant 0 : i32
      %dma_wait3A_135 = tpu.memref_slice %arg4[%add3A_33, %dma_wait3A_134] : memref<10000x128xf32, #tpu.memory_space<vmem_shared>> -> memref<25x128xf32, #tpu.memory_space<vmem_shared>>
      tpu.wait_dma2 semaphore(%run_scoped3A : memref<!tpu.dma_semaphore, #tpu.memory_space<semaphore_mem>>) src(%arg8 : memref<25x128xf32, #tpu.memory_space<vmem>>) dst(%dma_wait3A_135 : memref<25x128xf32, #tpu.memory_space<vmem_shared>>)
      tpu.yield
    }) : () -> ()
    %mul3A_34 = arith.constant 625 : i32
    %mul3A_35 = arith.muli %arg1, %mul3A_34 : i32
    %add3A_36 = arith.constant 125 : i32
    %add3A_37 = arith.addi %mul3A_35, %add3A_36 : i32
    "tpu.region"() ({
      %run_scoped3A = tpu.sem_alloc : memref<!tpu.dma_semaphore, #tpu.memory_space<semaphore_mem>>
      %dma_start3A_128 = arith.constant 0 : i32
      %dma_start3A_129 = tpu.memref_slice %arg4[%add3A_37, %dma_start3A_128] : memref<10000x128xf32, #tpu.memory_space<vmem_shared>> -> memref<25x128xf32, #tpu.memory_space<vmem_shared>>
      %dma_start3A_130 = arith.constant 0 : i32
      %dma_start3A_131 = tpu.memref_slice %arg4[%add3A_37, %dma_start3A_130] : memref<10000x128xf32, #tpu.memory_space<vmem_shared>> -> memref<25x128xf32, #tpu.memory_space<vmem_shared>>
      tpu.enqueue_dma source(%arg8 : memref<25x128xf32, #tpu.memory_space<vmem>>) target(%dma_start3A_131 : memref<25x128xf32, #tpu.memory_space<vmem_shared>>) target_semaphore(%run_scoped3A : memref<!tpu.dma_semaphore, #tpu.memory_space<semaphore_mem>>)
      %dma_wait3A_132 = arith.constant 0 : i32
      %dma_wait3A_133 = tpu.memref_slice %arg4[%add3A_37, %dma_wait3A_132] : memref<10000x128xf32, #tpu.memory_space<vmem_shared>> -> memref<25x128xf32, #tpu.memory_space<vmem_shared>>
      %dma_wait3A_134 = arith.constant 0 : i32
      %dma_wait3A_135 = tpu.memref_slice %arg4[%add3A_37, %dma_wait3A_134] : memref<10000x128xf32, #tpu.memory_space<vmem_shared>> -> memref<25x128xf32, #tpu.memory_space<vmem_shared>>
      tpu.wait_dma2 semaphore(%run_scoped3A : memref<!tpu.dma_semaphore, #tpu.memory_space<semaphore_mem>>) src(%arg8 : memref<25x128xf32, #tpu.memory_space<vmem>>) dst(%dma_wait3A_135 : memref<25x128xf32, #tpu.memory_space<vmem_shared>>)
      tpu.yield
    }) : () -> ()
    %mul3A_38 = arith.constant 625 : i32
    %mul3A_39 = arith.muli %arg1, %mul3A_38 : i32
    %add3A_40 = arith.constant 150 : i32
    %add3A_41 = arith.addi %mul3A_39, %add3A_40 : i32
    "tpu.region"() ({
      %run_scoped3A = tpu.sem_alloc : memref<!tpu.dma_semaphore, #tpu.memory_space<semaphore_mem>>
      %dma_start3A_128 = arith.constant 0 : i32
      %dma_start3A_129 = tpu.memref_slice %arg4[%add3A_41, %dma_start3A_128] : memref<10000x128xf32, #tpu.memory_space<vmem_shared>> -> memref<25x128xf32, #tpu.memory_space<vmem_shared>>
      %dma_start3A_130 = arith.constant 0 : i32
      %dma_start3A_131 = tpu.memref_slice %arg4[%add3A_41, %dma_start3A_130] : memref<10000x128xf32, #tpu.memory_space<vmem_shared>> -> memref<25x128xf32, #tpu.memory_space<vmem_shared>>
      tpu.enqueue_dma source(%arg8 : memref<25x128xf32, #tpu.memory_space<vmem>>) target(%dma_start3A_131 : memref<25x128xf32, #tpu.memory_space<vmem_shared>>) target_semaphore(%run_scoped3A : memref<!tpu.dma_semaphore, #tpu.memory_space<semaphore_mem>>)
      %dma_wait3A_132 = arith.constant 0 : i32
      %dma_wait3A_133 = tpu.memref_slice %arg4[%add3A_41, %dma_wait3A_132] : memref<10000x128xf32, #tpu.memory_space<vmem_shared>> -> memref<25x128xf32, #tpu.memory_space<vmem_shared>>
      %dma_wait3A_134 = arith.constant 0 : i32
      %dma_wait3A_135 = tpu.memref_slice %arg4[%add3A_41, %dma_wait3A_134] : memref<10000x128xf32, #tpu.memory_space<vmem_shared>> -> memref<25x128xf32, #tpu.memory_space<vmem_shared>>
      tpu.wait_dma2 semaphore(%run_scoped3A : memref<!tpu.dma_semaphore, #tpu.memory_space<semaphore_mem>>) src(%arg8 : memref<25x128xf32, #tpu.memory_space<vmem>>) dst(%dma_wait3A_135 : memref<25x128xf32, #tpu.memory_space<vmem_shared>>)
      tpu.yield
    }) : () -> ()
    %mul3A_42 = arith.constant 625 : i32
    %mul3A_43 = arith.muli %arg1, %mul3A_42 : i32
    %add3A_44 = arith.constant 175 : i32
    %add3A_45 = arith.addi %mul3A_43, %add3A_44 : i32
    "tpu.region"() ({
      %run_scoped3A = tpu.sem_alloc : memref<!tpu.dma_semaphore, #tpu.memory_space<semaphore_mem>>
      %dma_start3A_128 = arith.constant 0 : i32
      %dma_start3A_129 = tpu.memref_slice %arg4[%add3A_45, %dma_start3A_128] : memref<10000x128xf32, #tpu.memory_space<vmem_shared>> -> memref<25x128xf32, #tpu.memory_space<vmem_shared>>
      %dma_start3A_130 = arith.constant 0 : i32
      %dma_start3A_131 = tpu.memref_slice %arg4[%add3A_45, %dma_start3A_130] : memref<10000x128xf32, #tpu.memory_space<vmem_shared>> -> memref<25x128xf32, #tpu.memory_space<vmem_shared>>
      tpu.enqueue_dma source(%arg8 : memref<25x128xf32, #tpu.memory_space<vmem>>) target(%dma_start3A_131 : memref<25x128xf32, #tpu.memory_space<vmem_shared>>) target_semaphore(%run_scoped3A : memref<!tpu.dma_semaphore, #tpu.memory_space<semaphore_mem>>)
      %dma_wait3A_132 = arith.constant 0 : i32
      %dma_wait3A_133 = tpu.memref_slice %arg4[%add3A_45, %dma_wait3A_132] : memref<10000x128xf32, #tpu.memory_space<vmem_shared>> -> memref<25x128xf32, #tpu.memory_space<vmem_shared>>
      %dma_wait3A_134 = arith.constant 0 : i32
      %dma_wait3A_135 = tpu.memref_slice %arg4[%add3A_45, %dma_wait3A_134] : memref<10000x128xf32, #tpu.memory_space<vmem_shared>> -> memref<25x128xf32, #tpu.memory_space<vmem_shared>>
      tpu.wait_dma2 semaphore(%run_scoped3A : memref<!tpu.dma_semaphore, #tpu.memory_space<semaphore_mem>>) src(%arg8 : memref<25x128xf32, #tpu.memory_space<vmem>>) dst(%dma_wait3A_135 : memref<25x128xf32, #tpu.memory_space<vmem_shared>>)
      tpu.yield
    }) : () -> ()
    %mul3A_46 = arith.constant 625 : i32
    %mul3A_47 = arith.muli %arg1, %mul3A_46 : i32
    %add3A_48 = arith.constant 200 : i32
    %add3A_49 = arith.addi %mul3A_47, %add3A_48 : i32
    "tpu.region"() ({
      %run_scoped3A = tpu.sem_alloc : memref<!tpu.dma_semaphore, #tpu.memory_space<semaphore_mem>>
      %dma_start3A_128 = arith.constant 0 : i32
      %dma_start3A_129 = tpu.memref_slice %arg4[%add3A_49, %dma_start3A_128] : memref<10000x128xf32, #tpu.memory_space<vmem_shared>> -> memref<25x128xf32, #tpu.memory_space<vmem_shared>>
      %dma_start3A_130 = arith.constant 0 : i32
      %dma_start3A_131 = tpu.memref_slice %arg4[%add3A_49, %dma_start3A_130] : memref<10000x128xf32, #tpu.memory_space<vmem_shared>> -> memref<25x128xf32, #tpu.memory_space<vmem_shared>>
      tpu.enqueue_dma source(%arg8 : memref<25x128xf32, #tpu.memory_space<vmem>>) target(%dma_start3A_131 : memref<25x128xf32, #tpu.memory_space<vmem_shared>>) target_semaphore(%run_scoped3A : memref<!tpu.dma_semaphore, #tpu.memory_space<semaphore_mem>>)
      %dma_wait3A_132 = arith.constant 0 : i32
      %dma_wait3A_133 = tpu.memref_slice %arg4[%add3A_49, %dma_wait3A_132] : memref<10000x128xf32, #tpu.memory_space<vmem_shared>> -> memref<25x128xf32, #tpu.memory_space<vmem_shared>>
      %dma_wait3A_134 = arith.constant 0 : i32
      %dma_wait3A_135 = tpu.memref_slice %arg4[%add3A_49, %dma_wait3A_134] : memref<10000x128xf32, #tpu.memory_space<vmem_shared>> -> memref<25x128xf32, #tpu.memory_space<vmem_shared>>
      tpu.wait_dma2 semaphore(%run_scoped3A : memref<!tpu.dma_semaphore, #tpu.memory_space<semaphore_mem>>) src(%arg8 : memref<25x128xf32, #tpu.memory_space<vmem>>) dst(%dma_wait3A_135 : memref<25x128xf32, #tpu.memory_space<vmem_shared>>)
      tpu.yield
    }) : () -> ()
    %mul3A_50 = arith.constant 625 : i32
    %mul3A_51 = arith.muli %arg1, %mul3A_50 : i32
    %add3A_52 = arith.constant 225 : i32
    %add3A_53 = arith.addi %mul3A_51, %add3A_52 : i32
    "tpu.region"() ({
      %run_scoped3A = tpu.sem_alloc : memref<!tpu.dma_semaphore, #tpu.memory_space<semaphore_mem>>
      %dma_start3A_128 = arith.constant 0 : i32
      %dma_start3A_129 = tpu.memref_slice %arg4[%add3A_53, %dma_start3A_128] : memref<10000x128xf32, #tpu.memory_space<vmem_shared>> -> memref<25x128xf32, #tpu.memory_space<vmem_shared>>
      %dma_start3A_130 = arith.constant 0 : i32
      %dma_start3A_131 = tpu.memref_slice %arg4[%add3A_53, %dma_start3A_130] : memref<10000x128xf32, #tpu.memory_space<vmem_shared>> -> memref<25x128xf32, #tpu.memory_space<vmem_shared>>
      tpu.enqueue_dma source(%arg8 : memref<25x128xf32, #tpu.memory_space<vmem>>) target(%dma_start3A_131 : memref<25x128xf32, #tpu.memory_space<vmem_shared>>) target_semaphore(%run_scoped3A : memref<!tpu.dma_semaphore, #tpu.memory_space<semaphore_mem>>)
      %dma_wait3A_132 = arith.constant 0 : i32
      %dma_wait3A_133 = tpu.memref_slice %arg4[%add3A_53, %dma_wait3A_132] : memref<10000x128xf32, #tpu.memory_space<vmem_shared>> -> memref<25x128xf32, #tpu.memory_space<vmem_shared>>
      %dma_wait3A_134 = arith.constant 0 : i32
      %dma_wait3A_135 = tpu.memref_slice %arg4[%add3A_53, %dma_wait3A_134] : memref<10000x128xf32, #tpu.memory_space<vmem_shared>> -> memref<25x128xf32, #tpu.memory_space<vmem_shared>>
      tpu.wait_dma2 semaphore(%run_scoped3A : memref<!tpu.dma_semaphore, #tpu.memory_space<semaphore_mem>>) src(%arg8 : memref<25x128xf32, #tpu.memory_space<vmem>>) dst(%dma_wait3A_135 : memref<25x128xf32, #tpu.memory_space<vmem_shared>>)
      tpu.yield
    }) : () -> ()
    %mul3A_54 = arith.constant 625 : i32
    %mul3A_55 = arith.muli %arg1, %mul3A_54 : i32
    %add3A_56 = arith.constant 250 : i32
    %add3A_57 = arith.addi %mul3A_55, %add3A_56 : i32
    "tpu.region"() ({
      %run_scoped3A = tpu.sem_alloc : memref<!tpu.dma_semaphore, #tpu.memory_space<semaphore_mem>>
      %dma_start3A_128 = arith.constant 0 : i32
      %dma_start3A_129 = tpu.memref_slice %arg4[%add3A_57, %dma_start3A_128] : memref<10000x128xf32, #tpu.memory_space<vmem_shared>> -> memref<25x128xf32, #tpu.memory_space<vmem_shared>>
      %dma_start3A_130 = arith.constant 0 : i32
      %dma_start3A_131 = tpu.memref_slice %arg4[%add3A_57, %dma_start3A_130] : memref<10000x128xf32, #tpu.memory_space<vmem_shared>> -> memref<25x128xf32, #tpu.memory_space<vmem_shared>>
      tpu.enqueue_dma source(%arg8 : memref<25x128xf32, #tpu.memory_space<vmem>>) target(%dma_start3A_131 : memref<25x128xf32, #tpu.memory_space<vmem_shared>>) target_semaphore(%run_scoped3A : memref<!tpu.dma_semaphore, #tpu.memory_space<semaphore_mem>>)
      %dma_wait3A_132 = arith.constant 0 : i32
      %dma_wait3A_133 = tpu.memref_slice %arg4[%add3A_57, %dma_wait3A_132] : memref<10000x128xf32, #tpu.memory_space<vmem_shared>> -> memref<25x128xf32, #tpu.memory_space<vmem_shared>>
      %dma_wait3A_134 = arith.constant 0 : i32
      %dma_wait3A_135 = tpu.memref_slice %arg4[%add3A_57, %dma_wait3A_134] : memref<10000x128xf32, #tpu.memory_space<vmem_shared>> -> memref<25x128xf32, #tpu.memory_space<vmem_shared>>
      tpu.wait_dma2 semaphore(%run_scoped3A : memref<!tpu.dma_semaphore, #tpu.memory_space<semaphore_mem>>) src(%arg8 : memref<25x128xf32, #tpu.memory_space<vmem>>) dst(%dma_wait3A_135 : memref<25x128xf32, #tpu.memory_space<vmem_shared>>)
      tpu.yield
    }) : () -> ()
    %mul3A_58 = arith.constant 625 : i32
    %mul3A_59 = arith.muli %arg1, %mul3A_58 : i32
    %add3A_60 = arith.constant 275 : i32
    %add3A_61 = arith.addi %mul3A_59, %add3A_60 : i32
    "tpu.region"() ({
      %run_scoped3A = tpu.sem_alloc : memref<!tpu.dma_semaphore, #tpu.memory_space<semaphore_mem>>
      %dma_start3A_128 = arith.constant 0 : i32
      %dma_start3A_129 = tpu.memref_slice %arg4[%add3A_61, %dma_start3A_128] : memref<10000x128xf32, #tpu.memory_space<vmem_shared>> -> memref<25x128xf32, #tpu.memory_space<vmem_shared>>
      %dma_start3A_130 = arith.constant 0 : i32
      %dma_start3A_131 = tpu.memref_slice %arg4[%add3A_61, %dma_start3A_130] : memref<10000x128xf32, #tpu.memory_space<vmem_shared>> -> memref<25x128xf32, #tpu.memory_space<vmem_shared>>
      tpu.enqueue_dma source(%arg8 : memref<25x128xf32, #tpu.memory_space<vmem>>) target(%dma_start3A_131 : memref<25x128xf32, #tpu.memory_space<vmem_shared>>) target_semaphore(%run_scoped3A : memref<!tpu.dma_semaphore, #tpu.memory_space<semaphore_mem>>)
      %dma_wait3A_132 = arith.constant 0 : i32
      %dma_wait3A_133 = tpu.memref_slice %arg4[%add3A_61, %dma_wait3A_132] : memref<10000x128xf32, #tpu.memory_space<vmem_shared>> -> memref<25x128xf32, #tpu.memory_space<vmem_shared>>
      %dma_wait3A_134 = arith.constant 0 : i32
      %dma_wait3A_135 = tpu.memref_slice %arg4[%add3A_61, %dma_wait3A_134] : memref<10000x128xf32, #tpu.memory_space<vmem_shared>> -> memref<25x128xf32, #tpu.memory_space<vmem_shared>>
      tpu.wait_dma2 semaphore(%run_scoped3A : memref<!tpu.dma_semaphore, #tpu.memory_space<semaphore_mem>>) src(%arg8 : memref<25x128xf32, #tpu.memory_space<vmem>>) dst(%dma_wait3A_135 : memref<25x128xf32, #tpu.memory_space<vmem_shared>>)
      tpu.yield
    }) : () -> ()
    %mul3A_62 = arith.constant 625 : i32
    %mul3A_63 = arith.muli %arg1, %mul3A_62 : i32
    %add3A_64 = arith.constant 300 : i32
    %add3A_65 = arith.addi %mul3A_63, %add3A_64 : i32
    "tpu.region"() ({
      %run_scoped3A = tpu.sem_alloc : memref<!tpu.dma_semaphore, #tpu.memory_space<semaphore_mem>>
      %dma_start3A_128 = arith.constant 0 : i32
      %dma_start3A_129 = tpu.memref_slice %arg4[%add3A_65, %dma_start3A_128] : memref<10000x128xf32, #tpu.memory_space<vmem_shared>> -> memref<25x128xf32, #tpu.memory_space<vmem_shared>>
      %dma_start3A_130 = arith.constant 0 : i32
      %dma_start3A_131 = tpu.memref_slice %arg4[%add3A_65, %dma_start3A_130] : memref<10000x128xf32, #tpu.memory_space<vmem_shared>> -> memref<25x128xf32, #tpu.memory_space<vmem_shared>>
      tpu.enqueue_dma source(%arg8 : memref<25x128xf32, #tpu.memory_space<vmem>>) target(%dma_start3A_131 : memref<25x128xf32, #tpu.memory_space<vmem_shared>>) target_semaphore(%run_scoped3A : memref<!tpu.dma_semaphore, #tpu.memory_space<semaphore_mem>>)
      %dma_wait3A_132 = arith.constant 0 : i32
      %dma_wait3A_133 = tpu.memref_slice %arg4[%add3A_65, %dma_wait3A_132] : memref<10000x128xf32, #tpu.memory_space<vmem_shared>> -> memref<25x128xf32, #tpu.memory_space<vmem_shared>>
      %dma_wait3A_134 = arith.constant 0 : i32
      %dma_wait3A_135 = tpu.memref_slice %arg4[%add3A_65, %dma_wait3A_134] : memref<10000x128xf32, #tpu.memory_space<vmem_shared>> -> memref<25x128xf32, #tpu.memory_space<vmem_shared>>
      tpu.wait_dma2 semaphore(%run_scoped3A : memref<!tpu.dma_semaphore, #tpu.memory_space<semaphore_mem>>) src(%arg8 : memref<25x128xf32, #tpu.memory_space<vmem>>) dst(%dma_wait3A_135 : memref<25x128xf32, #tpu.memory_space<vmem_shared>>)
      tpu.yield
    }) : () -> ()
    %mul3A_66 = arith.constant 625 : i32
    %mul3A_67 = arith.muli %arg1, %mul3A_66 : i32
    %add3A_68 = arith.constant 325 : i32
    %add3A_69 = arith.addi %mul3A_67, %add3A_68 : i32
    "tpu.region"() ({
      %run_scoped3A = tpu.sem_alloc : memref<!tpu.dma_semaphore, #tpu.memory_space<semaphore_mem>>
      %dma_start3A_128 = arith.constant 0 : i32
      %dma_start3A_129 = tpu.memref_slice %arg4[%add3A_69, %dma_start3A_128] : memref<10000x128xf32, #tpu.memory_space<vmem_shared>> -> memref<25x128xf32, #tpu.memory_space<vmem_shared>>
      %dma_start3A_130 = arith.constant 0 : i32
      %dma_start3A_131 = tpu.memref_slice %arg4[%add3A_69, %dma_start3A_130] : memref<10000x128xf32, #tpu.memory_space<vmem_shared>> -> memref<25x128xf32, #tpu.memory_space<vmem_shared>>
      tpu.enqueue_dma source(%arg8 : memref<25x128xf32, #tpu.memory_space<vmem>>) target(%dma_start3A_131 : memref<25x128xf32, #tpu.memory_space<vmem_shared>>) target_semaphore(%run_scoped3A : memref<!tpu.dma_semaphore, #tpu.memory_space<semaphore_mem>>)
      %dma_wait3A_132 = arith.constant 0 : i32
      %dma_wait3A_133 = tpu.memref_slice %arg4[%add3A_69, %dma_wait3A_132] : memref<10000x128xf32, #tpu.memory_space<vmem_shared>> -> memref<25x128xf32, #tpu.memory_space<vmem_shared>>
      %dma_wait3A_134 = arith.constant 0 : i32
      %dma_wait3A_135 = tpu.memref_slice %arg4[%add3A_69, %dma_wait3A_134] : memref<10000x128xf32, #tpu.memory_space<vmem_shared>> -> memref<25x128xf32, #tpu.memory_space<vmem_shared>>
      tpu.wait_dma2 semaphore(%run_scoped3A : memref<!tpu.dma_semaphore, #tpu.memory_space<semaphore_mem>>) src(%arg8 : memref<25x128xf32, #tpu.memory_space<vmem>>) dst(%dma_wait3A_135 : memref<25x128xf32, #tpu.memory_space<vmem_shared>>)
      tpu.yield
    }) : () -> ()
    %mul3A_70 = arith.constant 625 : i32
    %mul3A_71 = arith.muli %arg1, %mul3A_70 : i32
    %add3A_72 = arith.constant 350 : i32
    %add3A_73 = arith.addi %mul3A_71, %add3A_72 : i32
    "tpu.region"() ({
      %run_scoped3A = tpu.sem_alloc : memref<!tpu.dma_semaphore, #tpu.memory_space<semaphore_mem>>
      %dma_start3A_128 = arith.constant 0 : i32
      %dma_start3A_129 = tpu.memref_slice %arg4[%add3A_73, %dma_start3A_128] : memref<10000x128xf32, #tpu.memory_space<vmem_shared>> -> memref<25x128xf32, #tpu.memory_space<vmem_shared>>
      %dma_start3A_130 = arith.constant 0 : i32
      %dma_start3A_131 = tpu.memref_slice %arg4[%add3A_73, %dma_start3A_130] : memref<10000x128xf32, #tpu.memory_space<vmem_shared>> -> memref<25x128xf32, #tpu.memory_space<vmem_shared>>
      tpu.enqueue_dma source(%arg8 : memref<25x128xf32, #tpu.memory_space<vmem>>) target(%dma_start3A_131 : memref<25x128xf32, #tpu.memory_space<vmem_shared>>) target_semaphore(%run_scoped3A : memref<!tpu.dma_semaphore, #tpu.memory_space<semaphore_mem>>)
      %dma_wait3A_132 = arith.constant 0 : i32
      %dma_wait3A_133 = tpu.memref_slice %arg4[%add3A_73, %dma_wait3A_132] : memref<10000x128xf32, #tpu.memory_space<vmem_shared>> -> memref<25x128xf32, #tpu.memory_space<vmem_shared>>
      %dma_wait3A_134 = arith.constant 0 : i32
      %dma_wait3A_135 = tpu.memref_slice %arg4[%add3A_73, %dma_wait3A_134] : memref<10000x128xf32, #tpu.memory_space<vmem_shared>> -> memref<25x128xf32, #tpu.memory_space<vmem_shared>>
      tpu.wait_dma2 semaphore(%run_scoped3A : memref<!tpu.dma_semaphore, #tpu.memory_space<semaphore_mem>>) src(%arg8 : memref<25x128xf32, #tpu.memory_space<vmem>>) dst(%dma_wait3A_135 : memref<25x128xf32, #tpu.memory_space<vmem_shared>>)
      tpu.yield
    }) : () -> ()
    %mul3A_74 = arith.constant 625 : i32
    %mul3A_75 = arith.muli %arg1, %mul3A_74 : i32
    %add3A_76 = arith.constant 375 : i32
    %add3A_77 = arith.addi %mul3A_75, %add3A_76 : i32
    "tpu.region"() ({
      %run_scoped3A = tpu.sem_alloc : memref<!tpu.dma_semaphore, #tpu.memory_space<semaphore_mem>>
      %dma_start3A_128 = arith.constant 0 : i32
      %dma_start3A_129 = tpu.memref_slice %arg4[%add3A_77, %dma_start3A_128] : memref<10000x128xf32, #tpu.memory_space<vmem_shared>> -> memref<25x128xf32, #tpu.memory_space<vmem_shared>>
      %dma_start3A_130 = arith.constant 0 : i32
      %dma_start3A_131 = tpu.memref_slice %arg4[%add3A_77, %dma_start3A_130] : memref<10000x128xf32, #tpu.memory_space<vmem_shared>> -> memref<25x128xf32, #tpu.memory_space<vmem_shared>>
      tpu.enqueue_dma source(%arg8 : memref<25x128xf32, #tpu.memory_space<vmem>>) target(%dma_start3A_131 : memref<25x128xf32, #tpu.memory_space<vmem_shared>>) target_semaphore(%run_scoped3A : memref<!tpu.dma_semaphore, #tpu.memory_space<semaphore_mem>>)
      %dma_wait3A_132 = arith.constant 0 : i32
      %dma_wait3A_133 = tpu.memref_slice %arg4[%add3A_77, %dma_wait3A_132] : memref<10000x128xf32, #tpu.memory_space<vmem_shared>> -> memref<25x128xf32, #tpu.memory_space<vmem_shared>>
      %dma_wait3A_134 = arith.constant 0 : i32
      %dma_wait3A_135 = tpu.memref_slice %arg4[%add3A_77, %dma_wait3A_134] : memref<10000x128xf32, #tpu.memory_space<vmem_shared>> -> memref<25x128xf32, #tpu.memory_space<vmem_shared>>
      tpu.wait_dma2 semaphore(%run_scoped3A : memref<!tpu.dma_semaphore, #tpu.memory_space<semaphore_mem>>) src(%arg8 : memref<25x128xf32, #tpu.memory_space<vmem>>) dst(%dma_wait3A_135 : memref<25x128xf32, #tpu.memory_space<vmem_shared>>)
      tpu.yield
    }) : () -> ()
    %mul3A_78 = arith.constant 625 : i32
    %mul3A_79 = arith.muli %arg1, %mul3A_78 : i32
    %add3A_80 = arith.constant 400 : i32
    %add3A_81 = arith.addi %mul3A_79, %add3A_80 : i32
    "tpu.region"() ({
      %run_scoped3A = tpu.sem_alloc : memref<!tpu.dma_semaphore, #tpu.memory_space<semaphore_mem>>
      %dma_start3A_128 = arith.constant 0 : i32
      %dma_start3A_129 = tpu.memref_slice %arg4[%add3A_81, %dma_start3A_128] : memref<10000x128xf32, #tpu.memory_space<vmem_shared>> -> memref<25x128xf32, #tpu.memory_space<vmem_shared>>
      %dma_start3A_130 = arith.constant 0 : i32
      %dma_start3A_131 = tpu.memref_slice %arg4[%add3A_81, %dma_start3A_130] : memref<10000x128xf32, #tpu.memory_space<vmem_shared>> -> memref<25x128xf32, #tpu.memory_space<vmem_shared>>
      tpu.enqueue_dma source(%arg8 : memref<25x128xf32, #tpu.memory_space<vmem>>) target(%dma_start3A_131 : memref<25x128xf32, #tpu.memory_space<vmem_shared>>) target_semaphore(%run_scoped3A : memref<!tpu.dma_semaphore, #tpu.memory_space<semaphore_mem>>)
      %dma_wait3A_132 = arith.constant 0 : i32
      %dma_wait3A_133 = tpu.memref_slice %arg4[%add3A_81, %dma_wait3A_132] : memref<10000x128xf32, #tpu.memory_space<vmem_shared>> -> memref<25x128xf32, #tpu.memory_space<vmem_shared>>
      %dma_wait3A_134 = arith.constant 0 : i32
      %dma_wait3A_135 = tpu.memref_slice %arg4[%add3A_81, %dma_wait3A_134] : memref<10000x128xf32, #tpu.memory_space<vmem_shared>> -> memref<25x128xf32, #tpu.memory_space<vmem_shared>>
      tpu.wait_dma2 semaphore(%run_scoped3A : memref<!tpu.dma_semaphore, #tpu.memory_space<semaphore_mem>>) src(%arg8 : memref<25x128xf32, #tpu.memory_space<vmem>>) dst(%dma_wait3A_135 : memref<25x128xf32, #tpu.memory_space<vmem_shared>>)
      tpu.yield
    }) : () -> ()
    %mul3A_82 = arith.constant 625 : i32
    %mul3A_83 = arith.muli %arg1, %mul3A_82 : i32
    %add3A_84 = arith.constant 425 : i32
    %add3A_85 = arith.addi %mul3A_83, %add3A_84 : i32
    "tpu.region"() ({
      %run_scoped3A = tpu.sem_alloc : memref<!tpu.dma_semaphore, #tpu.memory_space<semaphore_mem>>
      %dma_start3A_128 = arith.constant 0 : i32
      %dma_start3A_129 = tpu.memref_slice %arg4[%add3A_85, %dma_start3A_128] : memref<10000x128xf32, #tpu.memory_space<vmem_shared>> -> memref<25x128xf32, #tpu.memory_space<vmem_shared>>
      %dma_start3A_130 = arith.constant 0 : i32
      %dma_start3A_131 = tpu.memref_slice %arg4[%add3A_85, %dma_start3A_130] : memref<10000x128xf32, #tpu.memory_space<vmem_shared>> -> memref<25x128xf32, #tpu.memory_space<vmem_shared>>
      tpu.enqueue_dma source(%arg8 : memref<25x128xf32, #tpu.memory_space<vmem>>) target(%dma_start3A_131 : memref<25x128xf32, #tpu.memory_space<vmem_shared>>) target_semaphore(%run_scoped3A : memref<!tpu.dma_semaphore, #tpu.memory_space<semaphore_mem>>)
      %dma_wait3A_132 = arith.constant 0 : i32
      %dma_wait3A_133 = tpu.memref_slice %arg4[%add3A_85, %dma_wait3A_132] : memref<10000x128xf32, #tpu.memory_space<vmem_shared>> -> memref<25x128xf32, #tpu.memory_space<vmem_shared>>
      %dma_wait3A_134 = arith.constant 0 : i32
      %dma_wait3A_135 = tpu.memref_slice %arg4[%add3A_85, %dma_wait3A_134] : memref<10000x128xf32, #tpu.memory_space<vmem_shared>> -> memref<25x128xf32, #tpu.memory_space<vmem_shared>>
      tpu.wait_dma2 semaphore(%run_scoped3A : memref<!tpu.dma_semaphore, #tpu.memory_space<semaphore_mem>>) src(%arg8 : memref<25x128xf32, #tpu.memory_space<vmem>>) dst(%dma_wait3A_135 : memref<25x128xf32, #tpu.memory_space<vmem_shared>>)
      tpu.yield
    }) : () -> ()
    %mul3A_86 = arith.constant 625 : i32
    %mul3A_87 = arith.muli %arg1, %mul3A_86 : i32
    %add3A_88 = arith.constant 450 : i32
    %add3A_89 = arith.addi %mul3A_87, %add3A_88 : i32
    "tpu.region"() ({
      %run_scoped3A = tpu.sem_alloc : memref<!tpu.dma_semaphore, #tpu.memory_space<semaphore_mem>>
      %dma_start3A_128 = arith.constant 0 : i32
      %dma_start3A_129 = tpu.memref_slice %arg4[%add3A_89, %dma_start3A_128] : memref<10000x128xf32, #tpu.memory_space<vmem_shared>> -> memref<25x128xf32, #tpu.memory_space<vmem_shared>>
      %dma_start3A_130 = arith.constant 0 : i32
      %dma_start3A_131 = tpu.memref_slice %arg4[%add3A_89, %dma_start3A_130] : memref<10000x128xf32, #tpu.memory_space<vmem_shared>> -> memref<25x128xf32, #tpu.memory_space<vmem_shared>>
      tpu.enqueue_dma source(%arg8 : memref<25x128xf32, #tpu.memory_space<vmem>>) target(%dma_start3A_131 : memref<25x128xf32, #tpu.memory_space<vmem_shared>>) target_semaphore(%run_scoped3A : memref<!tpu.dma_semaphore, #tpu.memory_space<semaphore_mem>>)
      %dma_wait3A_132 = arith.constant 0 : i32
      %dma_wait3A_133 = tpu.memref_slice %arg4[%add3A_89, %dma_wait3A_132] : memref<10000x128xf32, #tpu.memory_space<vmem_shared>> -> memref<25x128xf32, #tpu.memory_space<vmem_shared>>
      %dma_wait3A_134 = arith.constant 0 : i32
      %dma_wait3A_135 = tpu.memref_slice %arg4[%add3A_89, %dma_wait3A_134] : memref<10000x128xf32, #tpu.memory_space<vmem_shared>> -> memref<25x128xf32, #tpu.memory_space<vmem_shared>>
      tpu.wait_dma2 semaphore(%run_scoped3A : memref<!tpu.dma_semaphore, #tpu.memory_space<semaphore_mem>>) src(%arg8 : memref<25x128xf32, #tpu.memory_space<vmem>>) dst(%dma_wait3A_135 : memref<25x128xf32, #tpu.memory_space<vmem_shared>>)
      tpu.yield
    }) : () -> ()
    %mul3A_90 = arith.constant 625 : i32
    %mul3A_91 = arith.muli %arg1, %mul3A_90 : i32
    %add3A_92 = arith.constant 475 : i32
    %add3A_93 = arith.addi %mul3A_91, %add3A_92 : i32
    "tpu.region"() ({
      %run_scoped3A = tpu.sem_alloc : memref<!tpu.dma_semaphore, #tpu.memory_space<semaphore_mem>>
      %dma_start3A_128 = arith.constant 0 : i32
      %dma_start3A_129 = tpu.memref_slice %arg4[%add3A_93, %dma_start3A_128] : memref<10000x128xf32, #tpu.memory_space<vmem_shared>> -> memref<25x128xf32, #tpu.memory_space<vmem_shared>>
      %dma_start3A_130 = arith.constant 0 : i32
      %dma_start3A_131 = tpu.memref_slice %arg4[%add3A_93, %dma_start3A_130] : memref<10000x128xf32, #tpu.memory_space<vmem_shared>> -> memref<25x128xf32, #tpu.memory_space<vmem_shared>>
      tpu.enqueue_dma source(%arg8 : memref<25x128xf32, #tpu.memory_space<vmem>>) target(%dma_start3A_131 : memref<25x128xf32, #tpu.memory_space<vmem_shared>>) target_semaphore(%run_scoped3A : memref<!tpu.dma_semaphore, #tpu.memory_space<semaphore_mem>>)
      %dma_wait3A_132 = arith.constant 0 : i32
      %dma_wait3A_133 = tpu.memref_slice %arg4[%add3A_93, %dma_wait3A_132] : memref<10000x128xf32, #tpu.memory_space<vmem_shared>> -> memref<25x128xf32, #tpu.memory_space<vmem_shared>>
      %dma_wait3A_134 = arith.constant 0 : i32
      %dma_wait3A_135 = tpu.memref_slice %arg4[%add3A_93, %dma_wait3A_134] : memref<10000x128xf32, #tpu.memory_space<vmem_shared>> -> memref<25x128xf32, #tpu.memory_space<vmem_shared>>
      tpu.wait_dma2 semaphore(%run_scoped3A : memref<!tpu.dma_semaphore, #tpu.memory_space<semaphore_mem>>) src(%arg8 : memref<25x128xf32, #tpu.memory_space<vmem>>) dst(%dma_wait3A_135 : memref<25x128xf32, #tpu.memory_space<vmem_shared>>)
      tpu.yield
    }) : () -> ()
    %mul3A_94 = arith.constant 625 : i32
    %mul3A_95 = arith.muli %arg1, %mul3A_94 : i32
    %add3A_96 = arith.constant 500 : i32
    %add3A_97 = arith.addi %mul3A_95, %add3A_96 : i32
    "tpu.region"() ({
      %run_scoped3A = tpu.sem_alloc : memref<!tpu.dma_semaphore, #tpu.memory_space<semaphore_mem>>
      %dma_start3A_128 = arith.constant 0 : i32
      %dma_start3A_129 = tpu.memref_slice %arg4[%add3A_97, %dma_start3A_128] : memref<10000x128xf32, #tpu.memory_space<vmem_shared>> -> memref<25x128xf32, #tpu.memory_space<vmem_shared>>
      %dma_start3A_130 = arith.constant 0 : i32
      %dma_start3A_131 = tpu.memref_slice %arg4[%add3A_97, %dma_start3A_130] : memref<10000x128xf32, #tpu.memory_space<vmem_shared>> -> memref<25x128xf32, #tpu.memory_space<vmem_shared>>
      tpu.enqueue_dma source(%arg8 : memref<25x128xf32, #tpu.memory_space<vmem>>) target(%dma_start3A_131 : memref<25x128xf32, #tpu.memory_space<vmem_shared>>) target_semaphore(%run_scoped3A : memref<!tpu.dma_semaphore, #tpu.memory_space<semaphore_mem>>)
      %dma_wait3A_132 = arith.constant 0 : i32
      %dma_wait3A_133 = tpu.memref_slice %arg4[%add3A_97, %dma_wait3A_132] : memref<10000x128xf32, #tpu.memory_space<vmem_shared>> -> memref<25x128xf32, #tpu.memory_space<vmem_shared>>
      %dma_wait3A_134 = arith.constant 0 : i32
      %dma_wait3A_135 = tpu.memref_slice %arg4[%add3A_97, %dma_wait3A_134] : memref<10000x128xf32, #tpu.memory_space<vmem_shared>> -> memref<25x128xf32, #tpu.memory_space<vmem_shared>>
      tpu.wait_dma2 semaphore(%run_scoped3A : memref<!tpu.dma_semaphore, #tpu.memory_space<semaphore_mem>>) src(%arg8 : memref<25x128xf32, #tpu.memory_space<vmem>>) dst(%dma_wait3A_135 : memref<25x128xf32, #tpu.memory_space<vmem_shared>>)
      tpu.yield
    }) : () -> ()
    %mul3A_98 = arith.constant 625 : i32
    %mul3A_99 = arith.muli %arg1, %mul3A_98 : i32
    %add3A_100 = arith.constant 525 : i32
    %add3A_101 = arith.addi %mul3A_99, %add3A_100 : i32
    "tpu.region"() ({
      %run_scoped3A = tpu.sem_alloc : memref<!tpu.dma_semaphore, #tpu.memory_space<semaphore_mem>>
      %dma_start3A_128 = arith.constant 0 : i32
      %dma_start3A_129 = tpu.memref_slice %arg4[%add3A_101, %dma_start3A_128] : memref<10000x128xf32, #tpu.memory_space<vmem_shared>> -> memref<25x128xf32, #tpu.memory_space<vmem_shared>>
      %dma_start3A_130 = arith.constant 0 : i32
      %dma_start3A_131 = tpu.memref_slice %arg4[%add3A_101, %dma_start3A_130] : memref<10000x128xf32, #tpu.memory_space<vmem_shared>> -> memref<25x128xf32, #tpu.memory_space<vmem_shared>>
      tpu.enqueue_dma source(%arg8 : memref<25x128xf32, #tpu.memory_space<vmem>>) target(%dma_start3A_131 : memref<25x128xf32, #tpu.memory_space<vmem_shared>>) target_semaphore(%run_scoped3A : memref<!tpu.dma_semaphore, #tpu.memory_space<semaphore_mem>>)
      %dma_wait3A_132 = arith.constant 0 : i32
      %dma_wait3A_133 = tpu.memref_slice %arg4[%add3A_101, %dma_wait3A_132] : memref<10000x128xf32, #tpu.memory_space<vmem_shared>> -> memref<25x128xf32, #tpu.memory_space<vmem_shared>>
      %dma_wait3A_134 = arith.constant 0 : i32
      %dma_wait3A_135 = tpu.memref_slice %arg4[%add3A_101, %dma_wait3A_134] : memref<10000x128xf32, #tpu.memory_space<vmem_shared>> -> memref<25x128xf32, #tpu.memory_space<vmem_shared>>
      tpu.wait_dma2 semaphore(%run_scoped3A : memref<!tpu.dma_semaphore, #tpu.memory_space<semaphore_mem>>) src(%arg8 : memref<25x128xf32, #tpu.memory_space<vmem>>) dst(%dma_wait3A_135 : memref<25x128xf32, #tpu.memory_space<vmem_shared>>)
      tpu.yield
    }) : () -> ()
    %mul3A_102 = arith.constant 625 : i32
    %mul3A_103 = arith.muli %arg1, %mul3A_102 : i32
    %add3A_104 = arith.constant 550 : i32
    %add3A_105 = arith.addi %mul3A_103, %add3A_104 : i32
    "tpu.region"() ({
      %run_scoped3A = tpu.sem_alloc : memref<!tpu.dma_semaphore, #tpu.memory_space<semaphore_mem>>
      %dma_start3A_128 = arith.constant 0 : i32
      %dma_start3A_129 = tpu.memref_slice %arg4[%add3A_105, %dma_start3A_128] : memref<10000x128xf32, #tpu.memory_space<vmem_shared>> -> memref<25x128xf32, #tpu.memory_space<vmem_shared>>
      %dma_start3A_130 = arith.constant 0 : i32
      %dma_start3A_131 = tpu.memref_slice %arg4[%add3A_105, %dma_start3A_130] : memref<10000x128xf32, #tpu.memory_space<vmem_shared>> -> memref<25x128xf32, #tpu.memory_space<vmem_shared>>
      tpu.enqueue_dma source(%arg8 : memref<25x128xf32, #tpu.memory_space<vmem>>) target(%dma_start3A_131 : memref<25x128xf32, #tpu.memory_space<vmem_shared>>) target_semaphore(%run_scoped3A : memref<!tpu.dma_semaphore, #tpu.memory_space<semaphore_mem>>)
      %dma_wait3A_132 = arith.constant 0 : i32
      %dma_wait3A_133 = tpu.memref_slice %arg4[%add3A_105, %dma_wait3A_132] : memref<10000x128xf32, #tpu.memory_space<vmem_shared>> -> memref<25x128xf32, #tpu.memory_space<vmem_shared>>
      %dma_wait3A_134 = arith.constant 0 : i32
      %dma_wait3A_135 = tpu.memref_slice %arg4[%add3A_105, %dma_wait3A_134] : memref<10000x128xf32, #tpu.memory_space<vmem_shared>> -> memref<25x128xf32, #tpu.memory_space<vmem_shared>>
      tpu.wait_dma2 semaphore(%run_scoped3A : memref<!tpu.dma_semaphore, #tpu.memory_space<semaphore_mem>>) src(%arg8 : memref<25x128xf32, #tpu.memory_space<vmem>>) dst(%dma_wait3A_135 : memref<25x128xf32, #tpu.memory_space<vmem_shared>>)
      tpu.yield
    }) : () -> ()
    %mul3A_106 = arith.constant 625 : i32
    %mul3A_107 = arith.muli %arg1, %mul3A_106 : i32
    %add3A_108 = arith.constant 575 : i32
    %add3A_109 = arith.addi %mul3A_107, %add3A_108 : i32
    "tpu.region"() ({
      %run_scoped3A = tpu.sem_alloc : memref<!tpu.dma_semaphore, #tpu.memory_space<semaphore_mem>>
      %dma_start3A_128 = arith.constant 0 : i32
      %dma_start3A_129 = tpu.memref_slice %arg4[%add3A_109, %dma_start3A_128] : memref<10000x128xf32, #tpu.memory_space<vmem_shared>> -> memref<25x128xf32, #tpu.memory_space<vmem_shared>>
      %dma_start3A_130 = arith.constant 0 : i32
      %dma_start3A_131 = tpu.memref_slice %arg4[%add3A_109, %dma_start3A_130] : memref<10000x128xf32, #tpu.memory_space<vmem_shared>> -> memref<25x128xf32, #tpu.memory_space<vmem_shared>>
      tpu.enqueue_dma source(%arg8 : memref<25x128xf32, #tpu.memory_space<vmem>>) target(%dma_start3A_131 : memref<25x128xf32, #tpu.memory_space<vmem_shared>>) target_semaphore(%run_scoped3A : memref<!tpu.dma_semaphore, #tpu.memory_space<semaphore_mem>>)
      %dma_wait3A_132 = arith.constant 0 : i32
      %dma_wait3A_133 = tpu.memref_slice %arg4[%add3A_109, %dma_wait3A_132] : memref<10000x128xf32, #tpu.memory_space<vmem_shared>> -> memref<25x128xf32, #tpu.memory_space<vmem_shared>>
      %dma_wait3A_134 = arith.constant 0 : i32
      %dma_wait3A_135 = tpu.memref_slice %arg4[%add3A_109, %dma_wait3A_134] : memref<10000x128xf32, #tpu.memory_space<vmem_shared>> -> memref<25x128xf32, #tpu.memory_space<vmem_shared>>
      tpu.wait_dma2 semaphore(%run_scoped3A : memref<!tpu.dma_semaphore, #tpu.memory_space<semaphore_mem>>) src(%arg8 : memref<25x128xf32, #tpu.memory_space<vmem>>) dst(%dma_wait3A_135 : memref<25x128xf32, #tpu.memory_space<vmem_shared>>)
      tpu.yield
    }) : () -> ()
    %mul3A_110 = arith.constant 625 : i32
    %mul3A_111 = arith.muli %arg1, %mul3A_110 : i32
    %add3A_112 = arith.constant 600 : i32
    %add3A_113 = arith.addi %mul3A_111, %add3A_112 : i32
    "tpu.region"() ({
      %run_scoped3A = tpu.sem_alloc : memref<!tpu.dma_semaphore, #tpu.memory_space<semaphore_mem>>
      %dma_start3A_128 = arith.constant 0 : i32
      %dma_start3A_129 = tpu.memref_slice %arg4[%add3A_113, %dma_start3A_128] : memref<10000x128xf32, #tpu.memory_space<vmem_shared>> -> memref<25x128xf32, #tpu.memory_space<vmem_shared>>
      %dma_start3A_130 = arith.constant 0 : i32
      %dma_start3A_131 = tpu.memref_slice %arg4[%add3A_113, %dma_start3A_130] : memref<10000x128xf32, #tpu.memory_space<vmem_shared>> -> memref<25x128xf32, #tpu.memory_space<vmem_shared>>
      tpu.enqueue_dma source(%arg8 : memref<25x128xf32, #tpu.memory_space<vmem>>) target(%dma_start3A_131 : memref<25x128xf32, #tpu.memory_space<vmem_shared>>) target_semaphore(%run_scoped3A : memref<!tpu.dma_semaphore, #tpu.memory_space<semaphore_mem>>)
      %dma_wait3A_132 = arith.constant 0 : i32
      %dma_wait3A_133 = tpu.memref_slice %arg4[%add3A_113, %dma_wait3A_132] : memref<10000x128xf32, #tpu.memory_space<vmem_shared>> -> memref<25x128xf32, #tpu.memory_space<vmem_shared>>
      %dma_wait3A_134 = arith.constant 0 : i32
      %dma_wait3A_135 = tpu.memref_slice %arg4[%add3A_113, %dma_wait3A_134] : memref<10000x128xf32, #tpu.memory_space<vmem_shared>> -> memref<25x128xf32, #tpu.memory_space<vmem_shared>>
      tpu.wait_dma2 semaphore(%run_scoped3A : memref<!tpu.dma_semaphore, #tpu.memory_space<semaphore_mem>>) src(%arg8 : memref<25x128xf32, #tpu.memory_space<vmem>>) dst(%dma_wait3A_135 : memref<25x128xf32, #tpu.memory_space<vmem_shared>>)
      tpu.yield
    }) : () -> ()
    %barrier3A = arith.constant 0 : index
    tpu.barrier barrier_id(%barrier3A)
    %mul3A_114 = arith.constant 10000 : i32
    %mul3A_115 = arith.muli %add3A, %mul3A_114 : i32
    %dma_start3A = tpu.memref_slice %arg2[%mul3A_115] : memref<320000xi32, #tpu.memory_space<hbm>> -> memref<80xi32, #tpu.memory_space<hbm>>
    %dma_start3A_116 = tpu.memref_slice %arg2[%mul3A_115] : memref<320000xi32, #tpu.memory_space<hbm>> -> memref<80xi32, #tpu.memory_space<hbm>>
    tpu.enqueue_dma source(%dma_start3A_116 : memref<80xi32, #tpu.memory_space<hbm>>) target(%arg5 : memref<80xi32, #tpu.memory_space<vmem>>) target_semaphore(%arg9 : memref<!tpu.dma_semaphore, #tpu.memory_space<semaphore_mem>>)
    %dma_wait3A = tpu.memref_slice %arg2[%mul3A_115] : memref<320000xi32, #tpu.memory_space<hbm>> -> memref<80xi32, #tpu.memory_space<hbm>>
    %dma_wait3A_117 = tpu.memref_slice %arg2[%mul3A_115] : memref<320000xi32, #tpu.memory_space<hbm>> -> memref<80xi32, #tpu.memory_space<hbm>>
    tpu.wait_dma2 semaphore(%arg9 : memref<!tpu.dma_semaphore, #tpu.memory_space<semaphore_mem>>) src(%dma_wait3A_117 : memref<80xi32, #tpu.memory_space<hbm>>) dst(%arg5 : memref<80xi32, #tpu.memory_space<vmem>>)
    %scan3A_118 = arith.constant 0 : i32
    %scan3A_119 = arith.constant 0 : i32
    %scan3A_120 = arith.constant 62 : i32
    %scan3A_121 = arith.addi %scan3A_119, %scan3A_120 : i32
    %scan3A_122 = arith.constant 1 : i32
    %scan3A_123 = scf.for %scan3A_128 = %scan3A_119 to %scan3A_121 step %scan3A_122 iter_args(%scan3A_129 = %scan3A_118) -> (i32)  : i32 {
      %mul3A_130 = arith.constant 2 : i32
      %mul3A_131 = arith.muli %mul3A_130, %scan3A_128 : i32
      %add3A_132 = arith.constant 1 : i32
      %add3A_133 = arith.addi %mul3A_131, %add3A_132 : i32
      %mul3A_134 = arith.constant 80 : i32
      %mul3A_135 = arith.muli %add3A_133, %mul3A_134 : i32
      %add3A_136 = arith.addi %mul3A_115, %mul3A_135 : i32
      %dma_start3A_137 = tpu.memref_slice %arg2[%add3A_136] : memref<320000xi32, #tpu.memory_space<hbm>> -> memref<80xi32, #tpu.memory_space<hbm>>
      %dma_start3A_138 = tpu.memref_slice %arg2[%add3A_136] : memref<320000xi32, #tpu.memory_space<hbm>> -> memref<80xi32, #tpu.memory_space<hbm>>
      tpu.enqueue_dma source(%dma_start3A_138 : memref<80xi32, #tpu.memory_space<hbm>>) target(%arg6 : memref<80xi32, #tpu.memory_space<vmem>>) target_semaphore(%arg10 : memref<!tpu.dma_semaphore, #tpu.memory_space<semaphore_mem>>)
      "tpu.region"() ({
        %run_scoped3A = tpu.sem_alloc : memref<!tpu.dma_semaphore, #tpu.memory_space<semaphore_mem>>
        %dma_start3A_153 = arith.constant 0 : i32
        %dma_start3A_154 = arith.constant 0 : i32
        %dma_start3A_155 = tpu.memref_slice %arg4[%dma_start3A_153, %dma_start3A_154] : memref<10000x128xf32, #tpu.memory_space<vmem_shared>> -> memref<10000x128xf32, #tpu.memory_space<vmem_shared>>
        tpu.enqueue_indirect_dma source(%arg7 : memref<80x128xf32, #tpu.memory_space<vmem>>) target(%dma_start3A_155 : memref<10000x128xf32, #tpu.memory_space<vmem_shared>>) offsets(%arg5 : memref<80xi32, #tpu.memory_space<vmem>>) semaphore(%run_scoped3A : memref<!tpu.dma_semaphore, #tpu.memory_space<semaphore_mem>>) {add = true}
        %dma_wait3A_156 = arith.constant 0 : i32
        %dma_wait3A_157 = arith.constant 0 : i32
        %dma_wait3A_158 = tpu.memref_slice %arg4[%dma_wait3A_156, %dma_wait3A_157] : memref<10000x128xf32, #tpu.memory_space<vmem_shared>> -> memref<10000x128xf32, #tpu.memory_space<vmem_shared>>
        tpu.wait_indirect_dma semaphore(%run_scoped3A : memref<!tpu.dma_semaphore, #tpu.memory_space<semaphore_mem>>) src(%arg7 : memref<80x128xf32, #tpu.memory_space<vmem>>) dst(%dma_wait3A_158 : memref<10000x128xf32, #tpu.memory_space<vmem_shared>>)
        tpu.yield
      }) : () -> ()
      %dma_wait3A_139 = tpu.memref_slice %arg2[%add3A_136] : memref<320000xi32, #tpu.memory_space<hbm>> -> memref<80xi32, #tpu.memory_space<hbm>>
      %dma_wait3A_140 = tpu.memref_slice %arg2[%add3A_136] : memref<320000xi32, #tpu.memory_space<hbm>> -> memref<80xi32, #tpu.memory_space<hbm>>
      tpu.wait_dma2 semaphore(%arg10 : memref<!tpu.dma_semaphore, #tpu.memory_space<semaphore_mem>>) src(%dma_wait3A_140 : memref<80xi32, #tpu.memory_space<hbm>>) dst(%arg6 : memref<80xi32, #tpu.memory_space<vmem>>)
      %mul3A_141 = arith.constant 2 : i32
      %mul3A_142 = arith.muli %mul3A_141, %scan3A_128 : i32
      %add3A_143 = arith.constant 2 : i32
      %add3A_144 = arith.addi %mul3A_142, %add3A_143 : i32
      %mul3A_145 = arith.constant 80 : i32
      %mul3A_146 = arith.muli %add3A_144, %mul3A_145 : i32
      %add3A_147 = arith.addi %mul3A_115, %mul3A_146 : i32
      %dma_start3A_148 = tpu.memref_slice %arg2[%add3A_147] : memref<320000xi32, #tpu.memory_space<hbm>> -> memref<80xi32, #tpu.memory_space<hbm>>
      %dma_start3A_149 = tpu.memref_slice %arg2[%add3A_147] : memref<320000xi32, #tpu.memory_space<hbm>> -> memref<80xi32, #tpu.memory_space<hbm>>
      tpu.enqueue_dma source(%dma_start3A_149 : memref<80xi32, #tpu.memory_space<hbm>>) target(%arg5 : memref<80xi32, #tpu.memory_space<vmem>>) target_semaphore(%arg9 : memref<!tpu.dma_semaphore, #tpu.memory_space<semaphore_mem>>)
      "tpu.region"() ({
        %run_scoped3A = tpu.sem_alloc : memref<!tpu.dma_semaphore, #tpu.memory_space<semaphore_mem>>
        %dma_start3A_153 = arith.constant 0 : i32
        %dma_start3A_154 = arith.constant 0 : i32
        %dma_start3A_155 = tpu.memref_slice %arg4[%dma_start3A_153, %dma_start3A_154] : memref<10000x128xf32, #tpu.memory_space<vmem_shared>> -> memref<10000x128xf32, #tpu.memory_space<vmem_shared>>
        tpu.enqueue_indirect_dma source(%arg7 : memref<80x128xf32, #tpu.memory_space<vmem>>) target(%dma_start3A_155 : memref<10000x128xf32, #tpu.memory_space<vmem_shared>>) offsets(%arg6 : memref<80xi32, #tpu.memory_space<vmem>>) semaphore(%run_scoped3A : memref<!tpu.dma_semaphore, #tpu.memory_space<semaphore_mem>>) {add = true}
        %dma_wait3A_156 = arith.constant 0 : i32
        %dma_wait3A_157 = arith.constant 0 : i32
        %dma_wait3A_158 = tpu.memref_slice %arg4[%dma_wait3A_156, %dma_wait3A_157] : memref<10000x128xf32, #tpu.memory_space<vmem_shared>> -> memref<10000x128xf32, #tpu.memory_space<vmem_shared>>
        tpu.wait_indirect_dma semaphore(%run_scoped3A : memref<!tpu.dma_semaphore, #tpu.memory_space<semaphore_mem>>) src(%arg7 : memref<80x128xf32, #tpu.memory_space<vmem>>) dst(%dma_wait3A_158 : memref<10000x128xf32, #tpu.memory_space<vmem_shared>>)
        tpu.yield
      }) : () -> ()
      %dma_wait3A_150 = tpu.memref_slice %arg2[%add3A_147] : memref<320000xi32, #tpu.memory_space<hbm>> -> memref<80xi32, #tpu.memory_space<hbm>>
      %dma_wait3A_151 = tpu.memref_slice %arg2[%add3A_147] : memref<320000xi32, #tpu.memory_space<hbm>> -> memref<80xi32, #tpu.memory_space<hbm>>
      tpu.wait_dma2 semaphore(%arg9 : memref<!tpu.dma_semaphore, #tpu.memory_space<semaphore_mem>>) src(%dma_wait3A_151 : memref<80xi32, #tpu.memory_space<hbm>>) dst(%arg5 : memref<80xi32, #tpu.memory_space<vmem>>)
      %scan3A_152 = arith.constant 0 : i32
      scf.yield %scan3A_152 : i32
    }
    %scan3A_124 = arith.constant 62 : i32
    "tpu.region"() ({
      %run_scoped3A = tpu.sem_alloc : memref<!tpu.dma_semaphore, #tpu.memory_space<semaphore_mem>>
      %dma_start3A_128 = arith.constant 0 : i32
      %dma_start3A_129 = arith.constant 0 : i32
      %dma_start3A_130 = tpu.memref_slice %arg4[%dma_start3A_128, %dma_start3A_129] : memref<10000x128xf32, #tpu.memory_space<vmem_shared>> -> memref<10000x128xf32, #tpu.memory_space<vmem_shared>>
      tpu.enqueue_indirect_dma source(%arg7 : memref<80x128xf32, #tpu.memory_space<vmem>>) target(%dma_start3A_130 : memref<10000x128xf32, #tpu.memory_space<vmem_shared>>) offsets(%arg5 : memref<80xi32, #tpu.memory_space<vmem>>) semaphore(%run_scoped3A : memref<!tpu.dma_semaphore, #tpu.memory_space<semaphore_mem>>) {add = true}
      %dma_wait3A_131 = arith.constant 0 : i32
      %dma_wait3A_132 = arith.constant 0 : i32
      %dma_wait3A_133 = tpu.memref_slice %arg4[%dma_wait3A_131, %dma_wait3A_132] : memref<10000x128xf32, #tpu.memory_space<vmem_shared>> -> memref<10000x128xf32, #tpu.memory_space<vmem_shared>>
      tpu.wait_indirect_dma semaphore(%run_scoped3A : memref<!tpu.dma_semaphore, #tpu.memory_space<semaphore_mem>>) src(%arg7 : memref<80x128xf32, #tpu.memory_space<vmem>>) dst(%dma_wait3A_133 : memref<10000x128xf32, #tpu.memory_space<vmem_shared>>)
      tpu.yield
    }) : () -> ()
    %barrier3A_125 = arith.constant 0 : index
    tpu.barrier barrier_id(%barrier3A_125)
    %eq3A = arith.constant 0 : i32
    %eq3A_126 = arith.cmpi eq, %arg1, %eq3A : i32
    %convert_element_type3A = arith.extui %eq3A_126 : i1 to i32
    %cond3A = arith.constant 0 : i32
    %cond3A_127 = arith.cmpi ne, %convert_element_type3A, %cond3A : i32
    scf.if %cond3A_127 {
      "tpu.region"() ({
        %run_scoped3A = tpu.sem_alloc : memref<!tpu.dma_semaphore, #tpu.memory_space<semaphore_mem>>
        %dma_start3A_128 = arith.constant 0 : i32
        %dma_start3A_129 = arith.constant 0 : i32
        %dma_start3A_130 = tpu.memref_slice %arg3[%arg0, %dma_start3A_128, %dma_start3A_129] : memref<2x10000x128xf32, #tpu.memory_space<hbm>> -> memref<1x10000x128xf32, #tpu.memory_space<hbm>>
        %dma_start3A_131 = tpu.memref_squeeze %dma_start3A_130 : memref<1x10000x128xf32, #tpu.memory_space<hbm>> -> memref<10000x128xf32, #tpu.memory_space<hbm>>
        tpu.enqueue_dma source(%arg4 : memref<10000x128xf32, #tpu.memory_space<vmem_shared>>) target(%dma_start3A_131 : memref<10000x128xf32, #tpu.memory_space<hbm>>) target_semaphore(%run_scoped3A : memref<!tpu.dma_semaphore, #tpu.memory_space<semaphore_mem>>)
        %dma_wait3A_132 = arith.constant 0 : i32
        %dma_wait3A_133 = arith.constant 0 : i32
        %dma_wait3A_134 = tpu.memref_slice %arg3[%arg0, %dma_wait3A_132, %dma_wait3A_133] : memref<2x10000x128xf32, #tpu.memory_space<hbm>> -> memref<1x10000x128xf32, #tpu.memory_space<hbm>>
        %dma_wait3A_135 = tpu.memref_squeeze %dma_wait3A_134 : memref<1x10000x128xf32, #tpu.memory_space<hbm>> -> memref<10000x128xf32, #tpu.memory_space<hbm>>
        tpu.wait_dma2 semaphore(%run_scoped3A : memref<!tpu.dma_semaphore, #tpu.memory_space<semaphore_mem>>) src(%arg4 : memref<10000x128xf32, #tpu.memory_space<vmem_shared>>) dst(%dma_wait3A_135 : memref<10000x128xf32, #tpu.memory_space<hbm>>)
        tpu.yield
      }) : () -> ()
    } else {
    }
    return
  }
}

module attributes {stable_mosaic.version = 14 : i64} {
  func.func @_dense1_body(%arg0: memref<10000x128xf32, #tpu.memory_space<vmem>>, %arg1: memref<2x10000x128xf32, #tpu.memory_space<vmem>>, %arg2: memref<2x10000x128xf32, #tpu.memory_space<vmem>>, %arg3: memref<128x128xf32, #tpu.memory_space<vmem>>, %arg4: memref<128xf32, #tpu.memory_space<vmem>>, %arg5: memref<128x128xf32, #tpu.memory_space<vmem>>, %arg6: memref<128xf32, #tpu.memory_space<vmem>>, %arg7: memref<128xf32, #tpu.memory_space<vmem>>, %arg8: memref<10000x128xf32, #tpu.memory_space<vmem>>) attributes {dimension_semantics = [], scalar_prefetch = 0 : i64, scratch_operands = 0 : i64, tpu.core_type = #tpu.core_type<tc>} {
    %get3A = arith.constant 0 : index
    %get3A_0 = arith.constant 0 : index
    %get3A_1 = arith.constant 0 : index
    %get3A_2 = vector.load %arg1[%get3A, %get3A_0, %get3A_1] : memref<2x10000x128xf32, #tpu.memory_space<vmem>>, vector<1x10000x128xf32>
    %get3A_3 = vector.shape_cast %get3A_2 : vector<1x10000x128xf32> to vector<10000x128xf32>
    %get3A_4 = arith.constant 1 : index
    %get3A_5 = arith.constant 0 : index
    %get3A_6 = arith.constant 0 : index
    %get3A_7 = vector.load %arg1[%get3A_4, %get3A_5, %get3A_6] : memref<2x10000x128xf32, #tpu.memory_space<vmem>>, vector<1x10000x128xf32>
    %get3A_8 = vector.shape_cast %get3A_7 : vector<1x10000x128xf32> to vector<10000x128xf32>
    %add3A = arith.addf %get3A_3, %get3A_8 : vector<10000x128xf32>
    %get3A_9 = arith.constant 0 : index
    %get3A_10 = arith.constant 0 : index
    %get3A_11 = arith.constant 0 : index
    %get3A_12 = vector.load %arg2[%get3A_9, %get3A_10, %get3A_11] : memref<2x10000x128xf32, #tpu.memory_space<vmem>>, vector<1x10000x128xf32>
    %get3A_13 = vector.shape_cast %get3A_12 : vector<1x10000x128xf32> to vector<10000x128xf32>
    %slice3A = vector.extract_strided_slice %get3A_13 {offsets = [0, 0], sizes = [10000, 1], strides = [1, 1]} : vector<10000x128xf32> to vector<10000x1xf32>
    %get3A_14 = arith.constant 1 : index
    %get3A_15 = arith.constant 0 : index
    %get3A_16 = arith.constant 0 : index
    %get3A_17 = vector.load %arg2[%get3A_14, %get3A_15, %get3A_16] : memref<2x10000x128xf32, #tpu.memory_space<vmem>>, vector<1x10000x128xf32>
    %get3A_18 = vector.shape_cast %get3A_17 : vector<1x10000x128xf32> to vector<10000x128xf32>
    %slice3A_19 = vector.extract_strided_slice %get3A_18 {offsets = [0, 0], sizes = [10000, 1], strides = [1, 1]} : vector<10000x128xf32> to vector<10000x1xf32>
    %add3A_20 = arith.addf %slice3A, %slice3A_19 : vector<10000x1xf32>
    %max3A = arith.constant 1.000000e+00 : f32
    %max3A_21 = vector.broadcast %max3A : f32 to vector<10000x1xf32>
    %max3A_22 = arith.maximumf %add3A_20, %max3A_21 : vector<10000x1xf32>
    %div3A = vector.broadcast %max3A_22 : vector<10000x1xf32> to vector<10000x128xf32>
    %div3A_23 = arith.divf %add3A, %div3A : vector<10000x128xf32>
    %get3A_24 = arith.constant 0 : index
    %get3A_25 = arith.constant 0 : index
    %get3A_26 = vector.load %arg3[%get3A_24, %get3A_25] : memref<128x128xf32, #tpu.memory_space<vmem>>, vector<128x128xf32>
    %dot_general3A = arith.constant dense<0.000000e+00> : vector<10000x128xf32>
    %dot_general3A_27 = tpu.matmul %div3A_23, %get3A_26, %dot_general3A {dimension_numbers = #tpu.dot_dimension_numbers<[1], [0], [0], [1], [0, 0, 1, 1], [], []>, transpose_lhs_hint = false} : vector<10000x128xf32>, vector<128x128xf32>, vector<10000x128xf32> -> vector<10000x128xf32>
    %get3A_28 = arith.constant 0 : index
    %get3A_29 = vector.load %arg4[%get3A_28] : memref<128xf32, #tpu.memory_space<vmem>>, vector<128xf32>
    %broadcast_in_dim3A = vector.shape_cast %get3A_29 : vector<128xf32> to vector<1x128xf32>
    %add3A_30 = vector.broadcast %broadcast_in_dim3A : vector<1x128xf32> to vector<10000x128xf32>
    %add3A_31 = arith.addf %dot_general3A_27, %add3A_30 : vector<10000x128xf32>
    %get3A_32 = arith.constant 0 : index
    %get3A_33 = arith.constant 0 : index
    %get3A_34 = vector.load %arg0[%get3A_32, %get3A_33] : memref<10000x128xf32, #tpu.memory_space<vmem>>, vector<10000x128xf32>
    %get3A_35 = arith.constant 0 : index
    %get3A_36 = arith.constant 0 : index
    %get3A_37 = vector.load %arg5[%get3A_35, %get3A_36] : memref<128x128xf32, #tpu.memory_space<vmem>>, vector<128x128xf32>
    %dot_general3A_38 = arith.constant dense<0.000000e+00> : vector<10000x128xf32>
    %dot_general3A_39 = tpu.matmul %get3A_34, %get3A_37, %dot_general3A_38 {dimension_numbers = #tpu.dot_dimension_numbers<[1], [0], [0], [1], [0, 0, 1, 1], [], []>, transpose_lhs_hint = false} : vector<10000x128xf32>, vector<128x128xf32>, vector<10000x128xf32> -> vector<10000x128xf32>
    %add3A_40 = arith.addf %add3A_31, %dot_general3A_39 : vector<10000x128xf32>
    %mul3A = arith.mulf %add3A_40, %add3A_40 : vector<10000x128xf32>
    %reduce_sum3A = arith.constant dense<0.000000e+00> : vector<10000xf32>
    %reduce_sum3A_41 = vector.multi_reduction <add>, %mul3A, %reduce_sum3A [1] : vector<10000x128xf32> to vector<10000xf32>
    %broadcast_in_dim3A_42 = vector.shape_cast %reduce_sum3A_41 : vector<10000xf32> to vector<10000x1xf32>
    %sqrt3A = math.sqrt %broadcast_in_dim3A_42 : vector<10000x1xf32>
    %max3A_43 = arith.constant 9.99999996E-13 : f32
    %max3A_44 = vector.broadcast %max3A_43 : f32 to vector<10000x1xf32>
    %max3A_45 = arith.maximumf %sqrt3A, %max3A_44 : vector<10000x1xf32>
    %div3A_46 = vector.broadcast %max3A_45 : vector<10000x1xf32> to vector<10000x128xf32>
    %div3A_47 = arith.divf %add3A_40, %div3A_46 : vector<10000x128xf32>
    %max3A_48 = arith.constant 0.000000e+00 : f32
    %max3A_49 = vector.broadcast %max3A_48 : f32 to vector<10000x128xf32>
    %max3A_50 = arith.maximumf %div3A_47, %max3A_49 : vector<10000x128xf32>
    %reduce_sum3A_51 = arith.constant dense<0.000000e+00> : vector<128xf32>
    %reduce_sum3A_52 = vector.multi_reduction <add>, %max3A_50, %reduce_sum3A_51 [0] : vector<10000x128xf32> to vector<128xf32>
    %broadcast_in_dim3A_53 = vector.shape_cast %reduce_sum3A_52 : vector<128xf32> to vector<1x128xf32>
    %div3A_54 = arith.constant 1.000000e+04 : f32
    %div3A_55 = vector.broadcast %div3A_54 : f32 to vector<1x128xf32>
    %div3A_56 = arith.divf %broadcast_in_dim3A_53, %div3A_55 : vector<1x128xf32>
    %sub3A = vector.broadcast %div3A_56 : vector<1x128xf32> to vector<10000x128xf32>
    %sub3A_57 = arith.subf %max3A_50, %sub3A : vector<10000x128xf32>
    %sub3A_58 = vector.broadcast %div3A_56 : vector<1x128xf32> to vector<10000x128xf32>
    %sub3A_59 = arith.subf %max3A_50, %sub3A_58 : vector<10000x128xf32>
    %mul3A_60 = arith.mulf %sub3A_57, %sub3A_59 : vector<10000x128xf32>
    %reduce_sum3A_61 = arith.constant dense<0.000000e+00> : vector<128xf32>
    %reduce_sum3A_62 = vector.multi_reduction <add>, %mul3A_60, %reduce_sum3A_61 [0] : vector<10000x128xf32> to vector<128xf32>
    %broadcast_in_dim3A_63 = vector.shape_cast %reduce_sum3A_62 : vector<128xf32> to vector<1x128xf32>
    %div3A_64 = arith.constant 1.000000e+04 : f32
    %div3A_65 = vector.broadcast %div3A_64 : f32 to vector<1x128xf32>
    %div3A_66 = arith.divf %broadcast_in_dim3A_63, %div3A_65 : vector<1x128xf32>
    %get3A_67 = arith.constant 0 : index
    %get3A_68 = vector.load %arg6[%get3A_67] : memref<128xf32, #tpu.memory_space<vmem>>, vector<128xf32>
    %broadcast_in_dim3A_69 = vector.shape_cast %get3A_68 : vector<128xf32> to vector<1x128xf32>
    %sub3A_70 = vector.broadcast %div3A_56 : vector<1x128xf32> to vector<10000x128xf32>
    %sub3A_71 = arith.subf %max3A_50, %sub3A_70 : vector<10000x128xf32>
    %mul3A_72 = vector.broadcast %broadcast_in_dim3A_69 : vector<1x128xf32> to vector<10000x128xf32>
    %mul3A_73 = arith.mulf %mul3A_72, %sub3A_71 : vector<10000x128xf32>
    %add3A_74 = arith.constant 9.99999974E-6 : f32
    %add3A_75 = vector.broadcast %add3A_74 : f32 to vector<1x128xf32>
    %add3A_76 = arith.addf %div3A_66, %add3A_75 : vector<1x128xf32>
    %rsqrt3A = math.rsqrt %add3A_76 : vector<1x128xf32>
    %mul3A_77 = vector.broadcast %rsqrt3A : vector<1x128xf32> to vector<10000x128xf32>
    %mul3A_78 = arith.mulf %mul3A_73, %mul3A_77 : vector<10000x128xf32>
    %get3A_79 = arith.constant 0 : index
    %get3A_80 = vector.load %arg7[%get3A_79] : memref<128xf32, #tpu.memory_space<vmem>>, vector<128xf32>
    %broadcast_in_dim3A_81 = vector.shape_cast %get3A_80 : vector<128xf32> to vector<1x128xf32>
    %add3A_82 = vector.broadcast %broadcast_in_dim3A_81 : vector<1x128xf32> to vector<10000x128xf32>
    %add3A_83 = arith.addf %mul3A_78, %add3A_82 : vector<10000x128xf32>
    %swap3A = arith.constant 0 : index
    %swap3A_84 = arith.constant 0 : index
    %swap3A_85 = vector.load %arg8[%swap3A, %swap3A_84] : memref<10000x128xf32, #tpu.memory_space<vmem>>, vector<10000x128xf32>
    tpu.vector_store %arg8[%swap3A, %swap3A_84], %add3A_83 {strides = array<i32>} : memref<10000x128xf32, #tpu.memory_space<vmem>>, vector<10000x128xf32>,
    return
  }
}

module attributes {stable_mosaic.version = 14 : i64} {
  func.func @_dense2_body(%arg0: memref<10000x128xf32, #tpu.memory_space<vmem>>, %arg1: memref<2x10000x128xf32, #tpu.memory_space<vmem>>, %arg2: memref<2x10000x128xf32, #tpu.memory_space<vmem>>, %arg3: memref<128x128xf32, #tpu.memory_space<vmem>>, %arg4: memref<128xf32, #tpu.memory_space<vmem>>, %arg5: memref<128x128xf32, #tpu.memory_space<vmem>>, %arg6: memref<10000x128xf32, #tpu.memory_space<vmem>>) attributes {dimension_semantics = [], scalar_prefetch = 0 : i64, scratch_operands = 0 : i64, tpu.core_type = #tpu.core_type<tc>} {
    %get3A = arith.constant 0 : index
    %get3A_0 = arith.constant 0 : index
    %get3A_1 = arith.constant 0 : index
    %get3A_2 = vector.load %arg1[%get3A, %get3A_0, %get3A_1] : memref<2x10000x128xf32, #tpu.memory_space<vmem>>, vector<1x10000x128xf32>
    %get3A_3 = vector.shape_cast %get3A_2 : vector<1x10000x128xf32> to vector<10000x128xf32>
    %get3A_4 = arith.constant 1 : index
    %get3A_5 = arith.constant 0 : index
    %get3A_6 = arith.constant 0 : index
    %get3A_7 = vector.load %arg1[%get3A_4, %get3A_5, %get3A_6] : memref<2x10000x128xf32, #tpu.memory_space<vmem>>, vector<1x10000x128xf32>
    %get3A_8 = vector.shape_cast %get3A_7 : vector<1x10000x128xf32> to vector<10000x128xf32>
    %add3A = arith.addf %get3A_3, %get3A_8 : vector<10000x128xf32>
    %get3A_9 = arith.constant 0 : index
    %get3A_10 = arith.constant 0 : index
    %get3A_11 = arith.constant 0 : index
    %get3A_12 = vector.load %arg2[%get3A_9, %get3A_10, %get3A_11] : memref<2x10000x128xf32, #tpu.memory_space<vmem>>, vector<1x10000x128xf32>
    %get3A_13 = vector.shape_cast %get3A_12 : vector<1x10000x128xf32> to vector<10000x128xf32>
    %slice3A = vector.extract_strided_slice %get3A_13 {offsets = [0, 0], sizes = [10000, 1], strides = [1, 1]} : vector<10000x128xf32> to vector<10000x1xf32>
    %get3A_14 = arith.constant 1 : index
    %get3A_15 = arith.constant 0 : index
    %get3A_16 = arith.constant 0 : index
    %get3A_17 = vector.load %arg2[%get3A_14, %get3A_15, %get3A_16] : memref<2x10000x128xf32, #tpu.memory_space<vmem>>, vector<1x10000x128xf32>
    %get3A_18 = vector.shape_cast %get3A_17 : vector<1x10000x128xf32> to vector<10000x128xf32>
    %slice3A_19 = vector.extract_strided_slice %get3A_18 {offsets = [0, 0], sizes = [10000, 1], strides = [1, 1]} : vector<10000x128xf32> to vector<10000x1xf32>
    %add3A_20 = arith.addf %slice3A, %slice3A_19 : vector<10000x1xf32>
    %max3A = arith.constant 1.000000e+00 : f32
    %max3A_21 = vector.broadcast %max3A : f32 to vector<10000x1xf32>
    %max3A_22 = arith.maximumf %add3A_20, %max3A_21 : vector<10000x1xf32>
    %div3A = vector.broadcast %max3A_22 : vector<10000x1xf32> to vector<10000x128xf32>
    %div3A_23 = arith.divf %add3A, %div3A : vector<10000x128xf32>
    %get3A_24 = arith.constant 0 : index
    %get3A_25 = arith.constant 0 : index
    %get3A_26 = vector.load %arg3[%get3A_24, %get3A_25] : memref<128x128xf32, #tpu.memory_space<vmem>>, vector<128x128xf32>
    %dot_general3A = arith.constant dense<0.000000e+00> : vector<10000x128xf32>
    %dot_general3A_27 = tpu.matmul %div3A_23, %get3A_26, %dot_general3A {dimension_numbers = #tpu.dot_dimension_numbers<[1], [0], [0], [1], [0, 0, 1, 1], [], []>, transpose_lhs_hint = false} : vector<10000x128xf32>, vector<128x128xf32>, vector<10000x128xf32> -> vector<10000x128xf32>
    %get3A_28 = arith.constant 0 : index
    %get3A_29 = vector.load %arg4[%get3A_28] : memref<128xf32, #tpu.memory_space<vmem>>, vector<128xf32>
    %broadcast_in_dim3A = vector.shape_cast %get3A_29 : vector<128xf32> to vector<1x128xf32>
    %add3A_30 = vector.broadcast %broadcast_in_dim3A : vector<1x128xf32> to vector<10000x128xf32>
    %add3A_31 = arith.addf %dot_general3A_27, %add3A_30 : vector<10000x128xf32>
    %get3A_32 = arith.constant 0 : index
    %get3A_33 = arith.constant 0 : index
    %get3A_34 = vector.load %arg0[%get3A_32, %get3A_33] : memref<10000x128xf32, #tpu.memory_space<vmem>>, vector<10000x128xf32>
    %get3A_35 = arith.constant 0 : index
    %get3A_36 = arith.constant 0 : index
    %get3A_37 = vector.load %arg5[%get3A_35, %get3A_36] : memref<128x128xf32, #tpu.memory_space<vmem>>, vector<128x128xf32>
    %dot_general3A_38 = arith.constant dense<0.000000e+00> : vector<10000x128xf32>
    %dot_general3A_39 = tpu.matmul %get3A_34, %get3A_37, %dot_general3A_38 {dimension_numbers = #tpu.dot_dimension_numbers<[1], [0], [0], [1], [0, 0, 1, 1], [], []>, transpose_lhs_hint = false} : vector<10000x128xf32>, vector<128x128xf32>, vector<10000x128xf32> -> vector<10000x128xf32>
    %add3A_40 = arith.addf %add3A_31, %dot_general3A_39 : vector<10000x128xf32>
    %mul3A = arith.mulf %add3A_40, %add3A_40 : vector<10000x128xf32>
    %reduce_sum3A = arith.constant dense<0.000000e+00> : vector<10000xf32>
    %reduce_sum3A_41 = vector.multi_reduction <add>, %mul3A, %reduce_sum3A [1] : vector<10000x128xf32> to vector<10000xf32>
    %broadcast_in_dim3A_42 = vector.shape_cast %reduce_sum3A_41 : vector<10000xf32> to vector<10000x1xf32>
    %sqrt3A = math.sqrt %broadcast_in_dim3A_42 : vector<10000x1xf32>
    %max3A_43 = arith.constant 9.99999996E-13 : f32
    %max3A_44 = vector.broadcast %max3A_43 : f32 to vector<10000x1xf32>
    %max3A_45 = arith.maximumf %sqrt3A, %max3A_44 : vector<10000x1xf32>
    %div3A_46 = vector.broadcast %max3A_45 : vector<10000x1xf32> to vector<10000x128xf32>
    %div3A_47 = arith.divf %add3A_40, %div3A_46 : vector<10000x128xf32>
    %swap3A = arith.constant 0 : index
    %swap3A_48 = arith.constant 0 : index
    %swap3A_49 = vector.load %arg6[%swap3A, %swap3A_48] : memref<10000x128xf32, #tpu.memory_space<vmem>>, vector<10000x128xf32>
    tpu.vector_store %arg6[%swap3A, %swap3A_48], %div3A_47 {strides = array<i32>} : memref<10000x128xf32, #tpu.memory_space<vmem>>, vector<10000x128xf32>,
    return
  }
}

</mosaic_0001>

<sc_bundles>
// kernel: kernel.10.cloned.1.call-start
scs
__scs_entry_jumppad:
0x0: {  	(pc) =	sbr.rel $0x88, $3  }
0x1: {  	(tag) =	ssettag $0x0;
	lr =	simm.s32 $0x1  }
0x2: {  	[smem:$0x3F97] =	sst lr;
	_ =	strace $0xD0000000  }
0x3: {  	_ = 	snop  }
0x4: {  	_ = 	snop  }
0x5: {  	_ = 	snop  }
0x6: {  	_ = 	snop  }
0x7: {  	_ = 	snop  }
__scs_overlays_trampoline_lowered:
0x8: {  	[smem:$0x3FA6] =	sst s0  }
0x9: {  	[smem:$0x3FA7] =	sst s1  }
0xa: {  	[smem:$0x3FA8] =	sst s2  }
0xb: {  	[smem:$0x3FA9] =	sst s3  }
0xc: {  	[smem:$0x3FAA] =	sst s4  }
0xd: {  	[smem:$0x3FAB] =	sst s5  }
0xe: {  	[smem:$0x3FAC] =	sst s6  }
0xf: {  	[smem:$0x3FAD] =	sst s7  }
0x10: {  	[smem:$0x3FAE] =	sst s8  }
0x11: {  	[smem:$0x3FAF] =	sst s9;
	s0 =	simm.s32 @!p0 $0x0  }
0x12: {  	s1 =	sld [smem:$0x3F95];
	s0 =	simm.s32 @p0 $0x1  }
0x13: {  	[smem:$0x3FB0] =	sst s0;
	s0 =	simm.s32 @!p1 $0x0  }
0x14: {  	s2 =	sld [smem:$0x3F94];
	s0 =	simm.s32 @p1 $0x1  }
0x15: {  	[smem:$0x3FB1] =	sst s0;
	s0 =	simm.s32 @!p2 $0x0  }
0x16: {  	s3 =	sld [smem:$0x3FDB];
	s0 =	simm.s32 @p2 $0x1  }
0x17: {  	s4 =	simm.s32 $0x1BF5;
	[smem:$0x3FB3] =	sst s0  }
0x18: {  	s0 =	sld [smem:$0x3F96];
	_ =	swait.ge [sflag:s4], $0x0  }
0x19: {  	s7 =	sld [smem:$0x3F97]  }
0x1a: {  	s8 =	sadd.s32 $0xFFFFE003, lr  }
0x1b: {  	s9 =	sadd.s32 $0xFFFFFEF7, lr;
	s5 =	simm.s32 $0xFFFFFFFF;
	p2 =	slt.u32 s8, $0xFFFFF086  }
0x1c: {  	p1 =	slt.u32 s9, $0xF7A;
	s5 =	simm.s32 @!p2 $0x0  }
0x1d: {  	s5 =	simm.s32 @p1 $0x1;
	p0 =	seq.s32 s7, s2  }
0x1e: {  	s7 =	smul.u32 @!p0 $0xF7A, s2;
	p2 =	seq.s32 @!p0 s5, $0x0  }
0x1f: {  	s9 =	smul.u32 $0xF7A, s1;
	s8 =	simm.s32 @!p0 $0x1BF5;
	p2 =	por !p2, p0  }
0x20: {  	[sflag:s8] =	ssyncset.s32 @!p0 $0xFFFFF086;
	s6 =	sadd.s32 @!p0 s3, s7;
	s7 =	simm.s32 @!p0 $0x108  }
0x21: {  	s3 =	sadd.s32 s3, s9;
	s6 =	sadd.s32 @!p0 $0x88, s6;
	s7 =	simm.s32 @p2 $0x1082  }
0x22: {  	[simem:s7], [sflag:s8] =	dma.local @!p0 [hbm:s6], $0xF7A  }
0x23: {  	s9 =	sor.u32 $0xD0000000, s2;
	s6 =	simm.s32 $0x108;
	_ =	swait.ge @!p0 [sflag:s8], $0x0  }
0x24: {  	s3 =	sadd.s32 $0x88, s3;
	s6 =	simm.s32 @!p1 $0x1082;
	[sflag:s4] =	ssyncset.s32 $0xFFFFF086  }
0x25: {  	[simem:s6], [sflag:s4] =	dma.local [hbm:s3], $0xF7A  }
0x26: {  	[smem:$0x3F97] =	sst s1;
	(tag) =	ssettag s2;
	_ =	strace s9  }
0x27: {  	s1 =	sld [smem:$0x3FA7]  }
0x28: {  	s2 =	sld [smem:$0x3FA8]  }
0x29: {  	s4 =	sld [smem:$0x3FAA]  }
0x2a: {  	p0 =	seq.s32 s5, $0x0;
	s5 =	sld [smem:$0x3FAB]  }
0x2b: {  	s6 =	sld [smem:$0x3FAC]  }
0x2c: {  	s7 =	sld [smem:$0x3FAD]  }
0x2d: {  	s3 =	simm.s32 $0x108;
	s8 =	sld [smem:$0x3FAE]  }
0x2e: {  	s3 =	simm.s32 @!p0 $0x1082;
	s9 =	sld [smem:$0x3FAF]  }
0x2f: {  	lr =	sadd.s32 s0, s3;
	s0 =	sld [smem:$0x3FA6]  }
0x30: {  	s3 =	sld [smem:$0x3FA9]  }
0x31: {  	[smem:$0x3FB2] =	sst s10  }
0x32: {  	s10 =	sld [smem:$0x3FB0];
	_ =	sdelay $0x3  }
0x33: {  	p0 =	seq.s32 s10, $0x1;
	s10 =	sld [smem:$0x3FB2];
	_ =	sdelay $0x3  }
0x34: {  	[smem:$0x3FB2] =	sst s10  }
0x35: {  	s10 =	sld [smem:$0x3FB1];
	_ =	sdelay $0x3  }
0x36: {  	p1 =	seq.s32 s10, $0x1;
	s10 =	sld [smem:$0x3FB2];
	_ =	sdelay $0x3  }
0x37: {  	[smem:$0x3FB2] =	sst s10  }
0x38: {  	s10 =	sld [smem:$0x3FB3]  }
0x39: {  	_ = 	snop;
	(pc) =	sbr.ind lr, $3  }
0x3a: {  	_ = 	snop  }
0x3b: {  	_ = 	snop  }
0x3c: {  	p2 =	seq.s32 s10, $0x1;
	s10 =	sld [smem:$0x3FB2]  }
0x3d: {  	_ =	shalt  }
0x3e: {  	_ =	shalt  }
0x3f: {  	_ =	shalt  }
0x40: {  	_ =	shalt  }
0x41: {  	_ =	shalt  }
0x42: {  	_ =	shalt  }
0x43: {  	_ =	shalt  }
0x44: {  	_ =	shalt  }
0x45: {  	_ =	shalt  }
0x46: {  	_ =	shalt  }
0x47: {  	_ =	shalt  }
0x48: {  	_ =	shalt  }
0x49: {  	_ =	shalt  }
0x4a: {  	_ =	shalt  }
0x4b: {  	_ =	shalt  }
0x4c: {  	_ =	shalt  }
0x4d: {  	_ =	shalt  }
0x4e: {  	_ =	shalt  }
0x4f: {  	_ =	shalt  }
0x50: {  	_ =	shalt  }
0x51: {  	_ =	shalt  }
0x52: {  	_ =	shalt  }
0x53: {  	_ =	shalt  }
0x54: {  	_ =	shalt  }
0x55: {  	_ =	shalt  }
0x56: {  	_ =	shalt  }
0x57: {  	_ =	shalt  }
0x58: {  	_ =	shalt  }
0x59: {  	_ =	shalt  }
0x5a: {  	_ =	shalt  }
0x5b: {  	_ =	shalt  }
0x5c: {  	_ =	shalt  }
0x5d: {  	_ =	shalt  }
0x5e: {  	_ =	shalt  }
0x5f: {  	_ =	shalt  }
0x60: {  	_ =	shalt  }
0x61: {  	_ =	shalt  }
0x62: {  	_ =	shalt  }
0x63: {  	_ =	shalt  }
0x64: {  	_ =	shalt  }
0x65: {  	_ =	shalt  }
0x66: {  	_ =	shalt  }
0x67: {  	_ =	shalt  }
0x68: {  	_ =	shalt  }
0x69: {  	_ =	shalt  }
0x6a: {  	_ =	shalt  }
0x6b: {  	_ =	shalt  }
0x6c: {  	_ =	shalt  }
0x6d: {  	_ =	shalt  }
0x6e: {  	_ =	shalt  }
0x6f: {  	_ =	shalt  }
0x70: {  	_ =	shalt  }
0x71: {  	_ =	shalt  }
0x72: {  	_ =	shalt  }
0x73: {  	_ =	shalt  }
0x74: {  	_ =	shalt  }
0x75: {  	_ =	shalt  }
0x76: {  	_ =	shalt  }
0x77: {  	_ =	shalt  }
0x78: {  	_ =	shalt  }
0x79: {  	_ =	shalt  }
0x7a: {  	_ =	shalt  }
0x7b: {  	_ =	shalt  }
0x7c: {  	_ =	shalt  }
0x7d: {  	_ =	shalt  }
0x7e: {  	_ =	shalt  }
0x7f: {  	_ =	shalt  }
0x80: {  	_ =	shalt  }
0x81: {  	_ =	shalt  }
0x82: {  	_ =	shalt  }
0x83: {  	_ =	shalt  }
0x84: {  	_ =	shalt  }
0x85: {  	_ =	shalt  }
0x86: {  	_ =	shalt  }
0x87: {  	_ =	shalt  }
.Lfunc_end0:
.L_simem_size_0:
called_computation.1_lowered:
.L_overlay_start_0:
0x88: {  	s2 =	sld [smem:$0x3FD9]  }
0x89: {  	s3 =	sld [smem:$0x3FFE];
	_ =	sdelay $0x1  }
0x8a: {  	s1 =	srdreg.scid  }
0x8b: {  	s0 =	sand.u32 $0x1, s1  }
0x8c: {  	s17 =	sshll.u32 s0, $0xA;
	s2 =	sadd.s32 s3, s2  }
0x8d: {  	s2 =	sadd.s32 s2, s17  }
0x8e: {  	[smem:$0x3FBE] =	sst s2  }
0x8f: {  	_ = 	snop  }
0x90: {  	s2 =	sld [smem:$0x3FC9];
	(tm) =	ssettm $0x1  }
0x91: {  	s18 =	sld [smem:$0x3FFB];
	_ =	sdelay $0x3  }
0x92: {  	_ =	strace s18  }
0x93: {  	s3 =	sld [smem:$0x3FFC];
	_ =	sdelay $0x3  }
0x94: {  	_ =	strace s3  }
0x95: {  	s3 =	sld [smem:$0x3FFD];
	_ =	sdelay $0x3  }
0x96: {  	_ =	strace s3  }
0x97: {  	_ =	strace $0x8FFFFFFF  }
0x98: {  	s19 =	sld [smem:$0x3FDB];
	_ =	sdelay $0x1  }
0x99: {  	s4 =	simm.s32 $_scs_section_size  }
0x9a: {  	s5 =	simm.s32 $_size__tile_overlayer_lowered;
	s6 =	simm.s32 $_tile_overlayer_lowered  }
0x9b: {  	s22 =	simm.s32 $0x1BFF;
	s21 =	sshll.u32 s6, $0x1;
	s3 =	sadd.s32 s4, s19  }
0x9c: {  	s7 =	simm.s32 $0x0;
	s20 =	sshll.u32 s5, $0x1;
	s5 =	sadd.s32 s21, s3  }
0x9d: {  	[timem:s7], [sflag:s22] =	dma.local [hbm:s5], s20  }
0x9e: {  	_ =	swait.ge [sflag:s22], s20  }
0x9f: {  	s4 =	ssub.s32 $0x0, s20;
	[sflag:s22] =	ssyncset.done $0x0  }
0xa0: {  	[sflag:s22] =	ssyncadd.s32 s4;
	_ =	sdelay $0x1  }
0xa1: {  	s23 =	simm.s32 $0x1B8B  }
0xa2: {  	_ =	swait.ge [sflag:s23], $0x1  }
0xa3: {  	[sflag:s23] =	ssyncset.done $0x0  }
0xa4: {  	s25 =	simm.s32 $0x1B8E;
	s24 =	sld [smem:$0x3FFE];
	[sflag:s23] =	ssyncadd.s32 $0xFFFFFFFF  }
0xa5: {  	s26 =	simm.s32 $execute0_lowered;
	[smem:$0x3FD2] =	sst s25  }
0xa6: {  	s5 =	sshll.u32 s26, $0x1;
	_ =	strace $0x80000046;
	[dreg:$0x1] =	wrdreg $0xFFFFFFFF  }
0xa7: {  	s28 =	simm.s32 $_size_execute0_lowered;
	s3 =	sadd.s32 s3, s5;
	[dreg:$0x0] =	wrdreg $0x0  }
0xa8: {  	s5 =	sshll.u32 s28, $0x1;
	[dreg:$0x2] =	wrdreg s3  }
0xa9: {  	[dreg:$0x3] =	wrdreg s5  }
0xaa: {  	[dreg:$0x4] =	wrdreg $0xC0  }
0xab: {  	_ =	task [dreg:s7], $0x5FFFF  }
0xac: {  	[dreg:$0x1] =	wrdreg $0xFFFFFFFF  }
0xad: {  	[dreg:$0x0] =	wrdreg $0x60  }
0xae: {  	[dreg:$0x2] =	wrdreg s2  }
0xaf: {  	[dreg:$0x3] =	wrdreg s24  }
0xb0: {  	[dreg:$0x4] =	wrdreg $0x0  }
0xb1: {  	[dreg:$0x5] =	wrdreg $0xA  }
0xb2: {  	_ =	task.clear_ibuf [dreg:s7], $0x6FFFF;
	_ =	strace $0x90000046  }
0xb3: {  	s29 =	simm.s32 $0xA;
	_ =	strace $0x80000048  }
0xb4: {  	_ =	swait.ge [sflag:s29], $0x1  }
0xb5: {  	[sflag:s29] =	ssyncadd.s32 $0xFFFFFFFF  }
0xb6: {  	_ =	strace $0x90000048  }
0xb7: {  	_ =	sfence  }
0xb8: {  	s30 =	sld [smem:$0x0];
	_ =	sdelay $0x2  }
0xb9: {  	s31 =	sshll.u32 s1, $0xD;
	s1 =	sshrl.u32 s1, $0x2  }
0xba: {  	s3 =	sand.u32 $0x4000, s31;
	s1 =	sadd.s32 s1, s30  }
0xbb: {  	s0 =	sor.u32 s3, s0;
	s1 =	sshll.u32 s1, $0x11  }
0xbc: {  	s0 =	sor.u32 s1, s0  }
0xbd: {  	s0 =	sadd.s32 $0x8F2B, s0  }
0xbe: {  	[sflag:s0] =	ssyncadd.remote.s32 $0x1  }
0xbf: {  	_ =	sfence.sel $0xFFFF  }
0xc0: {  	[dreg:$0x0] =	wrdreg $0xFFFFFFFF;
	(pc) =	sbr.abs _section_cstart, $3  }
0xc1: {  	[dreg:$0x1] =	wrdreg $0xFFFFFFFF  }
0xc2: {  	_ =	task.clear_ibuf [dreg:s7], $0x2FFFF;
	_ =	strace $0x9FFFFFFF  }
0xc3: {  	(tm) =	ssettm $0x7FFFFFFF  }
tec
execute0_lowered:
.L_overlay_start_1:
0x0: {  	(tag) =	ssettag $0x1  }
0x1: {  	s1 =	rddreg [dreg:$0x0]  }
0x2: {  	s0 =	rddreg [dreg:$0x1]  }
0x3: {  	s2 =	rddreg [dreg:$0x2];
	s3 =	simm.s32 $0x0;
	s8 =	stileid.u32  }
0x4: {  	s4 =	srdreg.scid;
	s28 =	simm.s32 $0x0;
	s9 =	smul.u32 $0x4E200, s8  }
0x5: {  	[smem:$0x7FF] =	sst s3;
	s6 =	sand.u32 $0x1, s4;
	s4 =	sadd.s32 $0xC200, s0  }
0x6: {  	s5 =	sadd.s32 $0x2400, s0;
	s7 =	smul.u32 $0x27100, s6;
	s9 =	sshrl.u32 s9, $0x2  }
0x7: {  	s10 =	ssub.s32 $0x2, s6;
	s20 =	sshll.u32 s6, $0x4;
	s6 =	sadd.s32 s9, s2  }
0x8: {  	s13 =	smul.u32 $0x2710, s8;
	p0 =	sne.s32 s8, $0x0;
	s22 =	sadd.s32 $0xC80, s6  }
0x9: {  	_ =	strace $0x80000047;
	s23 =	sadd.s32 $0x1900, s6;
	[dreg:$0x4] =	wrdreg s22  }
0xa: {  	s11 =	sshrl.u32 s10, $0x1;
	s24 =	sadd.s32 $0x2580, s6;
	[dreg:$0x5] =	wrdreg s23  }
0xb: {  	s21 =	sor.u32 s8, s20;
	s25 =	sadd.s32 $0x3200, s6;
	[dreg:$0x6] =	wrdreg s24  }
0xc: {  	s0 =	sadd.s32 s7, s0;
	s26 =	sadd.s32 $0x3E80, s6;
	[dreg:$0x7] =	wrdreg s25  }
0xd: {  	s10 =	ssub.s32 s10, s11;
	s29 =	sadd.s32 $0x4B00, s6;
	[dreg:$0x8] =	wrdreg s26  }
0xe: {  	s9 =	smul.u32 $0x2710, s21;
	s30 =	sadd.s32 $0x5780, s6;
	[dreg:$0x9] =	wrdreg s29  }
0xf: {  	s7 =	sadd.s32 s13, s7;
	s31 =	sadd.s32 $0x6400, s6;
	[dreg:$0xa] =	wrdreg s30  }
0x10: {  	s13 =	simm.s32 $0x18A80;
	s12 =	sadd.s32 $0x7080, s6;
	[dreg:$0xb] =	wrdreg s31  }
0x11: {  	s14 =	sadd.s32 $0x8980, s6;
	s15 =	sadd.s32 $0x9600, s6;
	[dreg:$0xc] =	wrdreg s12  }
0x12: {  	s0 =	sadd.s32 $0x16000, s0;
	s17 =	sadd.s32 $0x50, s7;
	[dreg:$0xe] =	wrdreg s14  }
0x13: {  	s18 =	smax.u32 s10, $0x1;
	s19 =	sadd.s32 $0xA280, s6;
	[dreg:$0xf] =	wrdreg s15  }
0x14: {  	s20 =	sadd.s32 $0xAF00, s6;
	s21 =	sadd.s32 $0xBB80, s6;
	[dreg:$0x12] =	wrdreg s0  }
0x15: {  	s10 =	sadd.s32 $0x11300, s6;
	s11 =	sadd.s32 $0x11F80, s6;
	[dreg:$0x13] =	wrdreg s18  }
0x16: {  	s12 =	sadd.s32 $0x7D00, s6;
	s9 =	sshrl.u32 s9, $0x3;
	[dreg:$0x14] =	wrdreg s19  }
0x17: {  	s23 =	sadd.s32 $0xA0, s7;
	s0 =	sshrl.u32 s17, $0x3;
	[dreg:$0x15] =	wrdreg s20  }
0x18: {  	[dreg:$0x16] =	wrdreg s21;
	s22 =	sadd.s32 $0xC800, s6;
	s26 =	sadd.s32 $0xD480, s6  }
0x19: {  	s29 =	sadd.s32 $0xE100, s6;
	s30 =	sadd.s32 $0xED80, s6;
	s31 =	sadd.s32 $0xFA00, s6  }
0x1a: {  	s14 =	simm.s32 $0x3;
	s15 =	simm.s32 $0x13880;
	[dreg:$0xd] =	wrdreg s12  }
0x1b: {  	s17 =	simm.s32 $0x50;
	s18 =	simm.s32 $0x13980;
	[dreg:$0x17] =	wrdreg s22  }
0x1c: {  	s19 =	simm.s32 $0x16180;
	s20 =	simm.s32 $0x16200;
	[dreg:$0x18] =	wrdreg s26  }
0x1d: {  	s21 =	simm.s32 $0x16280;
	s16 =	sadd.s32 s4, s9;
	[dreg:$0x19] =	wrdreg s29  }
0x1e: {  	s9 =	sadd.s32 s5, s9;
	s24 =	sadd.s32 s0, s5;
	[dreg:$0x1a] =	wrdreg s30  }
0x1f: {  	s25 =	sadd.s32 s0, s4;
	[dreg:$0x1b] =	wrdreg s31;
	s12 =	sadd.s32 $0x12C00, s6  }
0x20: {  	s22 =	simm.s32 $0x1;
	s26 =	simm.s32 $0x2;
	[dreg:$0x10] =	wrdreg s16  }
0x21: {  	v0 =	vimm.f32 $0.0e+00;
	[dreg:$0x11] =	wrdreg s9;
	s9 =	sadd.s32 $0x10680, s6;
	s16 =	simm.s32 $0x13900  }
.LBB2_1:
0x22: {  	s29 =	simm.s32 $0x0;
	s30 =	simm.s32 $0x200  }
.LBB2_2:
0x23: {  	p1 =	sne.s32 s30, $0x3000;
	[tilespmem:s29+$0x18AF0] =	vst v0  }
0x24: {  	[tilespmem:s29+$0x18A80] =	vst v0  }
0x25: {  	[tilespmem:s29+$0x18A90] =	vst v0  }
.Ltmp0:
0x26: {  	[tilespmem:s29+$0x18AA0] =	vst v0;
	(pc) =	sbr.rel @p1 .LBB2_2-.Ltmp0, $4  }
0x27: {  	[tilespmem:s29+$0x18AB0] =	vst v0  }
0x28: {  	[tilespmem:s29+$0x18AC0] =	vst v0  }
0x29: {  	[tilespmem:s29+$0x18AD0] =	vst v0  }
0x2a: {  	[tilespmem:s29+$0x18AE0] =	vst v0;
	s29 =	sshra.s32 s30, $0x2;
	s30 =	sadd.s32 $0x200, s30  }
0x2b: {  	[tilespmem:s29+$0x18AF0] =	vst v0  }
0x2c: {  	[tilespmem:s29+$0x18A80] =	vst v0  }
0x2d: {  	[tilespmem:s29+$0x18A90] =	vst v0  }
0x2e: {  	[tilespmem:s29+$0x18AA0] =	vst v0  }
0x2f: {  	[tilespmem:s29+$0x18AB0] =	vst v0  }
0x30: {  	[tilespmem:s29+$0x18AC0] =	vst v0  }
0x31: {  	[tilespmem:s29+$0x18AD0] =	vst v0  }
0x32: {  	[tilespmem:s29+$0x18AE0] =	vst v0  }
0x33: {  	[spmem:s6] =	stream.linear.scatter [tilespmem:s13], [sflag:$0x3], $0xC80, $0x38;
	[tilespmem:$0x19A80] =	vst v63  }
0x34: {  	_ =	swait.ge [sflag:s14], $0xC80  }
0x35: {  	[sflag:s14] =	ssyncset.done $0x0  }
0x36: {  	s0 =	rddreg [dreg:$0x4];
	[sflag:s14] =	ssyncadd.s32 $0xFFFFF380  }
0x37: {  	[spmem:s0] =	stream.linear.scatter [tilespmem:s13], [sflag:$0x3], $0xC80, $0x38;
	[tilespmem:$0x19A80] =	vst v63  }
0x38: {  	_ =	swait.ge [sflag:s14], $0xC80  }
0x39: {  	[sflag:s14] =	ssyncset.done $0x0  }
0x3a: {  	s7 =	rddreg [dreg:$0x5];
	[sflag:s14] =	ssyncadd.s32 $0xFFFFF380  }
0x3b: {  	[spmem:s7] =	stream.linear.scatter [tilespmem:s13], [sflag:$0x3], $0xC80, $0x38;
	[tilespmem:$0x19A80] =	vst v63  }
0x3c: {  	_ =	swait.ge [sflag:s14], $0xC80  }
0x3d: {  	[sflag:s14] =	ssyncset.done $0x0  }
0x3e: {  	s8 =	rddreg [dreg:$0x6];
	[sflag:s14] =	ssyncadd.s32 $0xFFFFF380  }
0x3f: {  	[spmem:s8] =	stream.linear.scatter [tilespmem:s13], [sflag:$0x3], $0xC80, $0x38;
	[tilespmem:$0x19A80] =	vst v63  }
0x40: {  	_ =	swait.ge [sflag:s14], $0xC80  }
0x41: {  	[sflag:s14] =	ssyncset.done $0x0  }
0x42: {  	s7 =	rddreg [dreg:$0x7];
	[sflag:s14] =	ssyncadd.s32 $0xFFFFF380  }
0x43: {  	[spmem:s7] =	stream.linear.scatter [tilespmem:s13], [sflag:$0x3], $0xC80, $0x38;
	[tilespmem:$0x19A80] =	vst v63  }
0x44: {  	_ =	swait.ge [sflag:s14], $0xC80  }
0x45: {  	[sflag:s14] =	ssyncset.done $0x0  }
0x46: {  	s8 =	rddreg [dreg:$0x8];
	[sflag:s14] =	ssyncadd.s32 $0xFFFFF380  }
0x47: {  	[spmem:s8] =	stream.linear.scatter [tilespmem:s13], [sflag:$0x3], $0xC80, $0x38;
	[tilespmem:$0x19A80] =	vst v63  }
0x48: {  	_ =	swait.ge [sflag:s14], $0xC80  }
0x49: {  	[sflag:s14] =	ssyncset.done $0x0  }
0x4a: {  	s7 =	rddreg [dreg:$0x9];
	[sflag:s14] =	ssyncadd.s32 $0xFFFFF380  }
0x4b: {  	[spmem:s7] =	stream.linear.scatter [tilespmem:s13], [sflag:$0x3], $0xC80, $0x38;
	[tilespmem:$0x19A80] =	vst v63  }
0x4c: {  	_ =	swait.ge [sflag:s14], $0xC80  }
0x4d: {  	[sflag:s14] =	ssyncset.done $0x0  }
0x4e: {  	s8 =	rddreg [dreg:$0xa];
	[sflag:s14] =	ssyncadd.s32 $0xFFFFF380  }
0x4f: {  	[spmem:s8] =	stream.linear.scatter [tilespmem:s13], [sflag:$0x3], $0xC80, $0x38;
	[tilespmem:$0x19A80] =	vst v63  }
0x50: {  	_ =	swait.ge [sflag:s14], $0xC80  }
0x51: {  	[sflag:s14] =	ssyncset.done $0x0  }
0x52: {  	s7 =	rddreg [dreg:$0xb];
	[sflag:s14] =	ssyncadd.s32 $0xFFFFF380  }
0x53: {  	[spmem:s7] =	stream.linear.scatter [tilespmem:s13], [sflag:$0x3], $0xC80, $0x38;
	[tilespmem:$0x19A80] =	vst v63  }
0x54: {  	_ =	swait.ge [sflag:s14], $0xC80  }
0x55: {  	[sflag:s14] =	ssyncset.done $0x0  }
0x56: {  	s8 =	rddreg [dreg:$0xc];
	[sflag:s14] =	ssyncadd.s32 $0xFFFFF380  }
0x57: {  	[spmem:s8] =	stream.linear.scatter [tilespmem:s13], [sflag:$0x3], $0xC80, $0x38;
	[tilespmem:$0x19A80] =	vst v63  }
0x58: {  	_ =	swait.ge [sflag:s14], $0xC80  }
0x59: {  	[sflag:s14] =	ssyncset.done $0x0  }
0x5a: {  	s7 =	rddreg [dreg:$0xd];
	[sflag:s14] =	ssyncadd.s32 $0xFFFFF380  }
0x5b: {  	[spmem:s7] =	stream.linear.scatter [tilespmem:s13], [sflag:$0x3], $0xC80, $0x38;
	[tilespmem:$0x19A80] =	vst v63  }
0x5c: {  	_ =	swait.ge [sflag:s14], $0xC80  }
0x5d: {  	[sflag:s14] =	ssyncset.done $0x0  }
0x5e: {  	s8 =	rddreg [dreg:$0xe];
	[sflag:s14] =	ssyncadd.s32 $0xFFFFF380  }
0x5f: {  	[spmem:s8] =	stream.linear.scatter [tilespmem:s13], [sflag:$0x3], $0xC80, $0x38;
	[tilespmem:$0x19A80] =	vst v63  }
0x60: {  	_ =	swait.ge [sflag:s14], $0xC80  }
0x61: {  	[sflag:s14] =	ssyncset.done $0x0  }
0x62: {  	s7 =	rddreg [dreg:$0xf];
	[sflag:s14] =	ssyncadd.s32 $0xFFFFF380  }
0x63: {  	[spmem:s7] =	stream.linear.scatter [tilespmem:s13], [sflag:$0x3], $0xC80, $0x38;
	[tilespmem:$0x19A80] =	vst v63  }
0x64: {  	_ =	swait.ge [sflag:s14], $0xC80  }
0x65: {  	[sflag:s14] =	ssyncset.done $0x0  }
0x66: {  	s8 =	rddreg [dreg:$0x14];
	[sflag:s14] =	ssyncadd.s32 $0xFFFFF380  }
0x67: {  	[spmem:s8] =	stream.linear.scatter [tilespmem:s13], [sflag:$0x3], $0xC80, $0x38;
	[tilespmem:$0x19A80] =	vst v63  }
0x68: {  	_ =	swait.ge [sflag:s14], $0xC80  }
0x69: {  	[sflag:s14] =	ssyncset.done $0x0  }
0x6a: {  	s7 =	rddreg [dreg:$0x15];
	[sflag:s14] =	ssyncadd.s32 $0xFFFFF380  }
0x6b: {  	[spmem:s7] =	stream.linear.scatter [tilespmem:s13], [sflag:$0x3], $0xC80, $0x38;
	[tilespmem:$0x19A80] =	vst v63  }
0x6c: {  	_ =	swait.ge [sflag:s14], $0xC80  }
0x6d: {  	[sflag:s14] =	ssyncset.done $0x0  }
0x6e: {  	s8 =	rddreg [dreg:$0x16];
	[sflag:s14] =	ssyncadd.s32 $0xFFFFF380  }
0x6f: {  	[spmem:s8] =	stream.linear.scatter [tilespmem:s13], [sflag:$0x3], $0xC80, $0x38;
	[tilespmem:$0x19A80] =	vst v63  }
0x70: {  	_ =	swait.ge [sflag:s14], $0xC80  }
0x71: {  	[sflag:s14] =	ssyncset.done $0x0  }
0x72: {  	s7 =	rddreg [dreg:$0x17];
	[sflag:s14] =	ssyncadd.s32 $0xFFFFF380  }
0x73: {  	[spmem:s7] =	stream.linear.scatter [tilespmem:s13], [sflag:$0x3], $0xC80, $0x38;
	[tilespmem:$0x19A80] =	vst v63  }
0x74: {  	_ =	swait.ge [sflag:s14], $0xC80  }
0x75: {  	[sflag:s14] =	ssyncset.done $0x0  }
0x76: {  	s8 =	rddreg [dreg:$0x18];
	[sflag:s14] =	ssyncadd.s32 $0xFFFFF380  }
0x77: {  	[spmem:s8] =	stream.linear.scatter [tilespmem:s13], [sflag:$0x3], $0xC80, $0x38;
	[tilespmem:$0x19A80] =	vst v63  }
0x78: {  	_ =	swait.ge [sflag:s14], $0xC80  }
0x79: {  	[sflag:s14] =	ssyncset.done $0x0  }
0x7a: {  	s7 =	rddreg [dreg:$0x19];
	[sflag:s14] =	ssyncadd.s32 $0xFFFFF380  }
0x7b: {  	[spmem:s7] =	stream.linear.scatter [tilespmem:s13], [sflag:$0x3], $0xC80, $0x38;
	[tilespmem:$0x19A80] =	vst v63  }
0x7c: {  	_ =	swait.ge [sflag:s14], $0xC80  }
0x7d: {  	[sflag:s14] =	ssyncset.done $0x0  }
0x7e: {  	s8 =	rddreg [dreg:$0x1a];
	[sflag:s14] =	ssyncadd.s32 $0xFFFFF380  }
0x7f: {  	[spmem:s8] =	stream.linear.scatter [tilespmem:s13], [sflag:$0x3], $0xC80, $0x38;
	[tilespmem:$0x19A80] =	vst v63  }
0x80: {  	_ =	swait.ge [sflag:s14], $0xC80  }
0x81: {  	[sflag:s14] =	ssyncset.done $0x0  }
0x82: {  	s7 =	rddreg [dreg:$0x1b];
	[sflag:s14] =	ssyncadd.s32 $0xFFFFF380  }
0x83: {  	[spmem:s7] =	stream.linear.scatter [tilespmem:s13], [sflag:$0x3], $0xC80, $0x38;
	[tilespmem:$0x19A80] =	vst v63  }
0x84: {  	_ =	swait.ge [sflag:s14], $0xC80  }
0x85: {  	[sflag:s14] =	ssyncset.done $0x0  }
0x86: {  	[sflag:s14] =	ssyncadd.s32 $0xFFFFF380  }
0x87: {  	[spmem:s9] =	stream.linear.scatter [tilespmem:s13], [sflag:$0x3], $0xC80, $0x38;
	[tilespmem:$0x19A80] =	vst v63  }
0x88: {  	_ =	swait.ge [sflag:s14], $0xC80  }
0x89: {  	[sflag:s14] =	ssyncset.done $0x0  }
0x8a: {  	[sflag:s14] =	ssyncadd.s32 $0xFFFFF380  }
0x8b: {  	[spmem:s10] =	stream.linear.scatter [tilespmem:s13], [sflag:$0x3], $0xC80, $0x38;
	[tilespmem:$0x19A80] =	vst v63  }
0x8c: {  	_ =	swait.ge [sflag:s14], $0xC80  }
0x8d: {  	[sflag:s14] =	ssyncset.done $0x0  }
0x8e: {  	[sflag:s14] =	ssyncadd.s32 $0xFFFFF380  }
0x8f: {  	[spmem:s11] =	stream.linear.scatter [tilespmem:s13], [sflag:$0x3], $0xC80, $0x38;
	[tilespmem:$0x19A80] =	vst v63  }
0x90: {  	_ =	swait.ge [sflag:s14], $0xC80  }
0x91: {  	[sflag:s14] =	ssyncset.done $0x0  }
0x92: {  	[sflag:s14] =	ssyncadd.s32 $0xFFFFF380  }
0x93: {  	[spmem:s12] =	stream.linear.scatter [tilespmem:s13], [sflag:$0x3], $0xC80, $0x38;
	[tilespmem:$0x19A80] =	vst v63  }
0x94: {  	_ =	swait.ge [sflag:s14], $0xC80  }
0x95: {  	[sflag:s14] =	ssyncset.done $0x0  }
0x96: {  	[sflag:s14] =	ssyncadd.s32 $0xFFFFF380  }
0x97: {  	[bflag:$0x0] =	sbarrier.arrive $0xFFFF  }
0x98: {  	s0 =	simm.s32 $0x0;
	s7 =	rddreg [dreg:$0x10]  }
0x99: {  	[tilespmem:s15], [sflag:$0x3] =	stream.linear.gather [hbm4b:s7+s0], $0x50, $0x38;
	[tilespmem:$0x19A80] =	vst v63  }
0x9a: {  	_ =	swait.ge [sflag:s14], $0x50  }
0x9b: {  	[sflag:s14] =	ssyncset.done $0x0  }
0x9c: {  	s8 =	rddreg [dreg:$0x11];
	[sflag:s14] =	ssyncadd.s32 $0xFFFFFFB0  }
0x9d: {  	[tilespmem:s16], [sflag:$0x3] =	stream.linear.gather [hbm4b:s8+s0], $0x50, $0x38;
	[tilespmem:$0x19A80] =	vst v63  }
0x9e: {  	_ =	swait.ge [sflag:s14], $0x50  }
0x9f: {  	[sflag:s14] =	ssyncset.done $0x0  }
0xa0: {  	[sflag:s14] =	ssyncadd.s32 $0xFFFFFFB0  }
0xa1: {  	[tilespmem:s18], [sflag:$0x1] =	stream.indirect.gather [hbm4b:s1+s17], $0x80, s15, s17, $0xb8;
	[tilespmem:$0x19A80] =	vst v63  }
0xa2: {  	s8 =	sadd.s32 $0x0, s25  }
0xa3: {  	[tilespmem:s19], [sflag:$0x3] =	stream.linear.gather [hbm4b:s8+s3], $0x50, $0x38;
	[tilespmem:$0x19A80] =	vst v63  }
0xa4: {  	_ =	swait.ge [sflag:s14], $0x50  }
0xa5: {  	[sflag:s14] =	ssyncset.done $0x0  }
0xa6: {  	s7 =	sadd.s32 $0x0, s24;
	[sflag:s14] =	ssyncadd.s32 $0xFFFFFFB0  }
0xa7: {  	[tilespmem:s20], [sflag:$0x3] =	stream.linear.gather [hbm4b:s7+s3], $0x50, $0x38;
	[tilespmem:$0x19A80] =	vst v63  }
0xa8: {  	_ =	swait.ge [sflag:s14], $0x50  }
0xa9: {  	[sflag:s14] =	ssyncset.done $0x0  }
0xaa: {  	[sflag:s14] =	ssyncadd.s32 $0xFFFFFFB0  }
0xab: {  	[tilespmem:s21], [sflag:$0x2] =	stream.indirect.gather [hbm4b:s1+s17], $0x80, s19, s17, $0xb8;
	[tilespmem:$0x19A80] =	vst v63  }
0xac: {  	_ =	swait.ge [sflag:s22], $0x2800  }
0xad: {  	[sflag:s22] =	ssyncset.done $0x0  }
0xae: {  	[sflag:s22] =	ssyncadd.s32 $0xFFFFD800  }
0xaf: {  	[spmem:s2] =	stream.indirect.scatter.add.f32 [tilespmem:s18], [sflag:$0x3], $0x80, s16, s17, $0xb8;
	[tilespmem:$0x19A80] =	vst v63  }
0xb0: {  	_ =	swait.ge [sflag:s14], $0x2800  }
0xb1: {  	s8 =	sshrl.u32 s23, $0x3;
	[sflag:s14] =	ssyncset.done $0x0  }
0xb2: {  	s29 =	sadd.s32 s4, s8;
	[sflag:s14] =	ssyncadd.s32 $0xFFFFD800  }
0xb3: {  	[tilespmem:s15], [sflag:$0x3] =	stream.linear.gather [hbm4b:s29+s3], $0x50, $0x38;
	[tilespmem:$0x19A80] =	vst v63  }
0xb4: {  	_ =	swait.ge [sflag:s14], $0x50  }
0xb5: {  	[sflag:s14] =	ssyncset.done $0x0  }
0xb6: {  	s0 =	sadd.s32 s5, s8;
	[sflag:s14] =	ssyncadd.s32 $0xFFFFFFB0  }
0xb7: {  	[tilespmem:s16], [sflag:$0x3] =	stream.linear.gather [hbm4b:s0+s3], $0x50, $0x38;
	[tilespmem:$0x19A80] =	vst v63  }
0xb8: {  	_ =	swait.ge [sflag:s14], $0x50  }
0xb9: {  	[sflag:s14] =	ssyncset.done $0x0  }
0xba: {  	[sflag:s14] =	ssyncadd.s32 $0xFFFFFFB0  }
0xbb: {  	[tilespmem:s18], [sflag:$0x1] =	stream.indirect.gather [hbm4b:s1+s17], $0x80, s15, s17, $0xb8;
	[tilespmem:$0x19A80] =	vst v63  }
0xbc: {  	_ =	swait.ge [sflag:s26], $0x2800  }
0xbd: {  	[sflag:s26] =	ssyncset.done $0x0  }
0xbe: {  	[sflag:s26] =	ssyncadd.s32 $0xFFFFD800  }
0xbf: {  	[spmem:s2] =	stream.indirect.scatter.add.f32 [tilespmem:s21], [sflag:$0x3], $0x80, s20, s17, $0xb8;
	[tilespmem:$0x19A80] =	vst v63  }
0xc0: {  	s30 =	simm.s32 $0x14;
	_ =	swait.ge [sflag:s14], $0x2800  }
0xc1: {  	s31 =	simm.s32 $0x28;
	s29 =	sadd.s32 $0xA0, s23;
	[sflag:s14] =	ssyncset.done $0x0  }
.LBB2_4:
0xc2: {  	s7 =	sadd.s32 s30, s25  }
0xc3: {  	[sflag:s14] =	ssyncadd.s32 $0xFFFFD800;
	s8 =	smov.u32 s31;
	s0 =	sadd.s32 $0x14, s31  }
0xc4: {  	[tilespmem:s19], [sflag:$0x3] =	stream.linear.gather [hbm4b:s7+s3], $0x50, $0x38;
	[tilespmem:$0x19A80] =	vst v63  }
0xc5: {  	p1 =	sne.s32 s31, $0x4C4;
	_ =	swait.ge [sflag:s14], $0x50  }
0xc6: {  	[sflag:s14] =	ssyncset.done $0x0  }
0xc7: {  	s7 =	sadd.s32 s30, s24;
	s30 =	smov.u32 s8;
	[sflag:s14] =	ssyncadd.s32 $0xFFFFFFB0  }
0xc8: {  	[tilespmem:s20], [sflag:$0x3] =	stream.linear.gather [hbm4b:s7+s3], $0x50, $0x38;
	[tilespmem:$0x19A80] =	vst v63  }
0xc9: {  	_ =	swait.ge [sflag:s14], $0x50  }
0xca: {  	[sflag:s14] =	ssyncset.done $0x0  }
0xcb: {  	[sflag:s14] =	ssyncadd.s32 $0xFFFFFFB0  }
0xcc: {  	[tilespmem:s21], [sflag:$0x2] =	stream.indirect.gather [hbm4b:s1+s17], $0x80, s19, s17, $0xb8;
	[tilespmem:$0x19A80] =	vst v63  }
0xcd: {  	_ =	swait.ge [sflag:s22], $0x2800  }
0xce: {  	[sflag:s22] =	ssyncset.done $0x0  }
0xcf: {  	[sflag:s22] =	ssyncadd.s32 $0xFFFFD800  }
0xd0: {  	[spmem:s2] =	stream.indirect.scatter.add.f32 [tilespmem:s18], [sflag:$0x3], $0x80, s16, s17, $0xb8;
	[tilespmem:$0x19A80] =	vst v63  }
0xd1: {  	_ =	swait.ge [sflag:s14], $0x2800  }
0xd2: {  	s7 =	sshrl.u32 s29, $0x3;
	[sflag:s14] =	ssyncset.done $0x0  }
0xd3: {  	s8 =	sadd.s32 s4, s7;
	[sflag:s14] =	ssyncadd.s32 $0xFFFFD800  }
0xd4: {  	[tilespmem:s15], [sflag:$0x3] =	stream.linear.gather [hbm4b:s8+s3], $0x50, $0x38;
	[tilespmem:$0x19A80] =	vst v63  }
0xd5: {  	_ =	swait.ge [sflag:s14], $0x50  }
0xd6: {  	[sflag:s14] =	ssyncset.done $0x0  }
0xd7: {  	s7 =	sadd.s32 s5, s7;
	[sflag:s14] =	ssyncadd.s32 $0xFFFFFFB0  }
0xd8: {  	[tilespmem:s16], [sflag:$0x3] =	stream.linear.gather [hbm4b:s7+s3], $0x50, $0x38;
	[tilespmem:$0x19A80] =	vst v63  }
0xd9: {  	_ =	swait.ge [sflag:s14], $0x50  }
0xda: {  	[sflag:s14] =	ssyncset.done $0x0  }
0xdb: {  	[sflag:s14] =	ssyncadd.s32 $0xFFFFFFB0  }
0xdc: {  	[tilespmem:s18], [sflag:$0x1] =	stream.indirect.gather [hbm4b:s1+s17], $0x80, s15, s17, $0xb8;
	[tilespmem:$0x19A80] =	vst v63  }
0xdd: {  	_ =	swait.ge [sflag:s26], $0x2800  }
.Ltmp1:
0xde: {  	[sflag:s26] =	ssyncset.done $0x0;
	(pc) =	sbr.rel @p1 .LBB2_4-.Ltmp1, $4  }
0xdf: {  	[sflag:s26] =	ssyncadd.s32 $0xFFFFD800  }
0xe0: {  	[spmem:s2] =	stream.indirect.scatter.add.f32 [tilespmem:s21], [sflag:$0x3], $0x80, s20, s17, $0xb8;
	[tilespmem:$0x19A80] =	vst v63  }
0xe1: {  	_ =	swait.ge [sflag:s14], $0x2800  }
0xe2: {  	s31 =	smov.u32 s0;
	s29 =	sadd.s32 $0xA0, s29;
	[sflag:s14] =	ssyncset.done $0x0  }
0xe3: {  	s0 =	sadd.s32 s30, s25;
	[sflag:s14] =	ssyncadd.s32 $0xFFFFD800  }
0xe4: {  	[tilespmem:s19], [sflag:$0x3] =	stream.linear.gather [hbm4b:s0+s3], $0x50, $0x38;
	[tilespmem:$0x19A80] =	vst v63  }
0xe5: {  	_ =	swait.ge [sflag:s14], $0x50  }
0xe6: {  	[sflag:s14] =	ssyncset.done $0x0  }
0xe7: {  	s8 =	sadd.s32 s30, s24;
	[sflag:s14] =	ssyncadd.s32 $0xFFFFFFB0  }
0xe8: {  	[tilespmem:s20], [sflag:$0x3] =	stream.linear.gather [hbm4b:s8+s3], $0x50, $0x38;
	[tilespmem:$0x19A80] =	vst v63  }
0xe9: {  	_ =	swait.ge [sflag:s14], $0x50  }
0xea: {  	[sflag:s14] =	ssyncset.done $0x0  }
0xeb: {  	[sflag:s14] =	ssyncadd.s32 $0xFFFFFFB0  }
0xec: {  	[tilespmem:s21], [sflag:$0x2] =	stream.indirect.gather [hbm4b:s1+s17], $0x80, s19, s17, $0xb8;
	[tilespmem:$0x19A80] =	vst v63  }
0xed: {  	_ =	swait.ge [sflag:s22], $0x2800  }
0xee: {  	[sflag:s22] =	ssyncset.done $0x0  }
0xef: {  	[sflag:s22] =	ssyncadd.s32 $0xFFFFD800  }
0xf0: {  	[spmem:s2] =	stream.indirect.scatter.add.f32 [tilespmem:s18], [sflag:$0x3], $0x80, s16, s17, $0xb8;
	[tilespmem:$0x19A80] =	vst v63  }
0xf1: {  	_ =	swait.ge [sflag:s14], $0x2800  }
0xf2: {  	s30 =	sshrl.u32 s29, $0x3;
	[sflag:s14] =	ssyncset.done $0x0  }
0xf3: {  	s7 =	sadd.s32 s4, s30;
	[sflag:s14] =	ssyncadd.s32 $0xFFFFD800  }
0xf4: {  	[tilespmem:s15], [sflag:$0x3] =	stream.linear.gather [hbm4b:s7+s3], $0x50, $0x38;
	[tilespmem:$0x19A80] =	vst v63  }
0xf5: {  	_ =	swait.ge [sflag:s14], $0x50  }
0xf6: {  	[sflag:s14] =	ssyncset.done $0x0  }
0xf7: {  	s0 =	sadd.s32 s5, s30;
	[sflag:s14] =	ssyncadd.s32 $0xFFFFFFB0  }
0xf8: {  	[tilespmem:s16], [sflag:$0x3] =	stream.linear.gather [hbm4b:s0+s3], $0x50, $0x38;
	[tilespmem:$0x19A80] =	vst v63  }
0xf9: {  	_ =	swait.ge [sflag:s14], $0x50  }
0xfa: {  	[sflag:s14] =	ssyncset.done $0x0  }
0xfb: {  	[sflag:s14] =	ssyncadd.s32 $0xFFFFFFB0  }
0xfc: {  	[tilespmem:s18], [sflag:$0x1] =	stream.indirect.gather [hbm4b:s1+s17], $0x80, s15, s17, $0xb8;
	[tilespmem:$0x19A80] =	vst v63  }
0xfd: {  	_ =	swait.ge [sflag:s26], $0x2800  }
0xfe: {  	[sflag:s26] =	ssyncset.done $0x0  }
0xff: {  	[sflag:s26] =	ssyncadd.s32 $0xFFFFD800  }
0x100: {  	[spmem:s2] =	stream.indirect.scatter.add.f32 [tilespmem:s21], [sflag:$0x3], $0x80, s20, s17, $0xb8;
	[tilespmem:$0x19A80] =	vst v63  }
0x101: {  	_ =	swait.ge [sflag:s14], $0x2800  }
0x102: {  	[sflag:s14] =	ssyncset.done $0x0  }
0x103: {  	[sflag:s14] =	ssyncadd.s32 $0xFFFFD800  }
0x104: {  	_ =	swait.ge [sflag:s22], $0x2800  }
0x105: {  	[sflag:s22] =	ssyncset.done $0x0  }
0x106: {  	[sflag:s22] =	ssyncadd.s32 $0xFFFFD800  }
0x107: {  	[spmem:s2] =	stream.indirect.scatter.add.f32 [tilespmem:s18], [sflag:$0x3], $0x80, s16, s17, $0xb8;
	[tilespmem:$0x19A80] =	vst v63  }
0x108: {  	_ =	swait.ge [sflag:s14], $0x2800  }
0x109: {  	[sflag:s14] =	ssyncset.done $0x0  }
0x10a: {  	[sflag:s14] =	ssyncadd.s32 $0xFFFFD800  }
0x10b: {  	[bflag:$0x0] =	sbarrier.arrive $0xFFFF  }
0x10c: {  	s7 =	simm.s32 @!p0 $0x1C03;
	s0 =	sshrl.u32 @!p0 s2, $0x3;
	s8 =	rddreg [dreg:$0x12]  }
0x10d: {  	[hbm:s8], [sflag:s7] =	dma.local @!p0 [spmem:s0], $0x27100  }
0x10e: {  	s0 =	simm.s32 @!p0 $0x3  }
0x10f: {  	_ =	swait.ge @!p0 [sflag:s0], $0x27100  }
0x110: {  	s28 =	sadd.s32 $0x1, s28;
	s31 =	rddreg [dreg:$0x13]  }
0x111: {  	p1 =	sne.s32 s28, s31  }
.Ltmp2:
0x112: {  	_ = 	snop;
	(pc) =	sbr.rel @p1 .LBB2_1-.Ltmp2, $3  }
0x113: {  	_ =	sdelay $0x1  }
0x114: {  	[sflag:s0] =	ssyncset.done @!p0 $0x0  }
0x115: {  	[sflag:s0] =	ssyncadd.s32 @!p0 $0xFFFD8F00  }
0x116: {  	_ =	sfence.sel $0x180000  }
0x117: {  	[bflag:$0x0] =	sbarrier.arrive $0xFFFF  }
0x118: {  	_ =	strace $0x90000047  }
0x119: {  	[bflag:$0x2] =	sbarrier.arrive $0xFFFF  }
0x11a: {  	s0 =	rddreg [dreg:$0x3]  }
0x11b: {  	s0 =	sadd.s32 @!p0 $0x100000, s0  }
0x11c: {  	[sflag:s0] =	ssyncadd.tile.s32 @!p0 $0x1;
	_ =	shalt  }
.Lfunc_end2:
_tile_overlayer_lowered:
.L_overlay_start_2:
0x11d: {  	(tag) =	ssettag $0x2  }
0x11e: {  	s0 =	rddreg [dreg:$0x0];
	s2 =	stileid.u32  }
0x11f: {  	s1 =	rddreg [dreg:$0x1];
	p0 =	sne.s32 s2, $0x0  }
0x120: {  	s3 =	rddreg [dreg:$0x2];
	[bflag:$0x3] =	sbarrier.arrive $0xFFFF;
	s2 =	simm.s32 @!p0 $0x1C03  }
0x121: {  	[timem:s3], [sflag:s2] =	dma.local @!p0 [hbm:s0], s1  }
0x122: {  	s0 =	simm.s32 @!p0 $0x3  }
0x123: {  	_ =	swait.ge @!p0 [sflag:s0], s1  }
0x124: {  	s1 =	ssub.s32 @!p0 $0x0, s1;
	[sflag:s0] =	ssyncset.done @!p0 $0x0  }
0x125: {  	[sflag:s0] =	ssyncadd.s32 @!p0 s1  }
0x126: {  	[bflag:$0x3] =	sbarrier.arrive $0xFFFF  }
0x127: {  	_ =	shalt  }

// kernel: kernel.13.cloned.1.call-start
scs
__scs_entry_jumppad:
0x0: {  	(pc) =	sbr.rel $0x88, $3  }
0x1: {  	(tag) =	ssettag $0x0;
	lr =	simm.s32 $0x1  }
0x2: {  	[smem:$0x3F97] =	sst lr;
	_ =	strace $0xD0000000  }
0x3: {  	_ = 	snop  }
0x4: {  	_ = 	snop  }
0x5: {  	_ = 	snop  }
0x6: {  	_ = 	snop  }
0x7: {  	_ = 	snop  }
__scs_overlays_trampoline_lowered:
0x8: {  	[smem:$0x3FA6] =	sst s0  }
0x9: {  	[smem:$0x3FA7] =	sst s1  }
0xa: {  	[smem:$0x3FA8] =	sst s2  }
0xb: {  	[smem:$0x3FA9] =	sst s3  }
0xc: {  	[smem:$0x3FAA] =	sst s4  }
0xd: {  	[smem:$0x3FAB] =	sst s5  }
0xe: {  	[smem:$0x3FAC] =	sst s6  }
0xf: {  	[smem:$0x3FAD] =	sst s7  }
0x10: {  	[smem:$0x3FAE] =	sst s8  }
0x11: {  	[smem:$0x3FAF] =	sst s9;
	s0 =	simm.s32 @!p0 $0x0  }
0x12: {  	s1 =	sld [smem:$0x3F95];
	s0 =	simm.s32 @p0 $0x1  }
0x13: {  	[smem:$0x3FB0] =	sst s0;
	s0 =	simm.s32 @!p1 $0x0  }
0x14: {  	s2 =	sld [smem:$0x3F94];
	s0 =	simm.s32 @p1 $0x1  }
0x15: {  	[smem:$0x3FB1] =	sst s0;
	s0 =	simm.s32 @!p2 $0x0  }
0x16: {  	s3 =	sld [smem:$0x3FDB];
	s0 =	simm.s32 @p2 $0x1  }
0x17: {  	s4 =	simm.s32 $0x1BF5;
	[smem:$0x3FB3] =	sst s0  }
0x18: {  	s0 =	sld [smem:$0x3F96];
	_ =	swait.ge [sflag:s4], $0x0  }
0x19: {  	s7 =	sld [smem:$0x3F97]  }
0x1a: {  	s8 =	sadd.s32 $0xFFFFE003, lr  }
0x1b: {  	s9 =	sadd.s32 $0xFFFFFEF7, lr;
	s5 =	simm.s32 $0xFFFFFFFF;
	p2 =	slt.u32 s8, $0xFFFFF086  }
0x1c: {  	p1 =	slt.u32 s9, $0xF7A;
	s5 =	simm.s32 @!p2 $0x0  }
0x1d: {  	s5 =	simm.s32 @p1 $0x1;
	p0 =	seq.s32 s7, s2  }
0x1e: {  	s7 =	smul.u32 @!p0 $0xF7A, s2;
	p2 =	seq.s32 @!p0 s5, $0x0  }
0x1f: {  	s9 =	smul.u32 $0xF7A, s1;
	s8 =	simm.s32 @!p0 $0x1BF5;
	p2 =	por !p2, p0  }
0x20: {  	[sflag:s8] =	ssyncset.s32 @!p0 $0xFFFFF086;
	s6 =	sadd.s32 @!p0 s3, s7;
	s7 =	simm.s32 @!p0 $0x108  }
0x21: {  	s3 =	sadd.s32 s3, s9;
	s6 =	sadd.s32 @!p0 $0x88, s6;
	s7 =	simm.s32 @p2 $0x1082  }
0x22: {  	[simem:s7], [sflag:s8] =	dma.local @!p0 [hbm:s6], $0xF7A  }
0x23: {  	s9 =	sor.u32 $0xD0000000, s2;
	s6 =	simm.s32 $0x108;
	_ =	swait.ge @!p0 [sflag:s8], $0x0  }
0x24: {  	s3 =	sadd.s32 $0x88, s3;
	s6 =	simm.s32 @!p1 $0x1082;
	[sflag:s4] =	ssyncset.s32 $0xFFFFF086  }
0x25: {  	[simem:s6], [sflag:s4] =	dma.local [hbm:s3], $0xF7A  }
0x26: {  	[smem:$0x3F97] =	sst s1;
	(tag) =	ssettag s2;
	_ =	strace s9  }
0x27: {  	s1 =	sld [smem:$0x3FA7]  }
0x28: {  	s2 =	sld [smem:$0x3FA8]  }
0x29: {  	s4 =	sld [smem:$0x3FAA]  }
0x2a: {  	p0 =	seq.s32 s5, $0x0;
	s5 =	sld [smem:$0x3FAB]  }
0x2b: {  	s6 =	sld [smem:$0x3FAC]  }
0x2c: {  	s7 =	sld [smem:$0x3FAD]  }
0x2d: {  	s3 =	simm.s32 $0x108;
	s8 =	sld [smem:$0x3FAE]  }
0x2e: {  	s3 =	simm.s32 @!p0 $0x1082;
	s9 =	sld [smem:$0x3FAF]  }
0x2f: {  	lr =	sadd.s32 s0, s3;
	s0 =	sld [smem:$0x3FA6]  }
0x30: {  	s3 =	sld [smem:$0x3FA9]  }
0x31: {  	[smem:$0x3FB2] =	sst s10  }
0x32: {  	s10 =	sld [smem:$0x3FB0];
	_ =	sdelay $0x3  }
0x33: {  	p0 =	seq.s32 s10, $0x1;
	s10 =	sld [smem:$0x3FB2];
	_ =	sdelay $0x3  }
0x34: {  	[smem:$0x3FB2] =	sst s10  }
0x35: {  	s10 =	sld [smem:$0x3FB1];
	_ =	sdelay $0x3  }
0x36: {  	p1 =	seq.s32 s10, $0x1;
	s10 =	sld [smem:$0x3FB2];
	_ =	sdelay $0x3  }
0x37: {  	[smem:$0x3FB2] =	sst s10  }
0x38: {  	s10 =	sld [smem:$0x3FB3]  }
0x39: {  	_ = 	snop;
	(pc) =	sbr.ind lr, $3  }
0x3a: {  	_ = 	snop  }
0x3b: {  	_ = 	snop  }
0x3c: {  	p2 =	seq.s32 s10, $0x1;
	s10 =	sld [smem:$0x3FB2]  }
0x3d: {  	_ =	shalt  }
0x3e: {  	_ =	shalt  }
0x3f: {  	_ =	shalt  }
0x40: {  	_ =	shalt  }
0x41: {  	_ =	shalt  }
0x42: {  	_ =	shalt  }
0x43: {  	_ =	shalt  }
0x44: {  	_ =	shalt  }
0x45: {  	_ =	shalt  }
0x46: {  	_ =	shalt  }
0x47: {  	_ =	shalt  }
0x48: {  	_ =	shalt  }
0x49: {  	_ =	shalt  }
0x4a: {  	_ =	shalt  }
0x4b: {  	_ =	shalt  }
0x4c: {  	_ =	shalt  }
0x4d: {  	_ =	shalt  }
0x4e: {  	_ =	shalt  }
0x4f: {  	_ =	shalt  }
0x50: {  	_ =	shalt  }
0x51: {  	_ =	shalt  }
0x52: {  	_ =	shalt  }
0x53: {  	_ =	shalt  }
0x54: {  	_ =	shalt  }
0x55: {  	_ =	shalt  }
0x56: {  	_ =	shalt  }
0x57: {  	_ =	shalt  }
0x58: {  	_ =	shalt  }
0x59: {  	_ =	shalt  }
0x5a: {  	_ =	shalt  }
0x5b: {  	_ =	shalt  }
0x5c: {  	_ =	shalt  }
0x5d: {  	_ =	shalt  }
0x5e: {  	_ =	shalt  }
0x5f: {  	_ =	shalt  }
0x60: {  	_ =	shalt  }
0x61: {  	_ =	shalt  }
0x62: {  	_ =	shalt  }
0x63: {  	_ =	shalt  }
0x64: {  	_ =	shalt  }
0x65: {  	_ =	shalt  }
0x66: {  	_ =	shalt  }
0x67: {  	_ =	shalt  }
0x68: {  	_ =	shalt  }
0x69: {  	_ =	shalt  }
0x6a: {  	_ =	shalt  }
0x6b: {  	_ =	shalt  }
0x6c: {  	_ =	shalt  }
0x6d: {  	_ =	shalt  }
0x6e: {  	_ =	shalt  }
0x6f: {  	_ =	shalt  }
0x70: {  	_ =	shalt  }
0x71: {  	_ =	shalt  }
0x72: {  	_ =	shalt  }
0x73: {  	_ =	shalt  }
0x74: {  	_ =	shalt  }
0x75: {  	_ =	shalt  }
0x76: {  	_ =	shalt  }
0x77: {  	_ =	shalt  }
0x78: {  	_ =	shalt  }
0x79: {  	_ =	shalt  }
0x7a: {  	_ =	shalt  }
0x7b: {  	_ =	shalt  }
0x7c: {  	_ =	shalt  }
0x7d: {  	_ =	shalt  }
0x7e: {  	_ =	shalt  }
0x7f: {  	_ =	shalt  }
0x80: {  	_ =	shalt  }
0x81: {  	_ =	shalt  }
0x82: {  	_ =	shalt  }
0x83: {  	_ =	shalt  }
0x84: {  	_ =	shalt  }
0x85: {  	_ =	shalt  }
0x86: {  	_ =	shalt  }
0x87: {  	_ =	shalt  }
.Lfunc_end0:
.L_simem_size_0:
called_computation.2_lowered:
.L_overlay_start_0:
0x88: {  	s2 =	sld [smem:$0x3FD9]  }
0x89: {  	s3 =	sld [smem:$0x3FFE];
	_ =	sdelay $0x1  }
0x8a: {  	s1 =	srdreg.scid  }
0x8b: {  	s0 =	sand.u32 $0x1, s1  }
0x8c: {  	s17 =	sshll.u32 s0, $0xA;
	s2 =	sadd.s32 s3, s2  }
0x8d: {  	s2 =	sadd.s32 s2, s17  }
0x8e: {  	[smem:$0x3FBE] =	sst s2  }
0x8f: {  	_ = 	snop  }
0x90: {  	s2 =	sld [smem:$0x3FD0];
	(tm) =	ssettm $0x1  }
0x91: {  	s18 =	sld [smem:$0x3FFB];
	_ =	sdelay $0x3  }
0x92: {  	_ =	strace s18  }
0x93: {  	s3 =	sld [smem:$0x3FFC];
	_ =	sdelay $0x3  }
0x94: {  	_ =	strace s3  }
0x95: {  	s3 =	sld [smem:$0x3FFD];
	_ =	sdelay $0x3  }
0x96: {  	_ =	strace s3  }
0x97: {  	_ =	strace $0x8FFFFFFF  }
0x98: {  	s19 =	sld [smem:$0x3FDB];
	_ =	sdelay $0x1  }
0x99: {  	s4 =	simm.s32 $_scs_section_size  }
0x9a: {  	s5 =	simm.s32 $_size__tile_overlayer_lowered;
	s6 =	simm.s32 $_tile_overlayer_lowered  }
0x9b: {  	s22 =	simm.s32 $0x1BFF;
	s21 =	sshll.u32 s6, $0x1;
	s3 =	sadd.s32 s4, s19  }
0x9c: {  	s7 =	simm.s32 $0x0;
	s20 =	sshll.u32 s5, $0x1;
	s5 =	sadd.s32 s21, s3  }
0x9d: {  	[timem:s7], [sflag:s22] =	dma.local [hbm:s5], s20  }
0x9e: {  	_ =	swait.ge [sflag:s22], s20  }
0x9f: {  	s4 =	ssub.s32 $0x0, s20;
	[sflag:s22] =	ssyncset.done $0x0  }
0xa0: {  	[sflag:s22] =	ssyncadd.s32 s4;
	_ =	sdelay $0x1  }
0xa1: {  	s23 =	simm.s32 $0x1B8B  }
0xa2: {  	_ =	swait.ge [sflag:s23], $0x1  }
0xa3: {  	[sflag:s23] =	ssyncset.done $0x0  }
0xa4: {  	s25 =	simm.s32 $0x1B8E;
	s24 =	sld [smem:$0x3FFE];
	[sflag:s23] =	ssyncadd.s32 $0xFFFFFFFF  }
0xa5: {  	s26 =	simm.s32 $execute0_lowered;
	[smem:$0x3FD2] =	sst s25  }
0xa6: {  	s5 =	sshll.u32 s26, $0x1;
	_ =	strace $0x8000004C;
	[dreg:$0x1] =	wrdreg $0xFFFFFFFF  }
0xa7: {  	s28 =	simm.s32 $_size_execute0_lowered;
	s3 =	sadd.s32 s3, s5;
	[dreg:$0x0] =	wrdreg $0x0  }
0xa8: {  	s5 =	sshll.u32 s28, $0x1;
	[dreg:$0x2] =	wrdreg s3  }
0xa9: {  	[dreg:$0x3] =	wrdreg s5  }
0xaa: {  	[dreg:$0x4] =	wrdreg $0xC0  }
0xab: {  	_ =	task [dreg:s7], $0x5FFFF  }
0xac: {  	[dreg:$0x1] =	wrdreg $0xFFFFFFFF  }
0xad: {  	[dreg:$0x0] =	wrdreg $0x60  }
0xae: {  	[dreg:$0x2] =	wrdreg s2  }
0xaf: {  	[dreg:$0x3] =	wrdreg s24  }
0xb0: {  	[dreg:$0x4] =	wrdreg $0x0  }
0xb1: {  	[dreg:$0x5] =	wrdreg $0x9  }
0xb2: {  	_ =	task.clear_ibuf [dreg:s7], $0x6FFFF;
	_ =	strace $0x9000004C  }
0xb3: {  	s29 =	simm.s32 $0x9;
	_ =	strace $0x8000004E  }
0xb4: {  	_ =	swait.ge [sflag:s29], $0x1  }
0xb5: {  	[sflag:s29] =	ssyncadd.s32 $0xFFFFFFFF  }
0xb6: {  	_ =	strace $0x9000004E  }
0xb7: {  	_ =	sfence  }
0xb8: {  	s30 =	sld [smem:$0x0];
	_ =	sdelay $0x2  }
0xb9: {  	s31 =	sshll.u32 s1, $0xD;
	s1 =	sshrl.u32 s1, $0x2  }
0xba: {  	s3 =	sand.u32 $0x4000, s31;
	s1 =	sadd.s32 s1, s30  }
0xbb: {  	s0 =	sor.u32 s3, s0;
	s1 =	sshll.u32 s1, $0x11  }
0xbc: {  	s0 =	sor.u32 s1, s0  }
0xbd: {  	s0 =	sadd.s32 $0x8F2B, s0  }
0xbe: {  	[sflag:s0] =	ssyncadd.remote.s32 $0x1  }
0xbf: {  	_ =	sfence.sel $0xFFFF  }
0xc0: {  	[dreg:$0x0] =	wrdreg $0xFFFFFFFF;
	(pc) =	sbr.abs _section_cstart, $3  }
0xc1: {  	[dreg:$0x1] =	wrdreg $0xFFFFFFFF  }
0xc2: {  	_ =	task.clear_ibuf [dreg:s7], $0x2FFFF;
	_ =	strace $0x9FFFFFFF  }
0xc3: {  	(tm) =	ssettm $0x7FFFFFFF  }
tec
execute0_lowered:
.L_overlay_start_1:
0x0: {  	(tag) =	ssettag $0x1  }
0x1: {  	s1 =	rddreg [dreg:$0x0]  }
0x2: {  	s0 =	rddreg [dreg:$0x1]  }
0x3: {  	s2 =	rddreg [dreg:$0x2];
	s3 =	simm.s32 $0x0;
	s8 =	stileid.u32  }
0x4: {  	s4 =	srdreg.scid;
	s28 =	simm.s32 $0x0;
	s9 =	smul.u32 $0x4E200, s8  }
0x5: {  	[smem:$0x7FF] =	sst s3;
	s6 =	sand.u32 $0x1, s4;
	s4 =	sadd.s32 $0xC200, s0  }
0x6: {  	s5 =	sadd.s32 $0x2400, s0;
	s7 =	smul.u32 $0x27100, s6;
	s9 =	sshrl.u32 s9, $0x2  }
0x7: {  	s10 =	ssub.s32 $0x2, s6;
	s20 =	sshll.u32 s6, $0x4;
	s6 =	sadd.s32 s9, s2  }
0x8: {  	s13 =	smul.u32 $0x2710, s8;
	p0 =	sne.s32 s8, $0x0;
	s22 =	sadd.s32 $0xC80, s6  }
0x9: {  	_ =	strace $0x8000004D;
	s23 =	sadd.s32 $0x1900, s6;
	[dreg:$0x4] =	wrdreg s22  }
0xa: {  	s11 =	sshrl.u32 s10, $0x1;
	s24 =	sadd.s32 $0x2580, s6;
	[dreg:$0x5] =	wrdreg s23  }
0xb: {  	s21 =	sor.u32 s8, s20;
	s25 =	sadd.s32 $0x3200, s6;
	[dreg:$0x6] =	wrdreg s24  }
0xc: {  	s0 =	sadd.s32 s7, s0;
	s26 =	sadd.s32 $0x3E80, s6;
	[dreg:$0x7] =	wrdreg s25  }
0xd: {  	s10 =	ssub.s32 s10, s11;
	s29 =	sadd.s32 $0x4B00, s6;
	[dreg:$0x8] =	wrdreg s26  }
0xe: {  	s9 =	smul.u32 $0x2710, s21;
	s30 =	sadd.s32 $0x5780, s6;
	[dreg:$0x9] =	wrdreg s29  }
0xf: {  	s7 =	sadd.s32 s13, s7;
	s31 =	sadd.s32 $0x6400, s6;
	[dreg:$0xa] =	wrdreg s30  }
0x10: {  	s13 =	simm.s32 $0x18A80;
	s12 =	sadd.s32 $0x7080, s6;
	[dreg:$0xb] =	wrdreg s31  }
0x11: {  	s14 =	sadd.s32 $0x8980, s6;
	s15 =	sadd.s32 $0x9600, s6;
	[dreg:$0xc] =	wrdreg s12  }
0x12: {  	s0 =	sadd.s32 $0x16000, s0;
	s17 =	sadd.s32 $0x50, s7;
	[dreg:$0xe] =	wrdreg s14  }
0x13: {  	s18 =	smax.u32 s10, $0x1;
	s19 =	sadd.s32 $0xA280, s6;
	[dreg:$0xf] =	wrdreg s15  }
0x14: {  	s20 =	sadd.s32 $0xAF00, s6;
	s21 =	sadd.s32 $0xBB80, s6;
	[dreg:$0x12] =	wrdreg s0  }
0x15: {  	s10 =	sadd.s32 $0x11300, s6;
	s11 =	sadd.s32 $0x11F80, s6;
	[dreg:$0x13] =	wrdreg s18  }
0x16: {  	s12 =	sadd.s32 $0x7D00, s6;
	s9 =	sshrl.u32 s9, $0x3;
	[dreg:$0x14] =	wrdreg s19  }
0x17: {  	s23 =	sadd.s32 $0xA0, s7;
	s0 =	sshrl.u32 s17, $0x3;
	[dreg:$0x15] =	wrdreg s20  }
0x18: {  	[dreg:$0x16] =	wrdreg s21;
	s22 =	sadd.s32 $0xC800, s6;
	s26 =	sadd.s32 $0xD480, s6  }
0x19: {  	s29 =	sadd.s32 $0xE100, s6;
	s30 =	sadd.s32 $0xED80, s6;
	s31 =	sadd.s32 $0xFA00, s6  }
0x1a: {  	s14 =	simm.s32 $0x3;
	s15 =	simm.s32 $0x13880;
	[dreg:$0xd] =	wrdreg s12  }
0x1b: {  	s17 =	simm.s32 $0x50;
	s18 =	simm.s32 $0x13980;
	[dreg:$0x17] =	wrdreg s22  }
0x1c: {  	s19 =	simm.s32 $0x16180;
	s20 =	simm.s32 $0x16200;
	[dreg:$0x18] =	wrdreg s26  }
0x1d: {  	s21 =	simm.s32 $0x16280;
	s16 =	sadd.s32 s4, s9;
	[dreg:$0x19] =	wrdreg s29  }
0x1e: {  	s9 =	sadd.s32 s5, s9;
	s24 =	sadd.s32 s0, s5;
	[dreg:$0x1a] =	wrdreg s30  }
0x1f: {  	s25 =	sadd.s32 s0, s4;
	[dreg:$0x1b] =	wrdreg s31;
	s12 =	sadd.s32 $0x12C00, s6  }
0x20: {  	s22 =	simm.s32 $0x1;
	s26 =	simm.s32 $0x2;
	[dreg:$0x10] =	wrdreg s16  }
0x21: {  	v0 =	vimm.f32 $0.0e+00;
	[dreg:$0x11] =	wrdreg s9;
	s9 =	sadd.s32 $0x10680, s6;
	s16 =	simm.s32 $0x13900  }
.LBB2_1:
0x22: {  	s29 =	simm.s32 $0x0;
	s30 =	simm.s32 $0x200  }
.LBB2_2:
0x23: {  	p1 =	sne.s32 s30, $0x3000;
	[tilespmem:s29+$0x18AF0] =	vst v0  }
0x24: {  	[tilespmem:s29+$0x18A80] =	vst v0  }
0x25: {  	[tilespmem:s29+$0x18A90] =	vst v0  }
.Ltmp0:
0x26: {  	[tilespmem:s29+$0x18AA0] =	vst v0;
	(pc) =	sbr.rel @p1 .LBB2_2-.Ltmp0, $4  }
0x27: {  	[tilespmem:s29+$0x18AB0] =	vst v0  }
0x28: {  	[tilespmem:s29+$0x18AC0] =	vst v0  }
0x29: {  	[tilespmem:s29+$0x18AD0] =	vst v0  }
0x2a: {  	[tilespmem:s29+$0x18AE0] =	vst v0;
	s29 =	sshra.s32 s30, $0x2;
	s30 =	sadd.s32 $0x200, s30  }
0x2b: {  	[tilespmem:s29+$0x18AF0] =	vst v0  }
0x2c: {  	[tilespmem:s29+$0x18A80] =	vst v0  }
0x2d: {  	[tilespmem:s29+$0x18A90] =	vst v0  }
0x2e: {  	[tilespmem:s29+$0x18AA0] =	vst v0  }
0x2f: {  	[tilespmem:s29+$0x18AB0] =	vst v0  }
0x30: {  	[tilespmem:s29+$0x18AC0] =	vst v0  }
0x31: {  	[tilespmem:s29+$0x18AD0] =	vst v0  }
0x32: {  	[tilespmem:s29+$0x18AE0] =	vst v0  }
0x33: {  	[spmem:s6] =	stream.linear.scatter [tilespmem:s13], [sflag:$0x3], $0xC80, $0x38;
	[tilespmem:$0x19A80] =	vst v63  }
0x34: {  	_ =	swait.ge [sflag:s14], $0xC80  }
0x35: {  	[sflag:s14] =	ssyncset.done $0x0  }
0x36: {  	s0 =	rddreg [dreg:$0x4];
	[sflag:s14] =	ssyncadd.s32 $0xFFFFF380  }
0x37: {  	[spmem:s0] =	stream.linear.scatter [tilespmem:s13], [sflag:$0x3], $0xC80, $0x38;
	[tilespmem:$0x19A80] =	vst v63  }
0x38: {  	_ =	swait.ge [sflag:s14], $0xC80  }
0x39: {  	[sflag:s14] =	ssyncset.done $0x0  }
0x3a: {  	s7 =	rddreg [dreg:$0x5];
	[sflag:s14] =	ssyncadd.s32 $0xFFFFF380  }
0x3b: {  	[spmem:s7] =	stream.linear.scatter [tilespmem:s13], [sflag:$0x3], $0xC80, $0x38;
	[tilespmem:$0x19A80] =	vst v63  }
0x3c: {  	_ =	swait.ge [sflag:s14], $0xC80  }
0x3d: {  	[sflag:s14] =	ssyncset.done $0x0  }
0x3e: {  	s8 =	rddreg [dreg:$0x6];
	[sflag:s14] =	ssyncadd.s32 $0xFFFFF380  }
0x3f: {  	[spmem:s8] =	stream.linear.scatter [tilespmem:s13], [sflag:$0x3], $0xC80, $0x38;
	[tilespmem:$0x19A80] =	vst v63  }
0x40: {  	_ =	swait.ge [sflag:s14], $0xC80  }
0x41: {  	[sflag:s14] =	ssyncset.done $0x0  }
0x42: {  	s7 =	rddreg [dreg:$0x7];
	[sflag:s14] =	ssyncadd.s32 $0xFFFFF380  }
0x43: {  	[spmem:s7] =	stream.linear.scatter [tilespmem:s13], [sflag:$0x3], $0xC80, $0x38;
	[tilespmem:$0x19A80] =	vst v63  }
0x44: {  	_ =	swait.ge [sflag:s14], $0xC80  }
0x45: {  	[sflag:s14] =	ssyncset.done $0x0  }
0x46: {  	s8 =	rddreg [dreg:$0x8];
	[sflag:s14] =	ssyncadd.s32 $0xFFFFF380  }
0x47: {  	[spmem:s8] =	stream.linear.scatter [tilespmem:s13], [sflag:$0x3], $0xC80, $0x38;
	[tilespmem:$0x19A80] =	vst v63  }
0x48: {  	_ =	swait.ge [sflag:s14], $0xC80  }
0x49: {  	[sflag:s14] =	ssyncset.done $0x0  }
0x4a: {  	s7 =	rddreg [dreg:$0x9];
	[sflag:s14] =	ssyncadd.s32 $0xFFFFF380  }
0x4b: {  	[spmem:s7] =	stream.linear.scatter [tilespmem:s13], [sflag:$0x3], $0xC80, $0x38;
	[tilespmem:$0x19A80] =	vst v63  }
0x4c: {  	_ =	swait.ge [sflag:s14], $0xC80  }
0x4d: {  	[sflag:s14] =	ssyncset.done $0x0  }
0x4e: {  	s8 =	rddreg [dreg:$0xa];
	[sflag:s14] =	ssyncadd.s32 $0xFFFFF380  }
0x4f: {  	[spmem:s8] =	stream.linear.scatter [tilespmem:s13], [sflag:$0x3], $0xC80, $0x38;
	[tilespmem:$0x19A80] =	vst v63  }
0x50: {  	_ =	swait.ge [sflag:s14], $0xC80  }
0x51: {  	[sflag:s14] =	ssyncset.done $0x0  }
0x52: {  	s7 =	rddreg [dreg:$0xb];
	[sflag:s14] =	ssyncadd.s32 $0xFFFFF380  }
0x53: {  	[spmem:s7] =	stream.linear.scatter [tilespmem:s13], [sflag:$0x3], $0xC80, $0x38;
	[tilespmem:$0x19A80] =	vst v63  }
0x54: {  	_ =	swait.ge [sflag:s14], $0xC80  }
0x55: {  	[sflag:s14] =	ssyncset.done $0x0  }
0x56: {  	s8 =	rddreg [dreg:$0xc];
	[sflag:s14] =	ssyncadd.s32 $0xFFFFF380  }
0x57: {  	[spmem:s8] =	stream.linear.scatter [tilespmem:s13], [sflag:$0x3], $0xC80, $0x38;
	[tilespmem:$0x19A80] =	vst v63  }
0x58: {  	_ =	swait.ge [sflag:s14], $0xC80  }
0x59: {  	[sflag:s14] =	ssyncset.done $0x0  }
0x5a: {  	s7 =	rddreg [dreg:$0xd];
	[sflag:s14] =	ssyncadd.s32 $0xFFFFF380  }
0x5b: {  	[spmem:s7] =	stream.linear.scatter [tilespmem:s13], [sflag:$0x3], $0xC80, $0x38;
	[tilespmem:$0x19A80] =	vst v63  }
0x5c: {  	_ =	swait.ge [sflag:s14], $0xC80  }
0x5d: {  	[sflag:s14] =	ssyncset.done $0x0  }
0x5e: {  	s8 =	rddreg [dreg:$0xe];
	[sflag:s14] =	ssyncadd.s32 $0xFFFFF380  }
0x5f: {  	[spmem:s8] =	stream.linear.scatter [tilespmem:s13], [sflag:$0x3], $0xC80, $0x38;
	[tilespmem:$0x19A80] =	vst v63  }
0x60: {  	_ =	swait.ge [sflag:s14], $0xC80  }
0x61: {  	[sflag:s14] =	ssyncset.done $0x0  }
0x62: {  	s7 =	rddreg [dreg:$0xf];
	[sflag:s14] =	ssyncadd.s32 $0xFFFFF380  }
0x63: {  	[spmem:s7] =	stream.linear.scatter [tilespmem:s13], [sflag:$0x3], $0xC80, $0x38;
	[tilespmem:$0x19A80] =	vst v63  }
0x64: {  	_ =	swait.ge [sflag:s14], $0xC80  }
0x65: {  	[sflag:s14] =	ssyncset.done $0x0  }
0x66: {  	s8 =	rddreg [dreg:$0x14];
	[sflag:s14] =	ssyncadd.s32 $0xFFFFF380  }
0x67: {  	[spmem:s8] =	stream.linear.scatter [tilespmem:s13], [sflag:$0x3], $0xC80, $0x38;
	[tilespmem:$0x19A80] =	vst v63  }
0x68: {  	_ =	swait.ge [sflag:s14], $0xC80  }
0x69: {  	[sflag:s14] =	ssyncset.done $0x0  }
0x6a: {  	s7 =	rddreg [dreg:$0x15];
	[sflag:s14] =	ssyncadd.s32 $0xFFFFF380  }
0x6b: {  	[spmem:s7] =	stream.linear.scatter [tilespmem:s13], [sflag:$0x3], $0xC80, $0x38;
	[tilespmem:$0x19A80] =	vst v63  }
0x6c: {  	_ =	swait.ge [sflag:s14], $0xC80  }
0x6d: {  	[sflag:s14] =	ssyncset.done $0x0  }
0x6e: {  	s8 =	rddreg [dreg:$0x16];
	[sflag:s14] =	ssyncadd.s32 $0xFFFFF380  }
0x6f: {  	[spmem:s8] =	stream.linear.scatter [tilespmem:s13], [sflag:$0x3], $0xC80, $0x38;
	[tilespmem:$0x19A80] =	vst v63  }
0x70: {  	_ =	swait.ge [sflag:s14], $0xC80  }
0x71: {  	[sflag:s14] =	ssyncset.done $0x0  }
0x72: {  	s7 =	rddreg [dreg:$0x17];
	[sflag:s14] =	ssyncadd.s32 $0xFFFFF380  }
0x73: {  	[spmem:s7] =	stream.linear.scatter [tilespmem:s13], [sflag:$0x3], $0xC80, $0x38;
	[tilespmem:$0x19A80] =	vst v63  }
0x74: {  	_ =	swait.ge [sflag:s14], $0xC80  }
0x75: {  	[sflag:s14] =	ssyncset.done $0x0  }
0x76: {  	s8 =	rddreg [dreg:$0x18];
	[sflag:s14] =	ssyncadd.s32 $0xFFFFF380  }
0x77: {  	[spmem:s8] =	stream.linear.scatter [tilespmem:s13], [sflag:$0x3], $0xC80, $0x38;
	[tilespmem:$0x19A80] =	vst v63  }
0x78: {  	_ =	swait.ge [sflag:s14], $0xC80  }
0x79: {  	[sflag:s14] =	ssyncset.done $0x0  }
0x7a: {  	s7 =	rddreg [dreg:$0x19];
	[sflag:s14] =	ssyncadd.s32 $0xFFFFF380  }
0x7b: {  	[spmem:s7] =	stream.linear.scatter [tilespmem:s13], [sflag:$0x3], $0xC80, $0x38;
	[tilespmem:$0x19A80] =	vst v63  }
0x7c: {  	_ =	swait.ge [sflag:s14], $0xC80  }
0x7d: {  	[sflag:s14] =	ssyncset.done $0x0  }
0x7e: {  	s8 =	rddreg [dreg:$0x1a];
	[sflag:s14] =	ssyncadd.s32 $0xFFFFF380  }
0x7f: {  	[spmem:s8] =	stream.linear.scatter [tilespmem:s13], [sflag:$0x3], $0xC80, $0x38;
	[tilespmem:$0x19A80] =	vst v63  }
0x80: {  	_ =	swait.ge [sflag:s14], $0xC80  }
0x81: {  	[sflag:s14] =	ssyncset.done $0x0  }
0x82: {  	s7 =	rddreg [dreg:$0x1b];
	[sflag:s14] =	ssyncadd.s32 $0xFFFFF380  }
0x83: {  	[spmem:s7] =	stream.linear.scatter [tilespmem:s13], [sflag:$0x3], $0xC80, $0x38;
	[tilespmem:$0x19A80] =	vst v63  }
0x84: {  	_ =	swait.ge [sflag:s14], $0xC80  }
0x85: {  	[sflag:s14] =	ssyncset.done $0x0  }
0x86: {  	[sflag:s14] =	ssyncadd.s32 $0xFFFFF380  }
0x87: {  	[spmem:s9] =	stream.linear.scatter [tilespmem:s13], [sflag:$0x3], $0xC80, $0x38;
	[tilespmem:$0x19A80] =	vst v63  }
0x88: {  	_ =	swait.ge [sflag:s14], $0xC80  }
0x89: {  	[sflag:s14] =	ssyncset.done $0x0  }
0x8a: {  	[sflag:s14] =	ssyncadd.s32 $0xFFFFF380  }
0x8b: {  	[spmem:s10] =	stream.linear.scatter [tilespmem:s13], [sflag:$0x3], $0xC80, $0x38;
	[tilespmem:$0x19A80] =	vst v63  }
0x8c: {  	_ =	swait.ge [sflag:s14], $0xC80  }
0x8d: {  	[sflag:s14] =	ssyncset.done $0x0  }
0x8e: {  	[sflag:s14] =	ssyncadd.s32 $0xFFFFF380  }
0x8f: {  	[spmem:s11] =	stream.linear.scatter [tilespmem:s13], [sflag:$0x3], $0xC80, $0x38;
	[tilespmem:$0x19A80] =	vst v63  }
0x90: {  	_ =	swait.ge [sflag:s14], $0xC80  }
0x91: {  	[sflag:s14] =	ssyncset.done $0x0  }
0x92: {  	[sflag:s14] =	ssyncadd.s32 $0xFFFFF380  }
0x93: {  	[spmem:s12] =	stream.linear.scatter [tilespmem:s13], [sflag:$0x3], $0xC80, $0x38;
	[tilespmem:$0x19A80] =	vst v63  }
0x94: {  	_ =	swait.ge [sflag:s14], $0xC80  }
0x95: {  	[sflag:s14] =	ssyncset.done $0x0  }
0x96: {  	[sflag:s14] =	ssyncadd.s32 $0xFFFFF380  }
0x97: {  	[bflag:$0x0] =	sbarrier.arrive $0xFFFF  }
0x98: {  	s0 =	simm.s32 $0x0;
	s7 =	rddreg [dreg:$0x10]  }
0x99: {  	[tilespmem:s15], [sflag:$0x3] =	stream.linear.gather [hbm4b:s7+s0], $0x50, $0x38;
	[tilespmem:$0x19A80] =	vst v63  }
0x9a: {  	_ =	swait.ge [sflag:s14], $0x50  }
0x9b: {  	[sflag:s14] =	ssyncset.done $0x0  }
0x9c: {  	s8 =	rddreg [dreg:$0x11];
	[sflag:s14] =	ssyncadd.s32 $0xFFFFFFB0  }
0x9d: {  	[tilespmem:s16], [sflag:$0x3] =	stream.linear.gather [hbm4b:s8+s0], $0x50, $0x38;
	[tilespmem:$0x19A80] =	vst v63  }
0x9e: {  	_ =	swait.ge [sflag:s14], $0x50  }
0x9f: {  	[sflag:s14] =	ssyncset.done $0x0  }
0xa0: {  	[sflag:s14] =	ssyncadd.s32 $0xFFFFFFB0  }
0xa1: {  	[tilespmem:s18], [sflag:$0x1] =	stream.indirect.gather [hbm4b:s1+s17], $0x80, s15, s17, $0xb8;
	[tilespmem:$0x19A80] =	vst v63  }
0xa2: {  	s8 =	sadd.s32 $0x0, s25  }
0xa3: {  	[tilespmem:s19], [sflag:$0x3] =	stream.linear.gather [hbm4b:s8+s3], $0x50, $0x38;
	[tilespmem:$0x19A80] =	vst v63  }
0xa4: {  	_ =	swait.ge [sflag:s14], $0x50  }
0xa5: {  	[sflag:s14] =	ssyncset.done $0x0  }
0xa6: {  	s7 =	sadd.s32 $0x0, s24;
	[sflag:s14] =	ssyncadd.s32 $0xFFFFFFB0  }
0xa7: {  	[tilespmem:s20], [sflag:$0x3] =	stream.linear.gather [hbm4b:s7+s3], $0x50, $0x38;
	[tilespmem:$0x19A80] =	vst v63  }
0xa8: {  	_ =	swait.ge [sflag:s14], $0x50  }
0xa9: {  	[sflag:s14] =	ssyncset.done $0x0  }
0xaa: {  	[sflag:s14] =	ssyncadd.s32 $0xFFFFFFB0  }
0xab: {  	[tilespmem:s21], [sflag:$0x2] =	stream.indirect.gather [hbm4b:s1+s17], $0x80, s19, s17, $0xb8;
	[tilespmem:$0x19A80] =	vst v63  }
0xac: {  	_ =	swait.ge [sflag:s22], $0x2800  }
0xad: {  	[sflag:s22] =	ssyncset.done $0x0  }
0xae: {  	[sflag:s22] =	ssyncadd.s32 $0xFFFFD800  }
0xaf: {  	[spmem:s2] =	stream.indirect.scatter.add.f32 [tilespmem:s18], [sflag:$0x3], $0x80, s16, s17, $0xb8;
	[tilespmem:$0x19A80] =	vst v63  }
0xb0: {  	_ =	swait.ge [sflag:s14], $0x2800  }
0xb1: {  	s8 =	sshrl.u32 s23, $0x3;
	[sflag:s14] =	ssyncset.done $0x0  }
0xb2: {  	s29 =	sadd.s32 s4, s8;
	[sflag:s14] =	ssyncadd.s32 $0xFFFFD800  }
0xb3: {  	[tilespmem:s15], [sflag:$0x3] =	stream.linear.gather [hbm4b:s29+s3], $0x50, $0x38;
	[tilespmem:$0x19A80] =	vst v63  }
0xb4: {  	_ =	swait.ge [sflag:s14], $0x50  }
0xb5: {  	[sflag:s14] =	ssyncset.done $0x0  }
0xb6: {  	s0 =	sadd.s32 s5, s8;
	[sflag:s14] =	ssyncadd.s32 $0xFFFFFFB0  }
0xb7: {  	[tilespmem:s16], [sflag:$0x3] =	stream.linear.gather [hbm4b:s0+s3], $0x50, $0x38;
	[tilespmem:$0x19A80] =	vst v63  }
0xb8: {  	_ =	swait.ge [sflag:s14], $0x50  }
0xb9: {  	[sflag:s14] =	ssyncset.done $0x0  }
0xba: {  	[sflag:s14] =	ssyncadd.s32 $0xFFFFFFB0  }
0xbb: {  	[tilespmem:s18], [sflag:$0x1] =	stream.indirect.gather [hbm4b:s1+s17], $0x80, s15, s17, $0xb8;
	[tilespmem:$0x19A80] =	vst v63  }
0xbc: {  	_ =	swait.ge [sflag:s26], $0x2800  }
0xbd: {  	[sflag:s26] =	ssyncset.done $0x0  }
0xbe: {  	[sflag:s26] =	ssyncadd.s32 $0xFFFFD800  }
0xbf: {  	[spmem:s2] =	stream.indirect.scatter.add.f32 [tilespmem:s21], [sflag:$0x3], $0x80, s20, s17, $0xb8;
	[tilespmem:$0x19A80] =	vst v63  }
0xc0: {  	s30 =	simm.s32 $0x14;
	_ =	swait.ge [sflag:s14], $0x2800  }
0xc1: {  	s31 =	simm.s32 $0x28;
	s29 =	sadd.s32 $0xA0, s23;
	[sflag:s14] =	ssyncset.done $0x0  }
.LBB2_4:
0xc2: {  	s7 =	sadd.s32 s30, s25  }
0xc3: {  	[sflag:s14] =	ssyncadd.s32 $0xFFFFD800;
	s8 =	smov.u32 s31;
	s0 =	sadd.s32 $0x14, s31  }
0xc4: {  	[tilespmem:s19], [sflag:$0x3] =	stream.linear.gather [hbm4b:s7+s3], $0x50, $0x38;
	[tilespmem:$0x19A80] =	vst v63  }
0xc5: {  	p1 =	sne.s32 s31, $0x4C4;
	_ =	swait.ge [sflag:s14], $0x50  }
0xc6: {  	[sflag:s14] =	ssyncset.done $0x0  }
0xc7: {  	s7 =	sadd.s32 s30, s24;
	s30 =	smov.u32 s8;
	[sflag:s14] =	ssyncadd.s32 $0xFFFFFFB0  }
0xc8: {  	[tilespmem:s20], [sflag:$0x3] =	stream.linear.gather [hbm4b:s7+s3], $0x50, $0x38;
	[tilespmem:$0x19A80] =	vst v63  }
0xc9: {  	_ =	swait.ge [sflag:s14], $0x50  }
0xca: {  	[sflag:s14] =	ssyncset.done $0x0  }
0xcb: {  	[sflag:s14] =	ssyncadd.s32 $0xFFFFFFB0  }
0xcc: {  	[tilespmem:s21], [sflag:$0x2] =	stream.indirect.gather [hbm4b:s1+s17], $0x80, s19, s17, $0xb8;
	[tilespmem:$0x19A80] =	vst v63  }
0xcd: {  	_ =	swait.ge [sflag:s22], $0x2800  }
0xce: {  	[sflag:s22] =	ssyncset.done $0x0  }
0xcf: {  	[sflag:s22] =	ssyncadd.s32 $0xFFFFD800  }
0xd0: {  	[spmem:s2] =	stream.indirect.scatter.add.f32 [tilespmem:s18], [sflag:$0x3], $0x80, s16, s17, $0xb8;
	[tilespmem:$0x19A80] =	vst v63  }
0xd1: {  	_ =	swait.ge [sflag:s14], $0x2800  }
0xd2: {  	s7 =	sshrl.u32 s29, $0x3;
	[sflag:s14] =	ssyncset.done $0x0  }
0xd3: {  	s8 =	sadd.s32 s4, s7;
	[sflag:s14] =	ssyncadd.s32 $0xFFFFD800  }
0xd4: {  	[tilespmem:s15], [sflag:$0x3] =	stream.linear.gather [hbm4b:s8+s3], $0x50, $0x38;
	[tilespmem:$0x19A80] =	vst v63  }
0xd5: {  	_ =	swait.ge [sflag:s14], $0x50  }
0xd6: {  	[sflag:s14] =	ssyncset.done $0x0  }
0xd7: {  	s7 =	sadd.s32 s5, s7;
	[sflag:s14] =	ssyncadd.s32 $0xFFFFFFB0  }
0xd8: {  	[tilespmem:s16], [sflag:$0x3] =	stream.linear.gather [hbm4b:s7+s3], $0x50, $0x38;
	[tilespmem:$0x19A80] =	vst v63  }
0xd9: {  	_ =	swait.ge [sflag:s14], $0x50  }
0xda: {  	[sflag:s14] =	ssyncset.done $0x0  }
0xdb: {  	[sflag:s14] =	ssyncadd.s32 $0xFFFFFFB0  }
0xdc: {  	[tilespmem:s18], [sflag:$0x1] =	stream.indirect.gather [hbm4b:s1+s17], $0x80, s15, s17, $0xb8;
	[tilespmem:$0x19A80] =	vst v63  }
0xdd: {  	_ =	swait.ge [sflag:s26], $0x2800  }
.Ltmp1:
0xde: {  	[sflag:s26] =	ssyncset.done $0x0;
	(pc) =	sbr.rel @p1 .LBB2_4-.Ltmp1, $4  }
0xdf: {  	[sflag:s26] =	ssyncadd.s32 $0xFFFFD800  }
0xe0: {  	[spmem:s2] =	stream.indirect.scatter.add.f32 [tilespmem:s21], [sflag:$0x3], $0x80, s20, s17, $0xb8;
	[tilespmem:$0x19A80] =	vst v63  }
0xe1: {  	_ =	swait.ge [sflag:s14], $0x2800  }
0xe2: {  	s31 =	smov.u32 s0;
	s29 =	sadd.s32 $0xA0, s29;
	[sflag:s14] =	ssyncset.done $0x0  }
0xe3: {  	s0 =	sadd.s32 s30, s25;
	[sflag:s14] =	ssyncadd.s32 $0xFFFFD800  }
0xe4: {  	[tilespmem:s19], [sflag:$0x3] =	stream.linear.gather [hbm4b:s0+s3], $0x50, $0x38;
	[tilespmem:$0x19A80] =	vst v63  }
0xe5: {  	_ =	swait.ge [sflag:s14], $0x50  }
0xe6: {  	[sflag:s14] =	ssyncset.done $0x0  }
0xe7: {  	s8 =	sadd.s32 s30, s24;
	[sflag:s14] =	ssyncadd.s32 $0xFFFFFFB0  }
0xe8: {  	[tilespmem:s20], [sflag:$0x3] =	stream.linear.gather [hbm4b:s8+s3], $0x50, $0x38;
	[tilespmem:$0x19A80] =	vst v63  }
0xe9: {  	_ =	swait.ge [sflag:s14], $0x50  }
0xea: {  	[sflag:s14] =	ssyncset.done $0x0  }
0xeb: {  	[sflag:s14] =	ssyncadd.s32 $0xFFFFFFB0  }
0xec: {  	[tilespmem:s21], [sflag:$0x2] =	stream.indirect.gather [hbm4b:s1+s17], $0x80, s19, s17, $0xb8;
	[tilespmem:$0x19A80] =	vst v63  }
0xed: {  	_ =	swait.ge [sflag:s22], $0x2800  }
0xee: {  	[sflag:s22] =	ssyncset.done $0x0  }
0xef: {  	[sflag:s22] =	ssyncadd.s32 $0xFFFFD800  }
0xf0: {  	[spmem:s2] =	stream.indirect.scatter.add.f32 [tilespmem:s18], [sflag:$0x3], $0x80, s16, s17, $0xb8;
	[tilespmem:$0x19A80] =	vst v63  }
0xf1: {  	_ =	swait.ge [sflag:s14], $0x2800  }
0xf2: {  	s30 =	sshrl.u32 s29, $0x3;
	[sflag:s14] =	ssyncset.done $0x0  }
0xf3: {  	s7 =	sadd.s32 s4, s30;
	[sflag:s14] =	ssyncadd.s32 $0xFFFFD800  }
0xf4: {  	[tilespmem:s15], [sflag:$0x3] =	stream.linear.gather [hbm4b:s7+s3], $0x50, $0x38;
	[tilespmem:$0x19A80] =	vst v63  }
0xf5: {  	_ =	swait.ge [sflag:s14], $0x50  }
0xf6: {  	[sflag:s14] =	ssyncset.done $0x0  }
0xf7: {  	s0 =	sadd.s32 s5, s30;
	[sflag:s14] =	ssyncadd.s32 $0xFFFFFFB0  }
0xf8: {  	[tilespmem:s16], [sflag:$0x3] =	stream.linear.gather [hbm4b:s0+s3], $0x50, $0x38;
	[tilespmem:$0x19A80] =	vst v63  }
0xf9: {  	_ =	swait.ge [sflag:s14], $0x50  }
0xfa: {  	[sflag:s14] =	ssyncset.done $0x0  }
0xfb: {  	[sflag:s14] =	ssyncadd.s32 $0xFFFFFFB0  }
0xfc: {  	[tilespmem:s18], [sflag:$0x1] =	stream.indirect.gather [hbm4b:s1+s17], $0x80, s15, s17, $0xb8;
	[tilespmem:$0x19A80] =	vst v63  }
0xfd: {  	_ =	swait.ge [sflag:s26], $0x2800  }
0xfe: {  	[sflag:s26] =	ssyncset.done $0x0  }
0xff: {  	[sflag:s26] =	ssyncadd.s32 $0xFFFFD800  }
0x100: {  	[spmem:s2] =	stream.indirect.scatter.add.f32 [tilespmem:s21], [sflag:$0x3], $0x80, s20, s17, $0xb8;
	[tilespmem:$0x19A80] =	vst v63  }
0x101: {  	_ =	swait.ge [sflag:s14], $0x2800  }
0x102: {  	[sflag:s14] =	ssyncset.done $0x0  }
0x103: {  	[sflag:s14] =	ssyncadd.s32 $0xFFFFD800  }
0x104: {  	_ =	swait.ge [sflag:s22], $0x2800  }
0x105: {  	[sflag:s22] =	ssyncset.done $0x0  }
0x106: {  	[sflag:s22] =	ssyncadd.s32 $0xFFFFD800  }
0x107: {  	[spmem:s2] =	stream.indirect.scatter.add.f32 [tilespmem:s18], [sflag:$0x3], $0x80, s16, s17, $0xb8;
	[tilespmem:$0x19A80] =	vst v63  }
0x108: {  	_ =	swait.ge [sflag:s14], $0x2800  }
0x109: {  	[sflag:s14] =	ssyncset.done $0x0  }
0x10a: {  	[sflag:s14] =	ssyncadd.s32 $0xFFFFD800  }
0x10b: {  	[bflag:$0x0] =	sbarrier.arrive $0xFFFF  }
0x10c: {  	s7 =	simm.s32 @!p0 $0x1C03;
	s0 =	sshrl.u32 @!p0 s2, $0x3;
	s8 =	rddreg [dreg:$0x12]  }
0x10d: {  	[hbm:s8], [sflag:s7] =	dma.local @!p0 [spmem:s0], $0x27100  }
0x10e: {  	s0 =	simm.s32 @!p0 $0x3  }
0x10f: {  	_ =	swait.ge @!p0 [sflag:s0], $0x27100  }
0x110: {  	s28 =	sadd.s32 $0x1, s28;
	s31 =	rddreg [dreg:$0x13]  }
0x111: {  	p1 =	sne.s32 s28, s31  }
.Ltmp2:
0x112: {  	_ = 	snop;
	(pc) =	sbr.rel @p1 .LBB2_1-.Ltmp2, $3  }
0x113: {  	_ =	sdelay $0x1  }
0x114: {  	[sflag:s0] =	ssyncset.done @!p0 $0x0  }
0x115: {  	[sflag:s0] =	ssyncadd.s32 @!p0 $0xFFFD8F00  }
0x116: {  	_ =	sfence.sel $0x180000  }
0x117: {  	[bflag:$0x0] =	sbarrier.arrive $0xFFFF  }
0x118: {  	_ =	strace $0x9000004D  }
0x119: {  	[bflag:$0x2] =	sbarrier.arrive $0xFFFF  }
0x11a: {  	s0 =	rddreg [dreg:$0x3]  }
0x11b: {  	s0 =	sadd.s32 @!p0 $0x100000, s0  }
0x11c: {  	[sflag:s0] =	ssyncadd.tile.s32 @!p0 $0x1;
	_ =	shalt  }
.Lfunc_end2:
_tile_overlayer_lowered:
.L_overlay_start_2:
0x11d: {  	(tag) =	ssettag $0x2  }
0x11e: {  	s0 =	rddreg [dreg:$0x0];
	s2 =	stileid.u32  }
0x11f: {  	s1 =	rddreg [dreg:$0x1];
	p0 =	sne.s32 s2, $0x0  }
0x120: {  	s3 =	rddreg [dreg:$0x2];
	[bflag:$0x3] =	sbarrier.arrive $0xFFFF;
	s2 =	simm.s32 @!p0 $0x1C03  }
0x121: {  	[timem:s3], [sflag:s2] =	dma.local @!p0 [hbm:s0], s1  }
0x122: {  	s0 =	simm.s32 @!p0 $0x3  }
0x123: {  	_ =	swait.ge @!p0 [sflag:s0], s1  }
0x124: {  	s1 =	ssub.s32 @!p0 $0x0, s1;
	[sflag:s0] =	ssyncset.done @!p0 $0x0  }
0x125: {  	[sflag:s0] =	ssyncadd.s32 @!p0 s1  }
0x126: {  	[bflag:$0x3] =	sbarrier.arrive $0xFFFF  }
0x127: {  	_ =	shalt  }

// kernel: kernel.7.cloned.1.call-start
scs
__scs_entry_jumppad:
0x0: {  	(pc) =	sbr.rel $0x88, $3  }
0x1: {  	(tag) =	ssettag $0x0;
	lr =	simm.s32 $0x1  }
0x2: {  	[smem:$0x3F97] =	sst lr;
	_ =	strace $0xD0000000  }
0x3: {  	_ = 	snop  }
0x4: {  	_ = 	snop  }
0x5: {  	_ = 	snop  }
0x6: {  	_ = 	snop  }
0x7: {  	_ = 	snop  }
__scs_overlays_trampoline_lowered:
0x8: {  	[smem:$0x3FA6] =	sst s0  }
0x9: {  	[smem:$0x3FA7] =	sst s1  }
0xa: {  	[smem:$0x3FA8] =	sst s2  }
0xb: {  	[smem:$0x3FA9] =	sst s3  }
0xc: {  	[smem:$0x3FAA] =	sst s4  }
0xd: {  	[smem:$0x3FAB] =	sst s5  }
0xe: {  	[smem:$0x3FAC] =	sst s6  }
0xf: {  	[smem:$0x3FAD] =	sst s7  }
0x10: {  	[smem:$0x3FAE] =	sst s8  }
0x11: {  	[smem:$0x3FAF] =	sst s9;
	s0 =	simm.s32 @!p0 $0x0  }
0x12: {  	s1 =	sld [smem:$0x3F95];
	s0 =	simm.s32 @p0 $0x1  }
0x13: {  	[smem:$0x3FB0] =	sst s0;
	s0 =	simm.s32 @!p1 $0x0  }
0x14: {  	s2 =	sld [smem:$0x3F94];
	s0 =	simm.s32 @p1 $0x1  }
0x15: {  	[smem:$0x3FB1] =	sst s0;
	s0 =	simm.s32 @!p2 $0x0  }
0x16: {  	s3 =	sld [smem:$0x3FDB];
	s0 =	simm.s32 @p2 $0x1  }
0x17: {  	s4 =	simm.s32 $0x1BF5;
	[smem:$0x3FB3] =	sst s0  }
0x18: {  	s0 =	sld [smem:$0x3F96];
	_ =	swait.ge [sflag:s4], $0x0  }
0x19: {  	s7 =	sld [smem:$0x3F97]  }
0x1a: {  	s8 =	sadd.s32 $0xFFFFE003, lr  }
0x1b: {  	s9 =	sadd.s32 $0xFFFFFEF7, lr;
	s5 =	simm.s32 $0xFFFFFFFF;
	p2 =	slt.u32 s8, $0xFFFFF086  }
0x1c: {  	p1 =	slt.u32 s9, $0xF7A;
	s5 =	simm.s32 @!p2 $0x0  }
0x1d: {  	s5 =	simm.s32 @p1 $0x1;
	p0 =	seq.s32 s7, s2  }
0x1e: {  	s7 =	smul.u32 @!p0 $0xF7A, s2;
	p2 =	seq.s32 @!p0 s5, $0x0  }
0x1f: {  	s9 =	smul.u32 $0xF7A, s1;
	s8 =	simm.s32 @!p0 $0x1BF5;
	p2 =	por !p2, p0  }
0x20: {  	[sflag:s8] =	ssyncset.s32 @!p0 $0xFFFFF086;
	s6 =	sadd.s32 @!p0 s3, s7;
	s7 =	simm.s32 @!p0 $0x108  }
0x21: {  	s3 =	sadd.s32 s3, s9;
	s6 =	sadd.s32 @!p0 $0x88, s6;
	s7 =	simm.s32 @p2 $0x1082  }
0x22: {  	[simem:s7], [sflag:s8] =	dma.local @!p0 [hbm:s6], $0xF7A  }
0x23: {  	s9 =	sor.u32 $0xD0000000, s2;
	s6 =	simm.s32 $0x108;
	_ =	swait.ge @!p0 [sflag:s8], $0x0  }
0x24: {  	s3 =	sadd.s32 $0x88, s3;
	s6 =	simm.s32 @!p1 $0x1082;
	[sflag:s4] =	ssyncset.s32 $0xFFFFF086  }
0x25: {  	[simem:s6], [sflag:s4] =	dma.local [hbm:s3], $0xF7A  }
0x26: {  	[smem:$0x3F97] =	sst s1;
	(tag) =	ssettag s2;
	_ =	strace s9  }
0x27: {  	s1 =	sld [smem:$0x3FA7]  }
0x28: {  	s2 =	sld [smem:$0x3FA8]  }
0x29: {  	s4 =	sld [smem:$0x3FAA]  }
0x2a: {  	p0 =	seq.s32 s5, $0x0;
	s5 =	sld [smem:$0x3FAB]  }
0x2b: {  	s6 =	sld [smem:$0x3FAC]  }
0x2c: {  	s7 =	sld [smem:$0x3FAD]  }
0x2d: {  	s3 =	simm.s32 $0x108;
	s8 =	sld [smem:$0x3FAE]  }
0x2e: {  	s3 =	simm.s32 @!p0 $0x1082;
	s9 =	sld [smem:$0x3FAF]  }
0x2f: {  	lr =	sadd.s32 s0, s3;
	s0 =	sld [smem:$0x3FA6]  }
0x30: {  	s3 =	sld [smem:$0x3FA9]  }
0x31: {  	[smem:$0x3FB2] =	sst s10  }
0x32: {  	s10 =	sld [smem:$0x3FB0];
	_ =	sdelay $0x3  }
0x33: {  	p0 =	seq.s32 s10, $0x1;
	s10 =	sld [smem:$0x3FB2];
	_ =	sdelay $0x3  }
0x34: {  	[smem:$0x3FB2] =	sst s10  }
0x35: {  	s10 =	sld [smem:$0x3FB1];
	_ =	sdelay $0x3  }
0x36: {  	p1 =	seq.s32 s10, $0x1;
	s10 =	sld [smem:$0x3FB2];
	_ =	sdelay $0x3  }
0x37: {  	[smem:$0x3FB2] =	sst s10  }
0x38: {  	s10 =	sld [smem:$0x3FB3]  }
0x39: {  	_ = 	snop;
	(pc) =	sbr.ind lr, $3  }
0x3a: {  	_ = 	snop  }
0x3b: {  	_ = 	snop  }
0x3c: {  	p2 =	seq.s32 s10, $0x1;
	s10 =	sld [smem:$0x3FB2]  }
0x3d: {  	_ =	shalt  }
0x3e: {  	_ =	shalt  }
0x3f: {  	_ =	shalt  }
0x40: {  	_ =	shalt  }
0x41: {  	_ =	shalt  }
0x42: {  	_ =	shalt  }
0x43: {  	_ =	shalt  }
0x44: {  	_ =	shalt  }
0x45: {  	_ =	shalt  }
0x46: {  	_ =	shalt  }
0x47: {  	_ =	shalt  }
0x48: {  	_ =	shalt  }
0x49: {  	_ =	shalt  }
0x4a: {  	_ =	shalt  }
0x4b: {  	_ =	shalt  }
0x4c: {  	_ =	shalt  }
0x4d: {  	_ =	shalt  }
0x4e: {  	_ =	shalt  }
0x4f: {  	_ =	shalt  }
0x50: {  	_ =	shalt  }
0x51: {  	_ =	shalt  }
0x52: {  	_ =	shalt  }
0x53: {  	_ =	shalt  }
0x54: {  	_ =	shalt  }
0x55: {  	_ =	shalt  }
0x56: {  	_ =	shalt  }
0x57: {  	_ =	shalt  }
0x58: {  	_ =	shalt  }
0x59: {  	_ =	shalt  }
0x5a: {  	_ =	shalt  }
0x5b: {  	_ =	shalt  }
0x5c: {  	_ =	shalt  }
0x5d: {  	_ =	shalt  }
0x5e: {  	_ =	shalt  }
0x5f: {  	_ =	shalt  }
0x60: {  	_ =	shalt  }
0x61: {  	_ =	shalt  }
0x62: {  	_ =	shalt  }
0x63: {  	_ =	shalt  }
0x64: {  	_ =	shalt  }
0x65: {  	_ =	shalt  }
0x66: {  	_ =	shalt  }
0x67: {  	_ =	shalt  }
0x68: {  	_ =	shalt  }
0x69: {  	_ =	shalt  }
0x6a: {  	_ =	shalt  }
0x6b: {  	_ =	shalt  }
0x6c: {  	_ =	shalt  }
0x6d: {  	_ =	shalt  }
0x6e: {  	_ =	shalt  }
0x6f: {  	_ =	shalt  }
0x70: {  	_ =	shalt  }
0x71: {  	_ =	shalt  }
0x72: {  	_ =	shalt  }
0x73: {  	_ =	shalt  }
0x74: {  	_ =	shalt  }
0x75: {  	_ =	shalt  }
0x76: {  	_ =	shalt  }
0x77: {  	_ =	shalt  }
0x78: {  	_ =	shalt  }
0x79: {  	_ =	shalt  }
0x7a: {  	_ =	shalt  }
0x7b: {  	_ =	shalt  }
0x7c: {  	_ =	shalt  }
0x7d: {  	_ =	shalt  }
0x7e: {  	_ =	shalt  }
0x7f: {  	_ =	shalt  }
0x80: {  	_ =	shalt  }
0x81: {  	_ =	shalt  }
0x82: {  	_ =	shalt  }
0x83: {  	_ =	shalt  }
0x84: {  	_ =	shalt  }
0x85: {  	_ =	shalt  }
0x86: {  	_ =	shalt  }
0x87: {  	_ =	shalt  }
.Lfunc_end0:
.L_simem_size_0:
called_computation_lowered:
.L_overlay_start_0:
0x88: {  	s2 =	sld [smem:$0x3FD9]  }
0x89: {  	s3 =	sld [smem:$0x3FFE];
	_ =	sdelay $0x1  }
0x8a: {  	s1 =	srdreg.scid  }
0x8b: {  	s0 =	sand.u32 $0x1, s1  }
0x8c: {  	s17 =	sshll.u32 s0, $0xA;
	s2 =	sadd.s32 s3, s2  }
0x8d: {  	s2 =	sadd.s32 s2, s17  }
0x8e: {  	[smem:$0x3FBE] =	sst s2  }
0x8f: {  	_ = 	snop  }
0x90: {  	(tm) =	ssettm $0x1  }
0x91: {  	s18 =	sld [smem:$0x3FFB];
	_ =	sdelay $0x3  }
0x92: {  	_ =	strace s18  }
0x93: {  	s2 =	sld [smem:$0x3FFC];
	_ =	sdelay $0x3  }
0x94: {  	_ =	strace s2  }
0x95: {  	s2 =	sld [smem:$0x3FFD];
	_ =	sdelay $0x3  }
0x96: {  	_ =	strace s2  }
0x97: {  	_ =	strace $0x8FFFFFFF  }
0x98: {  	s19 =	sld [smem:$0x3FDB];
	_ =	sdelay $0x1  }
0x99: {  	s20 =	simm.s32 $_scs_section_size  }
0x9a: {  	s4 =	simm.s32 $_size__tile_overlayer_lowered;
	s5 =	simm.s32 $_tile_overlayer_lowered  }
0x9b: {  	s6 =	simm.s32 $0x1BFF;
	s21 =	sshll.u32 s5, $0x1;
	s3 =	sadd.s32 s20, s19  }
0x9c: {  	s22 =	simm.s32 $0x0;
	s4 =	sshll.u32 s4, $0x1;
	s5 =	sadd.s32 s21, s3  }
0x9d: {  	[timem:s22], [sflag:s6] =	dma.local [hbm:s5], s4  }
0x9e: {  	_ =	swait.ge [sflag:s6], s4  }
0x9f: {  	s4 =	ssub.s32 $0x0, s4;
	[sflag:s6] =	ssyncset.done $0x0  }
0xa0: {  	[sflag:s6] =	ssyncadd.s32 s4;
	_ =	sdelay $0x1  }
0xa1: {  	s23 =	simm.s32 $0x1B8B  }
0xa2: {  	_ =	swait.ge [sflag:s23], $0x1  }
0xa3: {  	[sflag:s23] =	ssyncset.done $0x0  }
0xa4: {  	[sflag:s23] =	ssyncadd.s32 $0xFFFFFFFF  }
0xa5: {  	s4 =	sld [smem:$0x0]  }
0xa6: {  	s5 =	sand.u32 $0xFFFFFFFE, s1  }
0xa7: {  	p0 =	sne.s32 s1, s5  }
0xa8: {  	s5 =	sshll.u32 @p0 s5, $0xE  }
0xa9: {  	s5 =	sadd.s32 @p0 $0x11B8D, s5;
	s6 =	sshll.u32 @p0 s4, $0x11  }
0xaa: {  	s5 =	sor.u32 @p0 s6, s5  }
0xab: {  	[sflag:s5] =	ssyncadd.remote.s32 @p0 $0x1;
	_ =	sdelay $0x1  }
0xac: {  	s5 =	simm.s32 @p0 $0x1B8D  }
0xad: {  	_ =	swait.eq @p0 [sflag:s5], $0x1  }
0xae: {  	[sflag:s5] =	ssyncadd.s32 @p0 $0xFFFFFFFF  }
0xaf: {  	s6 =	sshll.u32 @!p0 s1, $0xE  }
0xb0: {  	s6 =	sor.u32 @!p0 $0x4000, s6;
	s5 =	simm.s32 @!p0 $0x1B8D  }
0xb1: {  	s4 =	sshll.u32 @!p0 s4, $0x11;
	s6 =	sadd.s32 @!p0 $0x11B8D, s6;
	_ =	swait.eq @!p0 [sflag:s5], $0x1  }
0xb2: {  	s4 =	sor.u32 @!p0 s4, s6;
	[sflag:s5] =	ssyncadd.s32 @!p0 $0xFFFFFFFF  }
0xb3: {  	s25 =	simm.s32 $0x1B8E;
	s24 =	sld [smem:$0x3FFE];
	[sflag:s4] =	ssyncadd.remote.s32 @!p0 $0x1  }
0xb4: {  	s26 =	simm.s32 $execute0_lowered;
	[smem:$0x3FD2] =	sst s25  }
0xb5: {  	s5 =	sshll.u32 s26, $0x1;
	_ =	strace $0x80000049;
	[dreg:$0x1] =	wrdreg $0xFFFFFFFF  }
0xb6: {  	s28 =	simm.s32 $_size_execute0_lowered;
	s3 =	sadd.s32 s3, s5;
	[dreg:$0x0] =	wrdreg $0x0  }
0xb7: {  	s5 =	sshll.u32 s28, $0x1;
	[dreg:$0x2] =	wrdreg s3  }
0xb8: {  	[dreg:$0x3] =	wrdreg s5  }
0xb9: {  	[dreg:$0x4] =	wrdreg $0xC0  }
0xba: {  	_ =	task [dreg:s22], $0x5FFFF  }
0xbb: {  	[dreg:$0x1] =	wrdreg $0xFFFFFFFF  }
0xbc: {  	[dreg:$0x0] =	wrdreg $0x60  }
0xbd: {  	[dreg:$0x2] =	wrdreg s24  }
0xbe: {  	[dreg:$0x3] =	wrdreg $0x0  }
0xbf: {  	[dreg:$0x4] =	wrdreg $0x9  }
0xc0: {  	_ =	task.clear_ibuf [dreg:s22], $0x5FFFF;
	_ =	strace $0x90000049  }
0xc1: {  	s29 =	simm.s32 $0x9;
	_ =	strace $0x8000004B  }
0xc2: {  	_ =	swait.ge [sflag:s29], $0x1  }
0xc3: {  	[sflag:s29] =	ssyncadd.s32 $0xFFFFFFFF  }
0xc4: {  	_ =	strace $0x9000004B  }
0xc5: {  	_ =	sfence  }
0xc6: {  	s30 =	sld [smem:$0x0];
	_ =	sdelay $0x2  }
0xc7: {  	s31 =	sshll.u32 s1, $0xD;
	s1 =	sshrl.u32 s1, $0x2  }
0xc8: {  	s4 =	sand.u32 $0x4000, s31;
	s1 =	sadd.s32 s1, s30  }
0xc9: {  	s0 =	sor.u32 s4, s0;
	s1 =	sshll.u32 s1, $0x11  }
0xca: {  	s0 =	sor.u32 s1, s0  }
0xcb: {  	s0 =	sadd.s32 $0x8F2B, s0  }
0xcc: {  	[sflag:s0] =	ssyncadd.remote.s32 $0x1  }
0xcd: {  	_ =	sfence.sel $0xFFFF  }
0xce: {  	[dreg:$0x0] =	wrdreg $0xFFFFFFFF;
	(pc) =	sbr.abs _section_cstart, $3  }
0xcf: {  	[dreg:$0x1] =	wrdreg $0xFFFFFFFF  }
0xd0: {  	_ =	task.clear_ibuf [dreg:s22], $0x2FFFF;
	_ =	strace $0x9FFFFFFF  }
0xd1: {  	(tm) =	ssettm $0x7FFFFFFF  }
tec
execute0_lowered:
.L_overlay_start_1:
0x0: {  	(tag) =	ssettag $0x1  }
0x1: {  	s0 =	rddreg [dreg:$0x0]  }
0x2: {  	s1 =	rddreg [dreg:$0x1];
	s6 =	stileid.u32  }
0x3: {  	s3 =	srdreg.scid;
	s7 =	smul.u32 $0x4E200, s6  }
0x4: {  	s2 =	simm.s32 $0x0;
	s4 =	sand.u32 $0x1, s3;
	s23 =	smul.u32 $0x2710, s6  }
0x5: {  	[smem:$0x7FF] =	sst s2;
	s3 =	sadd.s32 $0x2400, s0;
	s5 =	smul.u32 $0x27100, s4  }
0x6: {  	s8 =	ssub.s32 $0x2, s4;
	s4 =	sshll.u32 s4, $0x4;
	s7 =	sshrl.u32 s7, $0x2  }
0x7: {  	p0 =	sne.s32 s6, $0x0;
	s26 =	sor.u32 s6, s4;
	s4 =	sadd.s32 s7, s1  }
0x8: {  	_ =	strace $0x8000004A;
	s9 =	sshrl.u32 s8, $0x1;
	s7 =	sadd.s32 $0xC80, s4  }
0x9: {  	s0 =	sadd.s32 s5, s0;
	s10 =	sadd.s32 $0x1900, s4;
	[dreg:$0x3] =	wrdreg s7  }
0xa: {  	s8 =	ssub.s32 s8, s9;
	s11 =	sadd.s32 $0x2580, s4;
	[dreg:$0x4] =	wrdreg s10  }
0xb: {  	s20 =	smul.u32 $0x2710, s26;
	s12 =	sadd.s32 $0x3200, s4;
	[dreg:$0x5] =	wrdreg s11  }
0xc: {  	s5 =	sadd.s32 s23, s5;
	s13 =	sadd.s32 $0x3E80, s4;
	[dreg:$0x6] =	wrdreg s12  }
0xd: {  	s9 =	simm.s32 $0x13880;
	s14 =	sadd.s32 $0x4B00, s4;
	[dreg:$0x7] =	wrdreg s13  }
0xe: {  	s15 =	sadd.s32 $0x5780, s4;
	s16 =	sadd.s32 $0x6400, s4;
	[dreg:$0x8] =	wrdreg s14  }
0xf: {  	s17 =	sadd.s32 $0x7080, s4;
	s18 =	sadd.s32 $0x7D00, s4;
	[dreg:$0x9] =	wrdreg s15  }
0x10: {  	s19 =	sadd.s32 $0x8980, s4;
	s21 =	sadd.s32 $0x9600, s4;
	[dreg:$0xa] =	wrdreg s16  }
0x11: {  	s22 =	sadd.s32 $0xA280, s4;
	s24 =	sadd.s32 $0xBB80, s4;
	[dreg:$0xb] =	wrdreg s17  }
0x12: {  	s25 =	sadd.s32 $0xC800, s4;
	s26 =	sadd.s32 $0x50, s5;
	[dreg:$0xc] =	wrdreg s18  }
0x13: {  	s23 =	smax.u32 s8, $0x1;
	s28 =	sadd.s32 $0xE100, s4;
	[dreg:$0xd] =	wrdreg s19  }
0x14: {  	s29 =	sadd.s32 $0xED80, s4;
	s30 =	sadd.s32 $0xFA00, s4;
	[dreg:$0xe] =	wrdreg s21  }
0x15: {  	s31 =	sadd.s32 $0x10680, s4;
	s6 =	sadd.s32 $0x12C00, s4;
	[dreg:$0xf] =	wrdreg s22  }
0x16: {  	s8 =	simm.s32 $0x3;
	s10 =	sadd.s32 $0xAF00, s4;
	[dreg:$0x11] =	wrdreg s24  }
0x17: {  	s7 =	sshrl.u32 s20, $0x3;
	[dreg:$0x12] =	wrdreg s25;
	s22 =	sadd.s32 $0x64200, s0  }
0x18: {  	s24 =	sadd.s32 $0xA0, s5;
	s0 =	sshrl.u32 s26, $0x3;
	s26 =	sadd.s32 $0xD480, s4  }
0x19: {  	s5 =	sadd.s32 $0x11F80, s4;
	s11 =	simm.s32 $0x13900;
	s12 =	simm.s32 $0x50  }
0x1a: {  	s13 =	simm.s32 $0x13980;
	s14 =	simm.s32 $0x2;
	s15 =	simm.s32 $0x0  }
0x1b: {  	[dreg:$0x10] =	wrdreg s10;
	s21 =	sadd.s32 s3, s7;
	s25 =	sadd.s32 s0, s3  }
0x1c: {  	v0 =	vimm.f32 $0.0e+00;
	v1 =	vimm.f32 $1.000000000e+00;
	s0 =	sadd.s32 $0x11300, s4;
	s7 =	simm.s32 $0x16180;
	s10 =	simm.s32 $0x1  }
.LBB2_1:
0x1d: {  	s16 =	simm.s32 $0x0;
	s17 =	simm.s32 $0x200  }
.LBB2_2:
0x1e: {  	p1 =	sne.s32 s17, $0x3000;
	[tilespmem:s16+$0x161F0] =	vst v0  }
0x1f: {  	[tilespmem:s16+$0x16180] =	vst v0  }
0x20: {  	[tilespmem:s16+$0x16190] =	vst v0  }
.Ltmp0:
0x21: {  	[tilespmem:s16+$0x161A0] =	vst v0;
	(pc) =	sbr.rel @p1 .LBB2_2-.Ltmp0, $4  }
0x22: {  	[tilespmem:s16+$0x161B0] =	vst v0  }
0x23: {  	[tilespmem:s16+$0x161C0] =	vst v0  }
0x24: {  	[tilespmem:s16+$0x161D0] =	vst v0  }
0x25: {  	[tilespmem:s16+$0x161E0] =	vst v0;
	s16 =	sshra.s32 s17, $0x2;
	s17 =	sadd.s32 $0x200, s17  }
0x26: {  	[tilespmem:s16+$0x161F0] =	vst v0  }
0x27: {  	[tilespmem:s16+$0x16180] =	vst v0  }
0x28: {  	[tilespmem:s16+$0x16190] =	vst v0  }
0x29: {  	[tilespmem:s16+$0x161A0] =	vst v0  }
0x2a: {  	[tilespmem:s16+$0x161B0] =	vst v0  }
0x2b: {  	[tilespmem:s16+$0x161C0] =	vst v0  }
0x2c: {  	[tilespmem:s16+$0x161D0] =	vst v0  }
0x2d: {  	[tilespmem:s16+$0x161E0] =	vst v0;
	s16 =	simm.s32 $0x0;
	s17 =	simm.s32 $0x200  }
.LBB2_4:
0x2e: {  	p1 =	sne.s32 s17, $0x9E00;
	[tilespmem:s16+$0x139F0] =	vst v1  }
0x2f: {  	[tilespmem:s16+$0x13980] =	vst v1  }
0x30: {  	[tilespmem:s16+$0x13990] =	vst v1  }
.Ltmp1:
0x31: {  	[tilespmem:s16+$0x139A0] =	vst v1;
	(pc) =	sbr.rel @p1 .LBB2_4-.Ltmp1, $4  }
0x32: {  	[tilespmem:s16+$0x139B0] =	vst v1  }
0x33: {  	[tilespmem:s16+$0x139C0] =	vst v1  }
0x34: {  	[tilespmem:s16+$0x139D0] =	vst v1  }
0x35: {  	[tilespmem:s16+$0x139E0] =	vst v1;
	s16 =	sshra.s32 s17, $0x2;
	s17 =	sadd.s32 $0x200, s17  }
0x36: {  	[tilespmem:s16+$0x139F0] =	vst v1  }
0x37: {  	[tilespmem:s16+$0x13980] =	vst v1  }
0x38: {  	[tilespmem:s16+$0x13990] =	vst v1  }
0x39: {  	[tilespmem:s16+$0x139A0] =	vst v1  }
0x3a: {  	[tilespmem:s16+$0x139B0] =	vst v1  }
0x3b: {  	[tilespmem:s16+$0x139C0] =	vst v1  }
0x3c: {  	[tilespmem:s16+$0x139D0] =	vst v1  }
0x3d: {  	[tilespmem:s16+$0x139E0] =	vst v1  }
0x3e: {  	[spmem:s4] =	stream.linear.scatter [tilespmem:s7], [sflag:$0x3], $0xC80, $0x38;
	[tilespmem:$0x17180] =	vst v63  }
0x3f: {  	_ =	swait.ge [sflag:s8], $0xC80  }
0x40: {  	[sflag:s8] =	ssyncset.done $0x0  }
0x41: {  	s18 =	rddreg [dreg:$0x3];
	[sflag:s8] =	ssyncadd.s32 $0xFFFFF380  }
0x42: {  	[spmem:s18] =	stream.linear.scatter [tilespmem:s7], [sflag:$0x3], $0xC80, $0x38;
	[tilespmem:$0x17180] =	vst v63  }
0x43: {  	_ =	swait.ge [sflag:s8], $0xC80  }
0x44: {  	[sflag:s8] =	ssyncset.done $0x0  }
0x45: {  	s19 =	rddreg [dreg:$0x4];
	[sflag:s8] =	ssyncadd.s32 $0xFFFFF380  }
0x46: {  	[spmem:s19] =	stream.linear.scatter [tilespmem:s7], [sflag:$0x3], $0xC80, $0x38;
	[tilespmem:$0x17180] =	vst v63  }
0x47: {  	_ =	swait.ge [sflag:s8], $0xC80  }
0x48: {  	[sflag:s8] =	ssyncset.done $0x0  }
0x49: {  	s20 =	rddreg [dreg:$0x5];
	[sflag:s8] =	ssyncadd.s32 $0xFFFFF380  }
0x4a: {  	[spmem:s20] =	stream.linear.scatter [tilespmem:s7], [sflag:$0x3], $0xC80, $0x38;
	[tilespmem:$0x17180] =	vst v63  }
0x4b: {  	_ =	swait.ge [sflag:s8], $0xC80  }
0x4c: {  	[sflag:s8] =	ssyncset.done $0x0  }
0x4d: {  	s17 =	rddreg [dreg:$0x6];
	[sflag:s8] =	ssyncadd.s32 $0xFFFFF380  }
0x4e: {  	[spmem:s17] =	stream.linear.scatter [tilespmem:s7], [sflag:$0x3], $0xC80, $0x38;
	[tilespmem:$0x17180] =	vst v63  }
0x4f: {  	_ =	swait.ge [sflag:s8], $0xC80  }
0x50: {  	[sflag:s8] =	ssyncset.done $0x0  }
0x51: {  	s18 =	rddreg [dreg:$0x7];
	[sflag:s8] =	ssyncadd.s32 $0xFFFFF380  }
0x52: {  	[spmem:s18] =	stream.linear.scatter [tilespmem:s7], [sflag:$0x3], $0xC80, $0x38;
	[tilespmem:$0x17180] =	vst v63  }
0x53: {  	_ =	swait.ge [sflag:s8], $0xC80  }
0x54: {  	[sflag:s8] =	ssyncset.done $0x0  }
0x55: {  	s19 =	rddreg [dreg:$0x8];
	[sflag:s8] =	ssyncadd.s32 $0xFFFFF380  }
0x56: {  	[spmem:s19] =	stream.linear.scatter [tilespmem:s7], [sflag:$0x3], $0xC80, $0x38;
	[tilespmem:$0x17180] =	vst v63  }
0x57: {  	_ =	swait.ge [sflag:s8], $0xC80  }
0x58: {  	[sflag:s8] =	ssyncset.done $0x0  }
0x59: {  	s20 =	rddreg [dreg:$0x9];
	[sflag:s8] =	ssyncadd.s32 $0xFFFFF380  }
0x5a: {  	[spmem:s20] =	stream.linear.scatter [tilespmem:s7], [sflag:$0x3], $0xC80, $0x38;
	[tilespmem:$0x17180] =	vst v63  }
0x5b: {  	_ =	swait.ge [sflag:s8], $0xC80  }
0x5c: {  	[sflag:s8] =	ssyncset.done $0x0  }
0x5d: {  	s17 =	rddreg [dreg:$0xa];
	[sflag:s8] =	ssyncadd.s32 $0xFFFFF380  }
0x5e: {  	[spmem:s17] =	stream.linear.scatter [tilespmem:s7], [sflag:$0x3], $0xC80, $0x38;
	[tilespmem:$0x17180] =	vst v63  }
0x5f: {  	_ =	swait.ge [sflag:s8], $0xC80  }
0x60: {  	[sflag:s8] =	ssyncset.done $0x0  }
0x61: {  	s18 =	rddreg [dreg:$0xb];
	[sflag:s8] =	ssyncadd.s32 $0xFFFFF380  }
0x62: {  	[spmem:s18] =	stream.linear.scatter [tilespmem:s7], [sflag:$0x3], $0xC80, $0x38;
	[tilespmem:$0x17180] =	vst v63  }
0x63: {  	_ =	swait.ge [sflag:s8], $0xC80  }
0x64: {  	[sflag:s8] =	ssyncset.done $0x0  }
0x65: {  	s19 =	rddreg [dreg:$0xc];
	[sflag:s8] =	ssyncadd.s32 $0xFFFFF380  }
0x66: {  	[spmem:s19] =	stream.linear.scatter [tilespmem:s7], [sflag:$0x3], $0xC80, $0x38;
	[tilespmem:$0x17180] =	vst v63  }
0x67: {  	_ =	swait.ge [sflag:s8], $0xC80  }
0x68: {  	[sflag:s8] =	ssyncset.done $0x0  }
0x69: {  	s20 =	rddreg [dreg:$0xd];
	[sflag:s8] =	ssyncadd.s32 $0xFFFFF380  }
0x6a: {  	[spmem:s20] =	stream.linear.scatter [tilespmem:s7], [sflag:$0x3], $0xC80, $0x38;
	[tilespmem:$0x17180] =	vst v63  }
0x6b: {  	_ =	swait.ge [sflag:s8], $0xC80  }
0x6c: {  	[sflag:s8] =	ssyncset.done $0x0  }
0x6d: {  	s17 =	rddreg [dreg:$0xe];
	[sflag:s8] =	ssyncadd.s32 $0xFFFFF380  }
0x6e: {  	[spmem:s17] =	stream.linear.scatter [tilespmem:s7], [sflag:$0x3], $0xC80, $0x38;
	[tilespmem:$0x17180] =	vst v63  }
0x6f: {  	_ =	swait.ge [sflag:s8], $0xC80  }
0x70: {  	[sflag:s8] =	ssyncset.done $0x0  }
0x71: {  	s18 =	rddreg [dreg:$0xf];
	[sflag:s8] =	ssyncadd.s32 $0xFFFFF380  }
0x72: {  	[spmem:s18] =	stream.linear.scatter [tilespmem:s7], [sflag:$0x3], $0xC80, $0x38;
	[tilespmem:$0x17180] =	vst v63  }
0x73: {  	_ =	swait.ge [sflag:s8], $0xC80  }
0x74: {  	[sflag:s8] =	ssyncset.done $0x0  }
0x75: {  	s19 =	rddreg [dreg:$0x10];
	[sflag:s8] =	ssyncadd.s32 $0xFFFFF380  }
0x76: {  	[spmem:s19] =	stream.linear.scatter [tilespmem:s7], [sflag:$0x3], $0xC80, $0x38;
	[tilespmem:$0x17180] =	vst v63  }
0x77: {  	_ =	swait.ge [sflag:s8], $0xC80  }
0x78: {  	[sflag:s8] =	ssyncset.done $0x0  }
0x79: {  	s20 =	rddreg [dreg:$0x11];
	[sflag:s8] =	ssyncadd.s32 $0xFFFFF380  }
0x7a: {  	[spmem:s20] =	stream.linear.scatter [tilespmem:s7], [sflag:$0x3], $0xC80, $0x38;
	[tilespmem:$0x17180] =	vst v63  }
0x7b: {  	_ =	swait.ge [sflag:s8], $0xC80  }
0x7c: {  	[sflag:s8] =	ssyncset.done $0x0  }
0x7d: {  	s17 =	rddreg [dreg:$0x12];
	[sflag:s8] =	ssyncadd.s32 $0xFFFFF380  }
0x7e: {  	[spmem:s17] =	stream.linear.scatter [tilespmem:s7], [sflag:$0x3], $0xC80, $0x38;
	[tilespmem:$0x17180] =	vst v63  }
0x7f: {  	_ =	swait.ge [sflag:s8], $0xC80  }
0x80: {  	[sflag:s8] =	ssyncset.done $0x0  }
0x81: {  	[sflag:s8] =	ssyncadd.s32 $0xFFFFF380  }
0x82: {  	[spmem:s26] =	stream.linear.scatter [tilespmem:s7], [sflag:$0x3], $0xC80, $0x38;
	[tilespmem:$0x17180] =	vst v63  }
0x83: {  	_ =	swait.ge [sflag:s8], $0xC80  }
0x84: {  	[sflag:s8] =	ssyncset.done $0x0  }
0x85: {  	[sflag:s8] =	ssyncadd.s32 $0xFFFFF380  }
0x86: {  	[spmem:s28] =	stream.linear.scatter [tilespmem:s7], [sflag:$0x3], $0xC80, $0x38;
	[tilespmem:$0x17180] =	vst v63  }
0x87: {  	_ =	swait.ge [sflag:s8], $0xC80  }
0x88: {  	[sflag:s8] =	ssyncset.done $0x0  }
0x89: {  	[sflag:s8] =	ssyncadd.s32 $0xFFFFF380  }
0x8a: {  	[spmem:s29] =	stream.linear.scatter [tilespmem:s7], [sflag:$0x3], $0xC80, $0x38;
	[tilespmem:$0x17180] =	vst v63  }
0x8b: {  	_ =	swait.ge [sflag:s8], $0xC80  }
0x8c: {  	[sflag:s8] =	ssyncset.done $0x0  }
0x8d: {  	[sflag:s8] =	ssyncadd.s32 $0xFFFFF380  }
0x8e: {  	[spmem:s30] =	stream.linear.scatter [tilespmem:s7], [sflag:$0x3], $0xC80, $0x38;
	[tilespmem:$0x17180] =	vst v63  }
0x8f: {  	_ =	swait.ge [sflag:s8], $0xC80  }
0x90: {  	[sflag:s8] =	ssyncset.done $0x0  }
0x91: {  	[sflag:s8] =	ssyncadd.s32 $0xFFFFF380  }
0x92: {  	[spmem:s31] =	stream.linear.scatter [tilespmem:s7], [sflag:$0x3], $0xC80, $0x38;
	[tilespmem:$0x17180] =	vst v63  }
0x93: {  	_ =	swait.ge [sflag:s8], $0xC80  }
0x94: {  	[sflag:s8] =	ssyncset.done $0x0  }
0x95: {  	[sflag:s8] =	ssyncadd.s32 $0xFFFFF380  }
0x96: {  	[spmem:s0] =	stream.linear.scatter [tilespmem:s7], [sflag:$0x3], $0xC80, $0x38;
	[tilespmem:$0x17180] =	vst v63  }
0x97: {  	_ =	swait.ge [sflag:s8], $0xC80  }
0x98: {  	[sflag:s8] =	ssyncset.done $0x0  }
0x99: {  	[sflag:s8] =	ssyncadd.s32 $0xFFFFF380  }
0x9a: {  	[spmem:s5] =	stream.linear.scatter [tilespmem:s7], [sflag:$0x3], $0xC80, $0x38;
	[tilespmem:$0x17180] =	vst v63  }
0x9b: {  	_ =	swait.ge [sflag:s8], $0xC80  }
0x9c: {  	[sflag:s8] =	ssyncset.done $0x0  }
0x9d: {  	[sflag:s8] =	ssyncadd.s32 $0xFFFFF380  }
0x9e: {  	[spmem:s6] =	stream.linear.scatter [tilespmem:s7], [sflag:$0x3], $0xC80, $0x38;
	[tilespmem:$0x17180] =	vst v63  }
0x9f: {  	_ =	swait.ge [sflag:s8], $0xC80  }
0xa0: {  	[sflag:s8] =	ssyncset.done $0x0  }
0xa1: {  	[sflag:s8] =	ssyncadd.s32 $0xFFFFF380  }
0xa2: {  	s18 =	simm.s32 $0x0;
	[bflag:$0x0] =	sbarrier.arrive $0xFFFF  }
0xa3: {  	[tilespmem:s9], [sflag:$0x1] =	stream.linear.gather [hbm4b:s21+s18], $0x50, $0x38;
	[tilespmem:$0x17180] =	vst v63  }
0xa4: {  	_ =	swait.ge [sflag:s10], $0x50  }
0xa5: {  	[sflag:s10] =	ssyncset.done $0x0  }
0xa6: {  	s19 =	sadd.s32 $0x0, s25;
	[sflag:s10] =	ssyncadd.s32 $0xFFFFFFB0  }
0xa7: {  	[tilespmem:s11], [sflag:$0x2] =	stream.linear.gather [hbm4b:s19+s2], $0x50, $0x38;
	[tilespmem:$0x17180] =	vst v63  }
0xa8: {  	_ = 	snop  }
0xa9: {  	[spmem:s1] =	stream.indirect.scatter.add.f32 [tilespmem:s13], [sflag:$0x3], $0x80, s9, s12, $0xb8;
	[tilespmem:$0x17180] =	vst v63  }
0xaa: {  	_ =	swait.ge [sflag:s8], $0x2800  }
0xab: {  	[sflag:s8] =	ssyncset.done $0x0  }
0xac: {  	[sflag:s8] =	ssyncadd.s32 $0xFFFFD800  }
0xad: {  	_ =	swait.ge [sflag:s14], $0x50  }
0xae: {  	s20 =	sshrl.u32 s24, $0x3;
	[sflag:s14] =	ssyncset.done $0x0  }
0xaf: {  	s16 =	sadd.s32 s3, s20;
	[sflag:s14] =	ssyncadd.s32 $0xFFFFFFB0  }
0xb0: {  	[tilespmem:s9], [sflag:$0x1] =	stream.linear.gather [hbm4b:s16+s2], $0x50, $0x38;
	[tilespmem:$0x17180] =	vst v63  }
0xb1: {  	_ = 	snop  }
0xb2: {  	[spmem:s1] =	stream.indirect.scatter.add.f32 [tilespmem:s13], [sflag:$0x3], $0x80, s11, s12, $0xb8;
	[tilespmem:$0x17180] =	vst v63  }
0xb3: {  	_ =	swait.ge [sflag:s8], $0x2800  }
0xb4: {  	[sflag:s8] =	ssyncset.done $0x0  }
0xb5: {  	[sflag:s8] =	ssyncadd.s32 $0xFFFFD800  }
0xb6: {  	s17 =	simm.s32 $0x14;
	_ =	swait.ge [sflag:s10], $0x50  }
0xb7: {  	s18 =	simm.s32 $0x28;
	s16 =	sadd.s32 $0xA0, s24;
	[sflag:s10] =	ssyncset.done $0x0  }
.LBB2_6:
0xb8: {  	s19 =	sadd.s32 s17, s25  }
0xb9: {  	[sflag:s10] =	ssyncadd.s32 $0xFFFFFFB0;
	s17 =	smov.u32 s18;
	s20 =	sadd.s32 $0x14, s18  }
0xba: {  	[tilespmem:s11], [sflag:$0x2] =	stream.linear.gather [hbm4b:s19+s2], $0x50, $0x38;
	[tilespmem:$0x17180] =	vst v63  }
0xbb: {  	p1 =	sne.s32 s18, $0x4C4  }
0xbc: {  	[spmem:s1] =	stream.indirect.scatter.add.f32 [tilespmem:s13], [sflag:$0x3], $0x80, s9, s12, $0xb8;
	[tilespmem:$0x17180] =	vst v63  }
0xbd: {  	_ =	swait.ge [sflag:s8], $0x2800  }
0xbe: {  	[sflag:s8] =	ssyncset.done $0x0  }
0xbf: {  	[sflag:s8] =	ssyncadd.s32 $0xFFFFD800  }
0xc0: {  	_ =	swait.ge [sflag:s14], $0x50  }
0xc1: {  	s18 =	sshrl.u32 s16, $0x3;
	[sflag:s14] =	ssyncset.done $0x0  }
0xc2: {  	s18 =	sadd.s32 s3, s18;
	[sflag:s14] =	ssyncadd.s32 $0xFFFFFFB0  }
0xc3: {  	[tilespmem:s9], [sflag:$0x1] =	stream.linear.gather [hbm4b:s18+s2], $0x50, $0x38;
	[tilespmem:$0x17180] =	vst v63  }
0xc4: {  	_ = 	snop  }
0xc5: {  	[spmem:s1] =	stream.indirect.scatter.add.f32 [tilespmem:s13], [sflag:$0x3], $0x80, s11, s12, $0xb8;
	[tilespmem:$0x17180] =	vst v63  }
.Ltmp2:
0xc6: {  	_ =	swait.ge [sflag:s8], $0x2800;
	(pc) =	sbr.rel @p1 .LBB2_6-.Ltmp2, $4  }
0xc7: {  	[sflag:s8] =	ssyncset.done $0x0  }
0xc8: {  	[sflag:s8] =	ssyncadd.s32 $0xFFFFD800  }
0xc9: {  	_ =	swait.ge [sflag:s10], $0x50  }
0xca: {  	s16 =	sadd.s32 $0xA0, s16;
	s18 =	smov.u32 s20;
	[sflag:s10] =	ssyncset.done $0x0  }
0xcb: {  	s17 =	sadd.s32 s17, s25;
	[sflag:s10] =	ssyncadd.s32 $0xFFFFFFB0  }
0xcc: {  	[tilespmem:s11], [sflag:$0x2] =	stream.linear.gather [hbm4b:s17+s2], $0x50, $0x38;
	[tilespmem:$0x17180] =	vst v63  }
0xcd: {  	_ = 	snop  }
0xce: {  	[spmem:s1] =	stream.indirect.scatter.add.f32 [tilespmem:s13], [sflag:$0x3], $0x80, s9, s12, $0xb8;
	[tilespmem:$0x17180] =	vst v63  }
0xcf: {  	_ =	swait.ge [sflag:s8], $0x2800  }
0xd0: {  	[sflag:s8] =	ssyncset.done $0x0  }
0xd1: {  	[sflag:s8] =	ssyncadd.s32 $0xFFFFD800  }
0xd2: {  	_ =	swait.ge [sflag:s14], $0x50  }
0xd3: {  	s16 =	sshrl.u32 s16, $0x3;
	[sflag:s14] =	ssyncset.done $0x0  }
0xd4: {  	s16 =	sadd.s32 s3, s16;
	[sflag:s14] =	ssyncadd.s32 $0xFFFFFFB0  }
0xd5: {  	[tilespmem:s9], [sflag:$0x1] =	stream.linear.gather [hbm4b:s16+s2], $0x50, $0x38;
	[tilespmem:$0x17180] =	vst v63  }
0xd6: {  	_ = 	snop  }
0xd7: {  	[spmem:s1] =	stream.indirect.scatter.add.f32 [tilespmem:s13], [sflag:$0x3], $0x80, s11, s12, $0xb8;
	[tilespmem:$0x17180] =	vst v63  }
0xd8: {  	_ =	swait.ge [sflag:s8], $0x2800  }
0xd9: {  	[sflag:s8] =	ssyncset.done $0x0  }
0xda: {  	[sflag:s8] =	ssyncadd.s32 $0xFFFFD800  }
0xdb: {  	_ =	swait.ge [sflag:s10], $0x50  }
0xdc: {  	[sflag:s10] =	ssyncset.done $0x0  }
0xdd: {  	[sflag:s10] =	ssyncadd.s32 $0xFFFFFFB0  }
0xde: {  	[spmem:s1] =	stream.indirect.scatter.add.f32 [tilespmem:s13], [sflag:$0x3], $0x80, s9, s12, $0xb8;
	[tilespmem:$0x17180] =	vst v63  }
0xdf: {  	_ =	swait.ge [sflag:s8], $0x2800  }
0xe0: {  	[sflag:s8] =	ssyncset.done $0x0  }
0xe1: {  	s15 =	sadd.s32 $0x1, s15;
	s17 =	simm.s32 @!p0 $0x1C03;
	[sflag:s8] =	ssyncadd.s32 $0xFFFFD800  }
0xe2: {  	p1 =	sne.s32 s15, s23;
	s16 =	sshrl.u32 @!p0 s1, $0x3;
	[bflag:$0x0] =	sbarrier.arrive $0xFFFF  }
0xe3: {  	[hbm:s22], [sflag:s17] =	dma.local @!p0 [spmem:s16], $0x27100  }
.Ltmp3:
0xe4: {  	_ = 	snop;
	(pc) =	sbr.rel @p1 .LBB2_1-.Ltmp3, $4  }
0xe5: {  	s16 =	simm.s32 @!p0 $0x3  }
0xe6: {  	_ =	swait.ge @!p0 [sflag:s16], $0x27100  }
0xe7: {  	[sflag:s16] =	ssyncset.done @!p0 $0x0  }
0xe8: {  	[sflag:s16] =	ssyncadd.s32 @!p0 $0xFFFD8F00  }
0xe9: {  	_ =	sfence.sel $0x180000  }
0xea: {  	[bflag:$0x0] =	sbarrier.arrive $0xFFFF  }
0xeb: {  	_ =	strace $0x9000004A  }
0xec: {  	[bflag:$0x2] =	sbarrier.arrive $0xFFFF  }
0xed: {  	s0 =	rddreg [dreg:$0x2]  }
0xee: {  	s0 =	sadd.s32 @!p0 $0x100000, s0  }
0xef: {  	[sflag:s0] =	ssyncadd.tile.s32 @!p0 $0x1;
	_ =	shalt  }
.Lfunc_end2:
_tile_overlayer_lowered:
.L_overlay_start_2:
0xf0: {  	(tag) =	ssettag $0x2  }
0xf1: {  	s0 =	rddreg [dreg:$0x0];
	s2 =	stileid.u32  }
0xf2: {  	s1 =	rddreg [dreg:$0x1];
	p0 =	sne.s32 s2, $0x0  }
0xf3: {  	s3 =	rddreg [dreg:$0x2];
	[bflag:$0x3] =	sbarrier.arrive $0xFFFF;
	s2 =	simm.s32 @!p0 $0x1C03  }
0xf4: {  	[timem:s3], [sflag:s2] =	dma.local @!p0 [hbm:s0], s1  }
0xf5: {  	s0 =	simm.s32 @!p0 $0x3  }
0xf6: {  	_ =	swait.ge @!p0 [sflag:s0], s1  }
0xf7: {  	s1 =	ssub.s32 @!p0 $0x0, s1;
	[sflag:s0] =	ssyncset.done @!p0 $0x0  }
0xf8: {  	[sflag:s0] =	ssyncadd.s32 @!p0 s1  }
0xf9: {  	[bflag:$0x3] =	sbarrier.arrive $0xFFFF  }
0xfa: {  	_ =	shalt  }

</sc_bundles>
